<compile_context>
chip_gen: v7x
topology: tpu7x:2x2x1
jax: 0.10.2.dev20260603
libtpu: 0.0.44.dev20260713+nightly
codegen_flags: <defaults>
</compile_context>

<pallas_src>
import functools

import jax
import jax.numpy as jnp
from jax import lax
from jax.experimental import pallas as pl
from jax.experimental.pallas import tpu as pltpu
from jax.experimental.pallas import tpu_sc as plsc

N = 10000
C = 256
KV = 27
NC = 2
NS = 16
NW = NC * NS
L = 16

AW = 10112
CHK = 128
CH1 = 66
CH2 = 132
MPAD = NW * CH1 * CHK
NPAD = 10240
SLAB = NPAD // NS
CHALF = C // 2
BM = 1000

_mesh = plsc.VectorSubcoreMesh(core_axis_name="c", subcore_axis_name="s")


def _mm_body(q_ref, kt_ref, o_ref):
    o_ref[...] = jnp.dot(q_ref[...], kt_ref[...],
                         preferred_element_type=jnp.float32)


def _mm(q, kcat_t):
    return pl.pallas_call(
        _mm_body,
        grid=(N // BM, AW // 128),
        in_specs=[
            pl.BlockSpec((BM, C), lambda i, j: (i, 0)),
            pl.BlockSpec((C, 128), lambda i, j: (0, j)),
        ],
        out_specs=pl.BlockSpec((BM, 128), lambda i, j: (i, j)),
        out_shape=jax.ShapeDtypeStruct((N, AW), jnp.float32),
    )(q, kcat_t)


@functools.partial(
    pl.kernel,
    out_type=[
        jax.ShapeDtypeStruct((MPAD,), jnp.float32),
        jax.ShapeDtypeStruct((NC * NPAD,), jnp.float32),
    ],
    mesh=_mesh,
    scratch_types=[
        pltpu.VMEM((CHK,), jnp.int32),
        pltpu.VMEM((CHK,), jnp.int32),
        pltpu.VMEM((CHK,), jnp.int32),
        pltpu.VMEM((CHK,), jnp.int32),
        pltpu.VMEM((CHK,), jnp.float32),
        pltpu.VMEM((CHK,), jnp.float32),
        pltpu.VMEM((SLAB,), jnp.float32),
        pltpu.VMEM_SHARED((NPAD,), jnp.float32),
        pltpu.SemaphoreType.DMA,
        pltpu.SemaphoreType.DMA,
    ],
)
def _k1(aw_hbm, kq0_hbm, kq1_hbm, e_hbm, dpart_hbm,
        kq0_v, out_v, f1_v, f2_v, g1_v, g2_v, zslab_v, den_sh, sem1, sem2):
    cid = lax.axis_index("c")
    sid = lax.axis_index("s")
    wid = sid * NC + cid

    z16 = jnp.zeros((L,), jnp.float32)

    def zslab_body(g, _):
        zslab_v[pl.ds(g * L, L)] = z16
        return 0

    lax.fori_loop(0, SLAB // L, zslab_body, 0)
    pltpu.sync_copy(zslab_v, den_sh.at[pl.ds(sid * SLAB, SLAB)])
    plsc.subcore_barrier()

    base = wid * (CH1 * CHK)

    def chunk_body(ci, _):
        off = base + ci * CHK
        pltpu.sync_copy(kq0_hbm.at[pl.ds(off, CHK)], kq0_v)
        pltpu.sync_copy(kq1_hbm.at[pl.ds(off, CHK)], out_v)

        def idx_body(g, _):
            sl = pl.ds(g * L, L)
            a = kq0_v[sl]
            o = out_v[sl]
            ob = jnp.minimum(o, N - 1) * AW
            f1_v[sl] = ob + lax.div(a, KV)
            f2_v[sl] = ob + (N + lax.rem(a, KV))
            return 0

        lax.fori_loop(0, CHK // L, idx_body, 0)

        cp1 = pltpu.async_copy(aw_hbm.at[f1_v], g1_v, sem1)
        cp2 = pltpu.async_copy(aw_hbm.at[f2_v], g2_v, sem2)
        cp1.wait()
        cp2.wait()

        def exp_body(g, _):
            sl = pl.ds(g * L, L)
            g2_v[sl] = jnp.exp((g1_v[sl] + g2_v[sl]) * 0.0625)
            return 0

        lax.fori_loop(0, CHK // L, exp_body, 0)

        pltpu.sync_copy(g2_v, e_hbm.at[pl.ds(off, CHK)])
        pltpu.sync_copy(g2_v, den_sh.at[out_v], add=True)
        return 0

    lax.fori_loop(0, CH1, chunk_body, 0)

    plsc.subcore_barrier()
    r0 = sid * SLAB
    pltpu.sync_copy(den_sh.at[pl.ds(r0, SLAB)],
                    dpart_hbm.at[pl.ds(cid * NPAD + r0, SLAB)])


@functools.partial(
    pl.kernel,
    out_type=jax.ShapeDtypeStruct((NC, NPAD, CHALF), jnp.float32),
    mesh=_mesh,
    scratch_types=[
        pltpu.VMEM((CHK,), jnp.int32),
        pltpu.VMEM((CHK,), jnp.int32),
        pltpu.VMEM((CHK,), jnp.int32),
        pltpu.VMEM((CHK,), jnp.int32),
        pltpu.VMEM((CHK,), jnp.float32),
        pltpu.VMEM((CHK,), jnp.float32),
        pltpu.VMEM((CHK,), jnp.float32),
        pltpu.VMEM((CHK, CHALF), jnp.float32),
        pltpu.VMEM_SHARED((NPAD, CHALF), jnp.float32),
        pltpu.SemaphoreType.DMA,
        pltpu.SemaphoreType.DMA,
        pltpu.SemaphoreType.DMA,
    ],
)
def _k2(kq0_hbm, kq1_hbm, e_hbm, dpart_hbm, vh_hbm, outp_hbm,
        kq0_v, key_v, out_v, out2_v, e_v, d0_v, d1_v, vrows_v, out_sh,
        sem_v, sem_d0, sem_d1):
    cid = lax.axis_index("c")
    sid = lax.axis_index("s")

    z16 = jnp.zeros((L,), jnp.float32)

    def vzero_body(r, _):
        for j in range(CHALF // L):
            vrows_v[r, pl.ds(j * L, L)] = z16
        return 0

    lax.fori_loop(0, CHK, vzero_body, 0)
    for jj in range(SLAB // CHK):
        pltpu.sync_copy(vrows_v, out_sh.at[pl.ds(sid * SLAB + jj * CHK, CHK)])
    plsc.subcore_barrier()

    base = sid * (CH2 * CHK)

    def chunk_body(ci, _):
        off = base + ci * CHK
        pltpu.sync_copy(kq0_hbm.at[pl.ds(off, CHK)], kq0_v)
        pltpu.sync_copy(kq1_hbm.at[pl.ds(off, CHK)], out_v)
        pltpu.sync_copy(e_hbm.at[pl.ds(off, CHK)], e_v)

        def key_body(g, _):
            sl = pl.ds(g * L, L)
            key_v[sl] = lax.div(kq0_v[sl], KV)
            out2_v[sl] = out_v[sl] + NPAD
            return 0

        lax.fori_loop(0, CHK // L, key_body, 0)

        cpd0 = pltpu.async_copy(dpart_hbm.at[out_v], d0_v, sem_d0)
        cpd1 = pltpu.async_copy(dpart_hbm.at[out2_v], d1_v, sem_d1)
        cpv = pltpu.async_copy(vh_hbm.at[cid].at[key_v], vrows_v, sem_v)
        cpd0.wait()
        cpd1.wait()

        def attn_body(g, _):
            sl = pl.ds(g * L, L)
            e_v[sl] = e_v[sl] / (d0_v[sl] + d1_v[sl])
            return 0

        lax.fori_loop(0, CHK // L, attn_body, 0)
        cpv.wait()

        def scale_body(g, _):
            a16 = e_v[pl.ds(g * L, L)]
            for l in range(L):
                row = g * L + l
                av = jnp.full((L,), a16[l], jnp.float32)
                for j in range(CHALF // L):
                    sl = pl.ds(j * L, L)
                    vrows_v[row, sl] = vrows_v[row, sl] * av
            return 0

        lax.fori_loop(0, CHK // L, scale_body, 0)
        pltpu.sync_copy(vrows_v, out_sh.at[out_v], add=True)
        return 0

    lax.fori_loop(0, CH2, chunk_body, 0)
    plsc.subcore_barrier()

    for jj in range(SLAB // CHK):
        r0 = sid * SLAB + jj * CHK
        pltpu.sync_copy(out_sh.at[pl.ds(r0, CHK)], outp_hbm.at[cid, pl.ds(r0, CHK)])


def kernel(q, k, v, pos_enc, kq_map):
    kq0 = kq_map[0].astype(jnp.int32)
    kq1 = kq_map[1].astype(jnp.int32)
    m = kq0.shape[0]
    pad = MPAD - m
    kq0p = jnp.concatenate([kq0, jnp.zeros((pad,), jnp.int32)])
    kq1p = jnp.concatenate([kq1, jnp.full((pad,), N, jnp.int32)])
    kcat_t = jnp.zeros((C, AW), jnp.float32)
    kcat_t = kcat_t.at[:, :N].set(k.T).at[:, N:N + KV].set(pos_enc.T)
    aw = _mm(q, kcat_t).reshape(N * AW)
    vh = jnp.stack([v[:, :CHALF], v[:, CHALF:]])
    e, dpart = _k1(aw, kq0p, kq1p)
    outp = _k2(kq0p, kq1p, e, dpart, vh)
    return jnp.concatenate([outp[0, :N, :], outp[1, :N, :]], axis=1)

# --- scband reference (transcript-rebuilt; emitter-appended) ---
"""Pipeline reference for scband-local-self-attention-base-16140487098677 (READ-ONLY COPY).

The authoritative reference and input builder live on the scoring server;
editing this copy changes nothing except your own understanding.
"""

import jax, jax.numpy as jnp
import numpy as np

N = 10000   # active voxels
C = 256     # channels
K = 27      # kernel_volume = kernel_size ** dimension = 3**3
M = N * K   # key-query pairs


def setup_inputs(seed: int = 0) -> dict:
    key = jax.random.key(seed)
    k1, k2, k3, k4, k5, k6, k7 = jax.random.split(key, 7)
    q = jax.random.normal(k1, (N, C), dtype=jnp.float32)
    k_feat = jax.random.normal(k2, (N, C), dtype=jnp.float32)
    v = jax.random.normal(k3, (N, C), dtype=jnp.float32)
    pos_enc = jax.random.normal(k4, (K, C), dtype=jnp.float32)  # learned per-kernel-offset embedding
    # kq_map per LocalSelfAttentionBase.key_query_map_from_kernel_map:
    #   row 0 = in_idx * kernel_volume + kernel_idx, row 1 = out_idx
    key_idx = jax.random.randint(k5, (M,), 0, N)
    kernel_idx = jax.random.randint(k6, (M,), 0, K)
    out_idx = jax.random.randint(k7, (M,), 0, N)
    kq_map = jnp.stack([key_idx * K + kernel_idx, out_idx], axis=0)
    return {"q": q, "k": k_feat, "v": v, "pos_enc": pos_enc, "kq_map": kq_map}


def reference(q, k, v, pos_enc, kq_map):
    kernel_volume = K
    # key_query_indices_from_key_query_map: recover key index and kernel offset
    key_idx = kq_map[0] // kernel_volume
    kernel_idx = kq_map[0] % kernel_volume
    out_idx = kq_map[1]
    # gather per-pair query / key (+ relative positional encoding) features
    q_g = jnp.take(q, out_idx, axis=0)
    k_g = jnp.take(k, key_idx, axis=0) + jnp.take(pos_enc, kernel_idx, axis=0)
    logits = jnp.sum(q_g * k_g, axis=-1) / np.float32(np.sqrt(C))
    # segment softmax over pairs sharing the same output (query) voxel
    seg_max = jax.ops.segment_max(logits, out_idx, num_segments=N)
    e = jnp.exp(logits - jnp.take(seg_max, out_idx))
    denom = jax.ops.segment_sum(e, out_idx, num_segments=N)
    attn = e / jnp.take(denom, out_idx)
    # weighted scatter-add of values
    v_g = jnp.take(v, key_idx, axis=0)
    out = jax.ops.segment_sum(attn[:, None] * v_g, out_idx, num_segments=N)
    return out

if __name__ == "__main__":
    import jax
    _d = setup_inputs()
    print(jax.jit(kernel)(*tuple(_d.values())))

</pallas_src>

<mosaic_0001>
#map = affine_map<(d0, d1) -> (0)>
module attributes {stable_mosaic.version = 14 : i64} {
  func.func @_k1(%arg0: i32, %arg1: i32, %arg2: memref<101120000xf32, #tpu.memory_space<hbm>>, %arg3: memref<270336xi32, #tpu.memory_space<hbm>>, %arg4: memref<270336xi32, #tpu.memory_space<hbm>>, %arg5: memref<270336xf32, #tpu.memory_space<hbm>>, %arg6: memref<20480xf32, #tpu.memory_space<hbm>>, %arg7: memref<128xi32, #tpu.memory_space<vmem>>, %arg8: memref<128xi32, #tpu.memory_space<vmem>>, %arg9: memref<128xi32, #tpu.memory_space<vmem>>, %arg10: memref<128xi32, #tpu.memory_space<vmem>>, %arg11: memref<128xf32, #tpu.memory_space<vmem>>, %arg12: memref<128xf32, #tpu.memory_space<vmem>>, %arg13: memref<640xf32, #tpu.memory_space<vmem>>, %arg14: memref<10240xf32, #tpu.memory_space<vmem_shared>>, %arg15: memref<!tpu.dma_semaphore, #tpu.memory_space<semaphore_mem>>, %arg16: memref<!tpu.dma_semaphore, #tpu.memory_space<semaphore_mem>>) attributes {dimension_semantics = [#tpu.dimension_semantics<core_parallel>, #tpu.dimension_semantics<subcore_parallel>], iteration_bounds = array<i64: 2, 16>, scalar_prefetch = 0 : i64, scratch_operands = 10 : i64, tpu.core_type = #tpu.core_type<sc_vector_subcore>, window_params = [{transform_indices = #map}, {transform_indices = #map}, {transform_indices = #map}, {transform_indices = #map}, {transform_indices = #map}]} {
    %mul3A = arith.constant 2 : i32
    %mul3A_0 = arith.muli %arg1, %mul3A : i32
    %add3A = arith.addi %mul3A_0, %arg0 : i32
    %broadcast_in_dim3A = arith.constant 0.000000e+00 : f32
    %broadcast_in_dim3A_1 = vector.broadcast %broadcast_in_dim3A : f32 to vector<16xf32>
    %scan3A = arith.constant 0 : i32
    %scan3A_2 = arith.constant 0 : i32
    %scan3A_3 = arith.constant 40 : i32
    %scan3A_4 = arith.addi %scan3A_2, %scan3A_3 : i32
    %scan3A_5 = arith.constant 1 : i32
    %scan3A_6 = scf.for %scan3A_25 = %scan3A_2 to %scan3A_4 step %scan3A_5 iter_args(%scan3A_26 = %scan3A) -> (i32)  : i32 {
      %mul3A_27 = arith.constant 16 : i32
      %mul3A_28 = arith.muli %scan3A_25, %mul3A_27 : i32
      %swap3A = arith.index_cast %mul3A_28 : i32 to index
      %swap3A_29 = tpu.vector_load %arg13[%swap3A] {strides = array<i32>} : memref<640xf32, #tpu.memory_space<vmem>>, vector<16xf32>,
      %swap3A_30 = vector.shape_cast %swap3A_29 : vector<16xf32> to vector<16xf32>
      %swap3A_31 = vector.shape_cast %broadcast_in_dim3A_1 : vector<16xf32> to vector<16xf32>
      tpu.vector_store %arg13[%swap3A], %swap3A_31 {strides = array<i32>} : memref<640xf32, #tpu.memory_space<vmem>>, vector<16xf32>,
      %scan3A_32 = arith.constant 0 : i32
      scf.yield %scan3A_32 : i32
    }
    %scan3A_7 = arith.constant 40 : i32
    %mul3A_8 = arith.constant 640 : i32
    %mul3A_9 = arith.muli %arg1, %mul3A_8 : i32
    "tpu.region"() ({
      %run_scoped3A = tpu.sem_alloc : memref<!tpu.dma_semaphore, #tpu.memory_space<semaphore_mem>>
      %dma_start3A = tpu.memref_slice %arg14[%mul3A_9] : memref<10240xf32, #tpu.memory_space<vmem_shared>> -> memref<640xf32, #tpu.memory_space<vmem_shared>>
      %dma_start3A_25 = tpu.memref_slice %arg14[%mul3A_9] : memref<10240xf32, #tpu.memory_space<vmem_shared>> -> memref<640xf32, #tpu.memory_space<vmem_shared>>
      tpu.enqueue_dma source(%arg13 : memref<640xf32, #tpu.memory_space<vmem>>) target(%dma_start3A_25 : memref<640xf32, #tpu.memory_space<vmem_shared>>) target_semaphore(%run_scoped3A : memref<!tpu.dma_semaphore, #tpu.memory_space<semaphore_mem>>)
      %dma_wait3A = tpu.memref_slice %arg14[%mul3A_9] : memref<10240xf32, #tpu.memory_space<vmem_shared>> -> memref<640xf32, #tpu.memory_space<vmem_shared>>
      %dma_wait3A_26 = tpu.memref_slice %arg14[%mul3A_9] : memref<10240xf32, #tpu.memory_space<vmem_shared>> -> memref<640xf32, #tpu.memory_space<vmem_shared>>
      tpu.wait_dma2 semaphore(%run_scoped3A : memref<!tpu.dma_semaphore, #tpu.memory_space<semaphore_mem>>) src(%arg13 : memref<640xf32, #tpu.memory_space<vmem>>) dst(%dma_wait3A_26 : memref<640xf32, #tpu.memory_space<vmem_shared>>)
      tpu.yield
    }) : () -> ()
    %barrier3A = arith.constant 0 : index
    tpu.barrier barrier_id(%barrier3A)
    %mul3A_10 = arith.constant 8448 : i32
    %mul3A_11 = arith.muli %add3A, %mul3A_10 : i32
    %scan3A_12 = arith.constant 0 : i32
    %scan3A_13 = arith.constant 0 : i32
    %scan3A_14 = arith.constant 66 : i32
    %scan3A_15 = arith.addi %scan3A_13, %scan3A_14 : i32
    %scan3A_16 = arith.constant 1 : i32
    %scan3A_17 = scf.for %scan3A_25 = %scan3A_13 to %scan3A_15 step %scan3A_16 iter_args(%scan3A_26 = %scan3A_12) -> (i32)  : i32 {
      %mul3A_27 = arith.constant 128 : i32
      %mul3A_28 = arith.muli %scan3A_25, %mul3A_27 : i32
      %add3A_29 = arith.addi %mul3A_11, %mul3A_28 : i32
      "tpu.region"() ({
        %run_scoped3A = tpu.sem_alloc : memref<!tpu.dma_semaphore, #tpu.memory_space<semaphore_mem>>
        %dma_start3A_51 = tpu.memref_slice %arg3[%add3A_29] : memref<270336xi32, #tpu.memory_space<hbm>> -> memref<128xi32, #tpu.memory_space<hbm>>
        %dma_start3A_52 = tpu.memref_slice %arg3[%add3A_29] : memref<270336xi32, #tpu.memory_space<hbm>> -> memref<128xi32, #tpu.memory_space<hbm>>
        tpu.enqueue_dma source(%dma_start3A_52 : memref<128xi32, #tpu.memory_space<hbm>>) target(%arg7 : memref<128xi32, #tpu.memory_space<vmem>>) target_semaphore(%run_scoped3A : memref<!tpu.dma_semaphore, #tpu.memory_space<semaphore_mem>>)
        %dma_wait3A_53 = tpu.memref_slice %arg3[%add3A_29] : memref<270336xi32, #tpu.memory_space<hbm>> -> memref<128xi32, #tpu.memory_space<hbm>>
        %dma_wait3A_54 = tpu.memref_slice %arg3[%add3A_29] : memref<270336xi32, #tpu.memory_space<hbm>> -> memref<128xi32, #tpu.memory_space<hbm>>
        tpu.wait_dma2 semaphore(%run_scoped3A : memref<!tpu.dma_semaphore, #tpu.memory_space<semaphore_mem>>) src(%dma_wait3A_54 : memref<128xi32, #tpu.memory_space<hbm>>) dst(%arg7 : memref<128xi32, #tpu.memory_space<vmem>>)
        tpu.yield
      }) : () -> ()
      "tpu.region"() ({
        %run_scoped3A = tpu.sem_alloc : memref<!tpu.dma_semaphore, #tpu.memory_space<semaphore_mem>>
        %dma_start3A_51 = tpu.memref_slice %arg4[%add3A_29] : memref<270336xi32, #tpu.memory_space<hbm>> -> memref<128xi32, #tpu.memory_space<hbm>>
        %dma_start3A_52 = tpu.memref_slice %arg4[%add3A_29] : memref<270336xi32, #tpu.memory_space<hbm>> -> memref<128xi32, #tpu.memory_space<hbm>>
        tpu.enqueue_dma source(%dma_start3A_52 : memref<128xi32, #tpu.memory_space<hbm>>) target(%arg8 : memref<128xi32, #tpu.memory_space<vmem>>) target_semaphore(%run_scoped3A : memref<!tpu.dma_semaphore, #tpu.memory_space<semaphore_mem>>)
        %dma_wait3A_53 = tpu.memref_slice %arg4[%add3A_29] : memref<270336xi32, #tpu.memory_space<hbm>> -> memref<128xi32, #tpu.memory_space<hbm>>
        %dma_wait3A_54 = tpu.memref_slice %arg4[%add3A_29] : memref<270336xi32, #tpu.memory_space<hbm>> -> memref<128xi32, #tpu.memory_space<hbm>>
        tpu.wait_dma2 semaphore(%run_scoped3A : memref<!tpu.dma_semaphore, #tpu.memory_space<semaphore_mem>>) src(%dma_wait3A_54 : memref<128xi32, #tpu.memory_space<hbm>>) dst(%arg8 : memref<128xi32, #tpu.memory_space<vmem>>)
        tpu.yield
      }) : () -> ()
      %scan3A_30 = arith.constant 0 : i32
      %scan3A_31 = arith.constant 0 : i32
      %scan3A_32 = arith.constant 8 : i32
      %scan3A_33 = arith.addi %scan3A_31, %scan3A_32 : i32
      %scan3A_34 = arith.constant 1 : i32
      %scan3A_35 = scf.for %scan3A_51 = %scan3A_31 to %scan3A_33 step %scan3A_34 iter_args(%scan3A_52 = %scan3A_30) -> (i32)  : i32 {
        %mul3A_53 = arith.constant 16 : i32
        %mul3A_54 = arith.muli %scan3A_51, %mul3A_53 : i32
        %get3A = arith.index_cast %mul3A_54 : i32 to index
        %get3A_55 = tpu.vector_load %arg7[%get3A] {strides = array<i32>} : memref<128xi32, #tpu.memory_space<vmem>>, vector<16xi32>,
        %get3A_56 = vector.shape_cast %get3A_55 : vector<16xi32> to vector<16xi32>
        %get3A_57 = arith.index_cast %mul3A_54 : i32 to index
        %get3A_58 = tpu.vector_load %arg8[%get3A_57] {strides = array<i32>} : memref<128xi32, #tpu.memory_space<vmem>>, vector<16xi32>,
        %get3A_59 = vector.shape_cast %get3A_58 : vector<16xi32> to vector<16xi32>
        %min3A = arith.constant 9999 : i32
        %min3A_60 = vector.broadcast %min3A : i32 to vector<16xi32>
        %min3A_61 = arith.minsi %get3A_59, %min3A_60 : vector<16xi32>
        %mul3A_62 = arith.constant 10112 : i32
        %mul3A_63 = vector.broadcast %mul3A_62 : i32 to vector<16xi32>
        %mul3A_64 = arith.muli %min3A_61, %mul3A_63 : vector<16xi32>
        %div3A = arith.constant 27 : i32
        %div3A_65 = vector.broadcast %div3A : i32 to vector<16xi32>
        %div3A_66 = arith.divsi %get3A_56, %div3A_65 : vector<16xi32>
        %add3A_67 = arith.addi %mul3A_64, %div3A_66 : vector<16xi32>
        %swap3A = arith.index_cast %mul3A_54 : i32 to index
        %swap3A_68 = tpu.vector_load %arg9[%swap3A] {strides = array<i32>} : memref<128xi32, #tpu.memory_space<vmem>>, vector<16xi32>,
        %swap3A_69 = vector.shape_cast %swap3A_68 : vector<16xi32> to vector<16xi32>
        %swap3A_70 = vector.shape_cast %add3A_67 : vector<16xi32> to vector<16xi32>
        tpu.vector_store %arg9[%swap3A], %swap3A_70 {strides = array<i32>} : memref<128xi32, #tpu.memory_space<vmem>>, vector<16xi32>,
        %rem3A = arith.constant 27 : i32
        %rem3A_71 = vector.broadcast %rem3A : i32 to vector<16xi32>
        %rem3A_72 = arith.remsi %get3A_56, %rem3A_71 : vector<16xi32>
        %add3A_73 = arith.constant 10000 : i32
        %add3A_74 = vector.broadcast %add3A_73 : i32 to vector<16xi32>
        %add3A_75 = arith.addi %add3A_74, %rem3A_72 : vector<16xi32>
        %add3A_76 = arith.addi %mul3A_64, %add3A_75 : vector<16xi32>
        %swap3A_77 = arith.index_cast %mul3A_54 : i32 to index
        %swap3A_78 = tpu.vector_load %arg10[%swap3A_77] {strides = array<i32>} : memref<128xi32, #tpu.memory_space<vmem>>, vector<16xi32>,
        %swap3A_79 = vector.shape_cast %swap3A_78 : vector<16xi32> to vector<16xi32>
        %swap3A_80 = vector.shape_cast %add3A_76 : vector<16xi32> to vector<16xi32>
        tpu.vector_store %arg10[%swap3A_77], %swap3A_80 {strides = array<i32>} : memref<128xi32, #tpu.memory_space<vmem>>, vector<16xi32>,
        %scan3A_81 = arith.constant 0 : i32
        scf.yield %scan3A_81 : i32
      }
      %scan3A_36 = arith.constant 8 : i32
      %dma_start3A = arith.constant 0 : i32
      %dma_start3A_37 = tpu.memref_slice %arg2[%dma_start3A] : memref<101120000xf32, #tpu.memory_space<hbm>> -> memref<101120000xf32, #tpu.memory_space<hbm>>
      tpu.enqueue_indirect_dma source(%dma_start3A_37 : memref<101120000xf32, #tpu.memory_space<hbm>>) target(%arg11 : memref<128xf32, #tpu.memory_space<vmem>>) offsets(%arg9 : memref<128xi32, #tpu.memory_space<vmem>>) semaphore(%arg15 : memref<!tpu.dma_semaphore, #tpu.memory_space<semaphore_mem>>)
      %dma_start3A_38 = arith.constant 0 : i32
      %dma_start3A_39 = tpu.memref_slice %arg2[%dma_start3A_38] : memref<101120000xf32, #tpu.memory_space<hbm>> -> memref<101120000xf32, #tpu.memory_space<hbm>>
      tpu.enqueue_indirect_dma source(%dma_start3A_39 : memref<101120000xf32, #tpu.memory_space<hbm>>) target(%arg12 : memref<128xf32, #tpu.memory_space<vmem>>) offsets(%arg10 : memref<128xi32, #tpu.memory_space<vmem>>) semaphore(%arg16 : memref<!tpu.dma_semaphore, #tpu.memory_space<semaphore_mem>>)
      %dma_wait3A = arith.constant 0 : i32
      %dma_wait3A_40 = tpu.memref_slice %arg2[%dma_wait3A] : memref<101120000xf32, #tpu.memory_space<hbm>> -> memref<101120000xf32, #tpu.memory_space<hbm>>
      tpu.wait_indirect_dma semaphore(%arg15 : memref<!tpu.dma_semaphore, #tpu.memory_space<semaphore_mem>>) src(%dma_wait3A_40 : memref<101120000xf32, #tpu.memory_space<hbm>>) dst(%arg11 : memref<128xf32, #tpu.memory_space<vmem>>)
      %dma_wait3A_41 = arith.constant 0 : i32
      %dma_wait3A_42 = tpu.memref_slice %arg2[%dma_wait3A_41] : memref<101120000xf32, #tpu.memory_space<hbm>> -> memref<101120000xf32, #tpu.memory_space<hbm>>
      tpu.wait_indirect_dma semaphore(%arg16 : memref<!tpu.dma_semaphore, #tpu.memory_space<semaphore_mem>>) src(%dma_wait3A_42 : memref<101120000xf32, #tpu.memory_space<hbm>>) dst(%arg12 : memref<128xf32, #tpu.memory_space<vmem>>)
      %scan3A_43 = arith.constant 0 : i32
      %scan3A_44 = arith.constant 0 : i32
      %scan3A_45 = arith.constant 8 : i32
      %scan3A_46 = arith.addi %scan3A_44, %scan3A_45 : i32
      %scan3A_47 = arith.constant 1 : i32
      %scan3A_48 = scf.for %scan3A_51 = %scan3A_44 to %scan3A_46 step %scan3A_47 iter_args(%scan3A_52 = %scan3A_43) -> (i32)  : i32 {
        %mul3A_53 = arith.constant 16 : i32
        %mul3A_54 = arith.muli %scan3A_51, %mul3A_53 : i32
        %get3A = arith.index_cast %mul3A_54 : i32 to index
        %get3A_55 = tpu.vector_load %arg11[%get3A] {strides = array<i32>} : memref<128xf32, #tpu.memory_space<vmem>>, vector<16xf32>,
        %get3A_56 = vector.shape_cast %get3A_55 : vector<16xf32> to vector<16xf32>
        %get3A_57 = arith.index_cast %mul3A_54 : i32 to index
        %get3A_58 = tpu.vector_load %arg12[%get3A_57] {strides = array<i32>} : memref<128xf32, #tpu.memory_space<vmem>>, vector<16xf32>,
        %get3A_59 = vector.shape_cast %get3A_58 : vector<16xf32> to vector<16xf32>
        %add3A_60 = arith.addf %get3A_56, %get3A_59 : vector<16xf32>
        %mul3A_61 = arith.constant 6.250000e-02 : f32
        %mul3A_62 = vector.broadcast %mul3A_61 : f32 to vector<16xf32>
        %mul3A_63 = arith.mulf %add3A_60, %mul3A_62 : vector<16xf32>
        %exp3A = math.exp %mul3A_63 : vector<16xf32>
        %swap3A = arith.index_cast %mul3A_54 : i32 to index
        %swap3A_64 = tpu.vector_load %arg12[%swap3A] {strides = array<i32>} : memref<128xf32, #tpu.memory_space<vmem>>, vector<16xf32>,
        %swap3A_65 = vector.shape_cast %swap3A_64 : vector<16xf32> to vector<16xf32>
        %swap3A_66 = vector.shape_cast %exp3A : vector<16xf32> to vector<16xf32>
        tpu.vector_store %arg12[%swap3A], %swap3A_66 {strides = array<i32>} : memref<128xf32, #tpu.memory_space<vmem>>, vector<16xf32>,
        %scan3A_67 = arith.constant 0 : i32
        scf.yield %scan3A_67 : i32
      }
      %scan3A_49 = arith.constant 8 : i32
      "tpu.region"() ({
        %run_scoped3A = tpu.sem_alloc : memref<!tpu.dma_semaphore, #tpu.memory_space<semaphore_mem>>
        %dma_start3A_51 = tpu.memref_slice %arg5[%add3A_29] : memref<270336xf32, #tpu.memory_space<hbm>> -> memref<128xf32, #tpu.memory_space<hbm>>
        %dma_start3A_52 = tpu.memref_slice %arg5[%add3A_29] : memref<270336xf32, #tpu.memory_space<hbm>> -> memref<128xf32, #tpu.memory_space<hbm>>
        tpu.enqueue_dma source(%arg12 : memref<128xf32, #tpu.memory_space<vmem>>) target(%dma_start3A_52 : memref<128xf32, #tpu.memory_space<hbm>>) target_semaphore(%run_scoped3A : memref<!tpu.dma_semaphore, #tpu.memory_space<semaphore_mem>>)
        %dma_wait3A_53 = tpu.memref_slice %arg5[%add3A_29] : memref<270336xf32, #tpu.memory_space<hbm>> -> memref<128xf32, #tpu.memory_space<hbm>>
        %dma_wait3A_54 = tpu.memref_slice %arg5[%add3A_29] : memref<270336xf32, #tpu.memory_space<hbm>> -> memref<128xf32, #tpu.memory_space<hbm>>
        tpu.wait_dma2 semaphore(%run_scoped3A : memref<!tpu.dma_semaphore, #tpu.memory_space<semaphore_mem>>) src(%arg12 : memref<128xf32, #tpu.memory_space<vmem>>) dst(%dma_wait3A_54 : memref<128xf32, #tpu.memory_space<hbm>>)
        tpu.yield
      }) : () -> ()
      "tpu.region"() ({
        %run_scoped3A = tpu.sem_alloc : memref<!tpu.dma_semaphore, #tpu.memory_space<semaphore_mem>>
        %dma_start3A_51 = arith.constant 0 : i32
        %dma_start3A_52 = tpu.memref_slice %arg14[%dma_start3A_51] : memref<10240xf32, #tpu.memory_space<vmem_shared>> -> memref<10240xf32, #tpu.memory_space<vmem_shared>>
        tpu.enqueue_indirect_dma source(%arg12 : memref<128xf32, #tpu.memory_space<vmem>>) target(%dma_start3A_52 : memref<10240xf32, #tpu.memory_space<vmem_shared>>) offsets(%arg8 : memref<128xi32, #tpu.memory_space<vmem>>) semaphore(%run_scoped3A : memref<!tpu.dma_semaphore, #tpu.memory_space<semaphore_mem>>) {add = true}
        %dma_wait3A_53 = arith.constant 0 : i32
        %dma_wait3A_54 = tpu.memref_slice %arg14[%dma_wait3A_53] : memref<10240xf32, #tpu.memory_space<vmem_shared>> -> memref<10240xf32, #tpu.memory_space<vmem_shared>>
        tpu.wait_indirect_dma semaphore(%run_scoped3A : memref<!tpu.dma_semaphore, #tpu.memory_space<semaphore_mem>>) src(%arg12 : memref<128xf32, #tpu.memory_space<vmem>>) dst(%dma_wait3A_54 : memref<10240xf32, #tpu.memory_space<vmem_shared>>)
        tpu.yield
      }) : () -> ()
      %scan3A_50 = arith.constant 0 : i32
      scf.yield %scan3A_50 : i32
    }
    %scan3A_18 = arith.constant 66 : i32
    %barrier3A_19 = arith.constant 0 : index
    tpu.barrier barrier_id(%barrier3A_19)
    %mul3A_20 = arith.constant 640 : i32
    %mul3A_21 = arith.muli %arg1, %mul3A_20 : i32
    %mul3A_22 = arith.constant 10240 : i32
    %mul3A_23 = arith.muli %arg0, %mul3A_22 : i32
    %add3A_24 = arith.addi %mul3A_23, %mul3A_21 : i32
    "tpu.region"() ({
      %run_scoped3A = tpu.sem_alloc : memref<!tpu.dma_semaphore, #tpu.memory_space<semaphore_mem>>
      %dma_start3A = tpu.memref_slice %arg6[%add3A_24] : memref<20480xf32, #tpu.memory_space<hbm>> -> memref<640xf32, #tpu.memory_space<hbm>>
      %dma_start3A_25 = tpu.memref_slice %arg14[%mul3A_21] : memref<10240xf32, #tpu.memory_space<vmem_shared>> -> memref<640xf32, #tpu.memory_space<vmem_shared>>
      tpu.enqueue_dma source(%dma_start3A_25 : memref<640xf32, #tpu.memory_space<vmem_shared>>) target(%dma_start3A : memref<640xf32, #tpu.memory_space<hbm>>) target_semaphore(%run_scoped3A : memref<!tpu.dma_semaphore, #tpu.memory_space<semaphore_mem>>)
      %dma_wait3A = tpu.memref_slice %arg6[%add3A_24] : memref<20480xf32, #tpu.memory_space<hbm>> -> memref<640xf32, #tpu.memory_space<hbm>>
      %dma_wait3A_26 = tpu.memref_slice %arg14[%mul3A_21] : memref<10240xf32, #tpu.memory_space<vmem_shared>> -> memref<640xf32, #tpu.memory_space<vmem_shared>>
      tpu.wait_dma2 semaphore(%run_scoped3A : memref<!tpu.dma_semaphore, #tpu.memory_space<semaphore_mem>>) src(%dma_wait3A_26 : memref<640xf32, #tpu.memory_space<vmem_shared>>) dst(%dma_wait3A : memref<640xf32, #tpu.memory_space<hbm>>)
      tpu.yield
    }) : () -> ()
    return
  }
}

#map = affine_map<(d0, d1) -> (0)>
#map1 = affine_map<(d0, d1) -> (0, 0, 0)>
module attributes {stable_mosaic.version = 14 : i64} {
  func.func @_k2(%arg0: i32, %arg1: i32, %arg2: memref<270336xi32, #tpu.memory_space<hbm>>, %arg3: memref<270336xi32, #tpu.memory_space<hbm>>, %arg4: memref<270336xf32, #tpu.memory_space<hbm>>, %arg5: memref<20480xf32, #tpu.memory_space<hbm>>, %arg6: memref<2x10000x128xf32, #tpu.memory_space<hbm>>, %arg7: memref<2x10240x128xf32, #tpu.memory_space<hbm>>, %arg8: memref<128xi32, #tpu.memory_space<vmem>>, %arg9: memref<128xi32, #tpu.memory_space<vmem>>, %arg10: memref<128xi32, #tpu.memory_space<vmem>>, %arg11: memref<128xi32, #tpu.memory_space<vmem>>, %arg12: memref<128xf32, #tpu.memory_space<vmem>>, %arg13: memref<128xf32, #tpu.memory_space<vmem>>, %arg14: memref<128xf32, #tpu.memory_space<vmem>>, %arg15: memref<128x128xf32, #tpu.memory_space<vmem>>, %arg16: memref<10240x128xf32, #tpu.memory_space<vmem_shared>>, %arg17: memref<!tpu.dma_semaphore, #tpu.memory_space<semaphore_mem>>, %arg18: memref<!tpu.dma_semaphore, #tpu.memory_space<semaphore_mem>>, %arg19: memref<!tpu.dma_semaphore, #tpu.memory_space<semaphore_mem>>) attributes {dimension_semantics = [#tpu.dimension_semantics<core_parallel>, #tpu.dimension_semantics<subcore_parallel>], iteration_bounds = array<i64: 2, 16>, scalar_prefetch = 0 : i64, scratch_operands = 12 : i64, tpu.core_type = #tpu.core_type<sc_vector_subcore>, window_params = [{transform_indices = #map}, {transform_indices = #map}, {transform_indices = #map}, {transform_indices = #map}, {transform_indices = #map1}, {transform_indices = #map1}]} {
    %broadcast_in_dim3A = arith.constant 0.000000e+00 : f32
    %broadcast_in_dim3A_0 = vector.broadcast %broadcast_in_dim3A : f32 to vector<16xf32>
    %scan3A = arith.constant 0 : i32
    %scan3A_1 = arith.constant 0 : i32
    %scan3A_2 = arith.constant 128 : i32
    %scan3A_3 = arith.addi %scan3A_1, %scan3A_2 : i32
    %scan3A_4 = arith.constant 1 : i32
    %scan3A_5 = scf.for %scan3A_55 = %scan3A_1 to %scan3A_3 step %scan3A_4 iter_args(%scan3A_56 = %scan3A) -> (i32)  : i32 {
      %swap3A = arith.index_cast %scan3A_55 : i32 to index
      %swap3A_57 = arith.constant 0 : index
      %swap3A_58 = tpu.vector_load %arg15[%swap3A, %swap3A_57] {strides = array<i32>} : memref<128x128xf32, #tpu.memory_space<vmem>>, vector<1x16xf32>,
      %swap3A_59 = vector.shape_cast %swap3A_58 : vector<1x16xf32> to vector<16xf32>
      %swap3A_60 = vector.shape_cast %broadcast_in_dim3A_0 : vector<16xf32> to vector<1x16xf32>
      tpu.vector_store %arg15[%swap3A, %swap3A_57], %swap3A_60 {strides = array<i32>} : memref<128x128xf32, #tpu.memory_space<vmem>>, vector<1x16xf32>,
      %swap3A_61 = arith.index_cast %scan3A_55 : i32 to index
      %swap3A_62 = arith.constant 16 : index
      %swap3A_63 = tpu.vector_load %arg15[%swap3A_61, %swap3A_62] {strides = array<i32>} : memref<128x128xf32, #tpu.memory_space<vmem>>, vector<1x16xf32>,
      %swap3A_64 = vector.shape_cast %swap3A_63 : vector<1x16xf32> to vector<16xf32>
      %swap3A_65 = vector.shape_cast %broadcast_in_dim3A_0 : vector<16xf32> to vector<1x16xf32>
      tpu.vector_store %arg15[%swap3A_61, %swap3A_62], %swap3A_65 {strides = array<i32>} : memref<128x128xf32, #tpu.memory_space<vmem>>, vector<1x16xf32>,
      %swap3A_66 = arith.index_cast %scan3A_55 : i32 to index
      %swap3A_67 = arith.constant 32 : index
      %swap3A_68 = tpu.vector_load %arg15[%swap3A_66, %swap3A_67] {strides = array<i32>} : memref<128x128xf32, #tpu.memory_space<vmem>>, vector<1x16xf32>,
      %swap3A_69 = vector.shape_cast %swap3A_68 : vector<1x16xf32> to vector<16xf32>
      %swap3A_70 = vector.shape_cast %broadcast_in_dim3A_0 : vector<16xf32> to vector<1x16xf32>
      tpu.vector_store %arg15[%swap3A_66, %swap3A_67], %swap3A_70 {strides = array<i32>} : memref<128x128xf32, #tpu.memory_space<vmem>>, vector<1x16xf32>,
      %swap3A_71 = arith.index_cast %scan3A_55 : i32 to index
      %swap3A_72 = arith.constant 48 : index
      %swap3A_73 = tpu.vector_load %arg15[%swap3A_71, %swap3A_72] {strides = array<i32>} : memref<128x128xf32, #tpu.memory_space<vmem>>, vector<1x16xf32>,
      %swap3A_74 = vector.shape_cast %swap3A_73 : vector<1x16xf32> to vector<16xf32>
      %swap3A_75 = vector.shape_cast %broadcast_in_dim3A_0 : vector<16xf32> to vector<1x16xf32>
      tpu.vector_store %arg15[%swap3A_71, %swap3A_72], %swap3A_75 {strides = array<i32>} : memref<128x128xf32, #tpu.memory_space<vmem>>, vector<1x16xf32>,
      %swap3A_76 = arith.index_cast %scan3A_55 : i32 to index
      %swap3A_77 = arith.constant 64 : index
      %swap3A_78 = tpu.vector_load %arg15[%swap3A_76, %swap3A_77] {strides = array<i32>} : memref<128x128xf32, #tpu.memory_space<vmem>>, vector<1x16xf32>,
      %swap3A_79 = vector.shape_cast %swap3A_78 : vector<1x16xf32> to vector<16xf32>
      %swap3A_80 = vector.shape_cast %broadcast_in_dim3A_0 : vector<16xf32> to vector<1x16xf32>
      tpu.vector_store %arg15[%swap3A_76, %swap3A_77], %swap3A_80 {strides = array<i32>} : memref<128x128xf32, #tpu.memory_space<vmem>>, vector<1x16xf32>,
      %swap3A_81 = arith.index_cast %scan3A_55 : i32 to index
      %swap3A_82 = arith.constant 80 : index
      %swap3A_83 = tpu.vector_load %arg15[%swap3A_81, %swap3A_82] {strides = array<i32>} : memref<128x128xf32, #tpu.memory_space<vmem>>, vector<1x16xf32>,
      %swap3A_84 = vector.shape_cast %swap3A_83 : vector<1x16xf32> to vector<16xf32>
      %swap3A_85 = vector.shape_cast %broadcast_in_dim3A_0 : vector<16xf32> to vector<1x16xf32>
      tpu.vector_store %arg15[%swap3A_81, %swap3A_82], %swap3A_85 {strides = array<i32>} : memref<128x128xf32, #tpu.memory_space<vmem>>, vector<1x16xf32>,
      %swap3A_86 = arith.index_cast %scan3A_55 : i32 to index
      %swap3A_87 = arith.constant 96 : index
      %swap3A_88 = tpu.vector_load %arg15[%swap3A_86, %swap3A_87] {strides = array<i32>} : memref<128x128xf32, #tpu.memory_space<vmem>>, vector<1x16xf32>,
      %swap3A_89 = vector.shape_cast %swap3A_88 : vector<1x16xf32> to vector<16xf32>
      %swap3A_90 = vector.shape_cast %broadcast_in_dim3A_0 : vector<16xf32> to vector<1x16xf32>
      tpu.vector_store %arg15[%swap3A_86, %swap3A_87], %swap3A_90 {strides = array<i32>} : memref<128x128xf32, #tpu.memory_space<vmem>>, vector<1x16xf32>,
      %swap3A_91 = arith.index_cast %scan3A_55 : i32 to index
      %swap3A_92 = arith.constant 112 : index
      %swap3A_93 = tpu.vector_load %arg15[%swap3A_91, %swap3A_92] {strides = array<i32>} : memref<128x128xf32, #tpu.memory_space<vmem>>, vector<1x16xf32>,
      %swap3A_94 = vector.shape_cast %swap3A_93 : vector<1x16xf32> to vector<16xf32>
      %swap3A_95 = vector.shape_cast %broadcast_in_dim3A_0 : vector<16xf32> to vector<1x16xf32>
      tpu.vector_store %arg15[%swap3A_91, %swap3A_92], %swap3A_95 {strides = array<i32>} : memref<128x128xf32, #tpu.memory_space<vmem>>, vector<1x16xf32>,
      %scan3A_96 = arith.constant 0 : i32
      scf.yield %scan3A_96 : i32
    }
    %scan3A_6 = arith.constant 128 : i32
    %mul3A = arith.constant 640 : i32
    %mul3A_7 = arith.muli %arg1, %mul3A : i32
    %add3A = arith.constant 0 : i32
    %add3A_8 = arith.addi %mul3A_7, %add3A : i32
    "tpu.region"() ({
      %run_scoped3A = tpu.sem_alloc : memref<!tpu.dma_semaphore, #tpu.memory_space<semaphore_mem>>
      %dma_start3A = arith.constant 0 : i32
      %dma_start3A_55 = tpu.memref_slice %arg16[%add3A_8, %dma_start3A] : memref<10240x128xf32, #tpu.memory_space<vmem_shared>> -> memref<128x128xf32, #tpu.memory_space<vmem_shared>>
      %dma_start3A_56 = arith.constant 0 : i32
      %dma_start3A_57 = tpu.memref_slice %arg16[%add3A_8, %dma_start3A_56] : memref<10240x128xf32, #tpu.memory_space<vmem_shared>> -> memref<128x128xf32, #tpu.memory_space<vmem_shared>>
      tpu.enqueue_dma source(%arg15 : memref<128x128xf32, #tpu.memory_space<vmem>>) target(%dma_start3A_57 : memref<128x128xf32, #tpu.memory_space<vmem_shared>>) target_semaphore(%run_scoped3A : memref<!tpu.dma_semaphore, #tpu.memory_space<semaphore_mem>>)
      %dma_wait3A = arith.constant 0 : i32
      %dma_wait3A_58 = tpu.memref_slice %arg16[%add3A_8, %dma_wait3A] : memref<10240x128xf32, #tpu.memory_space<vmem_shared>> -> memref<128x128xf32, #tpu.memory_space<vmem_shared>>
      %dma_wait3A_59 = arith.constant 0 : i32
      %dma_wait3A_60 = tpu.memref_slice %arg16[%add3A_8, %dma_wait3A_59] : memref<10240x128xf32, #tpu.memory_space<vmem_shared>> -> memref<128x128xf32, #tpu.memory_space<vmem_shared>>
      tpu.wait_dma2 semaphore(%run_scoped3A : memref<!tpu.dma_semaphore, #tpu.memory_space<semaphore_mem>>) src(%arg15 : memref<128x128xf32, #tpu.memory_space<vmem>>) dst(%dma_wait3A_60 : memref<128x128xf32, #tpu.memory_space<vmem_shared>>)
      tpu.yield
    }) : () -> ()
    %mul3A_9 = arith.constant 640 : i32
    %mul3A_10 = arith.muli %arg1, %mul3A_9 : i32
    %add3A_11 = arith.constant 128 : i32
    %add3A_12 = arith.addi %mul3A_10, %add3A_11 : i32
    "tpu.region"() ({
      %run_scoped3A = tpu.sem_alloc : memref<!tpu.dma_semaphore, #tpu.memory_space<semaphore_mem>>
      %dma_start3A = arith.constant 0 : i32
      %dma_start3A_55 = tpu.memref_slice %arg16[%add3A_12, %dma_start3A] : memref<10240x128xf32, #tpu.memory_space<vmem_shared>> -> memref<128x128xf32, #tpu.memory_space<vmem_shared>>
      %dma_start3A_56 = arith.constant 0 : i32
      %dma_start3A_57 = tpu.memref_slice %arg16[%add3A_12, %dma_start3A_56] : memref<10240x128xf32, #tpu.memory_space<vmem_shared>> -> memref<128x128xf32, #tpu.memory_space<vmem_shared>>
      tpu.enqueue_dma source(%arg15 : memref<128x128xf32, #tpu.memory_space<vmem>>) target(%dma_start3A_57 : memref<128x128xf32, #tpu.memory_space<vmem_shared>>) target_semaphore(%run_scoped3A : memref<!tpu.dma_semaphore, #tpu.memory_space<semaphore_mem>>)
      %dma_wait3A = arith.constant 0 : i32
      %dma_wait3A_58 = tpu.memref_slice %arg16[%add3A_12, %dma_wait3A] : memref<10240x128xf32, #tpu.memory_space<vmem_shared>> -> memref<128x128xf32, #tpu.memory_space<vmem_shared>>
      %dma_wait3A_59 = arith.constant 0 : i32
      %dma_wait3A_60 = tpu.memref_slice %arg16[%add3A_12, %dma_wait3A_59] : memref<10240x128xf32, #tpu.memory_space<vmem_shared>> -> memref<128x128xf32, #tpu.memory_space<vmem_shared>>
      tpu.wait_dma2 semaphore(%run_scoped3A : memref<!tpu.dma_semaphore, #tpu.memory_space<semaphore_mem>>) src(%arg15 : memref<128x128xf32, #tpu.memory_space<vmem>>) dst(%dma_wait3A_60 : memref<128x128xf32, #tpu.memory_space<vmem_shared>>)
      tpu.yield
    }) : () -> ()
    %mul3A_13 = arith.constant 640 : i32
    %mul3A_14 = arith.muli %arg1, %mul3A_13 : i32
    %add3A_15 = arith.constant 256 : i32
    %add3A_16 = arith.addi %mul3A_14, %add3A_15 : i32
    "tpu.region"() ({
      %run_scoped3A = tpu.sem_alloc : memref<!tpu.dma_semaphore, #tpu.memory_space<semaphore_mem>>
      %dma_start3A = arith.constant 0 : i32
      %dma_start3A_55 = tpu.memref_slice %arg16[%add3A_16, %dma_start3A] : memref<10240x128xf32, #tpu.memory_space<vmem_shared>> -> memref<128x128xf32, #tpu.memory_space<vmem_shared>>
      %dma_start3A_56 = arith.constant 0 : i32
      %dma_start3A_57 = tpu.memref_slice %arg16[%add3A_16, %dma_start3A_56] : memref<10240x128xf32, #tpu.memory_space<vmem_shared>> -> memref<128x128xf32, #tpu.memory_space<vmem_shared>>
      tpu.enqueue_dma source(%arg15 : memref<128x128xf32, #tpu.memory_space<vmem>>) target(%dma_start3A_57 : memref<128x128xf32, #tpu.memory_space<vmem_shared>>) target_semaphore(%run_scoped3A : memref<!tpu.dma_semaphore, #tpu.memory_space<semaphore_mem>>)
      %dma_wait3A = arith.constant 0 : i32
      %dma_wait3A_58 = tpu.memref_slice %arg16[%add3A_16, %dma_wait3A] : memref<10240x128xf32, #tpu.memory_space<vmem_shared>> -> memref<128x128xf32, #tpu.memory_space<vmem_shared>>
      %dma_wait3A_59 = arith.constant 0 : i32
      %dma_wait3A_60 = tpu.memref_slice %arg16[%add3A_16, %dma_wait3A_59] : memref<10240x128xf32, #tpu.memory_space<vmem_shared>> -> memref<128x128xf32, #tpu.memory_space<vmem_shared>>
      tpu.wait_dma2 semaphore(%run_scoped3A : memref<!tpu.dma_semaphore, #tpu.memory_space<semaphore_mem>>) src(%arg15 : memref<128x128xf32, #tpu.memory_space<vmem>>) dst(%dma_wait3A_60 : memref<128x128xf32, #tpu.memory_space<vmem_shared>>)
      tpu.yield
    }) : () -> ()
    %mul3A_17 = arith.constant 640 : i32
    %mul3A_18 = arith.muli %arg1, %mul3A_17 : i32
    %add3A_19 = arith.constant 384 : i32
    %add3A_20 = arith.addi %mul3A_18, %add3A_19 : i32
    "tpu.region"() ({
      %run_scoped3A = tpu.sem_alloc : memref<!tpu.dma_semaphore, #tpu.memory_space<semaphore_mem>>
      %dma_start3A = arith.constant 0 : i32
      %dma_start3A_55 = tpu.memref_slice %arg16[%add3A_20, %dma_start3A] : memref<10240x128xf32, #tpu.memory_space<vmem_shared>> -> memref<128x128xf32, #tpu.memory_space<vmem_shared>>
      %dma_start3A_56 = arith.constant 0 : i32
      %dma_start3A_57 = tpu.memref_slice %arg16[%add3A_20, %dma_start3A_56] : memref<10240x128xf32, #tpu.memory_space<vmem_shared>> -> memref<128x128xf32, #tpu.memory_space<vmem_shared>>
      tpu.enqueue_dma source(%arg15 : memref<128x128xf32, #tpu.memory_space<vmem>>) target(%dma_start3A_57 : memref<128x128xf32, #tpu.memory_space<vmem_shared>>) target_semaphore(%run_scoped3A : memref<!tpu.dma_semaphore, #tpu.memory_space<semaphore_mem>>)
      %dma_wait3A = arith.constant 0 : i32
      %dma_wait3A_58 = tpu.memref_slice %arg16[%add3A_20, %dma_wait3A] : memref<10240x128xf32, #tpu.memory_space<vmem_shared>> -> memref<128x128xf32, #tpu.memory_space<vmem_shared>>
      %dma_wait3A_59 = arith.constant 0 : i32
      %dma_wait3A_60 = tpu.memref_slice %arg16[%add3A_20, %dma_wait3A_59] : memref<10240x128xf32, #tpu.memory_space<vmem_shared>> -> memref<128x128xf32, #tpu.memory_space<vmem_shared>>
      tpu.wait_dma2 semaphore(%run_scoped3A : memref<!tpu.dma_semaphore, #tpu.memory_space<semaphore_mem>>) src(%arg15 : memref<128x128xf32, #tpu.memory_space<vmem>>) dst(%dma_wait3A_60 : memref<128x128xf32, #tpu.memory_space<vmem_shared>>)
      tpu.yield
    }) : () -> ()
    %mul3A_21 = arith.constant 640 : i32
    %mul3A_22 = arith.muli %arg1, %mul3A_21 : i32
    %add3A_23 = arith.constant 512 : i32
    %add3A_24 = arith.addi %mul3A_22, %add3A_23 : i32
    "tpu.region"() ({
      %run_scoped3A = tpu.sem_alloc : memref<!tpu.dma_semaphore, #tpu.memory_space<semaphore_mem>>
      %dma_start3A = arith.constant 0 : i32
      %dma_start3A_55 = tpu.memref_slice %arg16[%add3A_24, %dma_start3A] : memref<10240x128xf32, #tpu.memory_space<vmem_shared>> -> memref<128x128xf32, #tpu.memory_space<vmem_shared>>
      %dma_start3A_56 = arith.constant 0 : i32
      %dma_start3A_57 = tpu.memref_slice %arg16[%add3A_24, %dma_start3A_56] : memref<10240x128xf32, #tpu.memory_space<vmem_shared>> -> memref<128x128xf32, #tpu.memory_space<vmem_shared>>
      tpu.enqueue_dma source(%arg15 : memref<128x128xf32, #tpu.memory_space<vmem>>) target(%dma_start3A_57 : memref<128x128xf32, #tpu.memory_space<vmem_shared>>) target_semaphore(%run_scoped3A : memref<!tpu.dma_semaphore, #tpu.memory_space<semaphore_mem>>)
      %dma_wait3A = arith.constant 0 : i32
      %dma_wait3A_58 = tpu.memref_slice %arg16[%add3A_24, %dma_wait3A] : memref<10240x128xf32, #tpu.memory_space<vmem_shared>> -> memref<128x128xf32, #tpu.memory_space<vmem_shared>>
      %dma_wait3A_59 = arith.constant 0 : i32
      %dma_wait3A_60 = tpu.memref_slice %arg16[%add3A_24, %dma_wait3A_59] : memref<10240x128xf32, #tpu.memory_space<vmem_shared>> -> memref<128x128xf32, #tpu.memory_space<vmem_shared>>
      tpu.wait_dma2 semaphore(%run_scoped3A : memref<!tpu.dma_semaphore, #tpu.memory_space<semaphore_mem>>) src(%arg15 : memref<128x128xf32, #tpu.memory_space<vmem>>) dst(%dma_wait3A_60 : memref<128x128xf32, #tpu.memory_space<vmem_shared>>)
      tpu.yield
    }) : () -> ()
    %barrier3A = arith.constant 0 : index
    tpu.barrier barrier_id(%barrier3A)
    %mul3A_25 = arith.constant 16896 : i32
    %mul3A_26 = arith.muli %arg1, %mul3A_25 : i32
    %scan3A_27 = arith.constant 0 : i32
    %scan3A_28 = arith.constant 0 : i32
    %scan3A_29 = arith.constant 132 : i32
    %scan3A_30 = arith.addi %scan3A_28, %scan3A_29 : i32
    %scan3A_31 = arith.constant 1 : i32
    %scan3A_32 = scf.for %scan3A_55 = %scan3A_28 to %scan3A_30 step %scan3A_31 iter_args(%scan3A_56 = %scan3A_27) -> (i32)  : i32 {
      %mul3A_57 = arith.constant 128 : i32
      %mul3A_58 = arith.muli %scan3A_55, %mul3A_57 : i32
      %add3A_59 = arith.addi %mul3A_26, %mul3A_58 : i32
      "tpu.region"() ({
        %run_scoped3A = tpu.sem_alloc : memref<!tpu.dma_semaphore, #tpu.memory_space<semaphore_mem>>
        %dma_start3A_102 = tpu.memref_slice %arg2[%add3A_59] : memref<270336xi32, #tpu.memory_space<hbm>> -> memref<128xi32, #tpu.memory_space<hbm>>
        %dma_start3A_103 = tpu.memref_slice %arg2[%add3A_59] : memref<270336xi32, #tpu.memory_space<hbm>> -> memref<128xi32, #tpu.memory_space<hbm>>
        tpu.enqueue_dma source(%dma_start3A_103 : memref<128xi32, #tpu.memory_space<hbm>>) target(%arg8 : memref<128xi32, #tpu.memory_space<vmem>>) target_semaphore(%run_scoped3A : memref<!tpu.dma_semaphore, #tpu.memory_space<semaphore_mem>>)
        %dma_wait3A_104 = tpu.memref_slice %arg2[%add3A_59] : memref<270336xi32, #tpu.memory_space<hbm>> -> memref<128xi32, #tpu.memory_space<hbm>>
        %dma_wait3A_105 = tpu.memref_slice %arg2[%add3A_59] : memref<270336xi32, #tpu.memory_space<hbm>> -> memref<128xi32, #tpu.memory_space<hbm>>
        tpu.wait_dma2 semaphore(%run_scoped3A : memref<!tpu.dma_semaphore, #tpu.memory_space<semaphore_mem>>) src(%dma_wait3A_105 : memref<128xi32, #tpu.memory_space<hbm>>) dst(%arg8 : memref<128xi32, #tpu.memory_space<vmem>>)
        tpu.yield
      }) : () -> ()
      "tpu.region"() ({
        %run_scoped3A = tpu.sem_alloc : memref<!tpu.dma_semaphore, #tpu.memory_space<semaphore_mem>>
        %dma_start3A_102 = tpu.memref_slice %arg3[%add3A_59] : memref<270336xi32, #tpu.memory_space<hbm>> -> memref<128xi32, #tpu.memory_space<hbm>>
        %dma_start3A_103 = tpu.memref_slice %arg3[%add3A_59] : memref<270336xi32, #tpu.memory_space<hbm>> -> memref<128xi32, #tpu.memory_space<hbm>>
        tpu.enqueue_dma source(%dma_start3A_103 : memref<128xi32, #tpu.memory_space<hbm>>) target(%arg10 : memref<128xi32, #tpu.memory_space<vmem>>) target_semaphore(%run_scoped3A : memref<!tpu.dma_semaphore, #tpu.memory_space<semaphore_mem>>)
        %dma_wait3A_104 = tpu.memref_slice %arg3[%add3A_59] : memref<270336xi32, #tpu.memory_space<hbm>> -> memref<128xi32, #tpu.memory_space<hbm>>
        %dma_wait3A_105 = tpu.memref_slice %arg3[%add3A_59] : memref<270336xi32, #tpu.memory_space<hbm>> -> memref<128xi32, #tpu.memory_space<hbm>>
        tpu.wait_dma2 semaphore(%run_scoped3A : memref<!tpu.dma_semaphore, #tpu.memory_space<semaphore_mem>>) src(%dma_wait3A_105 : memref<128xi32, #tpu.memory_space<hbm>>) dst(%arg10 : memref<128xi32, #tpu.memory_space<vmem>>)
        tpu.yield
      }) : () -> ()
      "tpu.region"() ({
        %run_scoped3A = tpu.sem_alloc : memref<!tpu.dma_semaphore, #tpu.memory_space<semaphore_mem>>
        %dma_start3A_102 = tpu.memref_slice %arg4[%add3A_59] : memref<270336xf32, #tpu.memory_space<hbm>> -> memref<128xf32, #tpu.memory_space<hbm>>
        %dma_start3A_103 = tpu.memref_slice %arg4[%add3A_59] : memref<270336xf32, #tpu.memory_space<hbm>> -> memref<128xf32, #tpu.memory_space<hbm>>
        tpu.enqueue_dma source(%dma_start3A_103 : memref<128xf32, #tpu.memory_space<hbm>>) target(%arg12 : memref<128xf32, #tpu.memory_space<vmem>>) target_semaphore(%run_scoped3A : memref<!tpu.dma_semaphore, #tpu.memory_space<semaphore_mem>>)
        %dma_wait3A_104 = tpu.memref_slice %arg4[%add3A_59] : memref<270336xf32, #tpu.memory_space<hbm>> -> memref<128xf32, #tpu.memory_space<hbm>>
        %dma_wait3A_105 = tpu.memref_slice %arg4[%add3A_59] : memref<270336xf32, #tpu.memory_space<hbm>> -> memref<128xf32, #tpu.memory_space<hbm>>
        tpu.wait_dma2 semaphore(%run_scoped3A : memref<!tpu.dma_semaphore, #tpu.memory_space<semaphore_mem>>) src(%dma_wait3A_105 : memref<128xf32, #tpu.memory_space<hbm>>) dst(%arg12 : memref<128xf32, #tpu.memory_space<vmem>>)
        tpu.yield
      }) : () -> ()
      %scan3A_60 = arith.constant 0 : i32
      %scan3A_61 = arith.constant 0 : i32
      %scan3A_62 = arith.constant 8 : i32
      %scan3A_63 = arith.addi %scan3A_61, %scan3A_62 : i32
      %scan3A_64 = arith.constant 1 : i32
      %scan3A_65 = scf.for %scan3A_102 = %scan3A_61 to %scan3A_63 step %scan3A_64 iter_args(%scan3A_103 = %scan3A_60) -> (i32)  : i32 {
        %mul3A_104 = arith.constant 16 : i32
        %mul3A_105 = arith.muli %scan3A_102, %mul3A_104 : i32
        %get3A = arith.index_cast %mul3A_105 : i32 to index
        %get3A_106 = tpu.vector_load %arg8[%get3A] {strides = array<i32>} : memref<128xi32, #tpu.memory_space<vmem>>, vector<16xi32>,
        %get3A_107 = vector.shape_cast %get3A_106 : vector<16xi32> to vector<16xi32>
        %div3A = arith.constant 27 : i32
        %div3A_108 = vector.broadcast %div3A : i32 to vector<16xi32>
        %div3A_109 = arith.divsi %get3A_107, %div3A_108 : vector<16xi32>
        %swap3A = arith.index_cast %mul3A_105 : i32 to index
        %swap3A_110 = tpu.vector_load %arg9[%swap3A] {strides = array<i32>} : memref<128xi32, #tpu.memory_space<vmem>>, vector<16xi32>,
        %swap3A_111 = vector.shape_cast %swap3A_110 : vector<16xi32> to vector<16xi32>
        %swap3A_112 = vector.shape_cast %div3A_109 : vector<16xi32> to vector<16xi32>
        tpu.vector_store %arg9[%swap3A], %swap3A_112 {strides = array<i32>} : memref<128xi32, #tpu.memory_space<vmem>>, vector<16xi32>,
        %get3A_113 = arith.index_cast %mul3A_105 : i32 to index
        %get3A_114 = tpu.vector_load %arg10[%get3A_113] {strides = array<i32>} : memref<128xi32, #tpu.memory_space<vmem>>, vector<16xi32>,
        %get3A_115 = vector.shape_cast %get3A_114 : vector<16xi32> to vector<16xi32>
        %add3A_116 = arith.constant 10240 : i32
        %add3A_117 = vector.broadcast %add3A_116 : i32 to vector<16xi32>
        %add3A_118 = arith.addi %get3A_115, %add3A_117 : vector<16xi32>
        %swap3A_119 = arith.index_cast %mul3A_105 : i32 to index
        %swap3A_120 = tpu.vector_load %arg11[%swap3A_119] {strides = array<i32>} : memref<128xi32, #tpu.memory_space<vmem>>, vector<16xi32>,
        %swap3A_121 = vector.shape_cast %swap3A_120 : vector<16xi32> to vector<16xi32>
        %swap3A_122 = vector.shape_cast %add3A_118 : vector<16xi32> to vector<16xi32>
        tpu.vector_store %arg11[%swap3A_119], %swap3A_122 {strides = array<i32>} : memref<128xi32, #tpu.memory_space<vmem>>, vector<16xi32>,
        %scan3A_123 = arith.constant 0 : i32
        scf.yield %scan3A_123 : i32
      }
      %scan3A_66 = arith.constant 8 : i32
      %dma_start3A = arith.constant 0 : i32
      %dma_start3A_67 = tpu.memref_slice %arg5[%dma_start3A] : memref<20480xf32, #tpu.memory_space<hbm>> -> memref<20480xf32, #tpu.memory_space<hbm>>
      tpu.enqueue_indirect_dma source(%dma_start3A_67 : memref<20480xf32, #tpu.memory_space<hbm>>) target(%arg13 : memref<128xf32, #tpu.memory_space<vmem>>) offsets(%arg10 : memref<128xi32, #tpu.memory_space<vmem>>) semaphore(%arg18 : memref<!tpu.dma_semaphore, #tpu.memory_space<semaphore_mem>>)
      %dma_start3A_68 = arith.constant 0 : i32
      %dma_start3A_69 = tpu.memref_slice %arg5[%dma_start3A_68] : memref<20480xf32, #tpu.memory_space<hbm>> -> memref<20480xf32, #tpu.memory_space<hbm>>
      tpu.enqueue_indirect_dma source(%dma_start3A_69 : memref<20480xf32, #tpu.memory_space<hbm>>) target(%arg14 : memref<128xf32, #tpu.memory_space<vmem>>) offsets(%arg11 : memref<128xi32, #tpu.memory_space<vmem>>) semaphore(%arg19 : memref<!tpu.dma_semaphore, #tpu.memory_space<semaphore_mem>>)
      %dma_start3A_70 = arith.constant 0 : i32
      %dma_start3A_71 = arith.constant 0 : i32
      %dma_start3A_72 = tpu.memref_slice %arg6[%arg0, %dma_start3A_70, %dma_start3A_71] : memref<2x10000x128xf32, #tpu.memory_space<hbm>> -> memref<1x10000x128xf32, #tpu.memory_space<hbm>>
      %dma_start3A_73 = tpu.memref_squeeze %dma_start3A_72 : memref<1x10000x128xf32, #tpu.memory_space<hbm>> -> memref<10000x128xf32, #tpu.memory_space<hbm>>
      %dma_start3A_74 = arith.constant 0 : i32
      %dma_start3A_75 = arith.constant 0 : i32
      %dma_start3A_76 = tpu.memref_slice %dma_start3A_73[%dma_start3A_74, %dma_start3A_75] : memref<10000x128xf32, #tpu.memory_space<hbm>> -> memref<10000x128xf32, #tpu.memory_space<hbm>>
      tpu.enqueue_indirect_dma source(%dma_start3A_76 : memref<10000x128xf32, #tpu.memory_space<hbm>>) target(%arg15 : memref<128x128xf32, #tpu.memory_space<vmem>>) offsets(%arg9 : memref<128xi32, #tpu.memory_space<vmem>>) semaphore(%arg17 : memref<!tpu.dma_semaphore, #tpu.memory_space<semaphore_mem>>)
      %dma_wait3A = arith.constant 0 : i32
      %dma_wait3A_77 = tpu.memref_slice %arg5[%dma_wait3A] : memref<20480xf32, #tpu.memory_space<hbm>> -> memref<20480xf32, #tpu.memory_space<hbm>>
      tpu.wait_indirect_dma semaphore(%arg18 : memref<!tpu.dma_semaphore, #tpu.memory_space<semaphore_mem>>) src(%dma_wait3A_77 : memref<20480xf32, #tpu.memory_space<hbm>>) dst(%arg13 : memref<128xf32, #tpu.memory_space<vmem>>)
      %dma_wait3A_78 = arith.constant 0 : i32
      %dma_wait3A_79 = tpu.memref_slice %arg5[%dma_wait3A_78] : memref<20480xf32, #tpu.memory_space<hbm>> -> memref<20480xf32, #tpu.memory_space<hbm>>
      tpu.wait_indirect_dma semaphore(%arg19 : memref<!tpu.dma_semaphore, #tpu.memory_space<semaphore_mem>>) src(%dma_wait3A_79 : memref<20480xf32, #tpu.memory_space<hbm>>) dst(%arg14 : memref<128xf32, #tpu.memory_space<vmem>>)
      %scan3A_80 = arith.constant 0 : i32
      %scan3A_81 = arith.constant 0 : i32
      %scan3A_82 = arith.constant 8 : i32
      %scan3A_83 = arith.addi %scan3A_81, %scan3A_82 : i32
      %scan3A_84 = arith.constant 1 : i32
      %scan3A_85 = scf.for %scan3A_102 = %scan3A_81 to %scan3A_83 step %scan3A_84 iter_args(%scan3A_103 = %scan3A_80) -> (i32)  : i32 {
        %mul3A_104 = arith.constant 16 : i32
        %mul3A_105 = arith.muli %scan3A_102, %mul3A_104 : i32
        %get3A = arith.index_cast %mul3A_105 : i32 to index
        %get3A_106 = tpu.vector_load %arg12[%get3A] {strides = array<i32>} : memref<128xf32, #tpu.memory_space<vmem>>, vector<16xf32>,
        %get3A_107 = vector.shape_cast %get3A_106 : vector<16xf32> to vector<16xf32>
        %get3A_108 = arith.index_cast %mul3A_105 : i32 to index
        %get3A_109 = tpu.vector_load %arg13[%get3A_108] {strides = array<i32>} : memref<128xf32, #tpu.memory_space<vmem>>, vector<16xf32>,
        %get3A_110 = vector.shape_cast %get3A_109 : vector<16xf32> to vector<16xf32>
        %get3A_111 = arith.index_cast %mul3A_105 : i32 to index
        %get3A_112 = tpu.vector_load %arg14[%get3A_111] {strides = array<i32>} : memref<128xf32, #tpu.memory_space<vmem>>, vector<16xf32>,
        %get3A_113 = vector.shape_cast %get3A_112 : vector<16xf32> to vector<16xf32>
        %add3A_114 = arith.addf %get3A_110, %get3A_113 : vector<16xf32>
        %div3A = arith.divf %get3A_107, %add3A_114 : vector<16xf32>
        %swap3A = arith.index_cast %mul3A_105 : i32 to index
        %swap3A_115 = tpu.vector_load %arg12[%swap3A] {strides = array<i32>} : memref<128xf32, #tpu.memory_space<vmem>>, vector<16xf32>,
        %swap3A_116 = vector.shape_cast %swap3A_115 : vector<16xf32> to vector<16xf32>
        %swap3A_117 = vector.shape_cast %div3A : vector<16xf32> to vector<16xf32>
        tpu.vector_store %arg12[%swap3A], %swap3A_117 {strides = array<i32>} : memref<128xf32, #tpu.memory_space<vmem>>, vector<16xf32>,
        %scan3A_118 = arith.constant 0 : i32
        scf.yield %scan3A_118 : i32
      }
      %scan3A_86 = arith.constant 8 : i32
      %dma_wait3A_87 = arith.constant 0 : i32
      %dma_wait3A_88 = arith.constant 0 : i32
      %dma_wait3A_89 = tpu.memref_slice %arg6[%arg0, %dma_wait3A_87, %dma_wait3A_88] : memref<2x10000x128xf32, #tpu.memory_space<hbm>> -> memref<1x10000x128xf32, #tpu.memory_space<hbm>>
      %dma_wait3A_90 = tpu.memref_squeeze %dma_wait3A_89 : memref<1x10000x128xf32, #tpu.memory_space<hbm>> -> memref<10000x128xf32, #tpu.memory_space<hbm>>
      %dma_wait3A_91 = arith.constant 0 : i32
      %dma_wait3A_92 = arith.constant 0 : i32
      %dma_wait3A_93 = tpu.memref_slice %dma_wait3A_90[%dma_wait3A_91, %dma_wait3A_92] : memref<10000x128xf32, #tpu.memory_space<hbm>> -> memref<10000x128xf32, #tpu.memory_space<hbm>>
      tpu.wait_indirect_dma semaphore(%arg17 : memref<!tpu.dma_semaphore, #tpu.memory_space<semaphore_mem>>) src(%dma_wait3A_93 : memref<10000x128xf32, #tpu.memory_space<hbm>>) dst(%arg15 : memref<128x128xf32, #tpu.memory_space<vmem>>)
      %scan3A_94 = arith.constant 0 : i32
      %scan3A_95 = arith.constant 0 : i32
      %scan3A_96 = arith.constant 8 : i32
      %scan3A_97 = arith.addi %scan3A_95, %scan3A_96 : i32
      %scan3A_98 = arith.constant 1 : i32
      %scan3A_99 = scf.for %scan3A_102 = %scan3A_95 to %scan3A_97 step %scan3A_98 iter_args(%scan3A_103 = %scan3A_94) -> (i32)  : i32 {
        %mul3A_104 = arith.constant 16 : i32
        %mul3A_105 = arith.muli %scan3A_102, %mul3A_104 : i32
        %get3A = arith.index_cast %mul3A_105 : i32 to index
        %get3A_106 = tpu.vector_load %arg12[%get3A] {strides = array<i32>} : memref<128xf32, #tpu.memory_space<vmem>>, vector<16xf32>,
        %get3A_107 = vector.shape_cast %get3A_106 : vector<16xf32> to vector<16xf32>
        %mul3A_108 = arith.constant 16 : i32
        %mul3A_109 = arith.muli %scan3A_102, %mul3A_108 : i32
        %add3A_110 = arith.constant 0 : i32
        %add3A_111 = arith.addi %mul3A_109, %add3A_110 : i32
        %slice3A = vector.extract_strided_slice %get3A_107 {offsets = [0], sizes = [1], strides = [1]} : vector<16xf32> to vector<1xf32>
        %squeeze3A = vector.extract %slice3A[0] : f32 from vector<1xf32>
        %broadcast_in_dim3A_112 = vector.broadcast %squeeze3A : f32 to vector<16xf32>
        %get3A_113 = arith.index_cast %add3A_111 : i32 to index
        %get3A_114 = arith.constant 0 : index
        %get3A_115 = tpu.vector_load %arg15[%get3A_113, %get3A_114] {strides = array<i32>} : memref<128x128xf32, #tpu.memory_space<vmem>>, vector<1x16xf32>,
        %get3A_116 = vector.shape_cast %get3A_115 : vector<1x16xf32> to vector<16xf32>
        %mul3A_117 = arith.mulf %get3A_116, %broadcast_in_dim3A_112 : vector<16xf32>
        %swap3A = arith.index_cast %add3A_111 : i32 to index
        %swap3A_118 = arith.constant 0 : index
        %swap3A_119 = tpu.vector_load %arg15[%swap3A, %swap3A_118] {strides = array<i32>} : memref<128x128xf32, #tpu.memory_space<vmem>>, vector<1x16xf32>,
        %swap3A_120 = vector.shape_cast %swap3A_119 : vector<1x16xf32> to vector<16xf32>
        %swap3A_121 = vector.shape_cast %mul3A_117 : vector<16xf32> to vector<1x16xf32>
        tpu.vector_store %arg15[%swap3A, %swap3A_118], %swap3A_121 {strides = array<i32>} : memref<128x128xf32, #tpu.memory_space<vmem>>, vector<1x16xf32>,
        %get3A_122 = arith.index_cast %add3A_111 : i32 to index
        %get3A_123 = arith.constant 16 : index
        %get3A_124 = tpu.vector_load %arg15[%get3A_122, %get3A_123] {strides = array<i32>} : memref<128x128xf32, #tpu.memory_space<vmem>>, vector<1x16xf32>,
        %get3A_125 = vector.shape_cast %get3A_124 : vector<1x16xf32> to vector<16xf32>
        %mul3A_126 = arith.mulf %get3A_125, %broadcast_in_dim3A_112 : vector<16xf32>
        %swap3A_127 = arith.index_cast %add3A_111 : i32 to index
        %swap3A_128 = arith.constant 16 : index
        %swap3A_129 = tpu.vector_load %arg15[%swap3A_127, %swap3A_128] {strides = array<i32>} : memref<128x128xf32, #tpu.memory_space<vmem>>, vector<1x16xf32>,
        %swap3A_130 = vector.shape_cast %swap3A_129 : vector<1x16xf32> to vector<16xf32>
        %swap3A_131 = vector.shape_cast %mul3A_126 : vector<16xf32> to vector<1x16xf32>
        tpu.vector_store %arg15[%swap3A_127, %swap3A_128], %swap3A_131 {strides = array<i32>} : memref<128x128xf32, #tpu.memory_space<vmem>>, vector<1x16xf32>,
        %get3A_132 = arith.index_cast %add3A_111 : i32 to index
        %get3A_133 = arith.constant 32 : index
        %get3A_134 = tpu.vector_load %arg15[%get3A_132, %get3A_133] {strides = array<i32>} : memref<128x128xf32, #tpu.memory_space<vmem>>, vector<1x16xf32>,
        %get3A_135 = vector.shape_cast %get3A_134 : vector<1x16xf32> to vector<16xf32>
        %mul3A_136 = arith.mulf %get3A_135, %broadcast_in_dim3A_112 : vector<16xf32>
        %swap3A_137 = arith.index_cast %add3A_111 : i32 to index
        %swap3A_138 = arith.constant 32 : index
        %swap3A_139 = tpu.vector_load %arg15[%swap3A_137, %swap3A_138] {strides = array<i32>} : memref<128x128xf32, #tpu.memory_space<vmem>>, vector<1x16xf32>,
        %swap3A_140 = vector.shape_cast %swap3A_139 : vector<1x16xf32> to vector<16xf32>
        %swap3A_141 = vector.shape_cast %mul3A_136 : vector<16xf32> to vector<1x16xf32>
        tpu.vector_store %arg15[%swap3A_137, %swap3A_138], %swap3A_141 {strides = array<i32>} : memref<128x128xf32, #tpu.memory_space<vmem>>, vector<1x16xf32>,
        %get3A_142 = arith.index_cast %add3A_111 : i32 to index
        %get3A_143 = arith.constant 48 : index
        %get3A_144 = tpu.vector_load %arg15[%get3A_142, %get3A_143] {strides = array<i32>} : memref<128x128xf32, #tpu.memory_space<vmem>>, vector<1x16xf32>,
        %get3A_145 = vector.shape_cast %get3A_144 : vector<1x16xf32> to vector<16xf32>
        %mul3A_146 = arith.mulf %get3A_145, %broadcast_in_dim3A_112 : vector<16xf32>
        %swap3A_147 = arith.index_cast %add3A_111 : i32 to index
        %swap3A_148 = arith.constant 48 : index
        %swap3A_149 = tpu.vector_load %arg15[%swap3A_147, %swap3A_148] {strides = array<i32>} : memref<128x128xf32, #tpu.memory_space<vmem>>, vector<1x16xf32>,
        %swap3A_150 = vector.shape_cast %swap3A_149 : vector<1x16xf32> to vector<16xf32>
        %swap3A_151 = vector.shape_cast %mul3A_146 : vector<16xf32> to vector<1x16xf32>
        tpu.vector_store %arg15[%swap3A_147, %swap3A_148], %swap3A_151 {strides = array<i32>} : memref<128x128xf32, #tpu.memory_space<vmem>>, vector<1x16xf32>,
        %get3A_152 = arith.index_cast %add3A_111 : i32 to index
        %get3A_153 = arith.constant 64 : index
        %get3A_154 = tpu.vector_load %arg15[%get3A_152, %get3A_153] {strides = array<i32>} : memref<128x128xf32, #tpu.memory_space<vmem>>, vector<1x16xf32>,
        %get3A_155 = vector.shape_cast %get3A_154 : vector<1x16xf32> to vector<16xf32>
        %mul3A_156 = arith.mulf %get3A_155, %broadcast_in_dim3A_112 : vector<16xf32>
        %swap3A_157 = arith.index_cast %add3A_111 : i32 to index
        %swap3A_158 = arith.constant 64 : index
        %swap3A_159 = tpu.vector_load %arg15[%swap3A_157, %swap3A_158] {strides = array<i32>} : memref<128x128xf32, #tpu.memory_space<vmem>>, vector<1x16xf32>,
        %swap3A_160 = vector.shape_cast %swap3A_159 : vector<1x16xf32> to vector<16xf32>
        %swap3A_161 = vector.shape_cast %mul3A_156 : vector<16xf32> to vector<1x16xf32>
        tpu.vector_store %arg15[%swap3A_157, %swap3A_158], %swap3A_161 {strides = array<i32>} : memref<128x128xf32, #tpu.memory_space<vmem>>, vector<1x16xf32>,
        %get3A_162 = arith.index_cast %add3A_111 : i32 to index
        %get3A_163 = arith.constant 80 : index
        %get3A_164 = tpu.vector_load %arg15[%get3A_162, %get3A_163] {strides = array<i32>} : memref<128x128xf32, #tpu.memory_space<vmem>>, vector<1x16xf32>,
        %get3A_165 = vector.shape_cast %get3A_164 : vector<1x16xf32> to vector<16xf32>
        %mul3A_166 = arith.mulf %get3A_165, %broadcast_in_dim3A_112 : vector<16xf32>
        %swap3A_167 = arith.index_cast %add3A_111 : i32 to index
        %swap3A_168 = arith.constant 80 : index
        %swap3A_169 = tpu.vector_load %arg15[%swap3A_167, %swap3A_168] {strides = array<i32>} : memref<128x128xf32, #tpu.memory_space<vmem>>, vector<1x16xf32>,
        %swap3A_170 = vector.shape_cast %swap3A_169 : vector<1x16xf32> to vector<16xf32>
        %swap3A_171 = vector.shape_cast %mul3A_166 : vector<16xf32> to vector<1x16xf32>
        tpu.vector_store %arg15[%swap3A_167, %swap3A_168], %swap3A_171 {strides = array<i32>} : memref<128x128xf32, #tpu.memory_space<vmem>>, vector<1x16xf32>,
        %get3A_172 = arith.index_cast %add3A_111 : i32 to index
        %get3A_173 = arith.constant 96 : index
        %get3A_174 = tpu.vector_load %arg15[%get3A_172, %get3A_173] {strides = array<i32>} : memref<128x128xf32, #tpu.memory_space<vmem>>, vector<1x16xf32>,
        %get3A_175 = vector.shape_cast %get3A_174 : vector<1x16xf32> to vector<16xf32>
        %mul3A_176 = arith.mulf %get3A_175, %broadcast_in_dim3A_112 : vector<16xf32>
        %swap3A_177 = arith.index_cast %add3A_111 : i32 to index
        %swap3A_178 = arith.constant 96 : index
        %swap3A_179 = tpu.vector_load %arg15[%swap3A_177, %swap3A_178] {strides = array<i32>} : memref<128x128xf32, #tpu.memory_space<vmem>>, vector<1x16xf32>,
        %swap3A_180 = vector.shape_cast %swap3A_179 : vector<1x16xf32> to vector<16xf32>
        %swap3A_181 = vector.shape_cast %mul3A_176 : vector<16xf32> to vector<1x16xf32>
        tpu.vector_store %arg15[%swap3A_177, %swap3A_178], %swap3A_181 {strides = array<i32>} : memref<128x128xf32, #tpu.memory_space<vmem>>, vector<1x16xf32>,
        %get3A_182 = arith.index_cast %add3A_111 : i32 to index
        %get3A_183 = arith.constant 112 : index
        %get3A_184 = tpu.vector_load %arg15[%get3A_182, %get3A_183] {strides = array<i32>} : memref<128x128xf32, #tpu.memory_space<vmem>>, vector<1x16xf32>,
        %get3A_185 = vector.shape_cast %get3A_184 : vector<1x16xf32> to vector<16xf32>
        %mul3A_186 = arith.mulf %get3A_185, %broadcast_in_dim3A_112 : vector<16xf32>
        %swap3A_187 = arith.index_cast %add3A_111 : i32 to index
        %swap3A_188 = arith.constant 112 : index
        %swap3A_189 = tpu.vector_load %arg15[%swap3A_187, %swap3A_188] {strides = array<i32>} : memref<128x128xf32, #tpu.memory_space<vmem>>, vector<1x16xf32>,
        %swap3A_190 = vector.shape_cast %swap3A_189 : vector<1x16xf32> to vector<16xf32>
        %swap3A_191 = vector.shape_cast %mul3A_186 : vector<16xf32> to vector<1x16xf32>
        tpu.vector_store %arg15[%swap3A_187, %swap3A_188], %swap3A_191 {strides = array<i32>} : memref<128x128xf32, #tpu.memory_space<vmem>>, vector<1x16xf32>,
        %mul3A_192 = arith.constant 16 : i32
        %mul3A_193 = arith.muli %scan3A_102, %mul3A_192 : i32
        %add3A_194 = arith.constant 1 : i32
        %add3A_195 = arith.addi %mul3A_193, %add3A_194 : i32
        %slice3A_196 = vector.extract_strided_slice %get3A_107 {offsets = [1], sizes = [1], strides = [1]} : vector<16xf32> to vector<1xf32>
        %squeeze3A_197 = vector.extract %slice3A_196[0] : f32 from vector<1xf32>
        %broadcast_in_dim3A_198 = vector.broadcast %squeeze3A_197 : f32 to vector<16xf32>
        %get3A_199 = arith.index_cast %add3A_195 : i32 to index
        %get3A_200 = arith.constant 0 : index
        %get3A_201 = tpu.vector_load %arg15[%get3A_199, %get3A_200] {strides = array<i32>} : memref<128x128xf32, #tpu.memory_space<vmem>>, vector<1x16xf32>,
        %get3A_202 = vector.shape_cast %get3A_201 : vector<1x16xf32> to vector<16xf32>
        %mul3A_203 = arith.mulf %get3A_202, %broadcast_in_dim3A_198 : vector<16xf32>
        %swap3A_204 = arith.index_cast %add3A_195 : i32 to index
        %swap3A_205 = arith.constant 0 : index
        %swap3A_206 = tpu.vector_load %arg15[%swap3A_204, %swap3A_205] {strides = array<i32>} : memref<128x128xf32, #tpu.memory_space<vmem>>, vector<1x16xf32>,
        %swap3A_207 = vector.shape_cast %swap3A_206 : vector<1x16xf32> to vector<16xf32>
        %swap3A_208 = vector.shape_cast %mul3A_203 : vector<16xf32> to vector<1x16xf32>
        tpu.vector_store %arg15[%swap3A_204, %swap3A_205], %swap3A_208 {strides = array<i32>} : memref<128x128xf32, #tpu.memory_space<vmem>>, vector<1x16xf32>,
        %get3A_209 = arith.index_cast %add3A_195 : i32 to index
        %get3A_210 = arith.constant 16 : index
        %get3A_211 = tpu.vector_load %arg15[%get3A_209, %get3A_210] {strides = array<i32>} : memref<128x128xf32, #tpu.memory_space<vmem>>, vector<1x16xf32>,
        %get3A_212 = vector.shape_cast %get3A_211 : vector<1x16xf32> to vector<16xf32>
        %mul3A_213 = arith.mulf %get3A_212, %broadcast_in_dim3A_198 : vector<16xf32>
        %swap3A_214 = arith.index_cast %add3A_195 : i32 to index
        %swap3A_215 = arith.constant 16 : index
        %swap3A_216 = tpu.vector_load %arg15[%swap3A_214, %swap3A_215] {strides = array<i32>} : memref<128x128xf32, #tpu.memory_space<vmem>>, vector<1x16xf32>,
        %swap3A_217 = vector.shape_cast %swap3A_216 : vector<1x16xf32> to vector<16xf32>
        %swap3A_218 = vector.shape_cast %mul3A_213 : vector<16xf32> to vector<1x16xf32>
        tpu.vector_store %arg15[%swap3A_214, %swap3A_215], %swap3A_218 {strides = array<i32>} : memref<128x128xf32, #tpu.memory_space<vmem>>, vector<1x16xf32>,
        %get3A_219 = arith.index_cast %add3A_195 : i32 to index
        %get3A_220 = arith.constant 32 : index
        %get3A_221 = tpu.vector_load %arg15[%get3A_219, %get3A_220] {strides = array<i32>} : memref<128x128xf32, #tpu.memory_space<vmem>>, vector<1x16xf32>,
        %get3A_222 = vector.shape_cast %get3A_221 : vector<1x16xf32> to vector<16xf32>
        %mul3A_223 = arith.mulf %get3A_222, %broadcast_in_dim3A_198 : vector<16xf32>
        %swap3A_224 = arith.index_cast %add3A_195 : i32 to index
        %swap3A_225 = arith.constant 32 : index
        %swap3A_226 = tpu.vector_load %arg15[%swap3A_224, %swap3A_225] {strides = array<i32>} : memref<128x128xf32, #tpu.memory_space<vmem>>, vector<1x16xf32>,
        %swap3A_227 = vector.shape_cast %swap3A_226 : vector<1x16xf32> to vector<16xf32>
        %swap3A_228 = vector.shape_cast %mul3A_223 : vector<16xf32> to vector<1x16xf32>
        tpu.vector_store %arg15[%swap3A_224, %swap3A_225], %swap3A_228 {strides = array<i32>} : memref<128x128xf32, #tpu.memory_space<vmem>>, vector<1x16xf32>,
        %get3A_229 = arith.index_cast %add3A_195 : i32 to index
        %get3A_230 = arith.constant 48 : index
        %get3A_231 = tpu.vector_load %arg15[%get3A_229, %get3A_230] {strides = array<i32>} : memref<128x128xf32, #tpu.memory_space<vmem>>, vector<1x16xf32>,
        %get3A_232 = vector.shape_cast %get3A_231 : vector<1x16xf32> to vector<16xf32>
        %mul3A_233 = arith.mulf %get3A_232, %broadcast_in_dim3A_198 : vector<16xf32>
        %swap3A_234 = arith.index_cast %add3A_195 : i32 to index
        %swap3A_235 = arith.constant 48 : index
        %swap3A_236 = tpu.vector_load %arg15[%swap3A_234, %swap3A_235] {strides = array<i32>} : memref<128x128xf32, #tpu.memory_space<vmem>>, vector<1x16xf32>,
        %swap3A_237 = vector.shape_cast %swap3A_236 : vector<1x16xf32> to vector<16xf32>
        %swap3A_238 = vector.shape_cast %mul3A_233 : vector<16xf32> to vector<1x16xf32>
        tpu.vector_store %arg15[%swap3A_234, %swap3A_235], %swap3A_238 {strides = array<i32>} : memref<128x128xf32, #tpu.memory_space<vmem>>, vector<1x16xf32>,
        %get3A_239 = arith.index_cast %add3A_195 : i32 to index
        %get3A_240 = arith.constant 64 : index
        %get3A_241 = tpu.vector_load %arg15[%get3A_239, %get3A_240] {strides = array<i32>} : memref<128x128xf32, #tpu.memory_space<vmem>>, vector<1x16xf32>,
        %get3A_242 = vector.shape_cast %get3A_241 : vector<1x16xf32> to vector<16xf32>
        %mul3A_243 = arith.mulf %get3A_242, %broadcast_in_dim3A_198 : vector<16xf32>
        %swap3A_244 = arith.index_cast %add3A_195 : i32 to index
        %swap3A_245 = arith.constant 64 : index
        %swap3A_246 = tpu.vector_load %arg15[%swap3A_244, %swap3A_245] {strides = array<i32>} : memref<128x128xf32, #tpu.memory_space<vmem>>, vector<1x16xf32>,
        %swap3A_247 = vector.shape_cast %swap3A_246 : vector<1x16xf32> to vector<16xf32>
        %swap3A_248 = vector.shape_cast %mul3A_243 : vector<16xf32> to vector<1x16xf32>
        tpu.vector_store %arg15[%swap3A_244, %swap3A_245], %swap3A_248 {strides = array<i32>} : memref<128x128xf32, #tpu.memory_space<vmem>>, vector<1x16xf32>,
        %get3A_249 = arith.index_cast %add3A_195 : i32 to index
        %get3A_250 = arith.constant 80 : index
        %get3A_251 = tpu.vector_load %arg15[%get3A_249, %get3A_250] {strides = array<i32>} : memref<128x128xf32, #tpu.memory_space<vmem>>, vector<1x16xf32>,
        %get3A_252 = vector.shape_cast %get3A_251 : vector<1x16xf32> to vector<16xf32>
        %mul3A_253 = arith.mulf %get3A_252, %broadcast_in_dim3A_198 : vector<16xf32>
        %swap3A_254 = arith.index_cast %add3A_195 : i32 to index
        %swap3A_255 = arith.constant 80 : index
        %swap3A_256 = tpu.vector_load %arg15[%swap3A_254, %swap3A_255] {strides = array<i32>} : memref<128x128xf32, #tpu.memory_space<vmem>>, vector<1x16xf32>,
        %swap3A_257 = vector.shape_cast %swap3A_256 : vector<1x16xf32> to vector<16xf32>
        %swap3A_258 = vector.shape_cast %mul3A_253 : vector<16xf32> to vector<1x16xf32>
        tpu.vector_store %arg15[%swap3A_254, %swap3A_255], %swap3A_258 {strides = array<i32>} : memref<128x128xf32, #tpu.memory_space<vmem>>, vector<1x16xf32>,
        %get3A_259 = arith.index_cast %add3A_195 : i32 to index
        %get3A_260 = arith.constant 96 : index
        %get3A_261 = tpu.vector_load %arg15[%get3A_259, %get3A_260] {strides = array<i32>} : memref<128x128xf32, #tpu.memory_space<vmem>>, vector<1x16xf32>,
        %get3A_262 = vector.shape_cast %get3A_261 : vector<1x16xf32> to vector<16xf32>
        %mul3A_263 = arith.mulf %get3A_262, %broadcast_in_dim3A_198 : vector<16xf32>
        %swap3A_264 = arith.index_cast %add3A_195 : i32 to index
        %swap3A_265 = arith.constant 96 : index
        %swap3A_266 = tpu.vector_load %arg15[%swap3A_264, %swap3A_265] {strides = array<i32>} : memref<128x128xf32, #tpu.memory_space<vmem>>, vector<1x16xf32>,
        %swap3A_267 = vector.shape_cast %swap3A_266 : vector<1x16xf32> to vector<16xf32>
        %swap3A_268 = vector.shape_cast %mul3A_263 : vector<16xf32> to vector<1x16xf32>
        tpu.vector_store %arg15[%swap3A_264, %swap3A_265], %swap3A_268 {strides = array<i32>} : memref<128x128xf32, #tpu.memory_space<vmem>>, vector<1x16xf32>,
        %get3A_269 = arith.index_cast %add3A_195 : i32 to index
        %get3A_270 = arith.constant 112 : index
        %get3A_271 = tpu.vector_load %arg15[%get3A_269, %get3A_270] {strides = array<i32>} : memref<128x128xf32, #tpu.memory_space<vmem>>, vector<1x16xf32>,
        %get3A_272 = vector.shape_cast %get3A_271 : vector<1x16xf32> to vector<16xf32>
        %mul3A_273 = arith.mulf %get3A_272, %broadcast_in_dim3A_198 : vector<16xf32>
        %swap3A_274 = arith.index_cast %add3A_195 : i32 to index
        %swap3A_275 = arith.constant 112 : index
        %swap3A_276 = tpu.vector_load %arg15[%swap3A_274, %swap3A_275] {strides = array<i32>} : memref<128x128xf32, #tpu.memory_space<vmem>>, vector<1x16xf32>,
        %swap3A_277 = vector.shape_cast %swap3A_276 : vector<1x16xf32> to vector<16xf32>
        %swap3A_278 = vector.shape_cast %mul3A_273 : vector<16xf32> to vector<1x16xf32>
        tpu.vector_store %arg15[%swap3A_274, %swap3A_275], %swap3A_278 {strides = array<i32>} : memref<128x128xf32, #tpu.memory_space<vmem>>, vector<1x16xf32>,
        %mul3A_279 = arith.constant 16 : i32
        %mul3A_280 = arith.muli %scan3A_102, %mul3A_279 : i32
        %add3A_281 = arith.constant 2 : i32
        %add3A_282 = arith.addi %mul3A_280, %add3A_281 : i32
        %slice3A_283 = vector.extract_strided_slice %get3A_107 {offsets = [2], sizes = [1], strides = [1]} : vector<16xf32> to vector<1xf32>
        %squeeze3A_284 = vector.extract %slice3A_283[0] : f32 from vector<1xf32>
        %broadcast_in_dim3A_285 = vector.broadcast %squeeze3A_284 : f32 to vector<16xf32>
        %get3A_286 = arith.index_cast %add3A_282 : i32 to index
        %get3A_287 = arith.constant 0 : index
        %get3A_288 = tpu.vector_load %arg15[%get3A_286, %get3A_287] {strides = array<i32>} : memref<128x128xf32, #tpu.memory_space<vmem>>, vector<1x16xf32>,
        %get3A_289 = vector.shape_cast %get3A_288 : vector<1x16xf32> to vector<16xf32>
        %mul3A_290 = arith.mulf %get3A_289, %broadcast_in_dim3A_285 : vector<16xf32>
        %swap3A_291 = arith.index_cast %add3A_282 : i32 to index
        %swap3A_292 = arith.constant 0 : index
        %swap3A_293 = tpu.vector_load %arg15[%swap3A_291, %swap3A_292] {strides = array<i32>} : memref<128x128xf32, #tpu.memory_space<vmem>>, vector<1x16xf32>,
        %swap3A_294 = vector.shape_cast %swap3A_293 : vector<1x16xf32> to vector<16xf32>
        %swap3A_295 = vector.shape_cast %mul3A_290 : vector<16xf32> to vector<1x16xf32>
        tpu.vector_store %arg15[%swap3A_291, %swap3A_292], %swap3A_295 {strides = array<i32>} : memref<128x128xf32, #tpu.memory_space<vmem>>, vector<1x16xf32>,
        %get3A_296 = arith.index_cast %add3A_282 : i32 to index
        %get3A_297 = arith.constant 16 : index
        %get3A_298 = tpu.vector_load %arg15[%get3A_296, %get3A_297] {strides = array<i32>} : memref<128x128xf32, #tpu.memory_space<vmem>>, vector<1x16xf32>,
        %get3A_299 = vector.shape_cast %get3A_298 : vector<1x16xf32> to vector<16xf32>
        %mul3A_300 = arith.mulf %get3A_299, %broadcast_in_dim3A_285 : vector<16xf32>
        %swap3A_301 = arith.index_cast %add3A_282 : i32 to index
        %swap3A_302 = arith.constant 16 : index
        %swap3A_303 = tpu.vector_load %arg15[%swap3A_301, %swap3A_302] {strides = array<i32>} : memref<128x128xf32, #tpu.memory_space<vmem>>, vector<1x16xf32>,
        %swap3A_304 = vector.shape_cast %swap3A_303 : vector<1x16xf32> to vector<16xf32>
        %swap3A_305 = vector.shape_cast %mul3A_300 : vector<16xf32> to vector<1x16xf32>
        tpu.vector_store %arg15[%swap3A_301, %swap3A_302], %swap3A_305 {strides = array<i32>} : memref<128x128xf32, #tpu.memory_space<vmem>>, vector<1x16xf32>,
        %get3A_306 = arith.index_cast %add3A_282 : i32 to index
        %get3A_307 = arith.constant 32 : index
        %get3A_308 = tpu.vector_load %arg15[%get3A_306, %get3A_307] {strides = array<i32>} : memref<128x128xf32, #tpu.memory_space<vmem>>, vector<1x16xf32>,
        %get3A_309 = vector.shape_cast %get3A_308 : vector<1x16xf32> to vector<16xf32>
        %mul3A_310 = arith.mulf %get3A_309, %broadcast_in_dim3A_285 : vector<16xf32>
        %swap3A_311 = arith.index_cast %add3A_282 : i32 to index
        %swap3A_312 = arith.constant 32 : index
        %swap3A_313 = tpu.vector_load %arg15[%swap3A_311, %swap3A_312] {strides = array<i32>} : memref<128x128xf32, #tpu.memory_space<vmem>>, vector<1x16xf32>,
        %swap3A_314 = vector.shape_cast %swap3A_313 : vector<1x16xf32> to vector<16xf32>
        %swap3A_315 = vector.shape_cast %mul3A_310 : vector<16xf32> to vector<1x16xf32>
        tpu.vector_store %arg15[%swap3A_311, %swap3A_312], %swap3A_315 {strides = array<i32>} : memref<128x128xf32, #tpu.memory_space<vmem>>, vector<1x16xf32>,
        %get3A_316 = arith.index_cast %add3A_282 : i32 to index
        %get3A_317 = arith.constant 48 : index
        %get3A_318 = tpu.vector_load %arg15[%get3A_316, %get3A_317] {strides = array<i32>} : memref<128x128xf32, #tpu.memory_space<vmem>>, vector<1x16xf32>,
        %get3A_319 = vector.shape_cast %get3A_318 : vector<1x16xf32> to vector<16xf32>
        %mul3A_320 = arith.mulf %get3A_319, %broadcast_in_dim3A_285 : vector<16xf32>
        %swap3A_321 = arith.index_cast %add3A_282 : i32 to index
        %swap3A_322 = arith.constant 48 : index
        %swap3A_323 = tpu.vector_load %arg15[%swap3A_321, %swap3A_322] {strides = array<i32>} : memref<128x128xf32, #tpu.memory_space<vmem>>, vector<1x16xf32>,
        %swap3A_324 = vector.shape_cast %swap3A_323 : vector<1x16xf32> to vector<16xf32>
        %swap3A_325 = vector.shape_cast %mul3A_320 : vector<16xf32> to vector<1x16xf32>
        tpu.vector_store %arg15[%swap3A_321, %swap3A_322], %swap3A_325 {strides = array<i32>} : memref<128x128xf32, #tpu.memory_space<vmem>>, vector<1x16xf32>,
        %get3A_326 = arith.index_cast %add3A_282 : i32 to index
        %get3A_327 = arith.constant 64 : index
        %get3A_328 = tpu.vector_load %arg15[%get3A_326, %get3A_327] {strides = array<i32>} : memref<128x128xf32, #tpu.memory_space<vmem>>, vector<1x16xf32>,
        %get3A_329 = vector.shape_cast %get3A_328 : vector<1x16xf32> to vector<16xf32>
        %mul3A_330 = arith.mulf %get3A_329, %broadcast_in_dim3A_285 : vector<16xf32>
        %swap3A_331 = arith.index_cast %add3A_282 : i32 to index
        %swap3A_332 = arith.constant 64 : index
        %swap3A_333 = tpu.vector_load %arg15[%swap3A_331, %swap3A_332] {strides = array<i32>} : memref<128x128xf32, #tpu.memory_space<vmem>>, vector<1x16xf32>,
        %swap3A_334 = vector.shape_cast %swap3A_333 : vector<1x16xf32> to vector<16xf32>
        %swap3A_335 = vector.shape_cast %mul3A_330 : vector<16xf32> to vector<1x16xf32>
        tpu.vector_store %arg15[%swap3A_331, %swap3A_332], %swap3A_335 {strides = array<i32>} : memref<128x128xf32, #tpu.memory_space<vmem>>, vector<1x16xf32>,
        %get3A_336 = arith.index_cast %add3A_282 : i32 to index
        %get3A_337 = arith.constant 80 : index
        %get3A_338 = tpu.vector_load %arg15[%get3A_336, %get3A_337] {strides = array<i32>} : memref<128x128xf32, #tpu.memory_space<vmem>>, vector<1x16xf32>,
        %get3A_339 = vector.shape_cast %get3A_338 : vector<1x16xf32> to vector<16xf32>
        %mul3A_340 = arith.mulf %get3A_339, %broadcast_in_dim3A_285 : vector<16xf32>
        %swap3A_341 = arith.index_cast %add3A_282 : i32 to index
        %swap3A_342 = arith.constant 80 : index
        %swap3A_343 = tpu.vector_load %arg15[%swap3A_341, %swap3A_342] {strides = array<i32>} : memref<128x128xf32, #tpu.memory_space<vmem>>, vector<1x16xf32>,
        %swap3A_344 = vector.shape_cast %swap3A_343 : vector<1x16xf32> to vector<16xf32>
        %swap3A_345 = vector.shape_cast %mul3A_340 : vector<16xf32> to vector<1x16xf32>
        tpu.vector_store %arg15[%swap3A_341, %swap3A_342], %swap3A_345 {strides = array<i32>} : memref<128x128xf32, #tpu.memory_space<vmem>>, vector<1x16xf32>,
        %get3A_346 = arith.index_cast %add3A_282 : i32 to index
        %get3A_347 = arith.constant 96 : index
        %get3A_348 = tpu.vector_load %arg15[%get3A_346, %get3A_347] {strides = array<i32>} : memref<128x128xf32, #tpu.memory_space<vmem>>, vector<1x16xf32>,
        %get3A_349 = vector.shape_cast %get3A_348 : vector<1x16xf32> to vector<16xf32>
        %mul3A_350 = arith.mulf %get3A_349, %broadcast_in_dim3A_285 : vector<16xf32>
        %swap3A_351 = arith.index_cast %add3A_282 : i32 to index
        %swap3A_352 = arith.constant 96 : index
        %swap3A_353 = tpu.vector_load %arg15[%swap3A_351, %swap3A_352] {strides = array<i32>} : memref<128x128xf32, #tpu.memory_space<vmem>>, vector<1x16xf32>,
        %swap3A_354 = vector.shape_cast %swap3A_353 : vector<1x16xf32> to vector<16xf32>
        %swap3A_355 = vector.shape_cast %mul3A_350 : vector<16xf32> to vector<1x16xf32>
        tpu.vector_store %arg15[%swap3A_351, %swap3A_352], %swap3A_355 {strides = array<i32>} : memref<128x128xf32, #tpu.memory_space<vmem>>, vector<1x16xf32>,
        %get3A_356 = arith.index_cast %add3A_282 : i32 to index
        %get3A_357 = arith.constant 112 : index
        %get3A_358 = tpu.vector_load %arg15[%get3A_356, %get3A_357] {strides = array<i32>} : memref<128x128xf32, #tpu.memory_space<vmem>>, vector<1x16xf32>,
        %get3A_359 = vector.shape_cast %get3A_358 : vector<1x16xf32> to vector<16xf32>
        %mul3A_360 = arith.mulf %get3A_359, %broadcast_in_dim3A_285 : vector<16xf32>
        %swap3A_361 = arith.index_cast %add3A_282 : i32 to index
        %swap3A_362 = arith.constant 112 : index
        %swap3A_363 = tpu.vector_load %arg15[%swap3A_361, %swap3A_362] {strides = array<i32>} : memref<128x128xf32, #tpu.memory_space<vmem>>, vector<1x16xf32>,
        %swap3A_364 = vector.shape_cast %swap3A_363 : vector<1x16xf32> to vector<16xf32>
        %swap3A_365 = vector.shape_cast %mul3A_360 : vector<16xf32> to vector<1x16xf32>
        tpu.vector_store %arg15[%swap3A_361, %swap3A_362], %swap3A_365 {strides = array<i32>} : memref<128x128xf32, #tpu.memory_space<vmem>>, vector<1x16xf32>,
        %mul3A_366 = arith.constant 16 : i32
        %mul3A_367 = arith.muli %scan3A_102, %mul3A_366 : i32
        %add3A_368 = arith.constant 3 : i32
        %add3A_369 = arith.addi %mul3A_367, %add3A_368 : i32
        %slice3A_370 = vector.extract_strided_slice %get3A_107 {offsets = [3], sizes = [1], strides = [1]} : vector<16xf32> to vector<1xf32>
        %squeeze3A_371 = vector.extract %slice3A_370[0] : f32 from vector<1xf32>
        %broadcast_in_dim3A_372 = vector.broadcast %squeeze3A_371 : f32 to vector<16xf32>
        %get3A_373 = arith.index_cast %add3A_369 : i32 to index
        %get3A_374 = arith.constant 0 : index
        %get3A_375 = tpu.vector_load %arg15[%get3A_373, %get3A_374] {strides = array<i32>} : memref<128x128xf32, #tpu.memory_space<vmem>>, vector<1x16xf32>,
        %get3A_376 = vector.shape_cast %get3A_375 : vector<1x16xf32> to vector<16xf32>
        %mul3A_377 = arith.mulf %get3A_376, %broadcast_in_dim3A_372 : vector<16xf32>
        %swap3A_378 = arith.index_cast %add3A_369 : i32 to index
        %swap3A_379 = arith.constant 0 : index
        %swap3A_380 = tpu.vector_load %arg15[%swap3A_378, %swap3A_379] {strides = array<i32>} : memref<128x128xf32, #tpu.memory_space<vmem>>, vector<1x16xf32>,
        %swap3A_381 = vector.shape_cast %swap3A_380 : vector<1x16xf32> to vector<16xf32>
        %swap3A_382 = vector.shape_cast %mul3A_377 : vector<16xf32> to vector<1x16xf32>
        tpu.vector_store %arg15[%swap3A_378, %swap3A_379], %swap3A_382 {strides = array<i32>} : memref<128x128xf32, #tpu.memory_space<vmem>>, vector<1x16xf32>,
        %get3A_383 = arith.index_cast %add3A_369 : i32 to index
        %get3A_384 = arith.constant 16 : index
        %get3A_385 = tpu.vector_load %arg15[%get3A_383, %get3A_384] {strides = array<i32>} : memref<128x128xf32, #tpu.memory_space<vmem>>, vector<1x16xf32>,
        %get3A_386 = vector.shape_cast %get3A_385 : vector<1x16xf32> to vector<16xf32>
        %mul3A_387 = arith.mulf %get3A_386, %broadcast_in_dim3A_372 : vector<16xf32>
        %swap3A_388 = arith.index_cast %add3A_369 : i32 to index
        %swap3A_389 = arith.constant 16 : index
        %swap3A_390 = tpu.vector_load %arg15[%swap3A_388, %swap3A_389] {strides = array<i32>} : memref<128x128xf32, #tpu.memory_space<vmem>>, vector<1x16xf32>,
        %swap3A_391 = vector.shape_cast %swap3A_390 : vector<1x16xf32> to vector<16xf32>
        %swap3A_392 = vector.shape_cast %mul3A_387 : vector<16xf32> to vector<1x16xf32>
        tpu.vector_store %arg15[%swap3A_388, %swap3A_389], %swap3A_392 {strides = array<i32>} : memref<128x128xf32, #tpu.memory_space<vmem>>, vector<1x16xf32>,
        %get3A_393 = arith.index_cast %add3A_369 : i32 to index
        %get3A_394 = arith.constant 32 : index
        %get3A_395 = tpu.vector_load %arg15[%get3A_393, %get3A_394] {strides = array<i32>} : memref<128x128xf32, #tpu.memory_space<vmem>>, vector<1x16xf32>,
        %get3A_396 = vector.shape_cast %get3A_395 : vector<1x16xf32> to vector<16xf32>
        %mul3A_397 = arith.mulf %get3A_396, %broadcast_in_dim3A_372 : vector<16xf32>
        %swap3A_398 = arith.index_cast %add3A_369 : i32 to index
        %swap3A_399 = arith.constant 32 : index
        %swap3A_400 = tpu.vector_load %arg15[%swap3A_398, %swap3A_399] {strides = array<i32>} : memref<128x128xf32, #tpu.memory_space<vmem>>, vector<1x16xf32>,
        %swap3A_401 = vector.shape_cast %swap3A_400 : vector<1x16xf32> to vector<16xf32>
        %swap3A_402 = vector.shape_cast %mul3A_397 : vector<16xf32> to vector<1x16xf32>
        tpu.vector_store %arg15[%swap3A_398, %swap3A_399], %swap3A_402 {strides = array<i32>} : memref<128x128xf32, #tpu.memory_space<vmem>>, vector<1x16xf32>,
        %get3A_403 = arith.index_cast %add3A_369 : i32 to index
        %get3A_404 = arith.constant 48 : index
        %get3A_405 = tpu.vector_load %arg15[%get3A_403, %get3A_404] {strides = array<i32>} : memref<128x128xf32, #tpu.memory_space<vmem>>, vector<1x16xf32>,
        %get3A_406 = vector.shape_cast %get3A_405 : vector<1x16xf32> to vector<16xf32>
        %mul3A_407 = arith.mulf %get3A_406, %broadcast_in_dim3A_372 : vector<16xf32>
        %swap3A_408 = arith.index_cast %add3A_369 : i32 to index
        %swap3A_409 = arith.constant 48 : index
        %swap3A_410 = tpu.vector_load %arg15[%swap3A_408, %swap3A_409] {strides = array<i32>} : memref<128x128xf32, #tpu.memory_space<vmem>>, vector<1x16xf32>,
        %swap3A_411 = vector.shape_cast %swap3A_410 : vector<1x16xf32> to vector<16xf32>
        %swap3A_412 = vector.shape_cast %mul3A_407 : vector<16xf32> to vector<1x16xf32>
        tpu.vector_store %arg15[%swap3A_408, %swap3A_409], %swap3A_412 {strides = array<i32>} : memref<128x128xf32, #tpu.memory_space<vmem>>, vector<1x16xf32>,
        %get3A_413 = arith.index_cast %add3A_369 : i32 to index
        %get3A_414 = arith.constant 64 : index
        %get3A_415 = tpu.vector_load %arg15[%get3A_413, %get3A_414] {strides = array<i32>} : memref<128x128xf32, #tpu.memory_space<vmem>>, vector<1x16xf32>,
        %get3A_416 = vector.shape_cast %get3A_415 : vector<1x16xf32> to vector<16xf32>
        %mul3A_417 = arith.mulf %get3A_416, %broadcast_in_dim3A_372 : vector<16xf32>
        %swap3A_418 = arith.index_cast %add3A_369 : i32 to index
        %swap3A_419 = arith.constant 64 : index
        %swap3A_420 = tpu.vector_load %arg15[%swap3A_418, %swap3A_419] {strides = array<i32>} : memref<128x128xf32, #tpu.memory_space<vmem>>, vector<1x16xf32>,
        %swap3A_421 = vector.shape_cast %swap3A_420 : vector<1x16xf32> to vector<16xf32>
        %swap3A_422 = vector.shape_cast %mul3A_417 : vector<16xf32> to vector<1x16xf32>
        tpu.vector_store %arg15[%swap3A_418, %swap3A_419], %swap3A_422 {strides = array<i32>} : memref<128x128xf32, #tpu.memory_space<vmem>>, vector<1x16xf32>,
        %get3A_423 = arith.index_cast %add3A_369 : i32 to index
        %get3A_424 = arith.constant 80 : index
        %get3A_425 = tpu.vector_load %arg15[%get3A_423, %get3A_424] {strides = array<i32>} : memref<128x128xf32, #tpu.memory_space<vmem>>, vector<1x16xf32>,
        %get3A_426 = vector.shape_cast %get3A_425 : vector<1x16xf32> to vector<16xf32>
        %mul3A_427 = arith.mulf %get3A_426, %broadcast_in_dim3A_372 : vector<16xf32>
        %swap3A_428 = arith.index_cast %add3A_369 : i32 to index
        %swap3A_429 = arith.constant 80 : index
        %swap3A_430 = tpu.vector_load %arg15[%swap3A_428, %swap3A_429] {strides = array<i32>} : memref<128x128xf32, #tpu.memory_space<vmem>>, vector<1x16xf32>,
        %swap3A_431 = vector.shape_cast %swap3A_430 : vector<1x16xf32> to vector<16xf32>
        %swap3A_432 = vector.shape_cast %mul3A_427 : vector<16xf32> to vector<1x16xf32>
        tpu.vector_store %arg15[%swap3A_428, %swap3A_429], %swap3A_432 {strides = array<i32>} : memref<128x128xf32, #tpu.memory_space<vmem>>, vector<1x16xf32>,
        %get3A_433 = arith.index_cast %add3A_369 : i32 to index
        %get3A_434 = arith.constant 96 : index
        %get3A_435 = tpu.vector_load %arg15[%get3A_433, %get3A_434] {strides = array<i32>} : memref<128x128xf32, #tpu.memory_space<vmem>>, vector<1x16xf32>,
        %get3A_436 = vector.shape_cast %get3A_435 : vector<1x16xf32> to vector<16xf32>
        %mul3A_437 = arith.mulf %get3A_436, %broadcast_in_dim3A_372 : vector<16xf32>
        %swap3A_438 = arith.index_cast %add3A_369 : i32 to index
        %swap3A_439 = arith.constant 96 : index
        %swap3A_440 = tpu.vector_load %arg15[%swap3A_438, %swap3A_439] {strides = array<i32>} : memref<128x128xf32, #tpu.memory_space<vmem>>, vector<1x16xf32>,
        %swap3A_441 = vector.shape_cast %swap3A_440 : vector<1x16xf32> to vector<16xf32>
        %swap3A_442 = vector.shape_cast %mul3A_437 : vector<16xf32> to vector<1x16xf32>
        tpu.vector_store %arg15[%swap3A_438, %swap3A_439], %swap3A_442 {strides = array<i32>} : memref<128x128xf32, #tpu.memory_space<vmem>>, vector<1x16xf32>,
        %get3A_443 = arith.index_cast %add3A_369 : i32 to index
        %get3A_444 = arith.constant 112 : index
        %get3A_445 = tpu.vector_load %arg15[%get3A_443, %get3A_444] {strides = array<i32>} : memref<128x128xf32, #tpu.memory_space<vmem>>, vector<1x16xf32>,
        %get3A_446 = vector.shape_cast %get3A_445 : vector<1x16xf32> to vector<16xf32>
        %mul3A_447 = arith.mulf %get3A_446, %broadcast_in_dim3A_372 : vector<16xf32>
        %swap3A_448 = arith.index_cast %add3A_369 : i32 to index
        %swap3A_449 = arith.constant 112 : index
        %swap3A_450 = tpu.vector_load %arg15[%swap3A_448, %swap3A_449] {strides = array<i32>} : memref<128x128xf32, #tpu.memory_space<vmem>>, vector<1x16xf32>,
        %swap3A_451 = vector.shape_cast %swap3A_450 : vector<1x16xf32> to vector<16xf32>
        %swap3A_452 = vector.shape_cast %mul3A_447 : vector<16xf32> to vector<1x16xf32>
        tpu.vector_store %arg15[%swap3A_448, %swap3A_449], %swap3A_452 {strides = array<i32>} : memref<128x128xf32, #tpu.memory_space<vmem>>, vector<1x16xf32>,
        %mul3A_453 = arith.constant 16 : i32
        %mul3A_454 = arith.muli %scan3A_102, %mul3A_453 : i32
        %add3A_455 = arith.constant 4 : i32
        %add3A_456 = arith.addi %mul3A_454, %add3A_455 : i32
        %slice3A_457 = vector.extract_strided_slice %get3A_107 {offsets = [4], sizes = [1], strides = [1]} : vector<16xf32> to vector<1xf32>
        %squeeze3A_458 = vector.extract %slice3A_457[0] : f32 from vector<1xf32>
        %broadcast_in_dim3A_459 = vector.broadcast %squeeze3A_458 : f32 to vector<16xf32>
        %get3A_460 = arith.index_cast %add3A_456 : i32 to index
        %get3A_461 = arith.constant 0 : index
        %get3A_462 = tpu.vector_load %arg15[%get3A_460, %get3A_461] {strides = array<i32>} : memref<128x128xf32, #tpu.memory_space<vmem>>, vector<1x16xf32>,
        %get3A_463 = vector.shape_cast %get3A_462 : vector<1x16xf32> to vector<16xf32>
        %mul3A_464 = arith.mulf %get3A_463, %broadcast_in_dim3A_459 : vector<16xf32>
        %swap3A_465 = arith.index_cast %add3A_456 : i32 to index
        %swap3A_466 = arith.constant 0 : index
        %swap3A_467 = tpu.vector_load %arg15[%swap3A_465, %swap3A_466] {strides = array<i32>} : memref<128x128xf32, #tpu.memory_space<vmem>>, vector<1x16xf32>,
        %swap3A_468 = vector.shape_cast %swap3A_467 : vector<1x16xf32> to vector<16xf32>
        %swap3A_469 = vector.shape_cast %mul3A_464 : vector<16xf32> to vector<1x16xf32>
        tpu.vector_store %arg15[%swap3A_465, %swap3A_466], %swap3A_469 {strides = array<i32>} : memref<128x128xf32, #tpu.memory_space<vmem>>, vector<1x16xf32>,
        %get3A_470 = arith.index_cast %add3A_456 : i32 to index
        %get3A_471 = arith.constant 16 : index
        %get3A_472 = tpu.vector_load %arg15[%get3A_470, %get3A_471] {strides = array<i32>} : memref<128x128xf32, #tpu.memory_space<vmem>>, vector<1x16xf32>,
        %get3A_473 = vector.shape_cast %get3A_472 : vector<1x16xf32> to vector<16xf32>
        %mul3A_474 = arith.mulf %get3A_473, %broadcast_in_dim3A_459 : vector<16xf32>
        %swap3A_475 = arith.index_cast %add3A_456 : i32 to index
        %swap3A_476 = arith.constant 16 : index
        %swap3A_477 = tpu.vector_load %arg15[%swap3A_475, %swap3A_476] {strides = array<i32>} : memref<128x128xf32, #tpu.memory_space<vmem>>, vector<1x16xf32>,
        %swap3A_478 = vector.shape_cast %swap3A_477 : vector<1x16xf32> to vector<16xf32>
        %swap3A_479 = vector.shape_cast %mul3A_474 : vector<16xf32> to vector<1x16xf32>
        tpu.vector_store %arg15[%swap3A_475, %swap3A_476], %swap3A_479 {strides = array<i32>} : memref<128x128xf32, #tpu.memory_space<vmem>>, vector<1x16xf32>,
        %get3A_480 = arith.index_cast %add3A_456 : i32 to index
        %get3A_481 = arith.constant 32 : index
        %get3A_482 = tpu.vector_load %arg15[%get3A_480, %get3A_481] {strides = array<i32>} : memref<128x128xf32, #tpu.memory_space<vmem>>, vector<1x16xf32>,
        %get3A_483 = vector.shape_cast %get3A_482 : vector<1x16xf32> to vector<16xf32>
        %mul3A_484 = arith.mulf %get3A_483, %broadcast_in_dim3A_459 : vector<16xf32>
        %swap3A_485 = arith.index_cast %add3A_456 : i32 to index
        %swap3A_486 = arith.constant 32 : index
        %swap3A_487 = tpu.vector_load %arg15[%swap3A_485, %swap3A_486] {strides = array<i32>} : memref<128x128xf32, #tpu.memory_space<vmem>>, vector<1x16xf32>,
        %swap3A_488 = vector.shape_cast %swap3A_487 : vector<1x16xf32> to vector<16xf32>
        %swap3A_489 = vector.shape_cast %mul3A_484 : vector<16xf32> to vector<1x16xf32>
        tpu.vector_store %arg15[%swap3A_485, %swap3A_486], %swap3A_489 {strides = array<i32>} : memref<128x128xf32, #tpu.memory_space<vmem>>, vector<1x16xf32>,
        %get3A_490 = arith.index_cast %add3A_456 : i32 to index
        %get3A_491 = arith.constant 48 : index
        %get3A_492 = tpu.vector_load %arg15[%get3A_490, %get3A_491] {strides = array<i32>} : memref<128x128xf32, #tpu.memory_space<vmem>>, vector<1x16xf32>,
        %get3A_493 = vector.shape_cast %get3A_492 : vector<1x16xf32> to vector<16xf32>
        %mul3A_494 = arith.mulf %get3A_493, %broadcast_in_dim3A_459 : vector<16xf32>
        %swap3A_495 = arith.index_cast %add3A_456 : i32 to index
        %swap3A_496 = arith.constant 48 : index
        %swap3A_497 = tpu.vector_load %arg15[%swap3A_495, %swap3A_496] {strides = array<i32>} : memref<128x128xf32, #tpu.memory_space<vmem>>, vector<1x16xf32>,
        %swap3A_498 = vector.shape_cast %swap3A_497 : vector<1x16xf32> to vector<16xf32>
        %swap3A_499 = vector.shape_cast %mul3A_494 : vector<16xf32> to vector<1x16xf32>
        tpu.vector_store %arg15[%swap3A_495, %swap3A_496], %swap3A_499 {strides = array<i32>} : memref<128x128xf32, #tpu.memory_space<vmem>>, vector<1x16xf32>,
        %get3A_500 = arith.index_cast %add3A_456 : i32 to index
        %get3A_501 = arith.constant 64 : index
        %get3A_502 = tpu.vector_load %arg15[%get3A_500, %get3A_501] {strides = array<i32>} : memref<128x128xf32, #tpu.memory_space<vmem>>, vector<1x16xf32>,
        %get3A_503 = vector.shape_cast %get3A_502 : vector<1x16xf32> to vector<16xf32>
        %mul3A_504 = arith.mulf %get3A_503, %broadcast_in_dim3A_459 : vector<16xf32>
        %swap3A_505 = arith.index_cast %add3A_456 : i32 to index
        %swap3A_506 = arith.constant 64 : index
        %swap3A_507 = tpu.vector_load %arg15[%swap3A_505, %swap3A_506] {strides = array<i32>} : memref<128x128xf32, #tpu.memory_space<vmem>>, vector<1x16xf32>,
        %swap3A_508 = vector.shape_cast %swap3A_507 : vector<1x16xf32> to vector<16xf32>
        %swap3A_509 = vector.shape_cast %mul3A_504 : vector<16xf32> to vector<1x16xf32>
        tpu.vector_store %arg15[%swap3A_505, %swap3A_506], %swap3A_509 {strides = array<i32>} : memref<128x128xf32, #tpu.memory_space<vmem>>, vector<1x16xf32>,
        %get3A_510 = arith.index_cast %add3A_456 : i32 to index
        %get3A_511 = arith.constant 80 : index
        %get3A_512 = tpu.vector_load %arg15[%get3A_510, %get3A_511] {strides = array<i32>} : memref<128x128xf32, #tpu.memory_space<vmem>>, vector<1x16xf32>,
        %get3A_513 = vector.shape_cast %get3A_512 : vector<1x16xf32> to vector<16xf32>
        %mul3A_514 = arith.mulf %get3A_513, %broadcast_in_dim3A_459 : vector<16xf32>
        %swap3A_515 = arith.index_cast %add3A_456 : i32 to index
        %swap3A_516 = arith.constant 80 : index
        %swap3A_517 = tpu.vector_load %arg15[%swap3A_515, %swap3A_516] {strides = array<i32>} : memref<128x128xf32, #tpu.memory_space<vmem>>, vector<1x16xf32>,
        %swap3A_518 = vector.shape_cast %swap3A_517 : vector<1x16xf32> to vector<16xf32>
        %swap3A_519 = vector.shape_cast %mul3A_514 : vector<16xf32> to vector<1x16xf32>
        tpu.vector_store %arg15[%swap3A_515, %swap3A_516], %swap3A_519 {strides = array<i32>} : memref<128x128xf32, #tpu.memory_space<vmem>>, vector<1x16xf32>,
        %get3A_520 = arith.index_cast %add3A_456 : i32 to index
        %get3A_521 = arith.constant 96 : index
        %get3A_522 = tpu.vector_load %arg15[%get3A_520, %get3A_521] {strides = array<i32>} : memref<128x128xf32, #tpu.memory_space<vmem>>, vector<1x16xf32>,
        %get3A_523 = vector.shape_cast %get3A_522 : vector<1x16xf32> to vector<16xf32>
        %mul3A_524 = arith.mulf %get3A_523, %broadcast_in_dim3A_459 : vector<16xf32>
        %swap3A_525 = arith.index_cast %add3A_456 : i32 to index
        %swap3A_526 = arith.constant 96 : index
        %swap3A_527 = tpu.vector_load %arg15[%swap3A_525, %swap3A_526] {strides = array<i32>} : memref<128x128xf32, #tpu.memory_space<vmem>>, vector<1x16xf32>,
        %swap3A_528 = vector.shape_cast %swap3A_527 : vector<1x16xf32> to vector<16xf32>
        %swap3A_529 = vector.shape_cast %mul3A_524 : vector<16xf32> to vector<1x16xf32>
        tpu.vector_store %arg15[%swap3A_525, %swap3A_526], %swap3A_529 {strides = array<i32>} : memref<128x128xf32, #tpu.memory_space<vmem>>, vector<1x16xf32>,
        %get3A_530 = arith.index_cast %add3A_456 : i32 to index
        %get3A_531 = arith.constant 112 : index
        %get3A_532 = tpu.vector_load %arg15[%get3A_530, %get3A_531] {strides = array<i32>} : memref<128x128xf32, #tpu.memory_space<vmem>>, vector<1x16xf32>,
        %get3A_533 = vector.shape_cast %get3A_532 : vector<1x16xf32> to vector<16xf32>
        %mul3A_534 = arith.mulf %get3A_533, %broadcast_in_dim3A_459 : vector<16xf32>
        %swap3A_535 = arith.index_cast %add3A_456 : i32 to index
        %swap3A_536 = arith.constant 112 : index
        %swap3A_537 = tpu.vector_load %arg15[%swap3A_535, %swap3A_536] {strides = array<i32>} : memref<128x128xf32, #tpu.memory_space<vmem>>, vector<1x16xf32>,
        %swap3A_538 = vector.shape_cast %swap3A_537 : vector<1x16xf32> to vector<16xf32>
        %swap3A_539 = vector.shape_cast %mul3A_534 : vector<16xf32> to vector<1x16xf32>
        tpu.vector_store %arg15[%swap3A_535, %swap3A_536], %swap3A_539 {strides = array<i32>} : memref<128x128xf32, #tpu.memory_space<vmem>>, vector<1x16xf32>,
        %mul3A_540 = arith.constant 16 : i32
        %mul3A_541 = arith.muli %scan3A_102, %mul3A_540 : i32
        %add3A_542 = arith.constant 5 : i32
        %add3A_543 = arith.addi %mul3A_541, %add3A_542 : i32
        %slice3A_544 = vector.extract_strided_slice %get3A_107 {offsets = [5], sizes = [1], strides = [1]} : vector<16xf32> to vector<1xf32>
        %squeeze3A_545 = vector.extract %slice3A_544[0] : f32 from vector<1xf32>
        %broadcast_in_dim3A_546 = vector.broadcast %squeeze3A_545 : f32 to vector<16xf32>
        %get3A_547 = arith.index_cast %add3A_543 : i32 to index
        %get3A_548 = arith.constant 0 : index
        %get3A_549 = tpu.vector_load %arg15[%get3A_547, %get3A_548] {strides = array<i32>} : memref<128x128xf32, #tpu.memory_space<vmem>>, vector<1x16xf32>,
        %get3A_550 = vector.shape_cast %get3A_549 : vector<1x16xf32> to vector<16xf32>
        %mul3A_551 = arith.mulf %get3A_550, %broadcast_in_dim3A_546 : vector<16xf32>
        %swap3A_552 = arith.index_cast %add3A_543 : i32 to index
        %swap3A_553 = arith.constant 0 : index
        %swap3A_554 = tpu.vector_load %arg15[%swap3A_552, %swap3A_553] {strides = array<i32>} : memref<128x128xf32, #tpu.memory_space<vmem>>, vector<1x16xf32>,
        %swap3A_555 = vector.shape_cast %swap3A_554 : vector<1x16xf32> to vector<16xf32>
        %swap3A_556 = vector.shape_cast %mul3A_551 : vector<16xf32> to vector<1x16xf32>
        tpu.vector_store %arg15[%swap3A_552, %swap3A_553], %swap3A_556 {strides = array<i32>} : memref<128x128xf32, #tpu.memory_space<vmem>>, vector<1x16xf32>,
        %get3A_557 = arith.index_cast %add3A_543 : i32 to index
        %get3A_558 = arith.constant 16 : index
        %get3A_559 = tpu.vector_load %arg15[%get3A_557, %get3A_558] {strides = array<i32>} : memref<128x128xf32, #tpu.memory_space<vmem>>, vector<1x16xf32>,
        %get3A_560 = vector.shape_cast %get3A_559 : vector<1x16xf32> to vector<16xf32>
        %mul3A_561 = arith.mulf %get3A_560, %broadcast_in_dim3A_546 : vector<16xf32>
        %swap3A_562 = arith.index_cast %add3A_543 : i32 to index
        %swap3A_563 = arith.constant 16 : index
        %swap3A_564 = tpu.vector_load %arg15[%swap3A_562, %swap3A_563] {strides = array<i32>} : memref<128x128xf32, #tpu.memory_space<vmem>>, vector<1x16xf32>,
        %swap3A_565 = vector.shape_cast %swap3A_564 : vector<1x16xf32> to vector<16xf32>
        %swap3A_566 = vector.shape_cast %mul3A_561 : vector<16xf32> to vector<1x16xf32>
        tpu.vector_store %arg15[%swap3A_562, %swap3A_563], %swap3A_566 {strides = array<i32>} : memref<128x128xf32, #tpu.memory_space<vmem>>, vector<1x16xf32>,
        %get3A_567 = arith.index_cast %add3A_543 : i32 to index
        %get3A_568 = arith.constant 32 : index
        %get3A_569 = tpu.vector_load %arg15[%get3A_567, %get3A_568] {strides = array<i32>} : memref<128x128xf32, #tpu.memory_space<vmem>>, vector<1x16xf32>,
        %get3A_570 = vector.shape_cast %get3A_569 : vector<1x16xf32> to vector<16xf32>
        %mul3A_571 = arith.mulf %get3A_570, %broadcast_in_dim3A_546 : vector<16xf32>
        %swap3A_572 = arith.index_cast %add3A_543 : i32 to index
        %swap3A_573 = arith.constant 32 : index
        %swap3A_574 = tpu.vector_load %arg15[%swap3A_572, %swap3A_573] {strides = array<i32>} : memref<128x128xf32, #tpu.memory_space<vmem>>, vector<1x16xf32>,
        %swap3A_575 = vector.shape_cast %swap3A_574 : vector<1x16xf32> to vector<16xf32>
        %swap3A_576 = vector.shape_cast %mul3A_571 : vector<16xf32> to vector<1x16xf32>
        tpu.vector_store %arg15[%swap3A_572, %swap3A_573], %swap3A_576 {strides = array<i32>} : memref<128x128xf32, #tpu.memory_space<vmem>>, vector<1x16xf32>,
        %get3A_577 = arith.index_cast %add3A_543 : i32 to index
        %get3A_578 = arith.constant 48 : index
        %get3A_579 = tpu.vector_load %arg15[%get3A_577, %get3A_578] {strides = array<i32>} : memref<128x128xf32, #tpu.memory_space<vmem>>, vector<1x16xf32>,
        %get3A_580 = vector.shape_cast %get3A_579 : vector<1x16xf32> to vector<16xf32>
        %mul3A_581 = arith.mulf %get3A_580, %broadcast_in_dim3A_546 : vector<16xf32>
        %swap3A_582 = arith.index_cast %add3A_543 : i32 to index
        %swap3A_583 = arith.constant 48 : index
        %swap3A_584 = tpu.vector_load %arg15[%swap3A_582, %swap3A_583] {strides = array<i32>} : memref<128x128xf32, #tpu.memory_space<vmem>>, vector<1x16xf32>,
        %swap3A_585 = vector.shape_cast %swap3A_584 : vector<1x16xf32> to vector<16xf32>
        %swap3A_586 = vector.shape_cast %mul3A_581 : vector<16xf32> to vector<1x16xf32>
        tpu.vector_store %arg15[%swap3A_582, %swap3A_583], %swap3A_586 {strides = array<i32>} : memref<128x128xf32, #tpu.memory_space<vmem>>, vector<1x16xf32>,
        %get3A_587 = arith.index_cast %add3A_543 : i32 to index
        %get3A_588 = arith.constant 64 : index
        %get3A_589 = tpu.vector_load %arg15[%get3A_587, %get3A_588] {strides = array<i32>} : memref<128x128xf32, #tpu.memory_space<vmem>>, vector<1x16xf32>,
        %get3A_590 = vector.shape_cast %get3A_589 : vector<1x16xf32> to vector<16xf32>
        %mul3A_591 = arith.mulf %get3A_590, %broadcast_in_dim3A_546 : vector<16xf32>
        %swap3A_592 = arith.index_cast %add3A_543 : i32 to index
        %swap3A_593 = arith.constant 64 : index
        %swap3A_594 = tpu.vector_load %arg15[%swap3A_592, %swap3A_593] {strides = array<i32>} : memref<128x128xf32, #tpu.memory_space<vmem>>, vector<1x16xf32>,
        %swap3A_595 = vector.shape_cast %swap3A_594 : vector<1x16xf32> to vector<16xf32>
        %swap3A_596 = vector.shape_cast %mul3A_591 : vector<16xf32> to vector<1x16xf32>
        tpu.vector_store %arg15[%swap3A_592, %swap3A_593], %swap3A_596 {strides = array<i32>} : memref<128x128xf32, #tpu.memory_space<vmem>>, vector<1x16xf32>,
        %get3A_597 = arith.index_cast %add3A_543 : i32 to index
        %get3A_598 = arith.constant 80 : index
        %get3A_599 = tpu.vector_load %arg15[%get3A_597, %get3A_598] {strides = array<i32>} : memref<128x128xf32, #tpu.memory_space<vmem>>, vector<1x16xf32>,
        %get3A_600 = vector.shape_cast %get3A_599 : vector<1x16xf32> to vector<16xf32>
        %mul3A_601 = arith.mulf %get3A_600, %broadcast_in_dim3A_546 : vector<16xf32>
        %swap3A_602 = arith.index_cast %add3A_543 : i32 to index
        %swap3A_603 = arith.constant 80 : index
        %swap3A_604 = tpu.vector_load %arg15[%swap3A_602, %swap3A_603] {strides = array<i32>} : memref<128x128xf32, #tpu.memory_space<vmem>>, vector<1x16xf32>,
        %swap3A_605 = vector.shape_cast %swap3A_604 : vector<1x16xf32> to vector<16xf32>
        %swap3A_606 = vector.shape_cast %mul3A_601 : vector<16xf32> to vector<1x16xf32>
        tpu.vector_store %arg15[%swap3A_602, %swap3A_603], %swap3A_606 {strides = array<i32>} : memref<128x128xf32, #tpu.memory_space<vmem>>, vector<1x16xf32>,
        %get3A_607 = arith.index_cast %add3A_543 : i32 to index
        %get3A_608 = arith.constant 96 : index
        %get3A_609 = tpu.vector_load %arg15[%get3A_607, %get3A_608] {strides = array<i32>} : memref<128x128xf32, #tpu.memory_space<vmem>>, vector<1x16xf32>,
        %get3A_610 = vector.shape_cast %get3A_609 : vector<1x16xf32> to vector<16xf32>
        %mul3A_611 = arith.mulf %get3A_610, %broadcast_in_dim3A_546 : vector<16xf32>
        %swap3A_612 = arith.index_cast %add3A_543 : i32 to index
        %swap3A_613 = arith.constant 96 : index
        %swap3A_614 = tpu.vector_load %arg15[%swap3A_612, %swap3A_613] {strides = array<i32>} : memref<128x128xf32, #tpu.memory_space<vmem>>, vector<1x16xf32>,
        %swap3A_615 = vector.shape_cast %swap3A_614 : vector<1x16xf32> to vector<16xf32>
        %swap3A_616 = vector.shape_cast %mul3A_611 : vector<16xf32> to vector<1x16xf32>
        tpu.vector_store %arg15[%swap3A_612, %swap3A_613], %swap3A_616 {strides = array<i32>} : memref<128x128xf32, #tpu.memory_space<vmem>>, vector<1x16xf32>,
        %get3A_617 = arith.index_cast %add3A_543 : i32 to index
        %get3A_618 = arith.constant 112 : index
        %get3A_619 = tpu.vector_load %arg15[%get3A_617, %get3A_618] {strides = array<i32>} : memref<128x128xf32, #tpu.memory_space<vmem>>, vector<1x16xf32>,
        %get3A_620 = vector.shape_cast %get3A_619 : vector<1x16xf32> to vector<16xf32>
        %mul3A_621 = arith.mulf %get3A_620, %broadcast_in_dim3A_546 : vector<16xf32>
        %swap3A_622 = arith.index_cast %add3A_543 : i32 to index
        %swap3A_623 = arith.constant 112 : index
        %swap3A_624 = tpu.vector_load %arg15[%swap3A_622, %swap3A_623] {strides = array<i32>} : memref<128x128xf32, #tpu.memory_space<vmem>>, vector<1x16xf32>,
        %swap3A_625 = vector.shape_cast %swap3A_624 : vector<1x16xf32> to vector<16xf32>
        %swap3A_626 = vector.shape_cast %mul3A_621 : vector<16xf32> to vector<1x16xf32>
        tpu.vector_store %arg15[%swap3A_622, %swap3A_623], %swap3A_626 {strides = array<i32>} : memref<128x128xf32, #tpu.memory_space<vmem>>, vector<1x16xf32>,
        %mul3A_627 = arith.constant 16 : i32
        %mul3A_628 = arith.muli %scan3A_102, %mul3A_627 : i32
        %add3A_629 = arith.constant 6 : i32
        %add3A_630 = arith.addi %mul3A_628, %add3A_629 : i32
        %slice3A_631 = vector.extract_strided_slice %get3A_107 {offsets = [6], sizes = [1], strides = [1]} : vector<16xf32> to vector<1xf32>
        %squeeze3A_632 = vector.extract %slice3A_631[0] : f32 from vector<1xf32>
        %broadcast_in_dim3A_633 = vector.broadcast %squeeze3A_632 : f32 to vector<16xf32>
        %get3A_634 = arith.index_cast %add3A_630 : i32 to index
        %get3A_635 = arith.constant 0 : index
        %get3A_636 = tpu.vector_load %arg15[%get3A_634, %get3A_635] {strides = array<i32>} : memref<128x128xf32, #tpu.memory_space<vmem>>, vector<1x16xf32>,
        %get3A_637 = vector.shape_cast %get3A_636 : vector<1x16xf32> to vector<16xf32>
        %mul3A_638 = arith.mulf %get3A_637, %broadcast_in_dim3A_633 : vector<16xf32>
        %swap3A_639 = arith.index_cast %add3A_630 : i32 to index
        %swap3A_640 = arith.constant 0 : index
        %swap3A_641 = tpu.vector_load %arg15[%swap3A_639, %swap3A_640] {strides = array<i32>} : memref<128x128xf32, #tpu.memory_space<vmem>>, vector<1x16xf32>,
        %swap3A_642 = vector.shape_cast %swap3A_641 : vector<1x16xf32> to vector<16xf32>
        %swap3A_643 = vector.shape_cast %mul3A_638 : vector<16xf32> to vector<1x16xf32>
        tpu.vector_store %arg15[%swap3A_639, %swap3A_640], %swap3A_643 {strides = array<i32>} : memref<128x128xf32, #tpu.memory_space<vmem>>, vector<1x16xf32>,
        %get3A_644 = arith.index_cast %add3A_630 : i32 to index
        %get3A_645 = arith.constant 16 : index
        %get3A_646 = tpu.vector_load %arg15[%get3A_644, %get3A_645] {strides = array<i32>} : memref<128x128xf32, #tpu.memory_space<vmem>>, vector<1x16xf32>,
        %get3A_647 = vector.shape_cast %get3A_646 : vector<1x16xf32> to vector<16xf32>
        %mul3A_648 = arith.mulf %get3A_647, %broadcast_in_dim3A_633 : vector<16xf32>
        %swap3A_649 = arith.index_cast %add3A_630 : i32 to index
        %swap3A_650 = arith.constant 16 : index
        %swap3A_651 = tpu.vector_load %arg15[%swap3A_649, %swap3A_650] {strides = array<i32>} : memref<128x128xf32, #tpu.memory_space<vmem>>, vector<1x16xf32>,
        %swap3A_652 = vector.shape_cast %swap3A_651 : vector<1x16xf32> to vector<16xf32>
        %swap3A_653 = vector.shape_cast %mul3A_648 : vector<16xf32> to vector<1x16xf32>
        tpu.vector_store %arg15[%swap3A_649, %swap3A_650], %swap3A_653 {strides = array<i32>} : memref<128x128xf32, #tpu.memory_space<vmem>>, vector<1x16xf32>,
        %get3A_654 = arith.index_cast %add3A_630 : i32 to index
        %get3A_655 = arith.constant 32 : index
        %get3A_656 = tpu.vector_load %arg15[%get3A_654, %get3A_655] {strides = array<i32>} : memref<128x128xf32, #tpu.memory_space<vmem>>, vector<1x16xf32>,
        %get3A_657 = vector.shape_cast %get3A_656 : vector<1x16xf32> to vector<16xf32>
        %mul3A_658 = arith.mulf %get3A_657, %broadcast_in_dim3A_633 : vector<16xf32>
        %swap3A_659 = arith.index_cast %add3A_630 : i32 to index
        %swap3A_660 = arith.constant 32 : index
        %swap3A_661 = tpu.vector_load %arg15[%swap3A_659, %swap3A_660] {strides = array<i32>} : memref<128x128xf32, #tpu.memory_space<vmem>>, vector<1x16xf32>,
        %swap3A_662 = vector.shape_cast %swap3A_661 : vector<1x16xf32> to vector<16xf32>
        %swap3A_663 = vector.shape_cast %mul3A_658 : vector<16xf32> to vector<1x16xf32>
        tpu.vector_store %arg15[%swap3A_659, %swap3A_660], %swap3A_663 {strides = array<i32>} : memref<128x128xf32, #tpu.memory_space<vmem>>, vector<1x16xf32>,
        %get3A_664 = arith.index_cast %add3A_630 : i32 to index
        %get3A_665 = arith.constant 48 : index
        %get3A_666 = tpu.vector_load %arg15[%get3A_664, %get3A_665] {strides = array<i32>} : memref<128x128xf32, #tpu.memory_space<vmem>>, vector<1x16xf32>,
        %get3A_667 = vector.shape_cast %get3A_666 : vector<1x16xf32> to vector<16xf32>
        %mul3A_668 = arith.mulf %get3A_667, %broadcast_in_dim3A_633 : vector<16xf32>
        %swap3A_669 = arith.index_cast %add3A_630 : i32 to index
        %swap3A_670 = arith.constant 48 : index
        %swap3A_671 = tpu.vector_load %arg15[%swap3A_669, %swap3A_670] {strides = array<i32>} : memref<128x128xf32, #tpu.memory_space<vmem>>, vector<1x16xf32>,
        %swap3A_672 = vector.shape_cast %swap3A_671 : vector<1x16xf32> to vector<16xf32>
        %swap3A_673 = vector.shape_cast %mul3A_668 : vector<16xf32> to vector<1x16xf32>
        tpu.vector_store %arg15[%swap3A_669, %swap3A_670], %swap3A_673 {strides = array<i32>} : memref<128x128xf32, #tpu.memory_space<vmem>>, vector<1x16xf32>,
        %get3A_674 = arith.index_cast %add3A_630 : i32 to index
        %get3A_675 = arith.constant 64 : index
        %get3A_676 = tpu.vector_load %arg15[%get3A_674, %get3A_675] {strides = array<i32>} : memref<128x128xf32, #tpu.memory_space<vmem>>, vector<1x16xf32>,
        %get3A_677 = vector.shape_cast %get3A_676 : vector<1x16xf32> to vector<16xf32>
        %mul3A_678 = arith.mulf %get3A_677, %broadcast_in_dim3A_633 : vector<16xf32>
        %swap3A_679 = arith.index_cast %add3A_630 : i32 to index
        %swap3A_680 = arith.constant 64 : index
        %swap3A_681 = tpu.vector_load %arg15[%swap3A_679, %swap3A_680] {strides = array<i32>} : memref<128x128xf32, #tpu.memory_space<vmem>>, vector<1x16xf32>,
        %swap3A_682 = vector.shape_cast %swap3A_681 : vector<1x16xf32> to vector<16xf32>
        %swap3A_683 = vector.shape_cast %mul3A_678 : vector<16xf32> to vector<1x16xf32>
        tpu.vector_store %arg15[%swap3A_679, %swap3A_680], %swap3A_683 {strides = array<i32>} : memref<128x128xf32, #tpu.memory_space<vmem>>, vector<1x16xf32>,
        %get3A_684 = arith.index_cast %add3A_630 : i32 to index
        %get3A_685 = arith.constant 80 : index
        %get3A_686 = tpu.vector_load %arg15[%get3A_684, %get3A_685] {strides = array<i32>} : memref<128x128xf32, #tpu.memory_space<vmem>>, vector<1x16xf32>,
        %get3A_687 = vector.shape_cast %get3A_686 : vector<1x16xf32> to vector<16xf32>
        %mul3A_688 = arith.mulf %get3A_687, %broadcast_in_dim3A_633 : vector<16xf32>
        %swap3A_689 = arith.index_cast %add3A_630 : i32 to index
        %swap3A_690 = arith.constant 80 : index
        %swap3A_691 = tpu.vector_load %arg15[%swap3A_689, %swap3A_690] {strides = array<i32>} : memref<128x128xf32, #tpu.memory_space<vmem>>, vector<1x16xf32>,
        %swap3A_692 = vector.shape_cast %swap3A_691 : vector<1x16xf32> to vector<16xf32>
        %swap3A_693 = vector.shape_cast %mul3A_688 : vector<16xf32> to vector<1x16xf32>
        tpu.vector_store %arg15[%swap3A_689, %swap3A_690], %swap3A_693 {strides = array<i32>} : memref<128x128xf32, #tpu.memory_space<vmem>>, vector<1x16xf32>,
        %get3A_694 = arith.index_cast %add3A_630 : i32 to index
        %get3A_695 = arith.constant 96 : index
        %get3A_696 = tpu.vector_load %arg15[%get3A_694, %get3A_695] {strides = array<i32>} : memref<128x128xf32, #tpu.memory_space<vmem>>, vector<1x16xf32>,
        %get3A_697 = vector.shape_cast %get3A_696 : vector<1x16xf32> to vector<16xf32>
        %mul3A_698 = arith.mulf %get3A_697, %broadcast_in_dim3A_633 : vector<16xf32>
        %swap3A_699 = arith.index_cast %add3A_630 : i32 to index
        %swap3A_700 = arith.constant 96 : index
        %swap3A_701 = tpu.vector_load %arg15[%swap3A_699, %swap3A_700] {strides = array<i32>} : memref<128x128xf32, #tpu.memory_space<vmem>>, vector<1x16xf32>,
        %swap3A_702 = vector.shape_cast %swap3A_701 : vector<1x16xf32> to vector<16xf32>
        %swap3A_703 = vector.shape_cast %mul3A_698 : vector<16xf32> to vector<1x16xf32>
        tpu.vector_store %arg15[%swap3A_699, %swap3A_700], %swap3A_703 {strides = array<i32>} : memref<128x128xf32, #tpu.memory_space<vmem>>, vector<1x16xf32>,
        %get3A_704 = arith.index_cast %add3A_630 : i32 to index
        %get3A_705 = arith.constant 112 : index
        %get3A_706 = tpu.vector_load %arg15[%get3A_704, %get3A_705] {strides = array<i32>} : memref<128x128xf32, #tpu.memory_space<vmem>>, vector<1x16xf32>,
        %get3A_707 = vector.shape_cast %get3A_706 : vector<1x16xf32> to vector<16xf32>
        %mul3A_708 = arith.mulf %get3A_707, %broadcast_in_dim3A_633 : vector<16xf32>
        %swap3A_709 = arith.index_cast %add3A_630 : i32 to index
        %swap3A_710 = arith.constant 112 : index
        %swap3A_711 = tpu.vector_load %arg15[%swap3A_709, %swap3A_710] {strides = array<i32>} : memref<128x128xf32, #tpu.memory_space<vmem>>, vector<1x16xf32>,
        %swap3A_712 = vector.shape_cast %swap3A_711 : vector<1x16xf32> to vector<16xf32>
        %swap3A_713 = vector.shape_cast %mul3A_708 : vector<16xf32> to vector<1x16xf32>
        tpu.vector_store %arg15[%swap3A_709, %swap3A_710], %swap3A_713 {strides = array<i32>} : memref<128x128xf32, #tpu.memory_space<vmem>>, vector<1x16xf32>,
        %mul3A_714 = arith.constant 16 : i32
        %mul3A_715 = arith.muli %scan3A_102, %mul3A_714 : i32
        %add3A_716 = arith.constant 7 : i32
        %add3A_717 = arith.addi %mul3A_715, %add3A_716 : i32
        %slice3A_718 = vector.extract_strided_slice %get3A_107 {offsets = [7], sizes = [1], strides = [1]} : vector<16xf32> to vector<1xf32>
        %squeeze3A_719 = vector.extract %slice3A_718[0] : f32 from vector<1xf32>
        %broadcast_in_dim3A_720 = vector.broadcast %squeeze3A_719 : f32 to vector<16xf32>
        %get3A_721 = arith.index_cast %add3A_717 : i32 to index
        %get3A_722 = arith.constant 0 : index
        %get3A_723 = tpu.vector_load %arg15[%get3A_721, %get3A_722] {strides = array<i32>} : memref<128x128xf32, #tpu.memory_space<vmem>>, vector<1x16xf32>,
        %get3A_724 = vector.shape_cast %get3A_723 : vector<1x16xf32> to vector<16xf32>
        %mul3A_725 = arith.mulf %get3A_724, %broadcast_in_dim3A_720 : vector<16xf32>
        %swap3A_726 = arith.index_cast %add3A_717 : i32 to index
        %swap3A_727 = arith.constant 0 : index
        %swap3A_728 = tpu.vector_load %arg15[%swap3A_726, %swap3A_727] {strides = array<i32>} : memref<128x128xf32, #tpu.memory_space<vmem>>, vector<1x16xf32>,
        %swap3A_729 = vector.shape_cast %swap3A_728 : vector<1x16xf32> to vector<16xf32>
        %swap3A_730 = vector.shape_cast %mul3A_725 : vector<16xf32> to vector<1x16xf32>
        tpu.vector_store %arg15[%swap3A_726, %swap3A_727], %swap3A_730 {strides = array<i32>} : memref<128x128xf32, #tpu.memory_space<vmem>>, vector<1x16xf32>,
        %get3A_731 = arith.index_cast %add3A_717 : i32 to index
        %get3A_732 = arith.constant 16 : index
        %get3A_733 = tpu.vector_load %arg15[%get3A_731, %get3A_732] {strides = array<i32>} : memref<128x128xf32, #tpu.memory_space<vmem>>, vector<1x16xf32>,
        %get3A_734 = vector.shape_cast %get3A_733 : vector<1x16xf32> to vector<16xf32>
        %mul3A_735 = arith.mulf %get3A_734, %broadcast_in_dim3A_720 : vector<16xf32>
        %swap3A_736 = arith.index_cast %add3A_717 : i32 to index
        %swap3A_737 = arith.constant 16 : index
        %swap3A_738 = tpu.vector_load %arg15[%swap3A_736, %swap3A_737] {strides = array<i32>} : memref<128x128xf32, #tpu.memory_space<vmem>>, vector<1x16xf32>,
        %swap3A_739 = vector.shape_cast %swap3A_738 : vector<1x16xf32> to vector<16xf32>
        %swap3A_740 = vector.shape_cast %mul3A_735 : vector<16xf32> to vector<1x16xf32>
        tpu.vector_store %arg15[%swap3A_736, %swap3A_737], %swap3A_740 {strides = array<i32>} : memref<128x128xf32, #tpu.memory_space<vmem>>, vector<1x16xf32>,
        %get3A_741 = arith.index_cast %add3A_717 : i32 to index
        %get3A_742 = arith.constant 32 : index
        %get3A_743 = tpu.vector_load %arg15[%get3A_741, %get3A_742] {strides = array<i32>} : memref<128x128xf32, #tpu.memory_space<vmem>>, vector<1x16xf32>,
        %get3A_744 = vector.shape_cast %get3A_743 : vector<1x16xf32> to vector<16xf32>
        %mul3A_745 = arith.mulf %get3A_744, %broadcast_in_dim3A_720 : vector<16xf32>
        %swap3A_746 = arith.index_cast %add3A_717 : i32 to index
        %swap3A_747 = arith.constant 32 : index
        %swap3A_748 = tpu.vector_load %arg15[%swap3A_746, %swap3A_747] {strides = array<i32>} : memref<128x128xf32, #tpu.memory_space<vmem>>, vector<1x16xf32>,
        %swap3A_749 = vector.shape_cast %swap3A_748 : vector<1x16xf32> to vector<16xf32>
        %swap3A_750 = vector.shape_cast %mul3A_745 : vector<16xf32> to vector<1x16xf32>
        tpu.vector_store %arg15[%swap3A_746, %swap3A_747], %swap3A_750 {strides = array<i32>} : memref<128x128xf32, #tpu.memory_space<vmem>>, vector<1x16xf32>,
        %get3A_751 = arith.index_cast %add3A_717 : i32 to index
        %get3A_752 = arith.constant 48 : index
        %get3A_753 = tpu.vector_load %arg15[%get3A_751, %get3A_752] {strides = array<i32>} : memref<128x128xf32, #tpu.memory_space<vmem>>, vector<1x16xf32>,
        %get3A_754 = vector.shape_cast %get3A_753 : vector<1x16xf32> to vector<16xf32>
        %mul3A_755 = arith.mulf %get3A_754, %broadcast_in_dim3A_720 : vector<16xf32>
        %swap3A_756 = arith.index_cast %add3A_717 : i32 to index
        %swap3A_757 = arith.constant 48 : index
        %swap3A_758 = tpu.vector_load %arg15[%swap3A_756, %swap3A_757] {strides = array<i32>} : memref<128x128xf32, #tpu.memory_space<vmem>>, vector<1x16xf32>,
        %swap3A_759 = vector.shape_cast %swap3A_758 : vector<1x16xf32> to vector<16xf32>
        %swap3A_760 = vector.shape_cast %mul3A_755 : vector<16xf32> to vector<1x16xf32>
        tpu.vector_store %arg15[%swap3A_756, %swap3A_757], %swap3A_760 {strides = array<i32>} : memref<128x128xf32, #tpu.memory_space<vmem>>, vector<1x16xf32>,
        %get3A_761 = arith.index_cast %add3A_717 : i32 to index
        %get3A_762 = arith.constant 64 : index
        %get3A_763 = tpu.vector_load %arg15[%get3A_761, %get3A_762] {strides = array<i32>} : memref<128x128xf32, #tpu.memory_space<vmem>>, vector<1x16xf32>,
        %get3A_764 = vector.shape_cast %get3A_763 : vector<1x16xf32> to vector<16xf32>
        %mul3A_765 = arith.mulf %get3A_764, %broadcast_in_dim3A_720 : vector<16xf32>
        %swap3A_766 = arith.index_cast %add3A_717 : i32 to index
        %swap3A_767 = arith.constant 64 : index
        %swap3A_768 = tpu.vector_load %arg15[%swap3A_766, %swap3A_767] {strides = array<i32>} : memref<128x128xf32, #tpu.memory_space<vmem>>, vector<1x16xf32>,
        %swap3A_769 = vector.shape_cast %swap3A_768 : vector<1x16xf32> to vector<16xf32>
        %swap3A_770 = vector.shape_cast %mul3A_765 : vector<16xf32> to vector<1x16xf32>
        tpu.vector_store %arg15[%swap3A_766, %swap3A_767], %swap3A_770 {strides = array<i32>} : memref<128x128xf32, #tpu.memory_space<vmem>>, vector<1x16xf32>,
        %get3A_771 = arith.index_cast %add3A_717 : i32 to index
        %get3A_772 = arith.constant 80 : index
        %get3A_773 = tpu.vector_load %arg15[%get3A_771, %get3A_772] {strides = array<i32>} : memref<128x128xf32, #tpu.memory_space<vmem>>, vector<1x16xf32>,
        %get3A_774 = vector.shape_cast %get3A_773 : vector<1x16xf32> to vector<16xf32>
        %mul3A_775 = arith.mulf %get3A_774, %broadcast_in_dim3A_720 : vector<16xf32>
        %swap3A_776 = arith.index_cast %add3A_717 : i32 to index
        %swap3A_777 = arith.constant 80 : index
        %swap3A_778 = tpu.vector_load %arg15[%swap3A_776, %swap3A_777] {strides = array<i32>} : memref<128x128xf32, #tpu.memory_space<vmem>>, vector<1x16xf32>,
        %swap3A_779 = vector.shape_cast %swap3A_778 : vector<1x16xf32> to vector<16xf32>
        %swap3A_780 = vector.shape_cast %mul3A_775 : vector<16xf32> to vector<1x16xf32>
        tpu.vector_store %arg15[%swap3A_776, %swap3A_777], %swap3A_780 {strides = array<i32>} : memref<128x128xf32, #tpu.memory_space<vmem>>, vector<1x16xf32>,
        %get3A_781 = arith.index_cast %add3A_717 : i32 to index
        %get3A_782 = arith.constant 96 : index
        %get3A_783 = tpu.vector_load %arg15[%get3A_781, %get3A_782] {strides = array<i32>} : memref<128x128xf32, #tpu.memory_space<vmem>>, vector<1x16xf32>,
        %get3A_784 = vector.shape_cast %get3A_783 : vector<1x16xf32> to vector<16xf32>
        %mul3A_785 = arith.mulf %get3A_784, %broadcast_in_dim3A_720 : vector<16xf32>
        %swap3A_786 = arith.index_cast %add3A_717 : i32 to index
        %swap3A_787 = arith.constant 96 : index
        %swap3A_788 = tpu.vector_load %arg15[%swap3A_786, %swap3A_787] {strides = array<i32>} : memref<128x128xf32, #tpu.memory_space<vmem>>, vector<1x16xf32>,
        %swap3A_789 = vector.shape_cast %swap3A_788 : vector<1x16xf32> to vector<16xf32>
        %swap3A_790 = vector.shape_cast %mul3A_785 : vector<16xf32> to vector<1x16xf32>
        tpu.vector_store %arg15[%swap3A_786, %swap3A_787], %swap3A_790 {strides = array<i32>} : memref<128x128xf32, #tpu.memory_space<vmem>>, vector<1x16xf32>,
        %get3A_791 = arith.index_cast %add3A_717 : i32 to index
        %get3A_792 = arith.constant 112 : index
        %get3A_793 = tpu.vector_load %arg15[%get3A_791, %get3A_792] {strides = array<i32>} : memref<128x128xf32, #tpu.memory_space<vmem>>, vector<1x16xf32>,
        %get3A_794 = vector.shape_cast %get3A_793 : vector<1x16xf32> to vector<16xf32>
        %mul3A_795 = arith.mulf %get3A_794, %broadcast_in_dim3A_720 : vector<16xf32>
        %swap3A_796 = arith.index_cast %add3A_717 : i32 to index
        %swap3A_797 = arith.constant 112 : index
        %swap3A_798 = tpu.vector_load %arg15[%swap3A_796, %swap3A_797] {strides = array<i32>} : memref<128x128xf32, #tpu.memory_space<vmem>>, vector<1x16xf32>,
        %swap3A_799 = vector.shape_cast %swap3A_798 : vector<1x16xf32> to vector<16xf32>
        %swap3A_800 = vector.shape_cast %mul3A_795 : vector<16xf32> to vector<1x16xf32>
        tpu.vector_store %arg15[%swap3A_796, %swap3A_797], %swap3A_800 {strides = array<i32>} : memref<128x128xf32, #tpu.memory_space<vmem>>, vector<1x16xf32>,
        %mul3A_801 = arith.constant 16 : i32
        %mul3A_802 = arith.muli %scan3A_102, %mul3A_801 : i32
        %add3A_803 = arith.constant 8 : i32
        %add3A_804 = arith.addi %mul3A_802, %add3A_803 : i32
        %slice3A_805 = vector.extract_strided_slice %get3A_107 {offsets = [8], sizes = [1], strides = [1]} : vector<16xf32> to vector<1xf32>
        %squeeze3A_806 = vector.extract %slice3A_805[0] : f32 from vector<1xf32>
        %broadcast_in_dim3A_807 = vector.broadcast %squeeze3A_806 : f32 to vector<16xf32>
        %get3A_808 = arith.index_cast %add3A_804 : i32 to index
        %get3A_809 = arith.constant 0 : index
        %get3A_810 = tpu.vector_load %arg15[%get3A_808, %get3A_809] {strides = array<i32>} : memref<128x128xf32, #tpu.memory_space<vmem>>, vector<1x16xf32>,
        %get3A_811 = vector.shape_cast %get3A_810 : vector<1x16xf32> to vector<16xf32>
        %mul3A_812 = arith.mulf %get3A_811, %broadcast_in_dim3A_807 : vector<16xf32>
        %swap3A_813 = arith.index_cast %add3A_804 : i32 to index
        %swap3A_814 = arith.constant 0 : index
        %swap3A_815 = tpu.vector_load %arg15[%swap3A_813, %swap3A_814] {strides = array<i32>} : memref<128x128xf32, #tpu.memory_space<vmem>>, vector<1x16xf32>,
        %swap3A_816 = vector.shape_cast %swap3A_815 : vector<1x16xf32> to vector<16xf32>
        %swap3A_817 = vector.shape_cast %mul3A_812 : vector<16xf32> to vector<1x16xf32>
        tpu.vector_store %arg15[%swap3A_813, %swap3A_814], %swap3A_817 {strides = array<i32>} : memref<128x128xf32, #tpu.memory_space<vmem>>, vector<1x16xf32>,
        %get3A_818 = arith.index_cast %add3A_804 : i32 to index
        %get3A_819 = arith.constant 16 : index
        %get3A_820 = tpu.vector_load %arg15[%get3A_818, %get3A_819] {strides = array<i32>} : memref<128x128xf32, #tpu.memory_space<vmem>>, vector<1x16xf32>,
        %get3A_821 = vector.shape_cast %get3A_820 : vector<1x16xf32> to vector<16xf32>
        %mul3A_822 = arith.mulf %get3A_821, %broadcast_in_dim3A_807 : vector<16xf32>
        %swap3A_823 = arith.index_cast %add3A_804 : i32 to index
        %swap3A_824 = arith.constant 16 : index
        %swap3A_825 = tpu.vector_load %arg15[%swap3A_823, %swap3A_824] {strides = array<i32>} : memref<128x128xf32, #tpu.memory_space<vmem>>, vector<1x16xf32>,
        %swap3A_826 = vector.shape_cast %swap3A_825 : vector<1x16xf32> to vector<16xf32>
        %swap3A_827 = vector.shape_cast %mul3A_822 : vector<16xf32> to vector<1x16xf32>
        tpu.vector_store %arg15[%swap3A_823, %swap3A_824], %swap3A_827 {strides = array<i32>} : memref<128x128xf32, #tpu.memory_space<vmem>>, vector<1x16xf32>,
        %get3A_828 = arith.index_cast %add3A_804 : i32 to index
        %get3A_829 = arith.constant 32 : index
        %get3A_830 = tpu.vector_load %arg15[%get3A_828, %get3A_829] {strides = array<i32>} : memref<128x128xf32, #tpu.memory_space<vmem>>, vector<1x16xf32>,
        %get3A_831 = vector.shape_cast %get3A_830 : vector<1x16xf32> to vector<16xf32>
        %mul3A_832 = arith.mulf %get3A_831, %broadcast_in_dim3A_807 : vector<16xf32>
        %swap3A_833 = arith.index_cast %add3A_804 : i32 to index
        %swap3A_834 = arith.constant 32 : index
        %swap3A_835 = tpu.vector_load %arg15[%swap3A_833, %swap3A_834] {strides = array<i32>} : memref<128x128xf32, #tpu.memory_space<vmem>>, vector<1x16xf32>,
        %swap3A_836 = vector.shape_cast %swap3A_835 : vector<1x16xf32> to vector<16xf32>
        %swap3A_837 = vector.shape_cast %mul3A_832 : vector<16xf32> to vector<1x16xf32>
        tpu.vector_store %arg15[%swap3A_833, %swap3A_834], %swap3A_837 {strides = array<i32>} : memref<128x128xf32, #tpu.memory_space<vmem>>, vector<1x16xf32>,
        %get3A_838 = arith.index_cast %add3A_804 : i32 to index
        %get3A_839 = arith.constant 48 : index
        %get3A_840 = tpu.vector_load %arg15[%get3A_838, %get3A_839] {strides = array<i32>} : memref<128x128xf32, #tpu.memory_space<vmem>>, vector<1x16xf32>,
        %get3A_841 = vector.shape_cast %get3A_840 : vector<1x16xf32> to vector<16xf32>
        %mul3A_842 = arith.mulf %get3A_841, %broadcast_in_dim3A_807 : vector<16xf32>
        %swap3A_843 = arith.index_cast %add3A_804 : i32 to index
        %swap3A_844 = arith.constant 48 : index
        %swap3A_845 = tpu.vector_load %arg15[%swap3A_843, %swap3A_844] {strides = array<i32>} : memref<128x128xf32, #tpu.memory_space<vmem>>, vector<1x16xf32>,
        %swap3A_846 = vector.shape_cast %swap3A_845 : vector<1x16xf32> to vector<16xf32>
        %swap3A_847 = vector.shape_cast %mul3A_842 : vector<16xf32> to vector<1x16xf32>
        tpu.vector_store %arg15[%swap3A_843, %swap3A_844], %swap3A_847 {strides = array<i32>} : memref<128x128xf32, #tpu.memory_space<vmem>>, vector<1x16xf32>,
        %get3A_848 = arith.index_cast %add3A_804 : i32 to index
        %get3A_849 = arith.constant 64 : index
        %get3A_850 = tpu.vector_load %arg15[%get3A_848, %get3A_849] {strides = array<i32>} : memref<128x128xf32, #tpu.memory_space<vmem>>, vector<1x16xf32>,
        %get3A_851 = vector.shape_cast %get3A_850 : vector<1x16xf32> to vector<16xf32>
        %mul3A_852 = arith.mulf %get3A_851, %broadcast_in_dim3A_807 : vector<16xf32>
        %swap3A_853 = arith.index_cast %add3A_804 : i32 to index
        %swap3A_854 = arith.constant 64 : index
        %swap3A_855 = tpu.vector_load %arg15[%swap3A_853, %swap3A_854] {strides = array<i32>} : memref<128x128xf32, #tpu.memory_space<vmem>>, vector<1x16xf32>,
        %swap3A_856 = vector.shape_cast %swap3A_855 : vector<1x16xf32> to vector<16xf32>
        %swap3A_857 = vector.shape_cast %mul3A_852 : vector<16xf32> to vector<1x16xf32>
        tpu.vector_store %arg15[%swap3A_853, %swap3A_854], %swap3A_857 {strides = array<i32>} : memref<128x128xf32, #tpu.memory_space<vmem>>, vector<1x16xf32>,
        %get3A_858 = arith.index_cast %add3A_804 : i32 to index
        %get3A_859 = arith.constant 80 : index
        %get3A_860 = tpu.vector_load %arg15[%get3A_858, %get3A_859] {strides = array<i32>} : memref<128x128xf32, #tpu.memory_space<vmem>>, vector<1x16xf32>,
        %get3A_861 = vector.shape_cast %get3A_860 : vector<1x16xf32> to vector<16xf32>
        %mul3A_862 = arith.mulf %get3A_861, %broadcast_in_dim3A_807 : vector<16xf32>
        %swap3A_863 = arith.index_cast %add3A_804 : i32 to index
        %swap3A_864 = arith.constant 80 : index
        %swap3A_865 = tpu.vector_load %arg15[%swap3A_863, %swap3A_864] {strides = array<i32>} : memref<128x128xf32, #tpu.memory_space<vmem>>, vector<1x16xf32>,
        %swap3A_866 = vector.shape_cast %swap3A_865 : vector<1x16xf32> to vector<16xf32>
        %swap3A_867 = vector.shape_cast %mul3A_862 : vector<16xf32> to vector<1x16xf32>
        tpu.vector_store %arg15[%swap3A_863, %swap3A_864], %swap3A_867 {strides = array<i32>} : memref<128x128xf32, #tpu.memory_space<vmem>>, vector<1x16xf32>,
        %get3A_868 = arith.index_cast %add3A_804 : i32 to index
        %get3A_869 = arith.constant 96 : index
        %get3A_870 = tpu.vector_load %arg15[%get3A_868, %get3A_869] {strides = array<i32>} : memref<128x128xf32, #tpu.memory_space<vmem>>, vector<1x16xf32>,
        %get3A_871 = vector.shape_cast %get3A_870 : vector<1x16xf32> to vector<16xf32>
        %mul3A_872 = arith.mulf %get3A_871, %broadcast_in_dim3A_807 : vector<16xf32>
        %swap3A_873 = arith.index_cast %add3A_804 : i32 to index
        %swap3A_874 = arith.constant 96 : index
        %swap3A_875 = tpu.vector_load %arg15[%swap3A_873, %swap3A_874] {strides = array<i32>} : memref<128x128xf32, #tpu.memory_space<vmem>>, vector<1x16xf32>,
        %swap3A_876 = vector.shape_cast %swap3A_875 : vector<1x16xf32> to vector<16xf32>
        %swap3A_877 = vector.shape_cast %mul3A_872 : vector<16xf32> to vector<1x16xf32>
        tpu.vector_store %arg15[%swap3A_873, %swap3A_874], %swap3A_877 {strides = array<i32>} : memref<128x128xf32, #tpu.memory_space<vmem>>, vector<1x16xf32>,
        %get3A_878 = arith.index_cast %add3A_804 : i32 to index
        %get3A_879 = arith.constant 112 : index
        %get3A_880 = tpu.vector_load %arg15[%get3A_878, %get3A_879] {strides = array<i32>} : memref<128x128xf32, #tpu.memory_space<vmem>>, vector<1x16xf32>,
        %get3A_881 = vector.shape_cast %get3A_880 : vector<1x16xf32> to vector<16xf32>
        %mul3A_882 = arith.mulf %get3A_881, %broadcast_in_dim3A_807 : vector<16xf32>
        %swap3A_883 = arith.index_cast %add3A_804 : i32 to index
        %swap3A_884 = arith.constant 112 : index
        %swap3A_885 = tpu.vector_load %arg15[%swap3A_883, %swap3A_884] {strides = array<i32>} : memref<128x128xf32, #tpu.memory_space<vmem>>, vector<1x16xf32>,
        %swap3A_886 = vector.shape_cast %swap3A_885 : vector<1x16xf32> to vector<16xf32>
        %swap3A_887 = vector.shape_cast %mul3A_882 : vector<16xf32> to vector<1x16xf32>
        tpu.vector_store %arg15[%swap3A_883, %swap3A_884], %swap3A_887 {strides = array<i32>} : memref<128x128xf32, #tpu.memory_space<vmem>>, vector<1x16xf32>,
        %mul3A_888 = arith.constant 16 : i32
        %mul3A_889 = arith.muli %scan3A_102, %mul3A_888 : i32
        %add3A_890 = arith.constant 9 : i32
        %add3A_891 = arith.addi %mul3A_889, %add3A_890 : i32
        %slice3A_892 = vector.extract_strided_slice %get3A_107 {offsets = [9], sizes = [1], strides = [1]} : vector<16xf32> to vector<1xf32>
        %squeeze3A_893 = vector.extract %slice3A_892[0] : f32 from vector<1xf32>
        %broadcast_in_dim3A_894 = vector.broadcast %squeeze3A_893 : f32 to vector<16xf32>
        %get3A_895 = arith.index_cast %add3A_891 : i32 to index
        %get3A_896 = arith.constant 0 : index
        %get3A_897 = tpu.vector_load %arg15[%get3A_895, %get3A_896] {strides = array<i32>} : memref<128x128xf32, #tpu.memory_space<vmem>>, vector<1x16xf32>,
        %get3A_898 = vector.shape_cast %get3A_897 : vector<1x16xf32> to vector<16xf32>
        %mul3A_899 = arith.mulf %get3A_898, %broadcast_in_dim3A_894 : vector<16xf32>
        %swap3A_900 = arith.index_cast %add3A_891 : i32 to index
        %swap3A_901 = arith.constant 0 : index
        %swap3A_902 = tpu.vector_load %arg15[%swap3A_900, %swap3A_901] {strides = array<i32>} : memref<128x128xf32, #tpu.memory_space<vmem>>, vector<1x16xf32>,
        %swap3A_903 = vector.shape_cast %swap3A_902 : vector<1x16xf32> to vector<16xf32>
        %swap3A_904 = vector.shape_cast %mul3A_899 : vector<16xf32> to vector<1x16xf32>
        tpu.vector_store %arg15[%swap3A_900, %swap3A_901], %swap3A_904 {strides = array<i32>} : memref<128x128xf32, #tpu.memory_space<vmem>>, vector<1x16xf32>,
        %get3A_905 = arith.index_cast %add3A_891 : i32 to index
        %get3A_906 = arith.constant 16 : index
        %get3A_907 = tpu.vector_load %arg15[%get3A_905, %get3A_906] {strides = array<i32>} : memref<128x128xf32, #tpu.memory_space<vmem>>, vector<1x16xf32>,
        %get3A_908 = vector.shape_cast %get3A_907 : vector<1x16xf32> to vector<16xf32>
        %mul3A_909 = arith.mulf %get3A_908, %broadcast_in_dim3A_894 : vector<16xf32>
        %swap3A_910 = arith.index_cast %add3A_891 : i32 to index
        %swap3A_911 = arith.constant 16 : index
        %swap3A_912 = tpu.vector_load %arg15[%swap3A_910, %swap3A_911] {strides = array<i32>} : memref<128x128xf32, #tpu.memory_space<vmem>>, vector<1x16xf32>,
        %swap3A_913 = vector.shape_cast %swap3A_912 : vector<1x16xf32> to vector<16xf32>
        %swap3A_914 = vector.shape_cast %mul3A_909 : vector<16xf32> to vector<1x16xf32>
        tpu.vector_store %arg15[%swap3A_910, %swap3A_911], %swap3A_914 {strides = array<i32>} : memref<128x128xf32, #tpu.memory_space<vmem>>, vector<1x16xf32>,
        %get3A_915 = arith.index_cast %add3A_891 : i32 to index
        %get3A_916 = arith.constant 32 : index
        %get3A_917 = tpu.vector_load %arg15[%get3A_915, %get3A_916] {strides = array<i32>} : memref<128x128xf32, #tpu.memory_space<vmem>>, vector<1x16xf32>,
        %get3A_918 = vector.shape_cast %get3A_917 : vector<1x16xf32> to vector<16xf32>
        %mul3A_919 = arith.mulf %get3A_918, %broadcast_in_dim3A_894 : vector<16xf32>
        %swap3A_920 = arith.index_cast %add3A_891 : i32 to index
        %swap3A_921 = arith.constant 32 : index
        %swap3A_922 = tpu.vector_load %arg15[%swap3A_920, %swap3A_921] {strides = array<i32>} : memref<128x128xf32, #tpu.memory_space<vmem>>, vector<1x16xf32>,
        %swap3A_923 = vector.shape_cast %swap3A_922 : vector<1x16xf32> to vector<16xf32>
        %swap3A_924 = vector.shape_cast %mul3A_919 : vector<16xf32> to vector<1x16xf32>
        tpu.vector_store %arg15[%swap3A_920, %swap3A_921], %swap3A_924 {strides = array<i32>} : memref<128x128xf32, #tpu.memory_space<vmem>>, vector<1x16xf32>,
        %get3A_925 = arith.index_cast %add3A_891 : i32 to index
        %get3A_926 = arith.constant 48 : index
        %get3A_927 = tpu.vector_load %arg15[%get3A_925, %get3A_926] {strides = array<i32>} : memref<128x128xf32, #tpu.memory_space<vmem>>, vector<1x16xf32>,
        %get3A_928 = vector.shape_cast %get3A_927 : vector<1x16xf32> to vector<16xf32>
        %mul3A_929 = arith.mulf %get3A_928, %broadcast_in_dim3A_894 : vector<16xf32>
        %swap3A_930 = arith.index_cast %add3A_891 : i32 to index
        %swap3A_931 = arith.constant 48 : index
        %swap3A_932 = tpu.vector_load %arg15[%swap3A_930, %swap3A_931] {strides = array<i32>} : memref<128x128xf32, #tpu.memory_space<vmem>>, vector<1x16xf32>,
        %swap3A_933 = vector.shape_cast %swap3A_932 : vector<1x16xf32> to vector<16xf32>
        %swap3A_934 = vector.shape_cast %mul3A_929 : vector<16xf32> to vector<1x16xf32>
        tpu.vector_store %arg15[%swap3A_930, %swap3A_931], %swap3A_934 {strides = array<i32>} : memref<128x128xf32, #tpu.memory_space<vmem>>, vector<1x16xf32>,
        %get3A_935 = arith.index_cast %add3A_891 : i32 to index
        %get3A_936 = arith.constant 64 : index
        %get3A_937 = tpu.vector_load %arg15[%get3A_935, %get3A_936] {strides = array<i32>} : memref<128x128xf32, #tpu.memory_space<vmem>>, vector<1x16xf32>,
        %get3A_938 = vector.shape_cast %get3A_937 : vector<1x16xf32> to vector<16xf32>
        %mul3A_939 = arith.mulf %get3A_938, %broadcast_in_dim3A_894 : vector<16xf32>
        %swap3A_940 = arith.index_cast %add3A_891 : i32 to index
        %swap3A_941 = arith.constant 64 : index
        %swap3A_942 = tpu.vector_load %arg15[%swap3A_940, %swap3A_941] {strides = array<i32>} : memref<128x128xf32, #tpu.memory_space<vmem>>, vector<1x16xf32>,
        %swap3A_943 = vector.shape_cast %swap3A_942 : vector<1x16xf32> to vector<16xf32>
        %swap3A_944 = vector.shape_cast %mul3A_939 : vector<16xf32> to vector<1x16xf32>
        tpu.vector_store %arg15[%swap3A_940, %swap3A_941], %swap3A_944 {strides = array<i32>} : memref<128x128xf32, #tpu.memory_space<vmem>>, vector<1x16xf32>,
        %get3A_945 = arith.index_cast %add3A_891 : i32 to index
        %get3A_946 = arith.constant 80 : index
        %get3A_947 = tpu.vector_load %arg15[%get3A_945, %get3A_946] {strides = array<i32>} : memref<128x128xf32, #tpu.memory_space<vmem>>, vector<1x16xf32>,
        %get3A_948 = vector.shape_cast %get3A_947 : vector<1x16xf32> to vector<16xf32>
        %mul3A_949 = arith.mulf %get3A_948, %broadcast_in_dim3A_894 : vector<16xf32>
        %swap3A_950 = arith.index_cast %add3A_891 : i32 to index
        %swap3A_951 = arith.constant 80 : index
        %swap3A_952 = tpu.vector_load %arg15[%swap3A_950, %swap3A_951] {strides = array<i32>} : memref<128x128xf32, #tpu.memory_space<vmem>>, vector<1x16xf32>,
        %swap3A_953 = vector.shape_cast %swap3A_952 : vector<1x16xf32> to vector<16xf32>
        %swap3A_954 = vector.shape_cast %mul3A_949 : vector<16xf32> to vector<1x16xf32>
        tpu.vector_store %arg15[%swap3A_950, %swap3A_951], %swap3A_954 {strides = array<i32>} : memref<128x128xf32, #tpu.memory_space<vmem>>, vector<1x16xf32>,
        %get3A_955 = arith.index_cast %add3A_891 : i32 to index
        %get3A_956 = arith.constant 96 : index
        %get3A_957 = tpu.vector_load %arg15[%get3A_955, %get3A_956] {strides = array<i32>} : memref<128x128xf32, #tpu.memory_space<vmem>>, vector<1x16xf32>,
        %get3A_958 = vector.shape_cast %get3A_957 : vector<1x16xf32> to vector<16xf32>
        %mul3A_959 = arith.mulf %get3A_958, %broadcast_in_dim3A_894 : vector<16xf32>
        %swap3A_960 = arith.index_cast %add3A_891 : i32 to index
        %swap3A_961 = arith.constant 96 : index
        %swap3A_962 = tpu.vector_load %arg15[%swap3A_960, %swap3A_961] {strides = array<i32>} : memref<128x128xf32, #tpu.memory_space<vmem>>, vector<1x16xf32>,
        %swap3A_963 = vector.shape_cast %swap3A_962 : vector<1x16xf32> to vector<16xf32>
        %swap3A_964 = vector.shape_cast %mul3A_959 : vector<16xf32> to vector<1x16xf32>
        tpu.vector_store %arg15[%swap3A_960, %swap3A_961], %swap3A_964 {strides = array<i32>} : memref<128x128xf32, #tpu.memory_space<vmem>>, vector<1x16xf32>,
        %get3A_965 = arith.index_cast %add3A_891 : i32 to index
        %get3A_966 = arith.constant 112 : index
        %get3A_967 = tpu.vector_load %arg15[%get3A_965, %get3A_966] {strides = array<i32>} : memref<128x128xf32, #tpu.memory_space<vmem>>, vector<1x16xf32>,
        %get3A_968 = vector.shape_cast %get3A_967 : vector<1x16xf32> to vector<16xf32>
        %mul3A_969 = arith.mulf %get3A_968, %broadcast_in_dim3A_894 : vector<16xf32>
        %swap3A_970 = arith.index_cast %add3A_891 : i32 to index
        %swap3A_971 = arith.constant 112 : index
        %swap3A_972 = tpu.vector_load %arg15[%swap3A_970, %swap3A_971] {strides = array<i32>} : memref<128x128xf32, #tpu.memory_space<vmem>>, vector<1x16xf32>,
        %swap3A_973 = vector.shape_cast %swap3A_972 : vector<1x16xf32> to vector<16xf32>
        %swap3A_974 = vector.shape_cast %mul3A_969 : vector<16xf32> to vector<1x16xf32>
        tpu.vector_store %arg15[%swap3A_970, %swap3A_971], %swap3A_974 {strides = array<i32>} : memref<128x128xf32, #tpu.memory_space<vmem>>, vector<1x16xf32>,
        %mul3A_975 = arith.constant 16 : i32
        %mul3A_976 = arith.muli %scan3A_102, %mul3A_975 : i32
        %add3A_977 = arith.constant 10 : i32
        %add3A_978 = arith.addi %mul3A_976, %add3A_977 : i32
        %slice3A_979 = vector.extract_strided_slice %get3A_107 {offsets = [10], sizes = [1], strides = [1]} : vector<16xf32> to vector<1xf32>
        %squeeze3A_980 = vector.extract %slice3A_979[0] : f32 from vector<1xf32>
        %broadcast_in_dim3A_981 = vector.broadcast %squeeze3A_980 : f32 to vector<16xf32>
        %get3A_982 = arith.index_cast %add3A_978 : i32 to index
        %get3A_983 = arith.constant 0 : index
        %get3A_984 = tpu.vector_load %arg15[%get3A_982, %get3A_983] {strides = array<i32>} : memref<128x128xf32, #tpu.memory_space<vmem>>, vector<1x16xf32>,
        %get3A_985 = vector.shape_cast %get3A_984 : vector<1x16xf32> to vector<16xf32>
        %mul3A_986 = arith.mulf %get3A_985, %broadcast_in_dim3A_981 : vector<16xf32>
        %swap3A_987 = arith.index_cast %add3A_978 : i32 to index
        %swap3A_988 = arith.constant 0 : index
        %swap3A_989 = tpu.vector_load %arg15[%swap3A_987, %swap3A_988] {strides = array<i32>} : memref<128x128xf32, #tpu.memory_space<vmem>>, vector<1x16xf32>,
        %swap3A_990 = vector.shape_cast %swap3A_989 : vector<1x16xf32> to vector<16xf32>
        %swap3A_991 = vector.shape_cast %mul3A_986 : vector<16xf32> to vector<1x16xf32>
        tpu.vector_store %arg15[%swap3A_987, %swap3A_988], %swap3A_991 {strides = array<i32>} : memref<128x128xf32, #tpu.memory_space<vmem>>, vector<1x16xf32>,
        %get3A_992 = arith.index_cast %add3A_978 : i32 to index
        %get3A_993 = arith.constant 16 : index
        %get3A_994 = tpu.vector_load %arg15[%get3A_992, %get3A_993] {strides = array<i32>} : memref<128x128xf32, #tpu.memory_space<vmem>>, vector<1x16xf32>,
        %get3A_995 = vector.shape_cast %get3A_994 : vector<1x16xf32> to vector<16xf32>
        %mul3A_996 = arith.mulf %get3A_995, %broadcast_in_dim3A_981 : vector<16xf32>
        %swap3A_997 = arith.index_cast %add3A_978 : i32 to index
        %swap3A_998 = arith.constant 16 : index
        %swap3A_999 = tpu.vector_load %arg15[%swap3A_997, %swap3A_998] {strides = array<i32>} : memref<128x128xf32, #tpu.memory_space<vmem>>, vector<1x16xf32>,
        %swap3A_1000 = vector.shape_cast %swap3A_999 : vector<1x16xf32> to vector<16xf32>
        %swap3A_1001 = vector.shape_cast %mul3A_996 : vector<16xf32> to vector<1x16xf32>
        tpu.vector_store %arg15[%swap3A_997, %swap3A_998], %swap3A_1001 {strides = array<i32>} : memref<128x128xf32, #tpu.memory_space<vmem>>, vector<1x16xf32>,
        %get3A_1002 = arith.index_cast %add3A_978 : i32 to index
        %get3A_1003 = arith.constant 32 : index
        %get3A_1004 = tpu.vector_load %arg15[%get3A_1002, %get3A_1003] {strides = array<i32>} : memref<128x128xf32, #tpu.memory_space<vmem>>, vector<1x16xf32>,
        %get3A_1005 = vector.shape_cast %get3A_1004 : vector<1x16xf32> to vector<16xf32>
        %mul3A_1006 = arith.mulf %get3A_1005, %broadcast_in_dim3A_981 : vector<16xf32>
        %swap3A_1007 = arith.index_cast %add3A_978 : i32 to index
        %swap3A_1008 = arith.constant 32 : index
        %swap3A_1009 = tpu.vector_load %arg15[%swap3A_1007, %swap3A_1008] {strides = array<i32>} : memref<128x128xf32, #tpu.memory_space<vmem>>, vector<1x16xf32>,
        %swap3A_1010 = vector.shape_cast %swap3A_1009 : vector<1x16xf32> to vector<16xf32>
        %swap3A_1011 = vector.shape_cast %mul3A_1006 : vector<16xf32> to vector<1x16xf32>
        tpu.vector_store %arg15[%swap3A_1007, %swap3A_1008], %swap3A_1011 {strides = array<i32>} : memref<128x128xf32, #tpu.memory_space<vmem>>, vector<1x16xf32>,
        %get3A_1012 = arith.index_cast %add3A_978 : i32 to index
        %get3A_1013 = arith.constant 48 : index
        %get3A_1014 = tpu.vector_load %arg15[%get3A_1012, %get3A_1013] {strides = array<i32>} : memref<128x128xf32, #tpu.memory_space<vmem>>, vector<1x16xf32>,
        %get3A_1015 = vector.shape_cast %get3A_1014 : vector<1x16xf32> to vector<16xf32>
        %mul3A_1016 = arith.mulf %get3A_1015, %broadcast_in_dim3A_981 : vector<16xf32>
        %swap3A_1017 = arith.index_cast %add3A_978 : i32 to index
        %swap3A_1018 = arith.constant 48 : index
        %swap3A_1019 = tpu.vector_load %arg15[%swap3A_1017, %swap3A_1018] {strides = array<i32>} : memref<128x128xf32, #tpu.memory_space<vmem>>, vector<1x16xf32>,
        %swap3A_1020 = vector.shape_cast %swap3A_1019 : vector<1x16xf32> to vector<16xf32>
        %swap3A_1021 = vector.shape_cast %mul3A_1016 : vector<16xf32> to vector<1x16xf32>
        tpu.vector_store %arg15[%swap3A_1017, %swap3A_1018], %swap3A_1021 {strides = array<i32>} : memref<128x128xf32, #tpu.memory_space<vmem>>, vector<1x16xf32>,
        %get3A_1022 = arith.index_cast %add3A_978 : i32 to index
        %get3A_1023 = arith.constant 64 : index
        %get3A_1024 = tpu.vector_load %arg15[%get3A_1022, %get3A_1023] {strides = array<i32>} : memref<128x128xf32, #tpu.memory_space<vmem>>, vector<1x16xf32>,
        %get3A_1025 = vector.shape_cast %get3A_1024 : vector<1x16xf32> to vector<16xf32>
        %mul3A_1026 = arith.mulf %get3A_1025, %broadcast_in_dim3A_981 : vector<16xf32>
        %swap3A_1027 = arith.index_cast %add3A_978 : i32 to index
        %swap3A_1028 = arith.constant 64 : index
        %swap3A_1029 = tpu.vector_load %arg15[%swap3A_1027, %swap3A_1028] {strides = array<i32>} : memref<128x128xf32, #tpu.memory_space<vmem>>, vector<1x16xf32>,
        %swap3A_1030 = vector.shape_cast %swap3A_1029 : vector<1x16xf32> to vector<16xf32>
        %swap3A_1031 = vector.shape_cast %mul3A_1026 : vector<16xf32> to vector<1x16xf32>
        tpu.vector_store %arg15[%swap3A_1027, %swap3A_1028], %swap3A_1031 {strides = array<i32>} : memref<128x128xf32, #tpu.memory_space<vmem>>, vector<1x16xf32>,
        %get3A_1032 = arith.index_cast %add3A_978 : i32 to index
        %get3A_1033 = arith.constant 80 : index
        %get3A_1034 = tpu.vector_load %arg15[%get3A_1032, %get3A_1033] {strides = array<i32>} : memref<128x128xf32, #tpu.memory_space<vmem>>, vector<1x16xf32>,
        %get3A_1035 = vector.shape_cast %get3A_1034 : vector<1x16xf32> to vector<16xf32>
        %mul3A_1036 = arith.mulf %get3A_1035, %broadcast_in_dim3A_981 : vector<16xf32>
        %swap3A_1037 = arith.index_cast %add3A_978 : i32 to index
        %swap3A_1038 = arith.constant 80 : index
        %swap3A_1039 = tpu.vector_load %arg15[%swap3A_1037, %swap3A_1038] {strides = array<i32>} : memref<128x128xf32, #tpu.memory_space<vmem>>, vector<1x16xf32>,
        %swap3A_1040 = vector.shape_cast %swap3A_1039 : vector<1x16xf32> to vector<16xf32>
        %swap3A_1041 = vector.shape_cast %mul3A_1036 : vector<16xf32> to vector<1x16xf32>
        tpu.vector_store %arg15[%swap3A_1037, %swap3A_1038], %swap3A_1041 {strides = array<i32>} : memref<128x128xf32, #tpu.memory_space<vmem>>, vector<1x16xf32>,
        %get3A_1042 = arith.index_cast %add3A_978 : i32 to index
        %get3A_1043 = arith.constant 96 : index
        %get3A_1044 = tpu.vector_load %arg15[%get3A_1042, %get3A_1043] {strides = array<i32>} : memref<128x128xf32, #tpu.memory_space<vmem>>, vector<1x16xf32>,
        %get3A_1045 = vector.shape_cast %get3A_1044 : vector<1x16xf32> to vector<16xf32>
        %mul3A_1046 = arith.mulf %get3A_1045, %broadcast_in_dim3A_981 : vector<16xf32>
        %swap3A_1047 = arith.index_cast %add3A_978 : i32 to index
        %swap3A_1048 = arith.constant 96 : index
        %swap3A_1049 = tpu.vector_load %arg15[%swap3A_1047, %swap3A_1048] {strides = array<i32>} : memref<128x128xf32, #tpu.memory_space<vmem>>, vector<1x16xf32>,
        %swap3A_1050 = vector.shape_cast %swap3A_1049 : vector<1x16xf32> to vector<16xf32>
        %swap3A_1051 = vector.shape_cast %mul3A_1046 : vector<16xf32> to vector<1x16xf32>
        tpu.vector_store %arg15[%swap3A_1047, %swap3A_1048], %swap3A_1051 {strides = array<i32>} : memref<128x128xf32, #tpu.memory_space<vmem>>, vector<1x16xf32>,
        %get3A_1052 = arith.index_cast %add3A_978 : i32 to index
        %get3A_1053 = arith.constant 112 : index
        %get3A_1054 = tpu.vector_load %arg15[%get3A_1052, %get3A_1053] {strides = array<i32>} : memref<128x128xf32, #tpu.memory_space<vmem>>, vector<1x16xf32>,
        %get3A_1055 = vector.shape_cast %get3A_1054 : vector<1x16xf32> to vector<16xf32>
        %mul3A_1056 = arith.mulf %get3A_1055, %broadcast_in_dim3A_981 : vector<16xf32>
        %swap3A_1057 = arith.index_cast %add3A_978 : i32 to index
        %swap3A_1058 = arith.constant 112 : index
        %swap3A_1059 = tpu.vector_load %arg15[%swap3A_1057, %swap3A_1058] {strides = array<i32>} : memref<128x128xf32, #tpu.memory_space<vmem>>, vector<1x16xf32>,
        %swap3A_1060 = vector.shape_cast %swap3A_1059 : vector<1x16xf32> to vector<16xf32>
        %swap3A_1061 = vector.shape_cast %mul3A_1056 : vector<16xf32> to vector<1x16xf32>
        tpu.vector_store %arg15[%swap3A_1057, %swap3A_1058], %swap3A_1061 {strides = array<i32>} : memref<128x128xf32, #tpu.memory_space<vmem>>, vector<1x16xf32>,
        %mul3A_1062 = arith.constant 16 : i32
        %mul3A_1063 = arith.muli %scan3A_102, %mul3A_1062 : i32
        %add3A_1064 = arith.constant 11 : i32
        %add3A_1065 = arith.addi %mul3A_1063, %add3A_1064 : i32
        %slice3A_1066 = vector.extract_strided_slice %get3A_107 {offsets = [11], sizes = [1], strides = [1]} : vector<16xf32> to vector<1xf32>
        %squeeze3A_1067 = vector.extract %slice3A_1066[0] : f32 from vector<1xf32>
        %broadcast_in_dim3A_1068 = vector.broadcast %squeeze3A_1067 : f32 to vector<16xf32>
        %get3A_1069 = arith.index_cast %add3A_1065 : i32 to index
        %get3A_1070 = arith.constant 0 : index
        %get3A_1071 = tpu.vector_load %arg15[%get3A_1069, %get3A_1070] {strides = array<i32>} : memref<128x128xf32, #tpu.memory_space<vmem>>, vector<1x16xf32>,
        %get3A_1072 = vector.shape_cast %get3A_1071 : vector<1x16xf32> to vector<16xf32>
        %mul3A_1073 = arith.mulf %get3A_1072, %broadcast_in_dim3A_1068 : vector<16xf32>
        %swap3A_1074 = arith.index_cast %add3A_1065 : i32 to index
        %swap3A_1075 = arith.constant 0 : index
        %swap3A_1076 = tpu.vector_load %arg15[%swap3A_1074, %swap3A_1075] {strides = array<i32>} : memref<128x128xf32, #tpu.memory_space<vmem>>, vector<1x16xf32>,
        %swap3A_1077 = vector.shape_cast %swap3A_1076 : vector<1x16xf32> to vector<16xf32>
        %swap3A_1078 = vector.shape_cast %mul3A_1073 : vector<16xf32> to vector<1x16xf32>
        tpu.vector_store %arg15[%swap3A_1074, %swap3A_1075], %swap3A_1078 {strides = array<i32>} : memref<128x128xf32, #tpu.memory_space<vmem>>, vector<1x16xf32>,
        %get3A_1079 = arith.index_cast %add3A_1065 : i32 to index
        %get3A_1080 = arith.constant 16 : index
        %get3A_1081 = tpu.vector_load %arg15[%get3A_1079, %get3A_1080] {strides = array<i32>} : memref<128x128xf32, #tpu.memory_space<vmem>>, vector<1x16xf32>,
        %get3A_1082 = vector.shape_cast %get3A_1081 : vector<1x16xf32> to vector<16xf32>
        %mul3A_1083 = arith.mulf %get3A_1082, %broadcast_in_dim3A_1068 : vector<16xf32>
        %swap3A_1084 = arith.index_cast %add3A_1065 : i32 to index
        %swap3A_1085 = arith.constant 16 : index
        %swap3A_1086 = tpu.vector_load %arg15[%swap3A_1084, %swap3A_1085] {strides = array<i32>} : memref<128x128xf32, #tpu.memory_space<vmem>>, vector<1x16xf32>,
        %swap3A_1087 = vector.shape_cast %swap3A_1086 : vector<1x16xf32> to vector<16xf32>
        %swap3A_1088 = vector.shape_cast %mul3A_1083 : vector<16xf32> to vector<1x16xf32>
        tpu.vector_store %arg15[%swap3A_1084, %swap3A_1085], %swap3A_1088 {strides = array<i32>} : memref<128x128xf32, #tpu.memory_space<vmem>>, vector<1x16xf32>,
        %get3A_1089 = arith.index_cast %add3A_1065 : i32 to index
        %get3A_1090 = arith.constant 32 : index
        %get3A_1091 = tpu.vector_load %arg15[%get3A_1089, %get3A_1090] {strides = array<i32>} : memref<128x128xf32, #tpu.memory_space<vmem>>, vector<1x16xf32>,
        %get3A_1092 = vector.shape_cast %get3A_1091 : vector<1x16xf32> to vector<16xf32>
        %mul3A_1093 = arith.mulf %get3A_1092, %broadcast_in_dim3A_1068 : vector<16xf32>
        %swap3A_1094 = arith.index_cast %add3A_1065 : i32 to index
        %swap3A_1095 = arith.constant 32 : index
        %swap3A_1096 = tpu.vector_load %arg15[%swap3A_1094, %swap3A_1095] {strides = array<i32>} : memref<128x128xf32, #tpu.memory_space<vmem>>, vector<1x16xf32>,
        %swap3A_1097 = vector.shape_cast %swap3A_1096 : vector<1x16xf32> to vector<16xf32>
        %swap3A_1098 = vector.shape_cast %mul3A_1093 : vector<16xf32> to vector<1x16xf32>
        tpu.vector_store %arg15[%swap3A_1094, %swap3A_1095], %swap3A_1098 {strides = array<i32>} : memref<128x128xf32, #tpu.memory_space<vmem>>, vector<1x16xf32>,
        %get3A_1099 = arith.index_cast %add3A_1065 : i32 to index
        %get3A_1100 = arith.constant 48 : index
        %get3A_1101 = tpu.vector_load %arg15[%get3A_1099, %get3A_1100] {strides = array<i32>} : memref<128x128xf32, #tpu.memory_space<vmem>>, vector<1x16xf32>,
        %get3A_1102 = vector.shape_cast %get3A_1101 : vector<1x16xf32> to vector<16xf32>
        %mul3A_1103 = arith.mulf %get3A_1102, %broadcast_in_dim3A_1068 : vector<16xf32>
        %swap3A_1104 = arith.index_cast %add3A_1065 : i32 to index
        %swap3A_1105 = arith.constant 48 : index
        %swap3A_1106 = tpu.vector_load %arg15[%swap3A_1104, %swap3A_1105] {strides = array<i32>} : memref<128x128xf32, #tpu.memory_space<vmem>>, vector<1x16xf32>,
        %swap3A_1107 = vector.shape_cast %swap3A_1106 : vector<1x16xf32> to vector<16xf32>
        %swap3A_1108 = vector.shape_cast %mul3A_1103 : vector<16xf32> to vector<1x16xf32>
        tpu.vector_store %arg15[%swap3A_1104, %swap3A_1105], %swap3A_1108 {strides = array<i32>} : memref<128x128xf32, #tpu.memory_space<vmem>>, vector<1x16xf32>,
        %get3A_1109 = arith.index_cast %add3A_1065 : i32 to index
        %get3A_1110 = arith.constant 64 : index
        %get3A_1111 = tpu.vector_load %arg15[%get3A_1109, %get3A_1110] {strides = array<i32>} : memref<128x128xf32, #tpu.memory_space<vmem>>, vector<1x16xf32>,
        %get3A_1112 = vector.shape_cast %get3A_1111 : vector<1x16xf32> to vector<16xf32>
        %mul3A_1113 = arith.mulf %get3A_1112, %broadcast_in_dim3A_1068 : vector<16xf32>
        %swap3A_1114 = arith.index_cast %add3A_1065 : i32 to index
        %swap3A_1115 = arith.constant 64 : index
        %swap3A_1116 = tpu.vector_load %arg15[%swap3A_1114, %swap3A_1115] {strides = array<i32>} : memref<128x128xf32, #tpu.memory_space<vmem>>, vector<1x16xf32>,
        %swap3A_1117 = vector.shape_cast %swap3A_1116 : vector<1x16xf32> to vector<16xf32>
        %swap3A_1118 = vector.shape_cast %mul3A_1113 : vector<16xf32> to vector<1x16xf32>
        tpu.vector_store %arg15[%swap3A_1114, %swap3A_1115], %swap3A_1118 {strides = array<i32>} : memref<128x128xf32, #tpu.memory_space<vmem>>, vector<1x16xf32>,
        %get3A_1119 = arith.index_cast %add3A_1065 : i32 to index
        %get3A_1120 = arith.constant 80 : index
        %get3A_1121 = tpu.vector_load %arg15[%get3A_1119, %get3A_1120] {strides = array<i32>} : memref<128x128xf32, #tpu.memory_space<vmem>>, vector<1x16xf32>,
        %get3A_1122 = vector.shape_cast %get3A_1121 : vector<1x16xf32> to vector<16xf32>
        %mul3A_1123 = arith.mulf %get3A_1122, %broadcast_in_dim3A_1068 : vector<16xf32>
        %swap3A_1124 = arith.index_cast %add3A_1065 : i32 to index
        %swap3A_1125 = arith.constant 80 : index
        %swap3A_1126 = tpu.vector_load %arg15[%swap3A_1124, %swap3A_1125] {strides = array<i32>} : memref<128x128xf32, #tpu.memory_space<vmem>>, vector<1x16xf32>,
        %swap3A_1127 = vector.shape_cast %swap3A_1126 : vector<1x16xf32> to vector<16xf32>
        %swap3A_1128 = vector.shape_cast %mul3A_1123 : vector<16xf32> to vector<1x16xf32>
        tpu.vector_store %arg15[%swap3A_1124, %swap3A_1125], %swap3A_1128 {strides = array<i32>} : memref<128x128xf32, #tpu.memory_space<vmem>>, vector<1x16xf32>,
        %get3A_1129 = arith.index_cast %add3A_1065 : i32 to index
        %get3A_1130 = arith.constant 96 : index
        %get3A_1131 = tpu.vector_load %arg15[%get3A_1129, %get3A_1130] {strides = array<i32>} : memref<128x128xf32, #tpu.memory_space<vmem>>, vector<1x16xf32>,
        %get3A_1132 = vector.shape_cast %get3A_1131 : vector<1x16xf32> to vector<16xf32>
        %mul3A_1133 = arith.mulf %get3A_1132, %broadcast_in_dim3A_1068 : vector<16xf32>
        %swap3A_1134 = arith.index_cast %add3A_1065 : i32 to index
        %swap3A_1135 = arith.constant 96 : index
        %swap3A_1136 = tpu.vector_load %arg15[%swap3A_1134, %swap3A_1135] {strides = array<i32>} : memref<128x128xf32, #tpu.memory_space<vmem>>, vector<1x16xf32>,
        %swap3A_1137 = vector.shape_cast %swap3A_1136 : vector<1x16xf32> to vector<16xf32>
        %swap3A_1138 = vector.shape_cast %mul3A_1133 : vector<16xf32> to vector<1x16xf32>
        tpu.vector_store %arg15[%swap3A_1134, %swap3A_1135], %swap3A_1138 {strides = array<i32>} : memref<128x128xf32, #tpu.memory_space<vmem>>, vector<1x16xf32>,
        %get3A_1139 = arith.index_cast %add3A_1065 : i32 to index
        %get3A_1140 = arith.constant 112 : index
        %get3A_1141 = tpu.vector_load %arg15[%get3A_1139, %get3A_1140] {strides = array<i32>} : memref<128x128xf32, #tpu.memory_space<vmem>>, vector<1x16xf32>,
        %get3A_1142 = vector.shape_cast %get3A_1141 : vector<1x16xf32> to vector<16xf32>
        %mul3A_1143 = arith.mulf %get3A_1142, %broadcast_in_dim3A_1068 : vector<16xf32>
        %swap3A_1144 = arith.index_cast %add3A_1065 : i32 to index
        %swap3A_1145 = arith.constant 112 : index
        %swap3A_1146 = tpu.vector_load %arg15[%swap3A_1144, %swap3A_1145] {strides = array<i32>} : memref<128x128xf32, #tpu.memory_space<vmem>>, vector<1x16xf32>,
        %swap3A_1147 = vector.shape_cast %swap3A_1146 : vector<1x16xf32> to vector<16xf32>
        %swap3A_1148 = vector.shape_cast %mul3A_1143 : vector<16xf32> to vector<1x16xf32>
        tpu.vector_store %arg15[%swap3A_1144, %swap3A_1145], %swap3A_1148 {strides = array<i32>} : memref<128x128xf32, #tpu.memory_space<vmem>>, vector<1x16xf32>,
        %mul3A_1149 = arith.constant 16 : i32
        %mul3A_1150 = arith.muli %scan3A_102, %mul3A_1149 : i32
        %add3A_1151 = arith.constant 12 : i32
        %add3A_1152 = arith.addi %mul3A_1150, %add3A_1151 : i32
        %slice3A_1153 = vector.extract_strided_slice %get3A_107 {offsets = [12], sizes = [1], strides = [1]} : vector<16xf32> to vector<1xf32>
        %squeeze3A_1154 = vector.extract %slice3A_1153[0] : f32 from vector<1xf32>
        %broadcast_in_dim3A_1155 = vector.broadcast %squeeze3A_1154 : f32 to vector<16xf32>
        %get3A_1156 = arith.index_cast %add3A_1152 : i32 to index
        %get3A_1157 = arith.constant 0 : index
        %get3A_1158 = tpu.vector_load %arg15[%get3A_1156, %get3A_1157] {strides = array<i32>} : memref<128x128xf32, #tpu.memory_space<vmem>>, vector<1x16xf32>,
        %get3A_1159 = vector.shape_cast %get3A_1158 : vector<1x16xf32> to vector<16xf32>
        %mul3A_1160 = arith.mulf %get3A_1159, %broadcast_in_dim3A_1155 : vector<16xf32>
        %swap3A_1161 = arith.index_cast %add3A_1152 : i32 to index
        %swap3A_1162 = arith.constant 0 : index
        %swap3A_1163 = tpu.vector_load %arg15[%swap3A_1161, %swap3A_1162] {strides = array<i32>} : memref<128x128xf32, #tpu.memory_space<vmem>>, vector<1x16xf32>,
        %swap3A_1164 = vector.shape_cast %swap3A_1163 : vector<1x16xf32> to vector<16xf32>
        %swap3A_1165 = vector.shape_cast %mul3A_1160 : vector<16xf32> to vector<1x16xf32>
        tpu.vector_store %arg15[%swap3A_1161, %swap3A_1162], %swap3A_1165 {strides = array<i32>} : memref<128x128xf32, #tpu.memory_space<vmem>>, vector<1x16xf32>,
        %get3A_1166 = arith.index_cast %add3A_1152 : i32 to index
        %get3A_1167 = arith.constant 16 : index
        %get3A_1168 = tpu.vector_load %arg15[%get3A_1166, %get3A_1167] {strides = array<i32>} : memref<128x128xf32, #tpu.memory_space<vmem>>, vector<1x16xf32>,
        %get3A_1169 = vector.shape_cast %get3A_1168 : vector<1x16xf32> to vector<16xf32>
        %mul3A_1170 = arith.mulf %get3A_1169, %broadcast_in_dim3A_1155 : vector<16xf32>
        %swap3A_1171 = arith.index_cast %add3A_1152 : i32 to index
        %swap3A_1172 = arith.constant 16 : index
        %swap3A_1173 = tpu.vector_load %arg15[%swap3A_1171, %swap3A_1172] {strides = array<i32>} : memref<128x128xf32, #tpu.memory_space<vmem>>, vector<1x16xf32>,
        %swap3A_1174 = vector.shape_cast %swap3A_1173 : vector<1x16xf32> to vector<16xf32>
        %swap3A_1175 = vector.shape_cast %mul3A_1170 : vector<16xf32> to vector<1x16xf32>
        tpu.vector_store %arg15[%swap3A_1171, %swap3A_1172], %swap3A_1175 {strides = array<i32>} : memref<128x128xf32, #tpu.memory_space<vmem>>, vector<1x16xf32>,
        %get3A_1176 = arith.index_cast %add3A_1152 : i32 to index
        %get3A_1177 = arith.constant 32 : index
        %get3A_1178 = tpu.vector_load %arg15[%get3A_1176, %get3A_1177] {strides = array<i32>} : memref<128x128xf32, #tpu.memory_space<vmem>>, vector<1x16xf32>,
        %get3A_1179 = vector.shape_cast %get3A_1178 : vector<1x16xf32> to vector<16xf32>
        %mul3A_1180 = arith.mulf %get3A_1179, %broadcast_in_dim3A_1155 : vector<16xf32>
        %swap3A_1181 = arith.index_cast %add3A_1152 : i32 to index
        %swap3A_1182 = arith.constant 32 : index
        %swap3A_1183 = tpu.vector_load %arg15[%swap3A_1181, %swap3A_1182] {strides = array<i32>} : memref<128x128xf32, #tpu.memory_space<vmem>>, vector<1x16xf32>,
        %swap3A_1184 = vector.shape_cast %swap3A_1183 : vector<1x16xf32> to vector<16xf32>
        %swap3A_1185 = vector.shape_cast %mul3A_1180 : vector<16xf32> to vector<1x16xf32>
        tpu.vector_store %arg15[%swap3A_1181, %swap3A_1182], %swap3A_1185 {strides = array<i32>} : memref<128x128xf32, #tpu.memory_space<vmem>>, vector<1x16xf32>,
        %get3A_1186 = arith.index_cast %add3A_1152 : i32 to index
        %get3A_1187 = arith.constant 48 : index
        %get3A_1188 = tpu.vector_load %arg15[%get3A_1186, %get3A_1187] {strides = array<i32>} : memref<128x128xf32, #tpu.memory_space<vmem>>, vector<1x16xf32>,
        %get3A_1189 = vector.shape_cast %get3A_1188 : vector<1x16xf32> to vector<16xf32>
        %mul3A_1190 = arith.mulf %get3A_1189, %broadcast_in_dim3A_1155 : vector<16xf32>
        %swap3A_1191 = arith.index_cast %add3A_1152 : i32 to index
        %swap3A_1192 = arith.constant 48 : index
        %swap3A_1193 = tpu.vector_load %arg15[%swap3A_1191, %swap3A_1192] {strides = array<i32>} : memref<128x128xf32, #tpu.memory_space<vmem>>, vector<1x16xf32>,
        %swap3A_1194 = vector.shape_cast %swap3A_1193 : vector<1x16xf32> to vector<16xf32>
        %swap3A_1195 = vector.shape_cast %mul3A_1190 : vector<16xf32> to vector<1x16xf32>
        tpu.vector_store %arg15[%swap3A_1191, %swap3A_1192], %swap3A_1195 {strides = array<i32>} : memref<128x128xf32, #tpu.memory_space<vmem>>, vector<1x16xf32>,
        %get3A_1196 = arith.index_cast %add3A_1152 : i32 to index
        %get3A_1197 = arith.constant 64 : index
        %get3A_1198 = tpu.vector_load %arg15[%get3A_1196, %get3A_1197] {strides = array<i32>} : memref<128x128xf32, #tpu.memory_space<vmem>>, vector<1x16xf32>,
        %get3A_1199 = vector.shape_cast %get3A_1198 : vector<1x16xf32> to vector<16xf32>
        %mul3A_1200 = arith.mulf %get3A_1199, %broadcast_in_dim3A_1155 : vector<16xf32>
        %swap3A_1201 = arith.index_cast %add3A_1152 : i32 to index
        %swap3A_1202 = arith.constant 64 : index
        %swap3A_1203 = tpu.vector_load %arg15[%swap3A_1201, %swap3A_1202] {strides = array<i32>} : memref<128x128xf32, #tpu.memory_space<vmem>>, vector<1x16xf32>,
        %swap3A_1204 = vector.shape_cast %swap3A_1203 : vector<1x16xf32> to vector<16xf32>
        %swap3A_1205 = vector.shape_cast %mul3A_1200 : vector<16xf32> to vector<1x16xf32>
        tpu.vector_store %arg15[%swap3A_1201, %swap3A_1202], %swap3A_1205 {strides = array<i32>} : memref<128x128xf32, #tpu.memory_space<vmem>>, vector<1x16xf32>,
        %get3A_1206 = arith.index_cast %add3A_1152 : i32 to index
        %get3A_1207 = arith.constant 80 : index
        %get3A_1208 = tpu.vector_load %arg15[%get3A_1206, %get3A_1207] {strides = array<i32>} : memref<128x128xf32, #tpu.memory_space<vmem>>, vector<1x16xf32>,
        %get3A_1209 = vector.shape_cast %get3A_1208 : vector<1x16xf32> to vector<16xf32>
        %mul3A_1210 = arith.mulf %get3A_1209, %broadcast_in_dim3A_1155 : vector<16xf32>
        %swap3A_1211 = arith.index_cast %add3A_1152 : i32 to index
        %swap3A_1212 = arith.constant 80 : index
        %swap3A_1213 = tpu.vector_load %arg15[%swap3A_1211, %swap3A_1212] {strides = array<i32>} : memref<128x128xf32, #tpu.memory_space<vmem>>, vector<1x16xf32>,
        %swap3A_1214 = vector.shape_cast %swap3A_1213 : vector<1x16xf32> to vector<16xf32>
        %swap3A_1215 = vector.shape_cast %mul3A_1210 : vector<16xf32> to vector<1x16xf32>
        tpu.vector_store %arg15[%swap3A_1211, %swap3A_1212], %swap3A_1215 {strides = array<i32>} : memref<128x128xf32, #tpu.memory_space<vmem>>, vector<1x16xf32>,
        %get3A_1216 = arith.index_cast %add3A_1152 : i32 to index
        %get3A_1217 = arith.constant 96 : index
        %get3A_1218 = tpu.vector_load %arg15[%get3A_1216, %get3A_1217] {strides = array<i32>} : memref<128x128xf32, #tpu.memory_space<vmem>>, vector<1x16xf32>,
        %get3A_1219 = vector.shape_cast %get3A_1218 : vector<1x16xf32> to vector<16xf32>
        %mul3A_1220 = arith.mulf %get3A_1219, %broadcast_in_dim3A_1155 : vector<16xf32>
        %swap3A_1221 = arith.index_cast %add3A_1152 : i32 to index
        %swap3A_1222 = arith.constant 96 : index
        %swap3A_1223 = tpu.vector_load %arg15[%swap3A_1221, %swap3A_1222] {strides = array<i32>} : memref<128x128xf32, #tpu.memory_space<vmem>>, vector<1x16xf32>,
        %swap3A_1224 = vector.shape_cast %swap3A_1223 : vector<1x16xf32> to vector<16xf32>
        %swap3A_1225 = vector.shape_cast %mul3A_1220 : vector<16xf32> to vector<1x16xf32>
        tpu.vector_store %arg15[%swap3A_1221, %swap3A_1222], %swap3A_1225 {strides = array<i32>} : memref<128x128xf32, #tpu.memory_space<vmem>>, vector<1x16xf32>,
        %get3A_1226 = arith.index_cast %add3A_1152 : i32 to index
        %get3A_1227 = arith.constant 112 : index
        %get3A_1228 = tpu.vector_load %arg15[%get3A_1226, %get3A_1227] {strides = array<i32>} : memref<128x128xf32, #tpu.memory_space<vmem>>, vector<1x16xf32>,
        %get3A_1229 = vector.shape_cast %get3A_1228 : vector<1x16xf32> to vector<16xf32>
        %mul3A_1230 = arith.mulf %get3A_1229, %broadcast_in_dim3A_1155 : vector<16xf32>
        %swap3A_1231 = arith.index_cast %add3A_1152 : i32 to index
        %swap3A_1232 = arith.constant 112 : index
        %swap3A_1233 = tpu.vector_load %arg15[%swap3A_1231, %swap3A_1232] {strides = array<i32>} : memref<128x128xf32, #tpu.memory_space<vmem>>, vector<1x16xf32>,
        %swap3A_1234 = vector.shape_cast %swap3A_1233 : vector<1x16xf32> to vector<16xf32>
        %swap3A_1235 = vector.shape_cast %mul3A_1230 : vector<16xf32> to vector<1x16xf32>
        tpu.vector_store %arg15[%swap3A_1231, %swap3A_1232], %swap3A_1235 {strides = array<i32>} : memref<128x128xf32, #tpu.memory_space<vmem>>, vector<1x16xf32>,
        %mul3A_1236 = arith.constant 16 : i32
        %mul3A_1237 = arith.muli %scan3A_102, %mul3A_1236 : i32
        %add3A_1238 = arith.constant 13 : i32
        %add3A_1239 = arith.addi %mul3A_1237, %add3A_1238 : i32
        %slice3A_1240 = vector.extract_strided_slice %get3A_107 {offsets = [13], sizes = [1], strides = [1]} : vector<16xf32> to vector<1xf32>
        %squeeze3A_1241 = vector.extract %slice3A_1240[0] : f32 from vector<1xf32>
        %broadcast_in_dim3A_1242 = vector.broadcast %squeeze3A_1241 : f32 to vector<16xf32>
        %get3A_1243 = arith.index_cast %add3A_1239 : i32 to index
        %get3A_1244 = arith.constant 0 : index
        %get3A_1245 = tpu.vector_load %arg15[%get3A_1243, %get3A_1244] {strides = array<i32>} : memref<128x128xf32, #tpu.memory_space<vmem>>, vector<1x16xf32>,
        %get3A_1246 = vector.shape_cast %get3A_1245 : vector<1x16xf32> to vector<16xf32>
        %mul3A_1247 = arith.mulf %get3A_1246, %broadcast_in_dim3A_1242 : vector<16xf32>
        %swap3A_1248 = arith.index_cast %add3A_1239 : i32 to index
        %swap3A_1249 = arith.constant 0 : index
        %swap3A_1250 = tpu.vector_load %arg15[%swap3A_1248, %swap3A_1249] {strides = array<i32>} : memref<128x128xf32, #tpu.memory_space<vmem>>, vector<1x16xf32>,
        %swap3A_1251 = vector.shape_cast %swap3A_1250 : vector<1x16xf32> to vector<16xf32>
        %swap3A_1252 = vector.shape_cast %mul3A_1247 : vector<16xf32> to vector<1x16xf32>
        tpu.vector_store %arg15[%swap3A_1248, %swap3A_1249], %swap3A_1252 {strides = array<i32>} : memref<128x128xf32, #tpu.memory_space<vmem>>, vector<1x16xf32>,
        %get3A_1253 = arith.index_cast %add3A_1239 : i32 to index
        %get3A_1254 = arith.constant 16 : index
        %get3A_1255 = tpu.vector_load %arg15[%get3A_1253, %get3A_1254] {strides = array<i32>} : memref<128x128xf32, #tpu.memory_space<vmem>>, vector<1x16xf32>,
        %get3A_1256 = vector.shape_cast %get3A_1255 : vector<1x16xf32> to vector<16xf32>
        %mul3A_1257 = arith.mulf %get3A_1256, %broadcast_in_dim3A_1242 : vector<16xf32>
        %swap3A_1258 = arith.index_cast %add3A_1239 : i32 to index
        %swap3A_1259 = arith.constant 16 : index
        %swap3A_1260 = tpu.vector_load %arg15[%swap3A_1258, %swap3A_1259] {strides = array<i32>} : memref<128x128xf32, #tpu.memory_space<vmem>>, vector<1x16xf32>,
        %swap3A_1261 = vector.shape_cast %swap3A_1260 : vector<1x16xf32> to vector<16xf32>
        %swap3A_1262 = vector.shape_cast %mul3A_1257 : vector<16xf32> to vector<1x16xf32>
        tpu.vector_store %arg15[%swap3A_1258, %swap3A_1259], %swap3A_1262 {strides = array<i32>} : memref<128x128xf32, #tpu.memory_space<vmem>>, vector<1x16xf32>,
        %get3A_1263 = arith.index_cast %add3A_1239 : i32 to index
        %get3A_1264 = arith.constant 32 : index
        %get3A_1265 = tpu.vector_load %arg15[%get3A_1263, %get3A_1264] {strides = array<i32>} : memref<128x128xf32, #tpu.memory_space<vmem>>, vector<1x16xf32>,
        %get3A_1266 = vector.shape_cast %get3A_1265 : vector<1x16xf32> to vector<16xf32>
        %mul3A_1267 = arith.mulf %get3A_1266, %broadcast_in_dim3A_1242 : vector<16xf32>
        %swap3A_1268 = arith.index_cast %add3A_1239 : i32 to index
        %swap3A_1269 = arith.constant 32 : index
        %swap3A_1270 = tpu.vector_load %arg15[%swap3A_1268, %swap3A_1269] {strides = array<i32>} : memref<128x128xf32, #tpu.memory_space<vmem>>, vector<1x16xf32>,
        %swap3A_1271 = vector.shape_cast %swap3A_1270 : vector<1x16xf32> to vector<16xf32>
        %swap3A_1272 = vector.shape_cast %mul3A_1267 : vector<16xf32> to vector<1x16xf32>
        tpu.vector_store %arg15[%swap3A_1268, %swap3A_1269], %swap3A_1272 {strides = array<i32>} : memref<128x128xf32, #tpu.memory_space<vmem>>, vector<1x16xf32>,
        %get3A_1273 = arith.index_cast %add3A_1239 : i32 to index
        %get3A_1274 = arith.constant 48 : index
        %get3A_1275 = tpu.vector_load %arg15[%get3A_1273, %get3A_1274] {strides = array<i32>} : memref<128x128xf32, #tpu.memory_space<vmem>>, vector<1x16xf32>,
        %get3A_1276 = vector.shape_cast %get3A_1275 : vector<1x16xf32> to vector<16xf32>
        %mul3A_1277 = arith.mulf %get3A_1276, %broadcast_in_dim3A_1242 : vector<16xf32>
        %swap3A_1278 = arith.index_cast %add3A_1239 : i32 to index
        %swap3A_1279 = arith.constant 48 : index
        %swap3A_1280 = tpu.vector_load %arg15[%swap3A_1278, %swap3A_1279] {strides = array<i32>} : memref<128x128xf32, #tpu.memory_space<vmem>>, vector<1x16xf32>,
        %swap3A_1281 = vector.shape_cast %swap3A_1280 : vector<1x16xf32> to vector<16xf32>
        %swap3A_1282 = vector.shape_cast %mul3A_1277 : vector<16xf32> to vector<1x16xf32>
        tpu.vector_store %arg15[%swap3A_1278, %swap3A_1279], %swap3A_1282 {strides = array<i32>} : memref<128x128xf32, #tpu.memory_space<vmem>>, vector<1x16xf32>,
        %get3A_1283 = arith.index_cast %add3A_1239 : i32 to index
        %get3A_1284 = arith.constant 64 : index
        %get3A_1285 = tpu.vector_load %arg15[%get3A_1283, %get3A_1284] {strides = array<i32>} : memref<128x128xf32, #tpu.memory_space<vmem>>, vector<1x16xf32>,
        %get3A_1286 = vector.shape_cast %get3A_1285 : vector<1x16xf32> to vector<16xf32>
        %mul3A_1287 = arith.mulf %get3A_1286, %broadcast_in_dim3A_1242 : vector<16xf32>
        %swap3A_1288 = arith.index_cast %add3A_1239 : i32 to index
        %swap3A_1289 = arith.constant 64 : index
        %swap3A_1290 = tpu.vector_load %arg15[%swap3A_1288, %swap3A_1289] {strides = array<i32>} : memref<128x128xf32, #tpu.memory_space<vmem>>, vector<1x16xf32>,
        %swap3A_1291 = vector.shape_cast %swap3A_1290 : vector<1x16xf32> to vector<16xf32>
        %swap3A_1292 = vector.shape_cast %mul3A_1287 : vector<16xf32> to vector<1x16xf32>
        tpu.vector_store %arg15[%swap3A_1288, %swap3A_1289], %swap3A_1292 {strides = array<i32>} : memref<128x128xf32, #tpu.memory_space<vmem>>, vector<1x16xf32>,
        %get3A_1293 = arith.index_cast %add3A_1239 : i32 to index
        %get3A_1294 = arith.constant 80 : index
        %get3A_1295 = tpu.vector_load %arg15[%get3A_1293, %get3A_1294] {strides = array<i32>} : memref<128x128xf32, #tpu.memory_space<vmem>>, vector<1x16xf32>,
        %get3A_1296 = vector.shape_cast %get3A_1295 : vector<1x16xf32> to vector<16xf32>
        %mul3A_1297 = arith.mulf %get3A_1296, %broadcast_in_dim3A_1242 : vector<16xf32>
        %swap3A_1298 = arith.index_cast %add3A_1239 : i32 to index
        %swap3A_1299 = arith.constant 80 : index
        %swap3A_1300 = tpu.vector_load %arg15[%swap3A_1298, %swap3A_1299] {strides = array<i32>} : memref<128x128xf32, #tpu.memory_space<vmem>>, vector<1x16xf32>,
        %swap3A_1301 = vector.shape_cast %swap3A_1300 : vector<1x16xf32> to vector<16xf32>
        %swap3A_1302 = vector.shape_cast %mul3A_1297 : vector<16xf32> to vector<1x16xf32>
        tpu.vector_store %arg15[%swap3A_1298, %swap3A_1299], %swap3A_1302 {strides = array<i32>} : memref<128x128xf32, #tpu.memory_space<vmem>>, vector<1x16xf32>,
        %get3A_1303 = arith.index_cast %add3A_1239 : i32 to index
        %get3A_1304 = arith.constant 96 : index
        %get3A_1305 = tpu.vector_load %arg15[%get3A_1303, %get3A_1304] {strides = array<i32>} : memref<128x128xf32, #tpu.memory_space<vmem>>, vector<1x16xf32>,
        %get3A_1306 = vector.shape_cast %get3A_1305 : vector<1x16xf32> to vector<16xf32>
        %mul3A_1307 = arith.mulf %get3A_1306, %broadcast_in_dim3A_1242 : vector<16xf32>
        %swap3A_1308 = arith.index_cast %add3A_1239 : i32 to index
        %swap3A_1309 = arith.constant 96 : index
        %swap3A_1310 = tpu.vector_load %arg15[%swap3A_1308, %swap3A_1309] {strides = array<i32>} : memref<128x128xf32, #tpu.memory_space<vmem>>, vector<1x16xf32>,
        %swap3A_1311 = vector.shape_cast %swap3A_1310 : vector<1x16xf32> to vector<16xf32>
        %swap3A_1312 = vector.shape_cast %mul3A_1307 : vector<16xf32> to vector<1x16xf32>
        tpu.vector_store %arg15[%swap3A_1308, %swap3A_1309], %swap3A_1312 {strides = array<i32>} : memref<128x128xf32, #tpu.memory_space<vmem>>, vector<1x16xf32>,
        %get3A_1313 = arith.index_cast %add3A_1239 : i32 to index
        %get3A_1314 = arith.constant 112 : index
        %get3A_1315 = tpu.vector_load %arg15[%get3A_1313, %get3A_1314] {strides = array<i32>} : memref<128x128xf32, #tpu.memory_space<vmem>>, vector<1x16xf32>,
        %get3A_1316 = vector.shape_cast %get3A_1315 : vector<1x16xf32> to vector<16xf32>
        %mul3A_1317 = arith.mulf %get3A_1316, %broadcast_in_dim3A_1242 : vector<16xf32>
        %swap3A_1318 = arith.index_cast %add3A_1239 : i32 to index
        %swap3A_1319 = arith.constant 112 : index
        %swap3A_1320 = tpu.vector_load %arg15[%swap3A_1318, %swap3A_1319] {strides = array<i32>} : memref<128x128xf32, #tpu.memory_space<vmem>>, vector<1x16xf32>,
        %swap3A_1321 = vector.shape_cast %swap3A_1320 : vector<1x16xf32> to vector<16xf32>
        %swap3A_1322 = vector.shape_cast %mul3A_1317 : vector<16xf32> to vector<1x16xf32>
        tpu.vector_store %arg15[%swap3A_1318, %swap3A_1319], %swap3A_1322 {strides = array<i32>} : memref<128x128xf32, #tpu.memory_space<vmem>>, vector<1x16xf32>,
        %mul3A_1323 = arith.constant 16 : i32
        %mul3A_1324 = arith.muli %scan3A_102, %mul3A_1323 : i32
        %add3A_1325 = arith.constant 14 : i32
        %add3A_1326 = arith.addi %mul3A_1324, %add3A_1325 : i32
        %slice3A_1327 = vector.extract_strided_slice %get3A_107 {offsets = [14], sizes = [1], strides = [1]} : vector<16xf32> to vector<1xf32>
        %squeeze3A_1328 = vector.extract %slice3A_1327[0] : f32 from vector<1xf32>
        %broadcast_in_dim3A_1329 = vector.broadcast %squeeze3A_1328 : f32 to vector<16xf32>
        %get3A_1330 = arith.index_cast %add3A_1326 : i32 to index
        %get3A_1331 = arith.constant 0 : index
        %get3A_1332 = tpu.vector_load %arg15[%get3A_1330, %get3A_1331] {strides = array<i32>} : memref<128x128xf32, #tpu.memory_space<vmem>>, vector<1x16xf32>,
        %get3A_1333 = vector.shape_cast %get3A_1332 : vector<1x16xf32> to vector<16xf32>
        %mul3A_1334 = arith.mulf %get3A_1333, %broadcast_in_dim3A_1329 : vector<16xf32>
        %swap3A_1335 = arith.index_cast %add3A_1326 : i32 to index
        %swap3A_1336 = arith.constant 0 : index
        %swap3A_1337 = tpu.vector_load %arg15[%swap3A_1335, %swap3A_1336] {strides = array<i32>} : memref<128x128xf32, #tpu.memory_space<vmem>>, vector<1x16xf32>,
        %swap3A_1338 = vector.shape_cast %swap3A_1337 : vector<1x16xf32> to vector<16xf32>
        %swap3A_1339 = vector.shape_cast %mul3A_1334 : vector<16xf32> to vector<1x16xf32>
        tpu.vector_store %arg15[%swap3A_1335, %swap3A_1336], %swap3A_1339 {strides = array<i32>} : memref<128x128xf32, #tpu.memory_space<vmem>>, vector<1x16xf32>,
        %get3A_1340 = arith.index_cast %add3A_1326 : i32 to index
        %get3A_1341 = arith.constant 16 : index
        %get3A_1342 = tpu.vector_load %arg15[%get3A_1340, %get3A_1341] {strides = array<i32>} : memref<128x128xf32, #tpu.memory_space<vmem>>, vector<1x16xf32>,
        %get3A_1343 = vector.shape_cast %get3A_1342 : vector<1x16xf32> to vector<16xf32>
        %mul3A_1344 = arith.mulf %get3A_1343, %broadcast_in_dim3A_1329 : vector<16xf32>
        %swap3A_1345 = arith.index_cast %add3A_1326 : i32 to index
        %swap3A_1346 = arith.constant 16 : index
        %swap3A_1347 = tpu.vector_load %arg15[%swap3A_1345, %swap3A_1346] {strides = array<i32>} : memref<128x128xf32, #tpu.memory_space<vmem>>, vector<1x16xf32>,
        %swap3A_1348 = vector.shape_cast %swap3A_1347 : vector<1x16xf32> to vector<16xf32>
        %swap3A_1349 = vector.shape_cast %mul3A_1344 : vector<16xf32> to vector<1x16xf32>
        tpu.vector_store %arg15[%swap3A_1345, %swap3A_1346], %swap3A_1349 {strides = array<i32>} : memref<128x128xf32, #tpu.memory_space<vmem>>, vector<1x16xf32>,
        %get3A_1350 = arith.index_cast %add3A_1326 : i32 to index
        %get3A_1351 = arith.constant 32 : index
        %get3A_1352 = tpu.vector_load %arg15[%get3A_1350, %get3A_1351] {strides = array<i32>} : memref<128x128xf32, #tpu.memory_space<vmem>>, vector<1x16xf32>,
        %get3A_1353 = vector.shape_cast %get3A_1352 : vector<1x16xf32> to vector<16xf32>
        %mul3A_1354 = arith.mulf %get3A_1353, %broadcast_in_dim3A_1329 : vector<16xf32>
        %swap3A_1355 = arith.index_cast %add3A_1326 : i32 to index
        %swap3A_1356 = arith.constant 32 : index
        %swap3A_1357 = tpu.vector_load %arg15[%swap3A_1355, %swap3A_1356] {strides = array<i32>} : memref<128x128xf32, #tpu.memory_space<vmem>>, vector<1x16xf32>,
        %swap3A_1358 = vector.shape_cast %swap3A_1357 : vector<1x16xf32> to vector<16xf32>
        %swap3A_1359 = vector.shape_cast %mul3A_1354 : vector<16xf32> to vector<1x16xf32>
        tpu.vector_store %arg15[%swap3A_1355, %swap3A_1356], %swap3A_1359 {strides = array<i32>} : memref<128x128xf32, #tpu.memory_space<vmem>>, vector<1x16xf32>,
        %get3A_1360 = arith.index_cast %add3A_1326 : i32 to index
        %get3A_1361 = arith.constant 48 : index
        %get3A_1362 = tpu.vector_load %arg15[%get3A_1360, %get3A_1361] {strides = array<i32>} : memref<128x128xf32, #tpu.memory_space<vmem>>, vector<1x16xf32>,
        %get3A_1363 = vector.shape_cast %get3A_1362 : vector<1x16xf32> to vector<16xf32>
        %mul3A_1364 = arith.mulf %get3A_1363, %broadcast_in_dim3A_1329 : vector<16xf32>
        %swap3A_1365 = arith.index_cast %add3A_1326 : i32 to index
        %swap3A_1366 = arith.constant 48 : index
        %swap3A_1367 = tpu.vector_load %arg15[%swap3A_1365, %swap3A_1366] {strides = array<i32>} : memref<128x128xf32, #tpu.memory_space<vmem>>, vector<1x16xf32>,
        %swap3A_1368 = vector.shape_cast %swap3A_1367 : vector<1x16xf32> to vector<16xf32>
        %swap3A_1369 = vector.shape_cast %mul3A_1364 : vector<16xf32> to vector<1x16xf32>
        tpu.vector_store %arg15[%swap3A_1365, %swap3A_1366], %swap3A_1369 {strides = array<i32>} : memref<128x128xf32, #tpu.memory_space<vmem>>, vector<1x16xf32>,
        %get3A_1370 = arith.index_cast %add3A_1326 : i32 to index
        %get3A_1371 = arith.constant 64 : index
        %get3A_1372 = tpu.vector_load %arg15[%get3A_1370, %get3A_1371] {strides = array<i32>} : memref<128x128xf32, #tpu.memory_space<vmem>>, vector<1x16xf32>,
        %get3A_1373 = vector.shape_cast %get3A_1372 : vector<1x16xf32> to vector<16xf32>
        %mul3A_1374 = arith.mulf %get3A_1373, %broadcast_in_dim3A_1329 : vector<16xf32>
        %swap3A_1375 = arith.index_cast %add3A_1326 : i32 to index
        %swap3A_1376 = arith.constant 64 : index
        %swap3A_1377 = tpu.vector_load %arg15[%swap3A_1375, %swap3A_1376] {strides = array<i32>} : memref<128x128xf32, #tpu.memory_space<vmem>>, vector<1x16xf32>,
        %swap3A_1378 = vector.shape_cast %swap3A_1377 : vector<1x16xf32> to vector<16xf32>
        %swap3A_1379 = vector.shape_cast %mul3A_1374 : vector<16xf32> to vector<1x16xf32>
        tpu.vector_store %arg15[%swap3A_1375, %swap3A_1376], %swap3A_1379 {strides = array<i32>} : memref<128x128xf32, #tpu.memory_space<vmem>>, vector<1x16xf32>,
        %get3A_1380 = arith.index_cast %add3A_1326 : i32 to index
        %get3A_1381 = arith.constant 80 : index
        %get3A_1382 = tpu.vector_load %arg15[%get3A_1380, %get3A_1381] {strides = array<i32>} : memref<128x128xf32, #tpu.memory_space<vmem>>, vector<1x16xf32>,
        %get3A_1383 = vector.shape_cast %get3A_1382 : vector<1x16xf32> to vector<16xf32>
        %mul3A_1384 = arith.mulf %get3A_1383, %broadcast_in_dim3A_1329 : vector<16xf32>
        %swap3A_1385 = arith.index_cast %add3A_1326 : i32 to index
        %swap3A_1386 = arith.constant 80 : index
        %swap3A_1387 = tpu.vector_load %arg15[%swap3A_1385, %swap3A_1386] {strides = array<i32>} : memref<128x128xf32, #tpu.memory_space<vmem>>, vector<1x16xf32>,
        %swap3A_1388 = vector.shape_cast %swap3A_1387 : vector<1x16xf32> to vector<16xf32>
        %swap3A_1389 = vector.shape_cast %mul3A_1384 : vector<16xf32> to vector<1x16xf32>
        tpu.vector_store %arg15[%swap3A_1385, %swap3A_1386], %swap3A_1389 {strides = array<i32>} : memref<128x128xf32, #tpu.memory_space<vmem>>, vector<1x16xf32>,
        %get3A_1390 = arith.index_cast %add3A_1326 : i32 to index
        %get3A_1391 = arith.constant 96 : index
        %get3A_1392 = tpu.vector_load %arg15[%get3A_1390, %get3A_1391] {strides = array<i32>} : memref<128x128xf32, #tpu.memory_space<vmem>>, vector<1x16xf32>,
        %get3A_1393 = vector.shape_cast %get3A_1392 : vector<1x16xf32> to vector<16xf32>
        %mul3A_1394 = arith.mulf %get3A_1393, %broadcast_in_dim3A_1329 : vector<16xf32>
        %swap3A_1395 = arith.index_cast %add3A_1326 : i32 to index
        %swap3A_1396 = arith.constant 96 : index
        %swap3A_1397 = tpu.vector_load %arg15[%swap3A_1395, %swap3A_1396] {strides = array<i32>} : memref<128x128xf32, #tpu.memory_space<vmem>>, vector<1x16xf32>,
        %swap3A_1398 = vector.shape_cast %swap3A_1397 : vector<1x16xf32> to vector<16xf32>
        %swap3A_1399 = vector.shape_cast %mul3A_1394 : vector<16xf32> to vector<1x16xf32>
        tpu.vector_store %arg15[%swap3A_1395, %swap3A_1396], %swap3A_1399 {strides = array<i32>} : memref<128x128xf32, #tpu.memory_space<vmem>>, vector<1x16xf32>,
        %get3A_1400 = arith.index_cast %add3A_1326 : i32 to index
        %get3A_1401 = arith.constant 112 : index
        %get3A_1402 = tpu.vector_load %arg15[%get3A_1400, %get3A_1401] {strides = array<i32>} : memref<128x128xf32, #tpu.memory_space<vmem>>, vector<1x16xf32>,
        %get3A_1403 = vector.shape_cast %get3A_1402 : vector<1x16xf32> to vector<16xf32>
        %mul3A_1404 = arith.mulf %get3A_1403, %broadcast_in_dim3A_1329 : vector<16xf32>
        %swap3A_1405 = arith.index_cast %add3A_1326 : i32 to index
        %swap3A_1406 = arith.constant 112 : index
        %swap3A_1407 = tpu.vector_load %arg15[%swap3A_1405, %swap3A_1406] {strides = array<i32>} : memref<128x128xf32, #tpu.memory_space<vmem>>, vector<1x16xf32>,
        %swap3A_1408 = vector.shape_cast %swap3A_1407 : vector<1x16xf32> to vector<16xf32>
        %swap3A_1409 = vector.shape_cast %mul3A_1404 : vector<16xf32> to vector<1x16xf32>
        tpu.vector_store %arg15[%swap3A_1405, %swap3A_1406], %swap3A_1409 {strides = array<i32>} : memref<128x128xf32, #tpu.memory_space<vmem>>, vector<1x16xf32>,
        %mul3A_1410 = arith.constant 16 : i32
        %mul3A_1411 = arith.muli %scan3A_102, %mul3A_1410 : i32
        %add3A_1412 = arith.constant 15 : i32
        %add3A_1413 = arith.addi %mul3A_1411, %add3A_1412 : i32
        %slice3A_1414 = vector.extract_strided_slice %get3A_107 {offsets = [15], sizes = [1], strides = [1]} : vector<16xf32> to vector<1xf32>
        %squeeze3A_1415 = vector.extract %slice3A_1414[0] : f32 from vector<1xf32>
        %broadcast_in_dim3A_1416 = vector.broadcast %squeeze3A_1415 : f32 to vector<16xf32>
        %get3A_1417 = arith.index_cast %add3A_1413 : i32 to index
        %get3A_1418 = arith.constant 0 : index
        %get3A_1419 = tpu.vector_load %arg15[%get3A_1417, %get3A_1418] {strides = array<i32>} : memref<128x128xf32, #tpu.memory_space<vmem>>, vector<1x16xf32>,
        %get3A_1420 = vector.shape_cast %get3A_1419 : vector<1x16xf32> to vector<16xf32>
        %mul3A_1421 = arith.mulf %get3A_1420, %broadcast_in_dim3A_1416 : vector<16xf32>
        %swap3A_1422 = arith.index_cast %add3A_1413 : i32 to index
        %swap3A_1423 = arith.constant 0 : index
        %swap3A_1424 = tpu.vector_load %arg15[%swap3A_1422, %swap3A_1423] {strides = array<i32>} : memref<128x128xf32, #tpu.memory_space<vmem>>, vector<1x16xf32>,
        %swap3A_1425 = vector.shape_cast %swap3A_1424 : vector<1x16xf32> to vector<16xf32>
        %swap3A_1426 = vector.shape_cast %mul3A_1421 : vector<16xf32> to vector<1x16xf32>
        tpu.vector_store %arg15[%swap3A_1422, %swap3A_1423], %swap3A_1426 {strides = array<i32>} : memref<128x128xf32, #tpu.memory_space<vmem>>, vector<1x16xf32>,
        %get3A_1427 = arith.index_cast %add3A_1413 : i32 to index
        %get3A_1428 = arith.constant 16 : index
        %get3A_1429 = tpu.vector_load %arg15[%get3A_1427, %get3A_1428] {strides = array<i32>} : memref<128x128xf32, #tpu.memory_space<vmem>>, vector<1x16xf32>,
        %get3A_1430 = vector.shape_cast %get3A_1429 : vector<1x16xf32> to vector<16xf32>
        %mul3A_1431 = arith.mulf %get3A_1430, %broadcast_in_dim3A_1416 : vector<16xf32>
        %swap3A_1432 = arith.index_cast %add3A_1413 : i32 to index
        %swap3A_1433 = arith.constant 16 : index
        %swap3A_1434 = tpu.vector_load %arg15[%swap3A_1432, %swap3A_1433] {strides = array<i32>} : memref<128x128xf32, #tpu.memory_space<vmem>>, vector<1x16xf32>,
        %swap3A_1435 = vector.shape_cast %swap3A_1434 : vector<1x16xf32> to vector<16xf32>
        %swap3A_1436 = vector.shape_cast %mul3A_1431 : vector<16xf32> to vector<1x16xf32>
        tpu.vector_store %arg15[%swap3A_1432, %swap3A_1433], %swap3A_1436 {strides = array<i32>} : memref<128x128xf32, #tpu.memory_space<vmem>>, vector<1x16xf32>,
        %get3A_1437 = arith.index_cast %add3A_1413 : i32 to index
        %get3A_1438 = arith.constant 32 : index
        %get3A_1439 = tpu.vector_load %arg15[%get3A_1437, %get3A_1438] {strides = array<i32>} : memref<128x128xf32, #tpu.memory_space<vmem>>, vector<1x16xf32>,
        %get3A_1440 = vector.shape_cast %get3A_1439 : vector<1x16xf32> to vector<16xf32>
        %mul3A_1441 = arith.mulf %get3A_1440, %broadcast_in_dim3A_1416 : vector<16xf32>
        %swap3A_1442 = arith.index_cast %add3A_1413 : i32 to index
        %swap3A_1443 = arith.constant 32 : index
        %swap3A_1444 = tpu.vector_load %arg15[%swap3A_1442, %swap3A_1443] {strides = array<i32>} : memref<128x128xf32, #tpu.memory_space<vmem>>, vector<1x16xf32>,
        %swap3A_1445 = vector.shape_cast %swap3A_1444 : vector<1x16xf32> to vector<16xf32>
        %swap3A_1446 = vector.shape_cast %mul3A_1441 : vector<16xf32> to vector<1x16xf32>
        tpu.vector_store %arg15[%swap3A_1442, %swap3A_1443], %swap3A_1446 {strides = array<i32>} : memref<128x128xf32, #tpu.memory_space<vmem>>, vector<1x16xf32>,
        %get3A_1447 = arith.index_cast %add3A_1413 : i32 to index
        %get3A_1448 = arith.constant 48 : index
        %get3A_1449 = tpu.vector_load %arg15[%get3A_1447, %get3A_1448] {strides = array<i32>} : memref<128x128xf32, #tpu.memory_space<vmem>>, vector<1x16xf32>,
        %get3A_1450 = vector.shape_cast %get3A_1449 : vector<1x16xf32> to vector<16xf32>
        %mul3A_1451 = arith.mulf %get3A_1450, %broadcast_in_dim3A_1416 : vector<16xf32>
        %swap3A_1452 = arith.index_cast %add3A_1413 : i32 to index
        %swap3A_1453 = arith.constant 48 : index
        %swap3A_1454 = tpu.vector_load %arg15[%swap3A_1452, %swap3A_1453] {strides = array<i32>} : memref<128x128xf32, #tpu.memory_space<vmem>>, vector<1x16xf32>,
        %swap3A_1455 = vector.shape_cast %swap3A_1454 : vector<1x16xf32> to vector<16xf32>
        %swap3A_1456 = vector.shape_cast %mul3A_1451 : vector<16xf32> to vector<1x16xf32>
        tpu.vector_store %arg15[%swap3A_1452, %swap3A_1453], %swap3A_1456 {strides = array<i32>} : memref<128x128xf32, #tpu.memory_space<vmem>>, vector<1x16xf32>,
        %get3A_1457 = arith.index_cast %add3A_1413 : i32 to index
        %get3A_1458 = arith.constant 64 : index
        %get3A_1459 = tpu.vector_load %arg15[%get3A_1457, %get3A_1458] {strides = array<i32>} : memref<128x128xf32, #tpu.memory_space<vmem>>, vector<1x16xf32>,
        %get3A_1460 = vector.shape_cast %get3A_1459 : vector<1x16xf32> to vector<16xf32>
        %mul3A_1461 = arith.mulf %get3A_1460, %broadcast_in_dim3A_1416 : vector<16xf32>
        %swap3A_1462 = arith.index_cast %add3A_1413 : i32 to index
        %swap3A_1463 = arith.constant 64 : index
        %swap3A_1464 = tpu.vector_load %arg15[%swap3A_1462, %swap3A_1463] {strides = array<i32>} : memref<128x128xf32, #tpu.memory_space<vmem>>, vector<1x16xf32>,
        %swap3A_1465 = vector.shape_cast %swap3A_1464 : vector<1x16xf32> to vector<16xf32>
        %swap3A_1466 = vector.shape_cast %mul3A_1461 : vector<16xf32> to vector<1x16xf32>
        tpu.vector_store %arg15[%swap3A_1462, %swap3A_1463], %swap3A_1466 {strides = array<i32>} : memref<128x128xf32, #tpu.memory_space<vmem>>, vector<1x16xf32>,
        %get3A_1467 = arith.index_cast %add3A_1413 : i32 to index
        %get3A_1468 = arith.constant 80 : index
        %get3A_1469 = tpu.vector_load %arg15[%get3A_1467, %get3A_1468] {strides = array<i32>} : memref<128x128xf32, #tpu.memory_space<vmem>>, vector<1x16xf32>,
        %get3A_1470 = vector.shape_cast %get3A_1469 : vector<1x16xf32> to vector<16xf32>
        %mul3A_1471 = arith.mulf %get3A_1470, %broadcast_in_dim3A_1416 : vector<16xf32>
        %swap3A_1472 = arith.index_cast %add3A_1413 : i32 to index
        %swap3A_1473 = arith.constant 80 : index
        %swap3A_1474 = tpu.vector_load %arg15[%swap3A_1472, %swap3A_1473] {strides = array<i32>} : memref<128x128xf32, #tpu.memory_space<vmem>>, vector<1x16xf32>,
        %swap3A_1475 = vector.shape_cast %swap3A_1474 : vector<1x16xf32> to vector<16xf32>
        %swap3A_1476 = vector.shape_cast %mul3A_1471 : vector<16xf32> to vector<1x16xf32>
        tpu.vector_store %arg15[%swap3A_1472, %swap3A_1473], %swap3A_1476 {strides = array<i32>} : memref<128x128xf32, #tpu.memory_space<vmem>>, vector<1x16xf32>,
        %get3A_1477 = arith.index_cast %add3A_1413 : i32 to index
        %get3A_1478 = arith.constant 96 : index
        %get3A_1479 = tpu.vector_load %arg15[%get3A_1477, %get3A_1478] {strides = array<i32>} : memref<128x128xf32, #tpu.memory_space<vmem>>, vector<1x16xf32>,
        %get3A_1480 = vector.shape_cast %get3A_1479 : vector<1x16xf32> to vector<16xf32>
        %mul3A_1481 = arith.mulf %get3A_1480, %broadcast_in_dim3A_1416 : vector<16xf32>
        %swap3A_1482 = arith.index_cast %add3A_1413 : i32 to index
        %swap3A_1483 = arith.constant 96 : index
        %swap3A_1484 = tpu.vector_load %arg15[%swap3A_1482, %swap3A_1483] {strides = array<i32>} : memref<128x128xf32, #tpu.memory_space<vmem>>, vector<1x16xf32>,
        %swap3A_1485 = vector.shape_cast %swap3A_1484 : vector<1x16xf32> to vector<16xf32>
        %swap3A_1486 = vector.shape_cast %mul3A_1481 : vector<16xf32> to vector<1x16xf32>
        tpu.vector_store %arg15[%swap3A_1482, %swap3A_1483], %swap3A_1486 {strides = array<i32>} : memref<128x128xf32, #tpu.memory_space<vmem>>, vector<1x16xf32>,
        %get3A_1487 = arith.index_cast %add3A_1413 : i32 to index
        %get3A_1488 = arith.constant 112 : index
        %get3A_1489 = tpu.vector_load %arg15[%get3A_1487, %get3A_1488] {strides = array<i32>} : memref<128x128xf32, #tpu.memory_space<vmem>>, vector<1x16xf32>,
        %get3A_1490 = vector.shape_cast %get3A_1489 : vector<1x16xf32> to vector<16xf32>
        %mul3A_1491 = arith.mulf %get3A_1490, %broadcast_in_dim3A_1416 : vector<16xf32>
        %swap3A_1492 = arith.index_cast %add3A_1413 : i32 to index
        %swap3A_1493 = arith.constant 112 : index
        %swap3A_1494 = tpu.vector_load %arg15[%swap3A_1492, %swap3A_1493] {strides = array<i32>} : memref<128x128xf32, #tpu.memory_space<vmem>>, vector<1x16xf32>,
        %swap3A_1495 = vector.shape_cast %swap3A_1494 : vector<1x16xf32> to vector<16xf32>
        %swap3A_1496 = vector.shape_cast %mul3A_1491 : vector<16xf32> to vector<1x16xf32>
        tpu.vector_store %arg15[%swap3A_1492, %swap3A_1493], %swap3A_1496 {strides = array<i32>} : memref<128x128xf32, #tpu.memory_space<vmem>>, vector<1x16xf32>,
        %scan3A_1497 = arith.constant 0 : i32
        scf.yield %scan3A_1497 : i32
      }
      %scan3A_100 = arith.constant 8 : i32
      "tpu.region"() ({
        %run_scoped3A = tpu.sem_alloc : memref<!tpu.dma_semaphore, #tpu.memory_space<semaphore_mem>>
        %dma_start3A_102 = arith.constant 0 : i32
        %dma_start3A_103 = arith.constant 0 : i32
        %dma_start3A_104 = tpu.memref_slice %arg16[%dma_start3A_102, %dma_start3A_103] : memref<10240x128xf32, #tpu.memory_space<vmem_shared>> -> memref<10240x128xf32, #tpu.memory_space<vmem_shared>>
        tpu.enqueue_indirect_dma source(%arg15 : memref<128x128xf32, #tpu.memory_space<vmem>>) target(%dma_start3A_104 : memref<10240x128xf32, #tpu.memory_space<vmem_shared>>) offsets(%arg10 : memref<128xi32, #tpu.memory_space<vmem>>) semaphore(%run_scoped3A : memref<!tpu.dma_semaphore, #tpu.memory_space<semaphore_mem>>) {add = true}
        %dma_wait3A_105 = arith.constant 0 : i32
        %dma_wait3A_106 = arith.constant 0 : i32
        %dma_wait3A_107 = tpu.memref_slice %arg16[%dma_wait3A_105, %dma_wait3A_106] : memref<10240x128xf32, #tpu.memory_space<vmem_shared>> -> memref<10240x128xf32, #tpu.memory_space<vmem_shared>>
        tpu.wait_indirect_dma semaphore(%run_scoped3A : memref<!tpu.dma_semaphore, #tpu.memory_space<semaphore_mem>>) src(%arg15 : memref<128x128xf32, #tpu.memory_space<vmem>>) dst(%dma_wait3A_107 : memref<10240x128xf32, #tpu.memory_space<vmem_shared>>)
        tpu.yield
      }) : () -> ()
      %scan3A_101 = arith.constant 0 : i32
      scf.yield %scan3A_101 : i32
    }
    %scan3A_33 = arith.constant 132 : i32
    %barrier3A_34 = arith.constant 0 : index
    tpu.barrier barrier_id(%barrier3A_34)
    %mul3A_35 = arith.constant 640 : i32
    %mul3A_36 = arith.muli %arg1, %mul3A_35 : i32
    %add3A_37 = arith.constant 0 : i32
    %add3A_38 = arith.addi %mul3A_36, %add3A_37 : i32
    "tpu.region"() ({
      %run_scoped3A = tpu.sem_alloc : memref<!tpu.dma_semaphore, #tpu.memory_space<semaphore_mem>>
      %dma_start3A = arith.constant 0 : i32
      %dma_start3A_55 = tpu.memref_slice %arg7[%arg0, %add3A_38, %dma_start3A] : memref<2x10240x128xf32, #tpu.memory_space<hbm>> -> memref<1x128x128xf32, #tpu.memory_space<hbm>>
      %dma_start3A_56 = tpu.memref_squeeze %dma_start3A_55 : memref<1x128x128xf32, #tpu.memory_space<hbm>> -> memref<128x128xf32, #tpu.memory_space<hbm>>
      %dma_start3A_57 = arith.constant 0 : i32
      %dma_start3A_58 = tpu.memref_slice %arg16[%add3A_38, %dma_start3A_57] : memref<10240x128xf32, #tpu.memory_space<vmem_shared>> -> memref<128x128xf32, #tpu.memory_space<vmem_shared>>
      tpu.enqueue_dma source(%dma_start3A_58 : memref<128x128xf32, #tpu.memory_space<vmem_shared>>) target(%dma_start3A_56 : memref<128x128xf32, #tpu.memory_space<hbm>>) target_semaphore(%run_scoped3A : memref<!tpu.dma_semaphore, #tpu.memory_space<semaphore_mem>>)
      %dma_wait3A = arith.constant 0 : i32
      %dma_wait3A_59 = tpu.memref_slice %arg7[%arg0, %add3A_38, %dma_wait3A] : memref<2x10240x128xf32, #tpu.memory_space<hbm>> -> memref<1x128x128xf32, #tpu.memory_space<hbm>>
      %dma_wait3A_60 = tpu.memref_squeeze %dma_wait3A_59 : memref<1x128x128xf32, #tpu.memory_space<hbm>> -> memref<128x128xf32, #tpu.memory_space<hbm>>
      %dma_wait3A_61 = arith.constant 0 : i32
      %dma_wait3A_62 = tpu.memref_slice %arg16[%add3A_38, %dma_wait3A_61] : memref<10240x128xf32, #tpu.memory_space<vmem_shared>> -> memref<128x128xf32, #tpu.memory_space<vmem_shared>>
      tpu.wait_dma2 semaphore(%run_scoped3A : memref<!tpu.dma_semaphore, #tpu.memory_space<semaphore_mem>>) src(%dma_wait3A_62 : memref<128x128xf32, #tpu.memory_space<vmem_shared>>) dst(%dma_wait3A_60 : memref<128x128xf32, #tpu.memory_space<hbm>>)
      tpu.yield
    }) : () -> ()
    %mul3A_39 = arith.constant 640 : i32
    %mul3A_40 = arith.muli %arg1, %mul3A_39 : i32
    %add3A_41 = arith.constant 128 : i32
    %add3A_42 = arith.addi %mul3A_40, %add3A_41 : i32
    "tpu.region"() ({
      %run_scoped3A = tpu.sem_alloc : memref<!tpu.dma_semaphore, #tpu.memory_space<semaphore_mem>>
      %dma_start3A = arith.constant 0 : i32
      %dma_start3A_55 = tpu.memref_slice %arg7[%arg0, %add3A_42, %dma_start3A] : memref<2x10240x128xf32, #tpu.memory_space<hbm>> -> memref<1x128x128xf32, #tpu.memory_space<hbm>>
      %dma_start3A_56 = tpu.memref_squeeze %dma_start3A_55 : memref<1x128x128xf32, #tpu.memory_space<hbm>> -> memref<128x128xf32, #tpu.memory_space<hbm>>
      %dma_start3A_57 = arith.constant 0 : i32
      %dma_start3A_58 = tpu.memref_slice %arg16[%add3A_42, %dma_start3A_57] : memref<10240x128xf32, #tpu.memory_space<vmem_shared>> -> memref<128x128xf32, #tpu.memory_space<vmem_shared>>
      tpu.enqueue_dma source(%dma_start3A_58 : memref<128x128xf32, #tpu.memory_space<vmem_shared>>) target(%dma_start3A_56 : memref<128x128xf32, #tpu.memory_space<hbm>>) target_semaphore(%run_scoped3A : memref<!tpu.dma_semaphore, #tpu.memory_space<semaphore_mem>>)
      %dma_wait3A = arith.constant 0 : i32
      %dma_wait3A_59 = tpu.memref_slice %arg7[%arg0, %add3A_42, %dma_wait3A] : memref<2x10240x128xf32, #tpu.memory_space<hbm>> -> memref<1x128x128xf32, #tpu.memory_space<hbm>>
      %dma_wait3A_60 = tpu.memref_squeeze %dma_wait3A_59 : memref<1x128x128xf32, #tpu.memory_space<hbm>> -> memref<128x128xf32, #tpu.memory_space<hbm>>
      %dma_wait3A_61 = arith.constant 0 : i32
      %dma_wait3A_62 = tpu.memref_slice %arg16[%add3A_42, %dma_wait3A_61] : memref<10240x128xf32, #tpu.memory_space<vmem_shared>> -> memref<128x128xf32, #tpu.memory_space<vmem_shared>>
      tpu.wait_dma2 semaphore(%run_scoped3A : memref<!tpu.dma_semaphore, #tpu.memory_space<semaphore_mem>>) src(%dma_wait3A_62 : memref<128x128xf32, #tpu.memory_space<vmem_shared>>) dst(%dma_wait3A_60 : memref<128x128xf32, #tpu.memory_space<hbm>>)
      tpu.yield
    }) : () -> ()
    %mul3A_43 = arith.constant 640 : i32
    %mul3A_44 = arith.muli %arg1, %mul3A_43 : i32
    %add3A_45 = arith.constant 256 : i32
    %add3A_46 = arith.addi %mul3A_44, %add3A_45 : i32
    "tpu.region"() ({
      %run_scoped3A = tpu.sem_alloc : memref<!tpu.dma_semaphore, #tpu.memory_space<semaphore_mem>>
      %dma_start3A = arith.constant 0 : i32
      %dma_start3A_55 = tpu.memref_slice %arg7[%arg0, %add3A_46, %dma_start3A] : memref<2x10240x128xf32, #tpu.memory_space<hbm>> -> memref<1x128x128xf32, #tpu.memory_space<hbm>>
      %dma_start3A_56 = tpu.memref_squeeze %dma_start3A_55 : memref<1x128x128xf32, #tpu.memory_space<hbm>> -> memref<128x128xf32, #tpu.memory_space<hbm>>
      %dma_start3A_57 = arith.constant 0 : i32
      %dma_start3A_58 = tpu.memref_slice %arg16[%add3A_46, %dma_start3A_57] : memref<10240x128xf32, #tpu.memory_space<vmem_shared>> -> memref<128x128xf32, #tpu.memory_space<vmem_shared>>
      tpu.enqueue_dma source(%dma_start3A_58 : memref<128x128xf32, #tpu.memory_space<vmem_shared>>) target(%dma_start3A_56 : memref<128x128xf32, #tpu.memory_space<hbm>>) target_semaphore(%run_scoped3A : memref<!tpu.dma_semaphore, #tpu.memory_space<semaphore_mem>>)
      %dma_wait3A = arith.constant 0 : i32
      %dma_wait3A_59 = tpu.memref_slice %arg7[%arg0, %add3A_46, %dma_wait3A] : memref<2x10240x128xf32, #tpu.memory_space<hbm>> -> memref<1x128x128xf32, #tpu.memory_space<hbm>>
      %dma_wait3A_60 = tpu.memref_squeeze %dma_wait3A_59 : memref<1x128x128xf32, #tpu.memory_space<hbm>> -> memref<128x128xf32, #tpu.memory_space<hbm>>
      %dma_wait3A_61 = arith.constant 0 : i32
      %dma_wait3A_62 = tpu.memref_slice %arg16[%add3A_46, %dma_wait3A_61] : memref<10240x128xf32, #tpu.memory_space<vmem_shared>> -> memref<128x128xf32, #tpu.memory_space<vmem_shared>>
      tpu.wait_dma2 semaphore(%run_scoped3A : memref<!tpu.dma_semaphore, #tpu.memory_space<semaphore_mem>>) src(%dma_wait3A_62 : memref<128x128xf32, #tpu.memory_space<vmem_shared>>) dst(%dma_wait3A_60 : memref<128x128xf32, #tpu.memory_space<hbm>>)
      tpu.yield
    }) : () -> ()
    %mul3A_47 = arith.constant 640 : i32
    %mul3A_48 = arith.muli %arg1, %mul3A_47 : i32
    %add3A_49 = arith.constant 384 : i32
    %add3A_50 = arith.addi %mul3A_48, %add3A_49 : i32
    "tpu.region"() ({
      %run_scoped3A = tpu.sem_alloc : memref<!tpu.dma_semaphore, #tpu.memory_space<semaphore_mem>>
      %dma_start3A = arith.constant 0 : i32
      %dma_start3A_55 = tpu.memref_slice %arg7[%arg0, %add3A_50, %dma_start3A] : memref<2x10240x128xf32, #tpu.memory_space<hbm>> -> memref<1x128x128xf32, #tpu.memory_space<hbm>>
      %dma_start3A_56 = tpu.memref_squeeze %dma_start3A_55 : memref<1x128x128xf32, #tpu.memory_space<hbm>> -> memref<128x128xf32, #tpu.memory_space<hbm>>
      %dma_start3A_57 = arith.constant 0 : i32
      %dma_start3A_58 = tpu.memref_slice %arg16[%add3A_50, %dma_start3A_57] : memref<10240x128xf32, #tpu.memory_space<vmem_shared>> -> memref<128x128xf32, #tpu.memory_space<vmem_shared>>
      tpu.enqueue_dma source(%dma_start3A_58 : memref<128x128xf32, #tpu.memory_space<vmem_shared>>) target(%dma_start3A_56 : memref<128x128xf32, #tpu.memory_space<hbm>>) target_semaphore(%run_scoped3A : memref<!tpu.dma_semaphore, #tpu.memory_space<semaphore_mem>>)
      %dma_wait3A = arith.constant 0 : i32
      %dma_wait3A_59 = tpu.memref_slice %arg7[%arg0, %add3A_50, %dma_wait3A] : memref<2x10240x128xf32, #tpu.memory_space<hbm>> -> memref<1x128x128xf32, #tpu.memory_space<hbm>>
      %dma_wait3A_60 = tpu.memref_squeeze %dma_wait3A_59 : memref<1x128x128xf32, #tpu.memory_space<hbm>> -> memref<128x128xf32, #tpu.memory_space<hbm>>
      %dma_wait3A_61 = arith.constant 0 : i32
      %dma_wait3A_62 = tpu.memref_slice %arg16[%add3A_50, %dma_wait3A_61] : memref<10240x128xf32, #tpu.memory_space<vmem_shared>> -> memref<128x128xf32, #tpu.memory_space<vmem_shared>>
      tpu.wait_dma2 semaphore(%run_scoped3A : memref<!tpu.dma_semaphore, #tpu.memory_space<semaphore_mem>>) src(%dma_wait3A_62 : memref<128x128xf32, #tpu.memory_space<vmem_shared>>) dst(%dma_wait3A_60 : memref<128x128xf32, #tpu.memory_space<hbm>>)
      tpu.yield
    }) : () -> ()
    %mul3A_51 = arith.constant 640 : i32
    %mul3A_52 = arith.muli %arg1, %mul3A_51 : i32
    %add3A_53 = arith.constant 512 : i32
    %add3A_54 = arith.addi %mul3A_52, %add3A_53 : i32
    "tpu.region"() ({
      %run_scoped3A = tpu.sem_alloc : memref<!tpu.dma_semaphore, #tpu.memory_space<semaphore_mem>>
      %dma_start3A = arith.constant 0 : i32
      %dma_start3A_55 = tpu.memref_slice %arg7[%arg0, %add3A_54, %dma_start3A] : memref<2x10240x128xf32, #tpu.memory_space<hbm>> -> memref<1x128x128xf32, #tpu.memory_space<hbm>>
      %dma_start3A_56 = tpu.memref_squeeze %dma_start3A_55 : memref<1x128x128xf32, #tpu.memory_space<hbm>> -> memref<128x128xf32, #tpu.memory_space<hbm>>
      %dma_start3A_57 = arith.constant 0 : i32
      %dma_start3A_58 = tpu.memref_slice %arg16[%add3A_54, %dma_start3A_57] : memref<10240x128xf32, #tpu.memory_space<vmem_shared>> -> memref<128x128xf32, #tpu.memory_space<vmem_shared>>
      tpu.enqueue_dma source(%dma_start3A_58 : memref<128x128xf32, #tpu.memory_space<vmem_shared>>) target(%dma_start3A_56 : memref<128x128xf32, #tpu.memory_space<hbm>>) target_semaphore(%run_scoped3A : memref<!tpu.dma_semaphore, #tpu.memory_space<semaphore_mem>>)
      %dma_wait3A = arith.constant 0 : i32
      %dma_wait3A_59 = tpu.memref_slice %arg7[%arg0, %add3A_54, %dma_wait3A] : memref<2x10240x128xf32, #tpu.memory_space<hbm>> -> memref<1x128x128xf32, #tpu.memory_space<hbm>>
      %dma_wait3A_60 = tpu.memref_squeeze %dma_wait3A_59 : memref<1x128x128xf32, #tpu.memory_space<hbm>> -> memref<128x128xf32, #tpu.memory_space<hbm>>
      %dma_wait3A_61 = arith.constant 0 : i32
      %dma_wait3A_62 = tpu.memref_slice %arg16[%add3A_54, %dma_wait3A_61] : memref<10240x128xf32, #tpu.memory_space<vmem_shared>> -> memref<128x128xf32, #tpu.memory_space<vmem_shared>>
      tpu.wait_dma2 semaphore(%run_scoped3A : memref<!tpu.dma_semaphore, #tpu.memory_space<semaphore_mem>>) src(%dma_wait3A_62 : memref<128x128xf32, #tpu.memory_space<vmem_shared>>) dst(%dma_wait3A_60 : memref<128x128xf32, #tpu.memory_space<hbm>>)
      tpu.yield
    }) : () -> ()
    return
  }
}

module attributes {stable_mosaic.version = 14 : i64} {
  func.func @_mm_body(%arg0: i32, %arg1: i32, %arg2: memref<1000x256xf32, #tpu.memory_space<vmem>>, %arg3: memref<256x128xf32, #tpu.memory_space<vmem>>, %arg4: memref<1000x128xf32, #tpu.memory_space<vmem>>) attributes {dimension_semantics = [#tpu.dimension_semantics<arbitrary>, #tpu.dimension_semantics<arbitrary>], iteration_bounds = array<i64: 10, 79>, scalar_prefetch = 0 : i64, scratch_operands = 0 : i64, tpu.core_type = #tpu.core_type<tc>, window_params = [{transform_indices = @transform_0, window_bounds = array<i64: 1000, 256>}, {transform_indices = @transform_1, window_bounds = array<i64: 256, 128>}, {transform_indices = @transform_2, window_bounds = array<i64: 1000, 128>}]} {
    %get3A = arith.constant 0 : index
    %get3A_0 = arith.constant 0 : index
    %get3A_1 = vector.load %arg2[%get3A, %get3A_0] : memref<1000x256xf32, #tpu.memory_space<vmem>>, vector<1000x256xf32>
    %get3A_2 = arith.constant 0 : index
    %get3A_3 = arith.constant 0 : index
    %get3A_4 = vector.load %arg3[%get3A_2, %get3A_3] : memref<256x128xf32, #tpu.memory_space<vmem>>, vector<256x128xf32>
    %dot_general3A = arith.constant dense<0.000000e+00> : vector<1000x128xf32>
    %dot_general3A_5 = tpu.matmul %get3A_1, %get3A_4, %dot_general3A {dimension_numbers = #tpu.dot_dimension_numbers<[1], [0], [0], [1], [0, 0, 1, 1], [], []>, transpose_lhs_hint = false} : vector<1000x256xf32>, vector<256x128xf32>, vector<1000x128xf32> -> vector<1000x128xf32>
    %swap3A = arith.constant 0 : index
    %swap3A_6 = arith.constant 0 : index
    %swap3A_7 = vector.load %arg4[%swap3A, %swap3A_6] : memref<1000x128xf32, #tpu.memory_space<vmem>>, vector<1000x128xf32>
    tpu.vector_store %arg4[%swap3A, %swap3A_6], %dot_general3A_5 {strides = array<i32>} : memref<1000x128xf32, #tpu.memory_space<vmem>>, vector<1000x128xf32>,
    return
  }
  func.func @transform_0(%arg0: i32, %arg1: i32) -> (i32, i32) {
    %c0_i32 = arith.constant 0 : i32
    %c0_i32_0 = arith.constant 0 : i32
    return %arg0, %c0_i32 : i32, i32
  }
  func.func @transform_1(%arg0: i32, %arg1: i32) -> (i32, i32) {
    %c0_i32 = arith.constant 0 : i32
    %c0_i32_0 = arith.constant 0 : i32
    return %c0_i32, %arg1 : i32, i32
  }
  func.func @transform_2(%arg0: i32, %arg1: i32) -> (i32, i32) {
    %c0_i32 = arith.constant 0 : i32
    return %arg0, %arg1 : i32, i32
  }
}

</mosaic_0001>

<sc_bundles>
// kernel: kernel.5.cloned.1.call-start
scs
__scs_entry_jumppad:
0x0: {  	(pc) =	sbr.rel $0x88, $3  }
0x1: {  	(tag) =	ssettag $0x0;
	lr =	simm.s32 $0x1  }
0x2: {  	[smem:$0x3F9C] =	sst lr;
	_ =	strace $0xD0000000  }
0x3: {  	_ = 	snop  }
0x4: {  	_ = 	snop  }
0x5: {  	_ = 	snop  }
0x6: {  	_ = 	snop  }
0x7: {  	_ = 	snop  }
__scs_overlays_trampoline_lowered:
0x8: {  	[smem:$0x3FAB] =	sst s0  }
0x9: {  	[smem:$0x3FAC] =	sst s1  }
0xa: {  	[smem:$0x3FAD] =	sst s2  }
0xb: {  	[smem:$0x3FAE] =	sst s3  }
0xc: {  	[smem:$0x3FAF] =	sst s4  }
0xd: {  	[smem:$0x3FB0] =	sst s5  }
0xe: {  	[smem:$0x3FB1] =	sst s6  }
0xf: {  	[smem:$0x3FB2] =	sst s7  }
0x10: {  	[smem:$0x3FB3] =	sst s8  }
0x11: {  	[smem:$0x3FB4] =	sst s9;
	s0 =	simm.s32 @!p0 $0x0  }
0x12: {  	s1 =	sld [smem:$0x3F9A];
	s0 =	simm.s32 @p0 $0x1  }
0x13: {  	[smem:$0x3FB5] =	sst s0;
	s0 =	simm.s32 @!p1 $0x0  }
0x14: {  	s2 =	sld [smem:$0x3F99];
	s0 =	simm.s32 @p1 $0x1  }
0x15: {  	[smem:$0x3FB6] =	sst s0;
	s0 =	simm.s32 @!p2 $0x0  }
0x16: {  	s3 =	sld [smem:$0x3FDB];
	s0 =	simm.s32 @p2 $0x1  }
0x17: {  	s4 =	simm.s32 $0x1BF5;
	[smem:$0x3FB8] =	sst s0  }
0x18: {  	s0 =	sld [smem:$0x3F9B];
	_ =	swait.ge [sflag:s4], $0x0  }
0x19: {  	s7 =	sld [smem:$0x3F9C]  }
0x1a: {  	s8 =	sadd.s32 $0xFFFFE003, lr  }
0x1b: {  	s9 =	sadd.s32 $0xFFFFFEF7, lr;
	s5 =	simm.s32 $0xFFFFFFFF;
	p2 =	slt.u32 s8, $0xFFFFF086  }
0x1c: {  	p1 =	slt.u32 s9, $0xF7A;
	s5 =	simm.s32 @!p2 $0x0  }
0x1d: {  	s5 =	simm.s32 @p1 $0x1;
	p0 =	seq.s32 s7, s2  }
0x1e: {  	s7 =	smul.u32 @!p0 $0xF7A, s2;
	p2 =	seq.s32 @!p0 s5, $0x0  }
0x1f: {  	s9 =	smul.u32 $0xF7A, s1;
	s8 =	simm.s32 @!p0 $0x1BF5;
	p2 =	por !p2, p0  }
0x20: {  	[sflag:s8] =	ssyncset.s32 @!p0 $0xFFFFF086;
	s6 =	sadd.s32 @!p0 s3, s7;
	s7 =	simm.s32 @!p0 $0x108  }
0x21: {  	s3 =	sadd.s32 s3, s9;
	s6 =	sadd.s32 @!p0 $0x88, s6;
	s7 =	simm.s32 @p2 $0x1082  }
0x22: {  	[simem:s7], [sflag:s8] =	dma.local @!p0 [hbm:s6], $0xF7A  }
0x23: {  	s9 =	sor.u32 $0xD0000000, s2;
	s6 =	simm.s32 $0x108;
	_ =	swait.ge @!p0 [sflag:s8], $0x0  }
0x24: {  	s3 =	sadd.s32 $0x88, s3;
	s6 =	simm.s32 @!p1 $0x1082;
	[sflag:s4] =	ssyncset.s32 $0xFFFFF086  }
0x25: {  	[simem:s6], [sflag:s4] =	dma.local [hbm:s3], $0xF7A  }
0x26: {  	[smem:$0x3F9C] =	sst s1;
	(tag) =	ssettag s2;
	_ =	strace s9  }
0x27: {  	s1 =	sld [smem:$0x3FAC]  }
0x28: {  	s2 =	sld [smem:$0x3FAD]  }
0x29: {  	s4 =	sld [smem:$0x3FAF]  }
0x2a: {  	p0 =	seq.s32 s5, $0x0;
	s5 =	sld [smem:$0x3FB0]  }
0x2b: {  	s6 =	sld [smem:$0x3FB1]  }
0x2c: {  	s7 =	sld [smem:$0x3FB2]  }
0x2d: {  	s3 =	simm.s32 $0x108;
	s8 =	sld [smem:$0x3FB3]  }
0x2e: {  	s3 =	simm.s32 @!p0 $0x1082;
	s9 =	sld [smem:$0x3FB4]  }
0x2f: {  	lr =	sadd.s32 s0, s3;
	s0 =	sld [smem:$0x3FAB]  }
0x30: {  	s3 =	sld [smem:$0x3FAE]  }
0x31: {  	[smem:$0x3FB7] =	sst s10  }
0x32: {  	s10 =	sld [smem:$0x3FB5];
	_ =	sdelay $0x3  }
0x33: {  	p0 =	seq.s32 s10, $0x1;
	s10 =	sld [smem:$0x3FB7];
	_ =	sdelay $0x3  }
0x34: {  	[smem:$0x3FB7] =	sst s10  }
0x35: {  	s10 =	sld [smem:$0x3FB6];
	_ =	sdelay $0x3  }
0x36: {  	p1 =	seq.s32 s10, $0x1;
	s10 =	sld [smem:$0x3FB7];
	_ =	sdelay $0x3  }
0x37: {  	[smem:$0x3FB7] =	sst s10  }
0x38: {  	s10 =	sld [smem:$0x3FB8]  }
0x39: {  	_ = 	snop;
	(pc) =	sbr.ind lr, $3  }
0x3a: {  	_ = 	snop  }
0x3b: {  	_ = 	snop  }
0x3c: {  	p2 =	seq.s32 s10, $0x1;
	s10 =	sld [smem:$0x3FB7]  }
0x3d: {  	_ =	shalt  }
0x3e: {  	_ =	shalt  }
0x3f: {  	_ =	shalt  }
0x40: {  	_ =	shalt  }
0x41: {  	_ =	shalt  }
0x42: {  	_ =	shalt  }
0x43: {  	_ =	shalt  }
0x44: {  	_ =	shalt  }
0x45: {  	_ =	shalt  }
0x46: {  	_ =	shalt  }
0x47: {  	_ =	shalt  }
0x48: {  	_ =	shalt  }
0x49: {  	_ =	shalt  }
0x4a: {  	_ =	shalt  }
0x4b: {  	_ =	shalt  }
0x4c: {  	_ =	shalt  }
0x4d: {  	_ =	shalt  }
0x4e: {  	_ =	shalt  }
0x4f: {  	_ =	shalt  }
0x50: {  	_ =	shalt  }
0x51: {  	_ =	shalt  }
0x52: {  	_ =	shalt  }
0x53: {  	_ =	shalt  }
0x54: {  	_ =	shalt  }
0x55: {  	_ =	shalt  }
0x56: {  	_ =	shalt  }
0x57: {  	_ =	shalt  }
0x58: {  	_ =	shalt  }
0x59: {  	_ =	shalt  }
0x5a: {  	_ =	shalt  }
0x5b: {  	_ =	shalt  }
0x5c: {  	_ =	shalt  }
0x5d: {  	_ =	shalt  }
0x5e: {  	_ =	shalt  }
0x5f: {  	_ =	shalt  }
0x60: {  	_ =	shalt  }
0x61: {  	_ =	shalt  }
0x62: {  	_ =	shalt  }
0x63: {  	_ =	shalt  }
0x64: {  	_ =	shalt  }
0x65: {  	_ =	shalt  }
0x66: {  	_ =	shalt  }
0x67: {  	_ =	shalt  }
0x68: {  	_ =	shalt  }
0x69: {  	_ =	shalt  }
0x6a: {  	_ =	shalt  }
0x6b: {  	_ =	shalt  }
0x6c: {  	_ =	shalt  }
0x6d: {  	_ =	shalt  }
0x6e: {  	_ =	shalt  }
0x6f: {  	_ =	shalt  }
0x70: {  	_ =	shalt  }
0x71: {  	_ =	shalt  }
0x72: {  	_ =	shalt  }
0x73: {  	_ =	shalt  }
0x74: {  	_ =	shalt  }
0x75: {  	_ =	shalt  }
0x76: {  	_ =	shalt  }
0x77: {  	_ =	shalt  }
0x78: {  	_ =	shalt  }
0x79: {  	_ =	shalt  }
0x7a: {  	_ =	shalt  }
0x7b: {  	_ =	shalt  }
0x7c: {  	_ =	shalt  }
0x7d: {  	_ =	shalt  }
0x7e: {  	_ =	shalt  }
0x7f: {  	_ =	shalt  }
0x80: {  	_ =	shalt  }
0x81: {  	_ =	shalt  }
0x82: {  	_ =	shalt  }
0x83: {  	_ =	shalt  }
0x84: {  	_ =	shalt  }
0x85: {  	_ =	shalt  }
0x86: {  	_ =	shalt  }
0x87: {  	_ =	shalt  }
.Lfunc_end0:
.L_simem_size_0:
called_computation_lowered:
.L_overlay_start_0:
0x88: {  	s2 =	sld [smem:$0x3FD9]  }
0x89: {  	s3 =	sld [smem:$0x3FFE];
	_ =	sdelay $0x1  }
0x8a: {  	s1 =	srdreg.scid  }
0x8b: {  	s0 =	sand.u32 $0x1, s1  }
0x8c: {  	s16 =	sshll.u32 s0, $0xA;
	s2 =	sadd.s32 s3, s2  }
0x8d: {  	s2 =	sadd.s32 s2, s16  }
0x8e: {  	[smem:$0x3FC3] =	sst s2  }
0x8f: {  	_ = 	snop  }
0x90: {  	(tm) =	ssettm $0x1  }
0x91: {  	s17 =	sld [smem:$0x3FFB];
	_ =	sdelay $0x3  }
0x92: {  	_ =	strace s17  }
0x93: {  	s2 =	sld [smem:$0x3FFC];
	_ =	sdelay $0x3  }
0x94: {  	_ =	strace s2  }
0x95: {  	s2 =	sld [smem:$0x3FFD];
	_ =	sdelay $0x3  }
0x96: {  	_ =	strace s2  }
0x97: {  	_ =	strace $0x8FFFFFFF  }
0x98: {  	s18 =	sld [smem:$0x3FDB];
	_ =	sdelay $0x1  }
0x99: {  	s19 =	simm.s32 $_scs_section_size  }
0x9a: {  	s4 =	simm.s32 $_size__tile_overlayer_lowered;
	s5 =	simm.s32 $_tile_overlayer_lowered  }
0x9b: {  	s22 =	simm.s32 $0x1BFF;
	s21 =	sshll.u32 s5, $0x1;
	s2 =	sadd.s32 s19, s18  }
0x9c: {  	s6 =	simm.s32 $0x0;
	s20 =	sshll.u32 s4, $0x1;
	s4 =	sadd.s32 s21, s2  }
0x9d: {  	[timem:s6], [sflag:s22] =	dma.local [hbm:s4], s20  }
0x9e: {  	_ =	swait.ge [sflag:s22], s20  }
0x9f: {  	s3 =	ssub.s32 $0x0, s20;
	[sflag:s22] =	ssyncset.done $0x0  }
0xa0: {  	[sflag:s22] =	ssyncadd.s32 s3;
	_ =	sdelay $0x1  }
0xa1: {  	s23 =	simm.s32 $0x1B8B  }
0xa2: {  	_ =	swait.ge [sflag:s23], $0x1  }
0xa3: {  	[sflag:s23] =	ssyncset.done $0x0  }
0xa4: {  	s25 =	simm.s32 $0x1B8E;
	s24 =	sld [smem:$0x3FFE];
	[sflag:s23] =	ssyncadd.s32 $0xFFFFFFFF  }
0xa5: {  	s26 =	simm.s32 $execute0_lowered;
	[smem:$0x3FD2] =	sst s25  }
0xa6: {  	s4 =	sshll.u32 s26, $0x1;
	_ =	strace $0x80000046;
	[dreg:$0x1] =	wrdreg $0xFFFFFFFF  }
0xa7: {  	s28 =	simm.s32 $_size_execute0_lowered;
	s2 =	sadd.s32 s2, s4;
	[dreg:$0x0] =	wrdreg $0x0  }
0xa8: {  	s4 =	sshll.u32 s28, $0x1;
	[dreg:$0x2] =	wrdreg s2  }
0xa9: {  	[dreg:$0x3] =	wrdreg s4  }
0xaa: {  	[dreg:$0x4] =	wrdreg $0xC0  }
0xab: {  	_ =	task [dreg:s6], $0x5FFFF  }
0xac: {  	[dreg:$0x1] =	wrdreg $0xFFFFFFFF  }
0xad: {  	[dreg:$0x0] =	wrdreg $0x60  }
0xae: {  	[dreg:$0x2] =	wrdreg s24  }
0xaf: {  	[dreg:$0x3] =	wrdreg $0x5800  }
0xb0: {  	[dreg:$0x4] =	wrdreg $0x9  }
0xb1: {  	_ =	task.clear_ibuf [dreg:s6], $0x5FFFF;
	_ =	strace $0x90000046  }
0xb2: {  	s29 =	simm.s32 $0x9;
	_ =	strace $0x80000048  }
0xb3: {  	_ =	swait.ge [sflag:s29], $0x1  }
0xb4: {  	[sflag:s29] =	ssyncadd.s32 $0xFFFFFFFF  }
0xb5: {  	_ =	strace $0x90000048  }
0xb6: {  	_ =	sfence  }
0xb7: {  	s30 =	sld [smem:$0x0];
	_ =	sdelay $0x2  }
0xb8: {  	s31 =	sshll.u32 s1, $0xD;
	s1 =	sshrl.u32 s1, $0x2  }
0xb9: {  	s3 =	sand.u32 $0x4000, s31;
	s1 =	sadd.s32 s1, s30  }
0xba: {  	s0 =	sor.u32 s3, s0;
	s1 =	sshll.u32 s1, $0x11  }
0xbb: {  	s0 =	sor.u32 s1, s0  }
0xbc: {  	s0 =	sadd.s32 $0x8F2B, s0  }
0xbd: {  	[sflag:s0] =	ssyncadd.remote.s32 $0x1  }
0xbe: {  	_ =	sfence.sel $0xFFFF  }
0xbf: {  	[dreg:$0x0] =	wrdreg $0xFFFFFFFF;
	(pc) =	sbr.abs _section_cstart, $3  }
0xc0: {  	[dreg:$0x1] =	wrdreg $0xFFFFFFFF  }
0xc1: {  	_ =	task.clear_ibuf [dreg:s6], $0x2FFFF;
	_ =	strace $0x9FFFFFFF  }
0xc2: {  	(tm) =	ssettm $0x7FFFFFFF  }
0xc3: {  	_ =	shalt  }
tec
execute0_lowered:
.L_overlay_start_1:
0x0: {  	(tag) =	ssettag $0x1  }
0x1: {  	s0 =	rddreg [dreg:$0x0]  }
0x2: {  	s7 =	rddreg [dreg:$0x1]  }
0x3: {  	s2 =	simm.s32 $0x0;
	s1 =	srdreg.scid;
	s4 =	stileid.u32  }
0x4: {  	[smem:$0x7FF] =	sst s2;
	s1 =	sand.u32 $0x1, s1;
	s5 =	sadd.s32 $0xC1F400, s0  }
0x5: {  	s25 =	sadd.s32 $0xC00, s0;
	_ =	strace $0x80000047;
	[dreg:$0x3] =	wrdreg s5  }
0x6: {  	s24 =	smul.u32 $0x280, s4;
	s26 =	sadd.s32 $0x9000, s0;
	[dreg:$0x4] =	wrdreg s25  }
0x7: {  	v0 =	vimm.s32 $0xECA86420;
	s28 =	sadd.s32 $0x11400, s0;
	s3 =	smul.u32 $0x2800, s1;
	[dreg:$0x5] =	wrdreg s26  }
0x8: {  	vm0 =	vcmask $0xB08;
	vm1 =	vcmask $0x1310;
	vm2 =	vcmask $0x1B18;
	s6 =	sshll.u32 s4, $0x1;
	[dreg:$0x6] =	wrdreg s28  }
0x9: {  	vm3 =	vcmask $0x300;
	vm4 =	vcmask $0x2320;
	vm5 =	vcmask $0x2B28;
	s29 =	ssub.s32 $0x2, s1;
	s1 =	sor.u32 s1, s6;
	s3 =	sadd.s32 s24, s3  }
0xa: {  	vm6 =	vcmask $0x3330;
	vm7 =	vcmask $0x3B38;
	v2 =	vlaneseq.u32;
	s2 =	sadd.s32 s24, s7;
	s1 =	smul.u32 $0x42, s1;
	s3 =	sshrl.u32 s3, $0x3  }
0xb: {  	vm13 =	vmmov $0xff;
	vm9 =	vcmask $0x704;
	vm10 =	vcmask $0xF0C;
	s30 =	sshrl.u32 s29, $0x1;
	[dreg:$0x7] =	wrdreg s2;
	s0 =	sadd.s32 s3, s0  }
0xc: {  	vm11 =	vcmask $0x1714;
	vm8 =	vcmask $0x1F1C;
	v1 =	vunpack.c.l.s4.s8 v0;
	[dreg:$0x8] =	wrdreg s1;
	s3 =	ssub.s32 s29, s30;
	s0 =	sadd.s32 $0x19800, s0  }
0xd: {  	vm12 =	vcmask $0x2724;
	vm14 =	vcmask $0x2F2C;
	vm15 =	vcmask $0x3734;
	s4 =	simm.s32 $0x3;
	s31 =	smax.u32 s3, $0x1;
	[dreg:$0x9] =	wrdreg s0  }
0xe: {  	v0 =	vimm.f32 $0.0e+00;
	v2 =	vmul.u32 $0x2, v2;
	s5 =	simm.s32 $0x80;
	v1 =	vunpack.c.0.s8.s32 v1;
	s1 =	simm.s32 $0x0;
	[dreg:$0xa] =	wrdreg s31  }
.LBB2_1:
0xf: {  	[tilespmem:$0x300] =	vst v0  }
0x10: {  	[tilespmem:$0x310] =	vst v0  }
0x11: {  	[tilespmem:$0x320] =	vst v0  }
0x12: {  	[tilespmem:$0x330] =	vst v0  }
0x13: {  	[tilespmem:$0x340] =	vst v0  }
0x14: {  	[tilespmem:$0x350] =	vst v0  }
0x15: {  	[tilespmem:$0x360] =	vst v0  }
0x16: {  	[tilespmem:$0x370] =	vst v0  }
0x17: {  	[tilespmem:$0x380] =	vst v0  }
0x18: {  	[tilespmem:$0x390] =	vst v0  }
0x19: {  	[tilespmem:$0x3A0] =	vst v0  }
0x1a: {  	[tilespmem:$0x3B0] =	vst v0  }
0x1b: {  	[tilespmem:$0x3C0] =	vst v0  }
0x1c: {  	[tilespmem:$0x3D0] =	vst v0  }
0x1d: {  	[tilespmem:$0x3E0] =	vst v0  }
0x1e: {  	[tilespmem:$0x3F0] =	vst v0  }
0x1f: {  	[tilespmem:$0x400] =	vst v0  }
0x20: {  	[tilespmem:$0x410] =	vst v0  }
0x21: {  	[tilespmem:$0x420] =	vst v0  }
0x22: {  	[tilespmem:$0x430] =	vst v0  }
0x23: {  	[tilespmem:$0x440] =	vst v0  }
0x24: {  	[tilespmem:$0x450] =	vst v0  }
0x25: {  	[tilespmem:$0x460] =	vst v0  }
0x26: {  	[tilespmem:$0x470] =	vst v0  }
0x27: {  	[tilespmem:$0x480] =	vst v0  }
0x28: {  	[tilespmem:$0x490] =	vst v0  }
0x29: {  	[tilespmem:$0x4A0] =	vst v0  }
0x2a: {  	[tilespmem:$0x4B0] =	vst v0  }
0x2b: {  	[tilespmem:$0x4C0] =	vst v0  }
0x2c: {  	[tilespmem:$0x4D0] =	vst v0  }
0x2d: {  	[tilespmem:$0x4E0] =	vst v0  }
0x2e: {  	[tilespmem:$0x4F0] =	vst v0  }
0x2f: {  	[tilespmem:$0x500] =	vst v0  }
0x30: {  	[tilespmem:$0x510] =	vst v0  }
0x31: {  	[tilespmem:$0x520] =	vst v0  }
0x32: {  	[tilespmem:$0x530] =	vst v0  }
0x33: {  	[tilespmem:$0x540] =	vst v0  }
0x34: {  	[tilespmem:$0x550] =	vst v0  }
0x35: {  	[tilespmem:$0x560] =	vst v0  }
0x36: {  	[dreg:$0xb] =	wrdreg s1;
	[tilespmem:$0x570] =	vst v0;
	s0 =	simm.s32 $0x300  }
0x37: {  	[spmem:s2] =	stream.linear.scatter [tilespmem:s0], [sflag:$0x3], $0x280, $0x38;
	[tilespmem:$0x800] =	vst v63  }
0x38: {  	_ =	swait.ge [sflag:s4], $0x280  }
0x39: {  	[sflag:s4] =	ssyncset.done $0x0  }
0x3a: {  	[sflag:s4] =	ssyncadd.s32 $0xFFFFFD80  }
0x3b: {  	s1 =	simm.s32 $0x0;
	[bflag:$0x0] =	sbarrier.arrive $0xFFFF  }
.LBB2_2:
0x3c: {  	s0 =	rddreg [dreg:$0x8]  }
0x3d: {  	s0 =	sadd.s32 s0, s1  }
0x3e: {  	s13 =	rddreg [dreg:$0x4];
	s2 =	sshll.u32 s0, $0x4  }
0x3f: {  	[dreg:$0xc] =	wrdreg s1;
	s14 =	simm.s32 $0x0;
	s0 =	sadd.s32 s13, s2  }
0x40: {  	[tilespmem:s14], [sflag:$0x3] =	stream.linear.gather [hbm4b:s0+s14], $0x80, $0x38;
	[tilespmem:$0x800] =	vst v63  }
0x41: {  	_ =	swait.ge [sflag:s4], $0x80  }
0x42: {  	[sflag:s4] =	ssyncset.done $0x0;
	s15 =	rddreg [dreg:$0x5]  }
0x43: {  	[dreg:$0xd] =	wrdreg s2;
	[sflag:s4] =	ssyncadd.s32 $0xFFFFFF80;
	s0 =	sadd.s32 s15, s2  }
0x44: {  	[tilespmem:s5], [sflag:$0x3] =	stream.linear.gather [hbm4b:s0+s14], $0x80, $0x38;
	[tilespmem:$0x800] =	vst v63  }
0x45: {  	_ =	swait.ge [sflag:s4], $0x80  }
0x46: {  	[sflag:s4] =	ssyncset.done $0x0  }
0x47: {  	s24 =	simm.s32 $0x0;
	[sflag:s4] =	ssyncadd.s32 $0xFFFFFF80  }
0x48: {  	v3 =	vld [tilespmem:s24+$0x0];
	_ =	sdelay $0x4  }
0x49: {  	(v2sf) =	vpush v3, $0x0  }
0x4a: {  	(v2sf) =	vpush v3, $0x7;
	_ =	sdelay $0x2  }
0x4b: {  	(v2sf) =	vpush v3, $0x1  }
0x4c: {  	(v2sf) =	vpush v3, $0x2;
	_ =	sdelay $0x1  }
0x4d: {  	(v2sf) =	vpush v3, $0x6;
	_ =	sdelay $0x1  }
0x4e: {  	(v2sf) =	vpush v3, $0x3  }
0x4f: {  	(v2sf) =	vpush v3, $0x4;
	_ =	sdelay $0x2  }
0x50: {  	(v2sf) =	vpush v3, $0xC;
	_ =	sdelay $0x1  }
0x51: {  	(v2sf) =	vpush v3, $0xD;
	s16 =	spop (v2sf)  }
0x52: {  	s17 =	spop (v2sf);
	s3 =	smulhi.u32 $0x4BDA12F7, s16  }
0x53: {  	(v2sf) =	vpush v3, $0x8;
	s0 =	sshra.s32 s16, $0x1F;
	s1 =	smulhi.u32 $0x4BDA12F7, s17  }
0x54: {  	s19 =	sshra.s32 s17, $0x1F;
	s0 =	smul.u32 $0x4BDA12F7, s0  }
0x55: {  	(v2sf) =	vpush v3, $0x9;
	s18 =	spop (v2sf);
	s5 =	smul.u32 $0x4BDA12F7, s19  }
0x56: {  	s6 =	spop (v2sf);
	s2 =	smulhi.u32 $0x4BDA12F7, s18  }
0x57: {  	s7 =	sshra.s32 s18, $0x1F;
	s21 =	smulhi.u32 $0x4BDA12F7, s6  }
0x58: {  	s8 =	spop (v2sf);
	s22 =	smul.u32 $0x4BDA12F7, s7  }
0x59: {  	s9 =	sshra.s32 s6, $0x1F;
	s0 =	sadd.s32 s0, s3;
	s10 =	smulhi.u32 $0x4BDA12F7, s8  }
0x5a: {  	s11 =	spop (v2sf);
	s8 =	sshra.s32 s8, $0x1F;
	s26 =	sadd.s32 s5, s1  }
0x5b: {  	s25 =	smul.u32 $0x4BDA12F7, s9;
	s12 =	sshra.s32 s11, $0x1F;
	s15 =	spop (v2sf)  }
0x5c: {  	s8 =	smul.u32 $0x4BDA12F7, s8;
	s16 =	sshra.s32 s26, $0x1F;
	s18 =	sadd.s32 s22, s2  }
0x5d: {  	s11 =	smulhi.u32 $0x4BDA12F7, s11;
	s22 =	sshra.s32 s0, $0x1F;
	s20 =	sshra.s32 s15, $0x1F  }
0x5e: {  	s17 =	spop (v2sf);
	s2 =	sadd.s32 s25, s21;
	s19 =	sshrl.u32 s18, $0x1F  }
0x5f: {  	s29 =	sshra.s32 s18, $0x1F;
	v4 =	vmov s16;
	s15 =	smulhi.u32 $0x4BDA12F7, s15;
	s16 =	sshra.s32 s0, $0x3  }
0x60: {  	s28 =	sadd.s32 s8, s10;
	s23 =	spop (v2sf);
	s8 =	smul.u32 $0x4BDA12F7, s12;
	v4 =	vsel vm3, s16, v4  }
0x61: {  	s12 =	sshra.s32 s23, $0x1F;
	s7 =	smulhi.u32 $0x4BDA12F7, s23;
	v5 =	vsel vm9, s22, v4;
	s23 =	sshra.s32 s18, $0x3  }
0x62: {  	s25 =	simm.s32 $0x10;
	s1 =	smul.u32 $0x4BDA12F7, s20;
	s4 =	spop (v2sf);
	v5 =	vsel vm0, s23, v5  }
0x63: {  	v6 =	vld [tilespmem:s24+$0x80];
	(v2sf) =	vpush v3, $0xE;
	s21 =	sshra.s32 s2, $0x1F;
	s9 =	sshra.s32 s2, $0x3;
	s6 =	smulhi.u32 $0x4BDA12F7, s4;
	v5 =	vsel vm10, s29, v5  }
0x64: {  	s20 =	sshra.s32 s4, $0x1F;
	s5 =	sadd.s32 s8, s11;
	v5 =	vsel vm1, s9, v5;
	s13 =	spop (v2sf)  }
0x65: {  	(v2sf) =	vpush v3, $0xF;
	v10 =	vld [tilespmem:s25+$0x80];
	s14 =	sshra.s32 s5, $0x1F;
	s9 =	sshra.s32 s5, $0x3;
	v5 =	vsel vm11, s21, v5;
	s4 =	sshra.s32 s13, $0x1F  }
0x66: {  	(v2sf) =	vpush v3, $0xA;
	v5 =	vsel vm2, s9, v5;
	s18 =	smulhi.u32 $0x4BDA12F7, s13;
	s13 =	sshrl.u32 s0, $0x1F;
	s0 =	sadd.s32 s1, s15  }
0x67: {  	(v2sf) =	vpush v3, $0x5;
	v5 =	vsel vm8, s14, v5;
	v7 =	vmov s13;
	s13 =	sshra.s32 s0, $0x3  }
0x68: {  	vm8 =	vlt.s32 v6, $0x270F;
	v9 =	vsel vm4, s13, v5;
	v5 =	vimm.s32 $0x0  }
0x69: {  	v5 =	vsel vm8, $0xFFFFFFFF, v5  }
0x6a: {  	vm8 =	vlt.s32 v10, $0x270F;
	[tilespmem:$0x1FFE0] =	vst v5;
	v5 =	vimm.s32 $0x0  }
0x6b: {  	v5 =	vsel vm8, $0xFFFFFFFF, v5  }
0x6c: {  	[tilespmem:$0x1FFF0] =	vst v5;
	v5 =	vld [tilespmem:$0x1FFE0]  }
0x6d: {  	s10 =	sshra.s32 s17, $0x1F;
	s17 =	smulhi.u32 $0x4BDA12F7, s17  }
0x6e: {  	s22 =	smul.u32 $0x4BDA12F7, s10;
	(v2sf) =	vpush v3, $0xB  }
0x6f: {  	v4 =	vld [tilespmem:s25+$0x0];
	s8 =	smul.u32 $0x4BDA12F7, s12  }
0x70: {  	s30 =	simm.s32 $0x80;
	s11 =	sadd.s32 s22, s17;
	s29 =	sshrl.u32 s28, $0x1F  }
0x71: {  	s22 =	smul.u32 $0x4BDA12F7, s20;
	s7 =	sadd.s32 s8, s7;
	s17 =	sshrl.u32 s11, $0x1F;
	vm8 =	vnez.u8 v5  }
0x72: {  	s8 =	sshrl.u32 s7, $0x1F;
	s3 =	spop (v2sf);
	s4 =	smul.u32 $0x4BDA12F7, s4;
	v5 =	vnsel vm8, $0x270F, v6;
	v6 =	vld [tilespmem:$0x1FFF0]  }
0x73: {  	s31 =	sshra.s32 s7, $0x3;
	s6 =	sadd.s32 s22, s6;
	s12 =	smulhi.u32 $0x4BDA12F7, s3  }
0x74: {  	(v2sf) =	vpush v4, $0x0;
	s16 =	spop (v2sf);
	s23 =	sshra.s32 s3, $0x1F;
	s3 =	sshrl.u32 s2, $0x1F  }
0x75: {  	(v2sf) =	vpush v4, $0x7;
	v7 =	vnsel vm3, $0x0, v7;
	s2 =	sshrl.u32 s5, $0x1F;
	s1 =	sshra.s32 s16, $0x1F;
	s16 =	smulhi.u32 $0x4BDA12F7, s16  }
0x76: {  	(v2sf) =	vpush v4, $0x1;
	s10 =	spop (v2sf);
	v8 =	vsel vm0, s19, v7;
	s21 =	sadd.s32 s4, s18;
	s7 =	smul.u32 $0x4BDA12F7, s23  }
0x77: {  	v7 =	vmov s17;
	(v2sf) =	vpush v4, $0x2;
	s19 =	spop (v2sf);
	s15 =	smulhi.u32 $0x4BDA12F7, s10;
	s18 =	sshra.s32 s10, $0x1F;
	vm8 =	vnez.u8 v6  }
0x78: {  	v7 =	vsel vm0, s8, v7;
	s10 =	sshra.s32 s0, $0x1F;
	(v2sf) =	vpush v4, $0x6;
	s9 =	sshra.s32 s19, $0x1F;
	s5 =	smulhi.u32 $0x4BDA12F7, s19;
	v6 =	vnsel vm8, $0x270F, v10  }
.LBB2_3:
0x79: {  	s4 =	smul.u32 $0x4BDA12F7, s1;
	s14 =	sshrl.u32 s6, $0x1F;
	s6 =	sshra.s32 s6, $0x3  }
0x7a: {  	(v2sf) =	vpush v4, $0x3;
	s1 =	smov.u32 s30;
	s8 =	smov.u32 s24;
	s24 =	smov.u32 s25  }
0x7b: {  	s9 =	smul.u32 $0x4BDA12F7, s9;
	s11 =	sshra.s32 s11, $0x3;
	(v2sf) =	vpush v4, $0x4;
	s7 =	sadd.s32 s7, s12  }
0x7c: {  	v8 =	vsel vm1, s3, v8;
	s12 =	smul.u32 $0x4BDA12F7, s18;
	v10 =	vmov s11;
	s4 =	sadd.s32 s4, s16;
	s3 =	sshra.s32 s7, $0x3  }
0x7d: {  	s0 =	sshrl.u32 s0, $0x1F;
	v8 =	vsel vm2, s2, v8;
	s2 =	sshra.s32 s21, $0x3;
	v10 =	vsel vm0, s31, v10;
	(v2sf) =	vpush v4, $0xC;
	s11 =	spop (v2sf)  }
0x7e: {  	v8 =	vsel vm4, s0, v8;
	s0 =	sadd.s32 s9, s5;
	s12 =	sadd.s32 s12, s15;
	v10 =	vsel vm1, s3, v10;
	(v2sf) =	vpush v4, $0xD;
	s15 =	smulhi.u32 $0x4BDA12F7, s11  }
0x7f: {  	v9 =	vsel vm12, s10, v9;
	v11 =	vmov s14;
	s3 =	sshrl.u32 s21, $0x1F;
	s5 =	sshrl.u32 s12, $0x1F;
	s9 =	sshra.s32 s11, $0x1F;
	(v2sf) =	vpush v4, $0x8  }
0x80: {  	s10 =	sshrl.u32 s4, $0x1F;
	v11 =	vsel vm0, s3, v11;
	s3 =	sshrl.u32 s0, $0x1F;
	s11 =	sshrl.u32 s26, $0x1F  }
0x81: {  	v12 =	vmov s6;
	s14 =	sshra.s32 s28, $0x3;
	s6 =	sshra.s32 s0, $0x1F;
	s9 =	smul.u32 $0x4BDA12F7, s9;
	v8 =	vsel vm5, s3, v8  }
0x82: {  	v12 =	vsel vm0, s2, v12;
	s2 =	sshra.s32 s28, $0x1F;
	s0 =	sshra.s32 s0, $0x3;
	s3 =	sshrl.u32 s7, $0x1F;
	v8 =	vsel vm6, s29, v8  }
0x83: {  	s4 =	sshra.s32 s4, $0x3;
	v11 =	vsel vm1, s5, v11;
	v9 =	vsel vm5, s0, v9;
	s5 =	sshra.s32 s26, $0x3;
	v7 =	vsel vm1, s3, v7;
	s3 =	sadd.s32 s9, s15  }
0x84: {  	v10 =	vsel vm2, s4, v10;
	s4 =	sshra.s32 s12, $0x3;
	v7 =	vsel vm2, s10, v7;
	v8 =	vsel vm7, s11, v8;
	s9 =	sshrl.u32 s3, $0x1F;
	s7 =	spop (v2sf)  }
0x85: {  	s0 =	smulhi.u32 $0x4BDA12F7, s7;
	s10 =	spop (v2sf)  }
0x86: {  	v12 =	vsel vm1, s4, v12;
	v9 =	vsel vm14, s6, v9;
	s4 =	sshra.s32 s3, $0x3;
	s3 =	sshra.s32 s7, $0x1F;
	s6 =	smulhi.u32 $0x4BDA12F7, s10  }
0x87: {  	v9 =	vsel vm6, s14, v9;
	v11 =	vsel vm2, s9, v11;
	(v2sf) =	vpush v4, $0x9;
	s7 =	sshra.s32 s10, $0x1F;
	s3 =	smul.u32 $0x4BDA12F7, s3  }
0x88: {  	s17 =	sadd.s32 $0x40, s30;
	v9 =	vsel vm15, s2, v9;
	v7 =	vcombine.low v11, v7;
	v11 =	vsel vm2, s4, v12;
	s9 =	spop (v2sf);
	s7 =	smul.u32 $0x4BDA12F7, s7  }
0x89: {  	v9 =	vsel vm7, s5, v9;
	v10 =	vcombine.low v11, v10;
	s4 =	sshra.s32 s9, $0x1F;
	(v2sf) =	vpush v4, $0xE;
	s10 =	spop (v2sf);
	s5 =	smulhi.u32 $0x4BDA12F7, s9  }
0x8a: {  	p0 =	sne.s32 s30, $0x1C0;
	s11 =	spop (v2sf);
	s4 =	smul.u32 $0x4BDA12F7, s4  }
0x8b: {  	s25 =	sshra.s32 s1, $0x2;
	v8 =	vperm.xlane v8, v2;
	v7 =	vperm.xlane v7, v1;
	s12 =	sshra.s32 s10, $0x1F;
	s2 =	smulhi.u32 $0x4BDA12F7, s11  }
0x8c: {  	s14 =	sshra.s32 s11, $0x1F;
	s16 =	spop (v2sf);
	s26 =	sadd.s32 s7, s6  }
0x8d: {  	v9 =	vperm.xlane v9, v2;
	v7 =	vsel vm13, v8, v7;
	v8 =	vperm.xlane v10, v1;
	s6 =	smulhi.u32 $0x4BDA12F7, s10;
	s9 =	sshra.s32 s16, $0x1F;
	s11 =	spop (v2sf)  }
0x8e: {  	s0 =	sadd.s32 s3, s0;
	s14 =	smul.u32 $0x4BDA12F7, s14;
	s15 =	sshra.s32 s11, $0x1F;
	(v2sf) =	vpush v4, $0xF  }
0x8f: {  	v10 =	vmul.u32 $0x2780, v5;
	v5 =	vmovc v6;
	s30 =	sshra.s32 s0, $0x3;
	s18 =	sshra.s32 s26, $0x1F;
	v8 =	vsel vm13, v9, v8;
	s19 =	spop (v2sf);
	(v2sf) =	vpush v4, $0xA  }
0x90: {  	s1 =	sshra.s32 s0, $0x1F;
	v6 =	vadd.s32 v7, v8;
	s28 =	sadd.s32 s14, s2;
	s7 =	spop (v2sf)  }
0x91: {  	s0 =	sshrl.u32 s0, $0x1F;
	s2 =	smul.u32 $0x4BDA12F7, s12;
	v7 =	vadd.s32 v6, v10;
	v6 =	vmul.u32 $0xFFFFFFE5, v6;
	s12 =	spop (v2sf)  }
0x92: {  	s4 =	sadd.s32 s4, s5;
	s15 =	smul.u32 $0x4BDA12F7, s15;
	s10 =	sshra.s32 s19, $0x1F;
	(v2sf) =	vpush v4, $0x5;
	[tilespmem:s8+$0x100] =	vst v7  }
0x93: {  	s5 =	smul.u32 $0x4BDA12F7, s9;
	s14 =	sshra.s32 s7, $0x1F;
	s2 =	sadd.s32 s2, s6;
	v6 =	vadd.s32 v3, v6;
	v3 =	vmov v4  }
0x94: {  	s9 =	smulhi.u32 $0x4BDA12F7, s16;
	s20 =	sshrl.u32 s4, $0x1F;
	s16 =	sshra.s32 s2, $0x1F;
	v4 =	vadd.s32 v10, v6  }
0x95: {  	s21 =	sshra.s32 s4, $0x1F;
	s4 =	sshra.s32 s4, $0x3;
	s6 =	smulhi.u32 $0x4BDA12F7, s12;
	v4 =	vadd.s32 $0x2710, v4  }
0x96: {  	vm8 =	vmmov vm6;
	s23 =	smulhi.u32 $0x4BDA12F7, s7;
	s7 =	sshra.s32 s12, $0x1F;
	s29 =	sshra.s32 s2, $0x3;
	[tilespmem:s8+$0x180] =	vst v4;
	v4 =	vmov s18  }
0x97: {  	vm6 =	vmmov vm3;
	vm7 =	vmmov vm5;
	s5 =	sadd.s32 s5, s9;
	s9 =	smulhi.u32 $0x4BDA12F7, s19;
	s8 =	spop (v2sf);
	v6 =	vsel vm3, s30, v4  }
0x98: {  	vm5 =	vmmov vm15;
	vm15 =	vmmov vm14;
	s14 =	smul.u32 $0x4BDA12F7, s14;
	s18 =	sshra.s32 s5, $0x1F;
	s19 =	sshra.s32 s8, $0x1F;
	v6 =	vsel vm9, s1, v6  }
0x99: {  	vm14 =	vmmov vm12;
	v8 =	vmov s0;
	s3 =	spop (v2sf);
	v6 =	vsel vm0, s4, v6  }
0x9a: {  	s11 =	smulhi.u32 $0x4BDA12F7, s11;
	v8 =	vnsel vm3, $0x0, v8;
	s14 =	sadd.s32 s14, s23;
	(v2sf) =	vpush v3, $0xB;
	v6 =	vsel vm10, s21, v6  }
0x9b: {  	vm12 =	vmmov vm11;
	v8 =	vsel vm0, s20, v8;
	s23 =	sshrl.u32 s14, $0x1F;
	s12 =	smulhi.u32 $0x4BDA12F7, s3;
	v6 =	vsel vm1, s29, v6  }
0x9c: {  	s31 =	sshra.s32 s14, $0x3;
	s14 =	sshra.s32 s5, $0x3;
	vm3 =	vmmov vm2;
	s8 =	smulhi.u32 $0x4BDA12F7, s8;
	v4 =	vld [tilespmem:s25+$0x0];
	v6 =	vsel vm11, s16, v6;
	vm11 =	vmmov vm10  }
0x9d: {  	s10 =	smul.u32 $0x4BDA12F7, s10;
	s30 =	sshra.s32 s3, $0x1F;
	vm10 =	vmmov vm9;
	v7 =	vld [tilespmem:s25+$0x80];
	s3 =	spop (v2sf);
	v6 =	vsel vm2, s14, v6;
	vm2 =	vmmov vm1  }
0x9e: {  	s0 =	sadd.s32 s15, s11;
	vm1 =	vmmov vm0;
	vm0 =	vmmov vm13;
	vm13 =	vcmask $0x1F1C;
	s1 =	sshra.s32 s3, $0x1F;
	s4 =	spop (v2sf)  }
0x9f: {  	s20 =	sshra.s32 s0, $0x3;
	s11 =	sadd.s32 s10, s9;
	s19 =	smul.u32 $0x4BDA12F7, s19;
	v6 =	vsel vm13, s18, v6;
	vm13 =	vmmov vm0;
	vm0 =	vmmov vm1  }
0xa0: {  	s29 =	sshrl.u32 s28, $0x1F;
	s16 =	smulhi.u32 $0x4BDA12F7, s3;
	s3 =	sshrl.u32 s11, $0x1F;
	vm1 =	vmmov vm2;
	vm2 =	vmmov vm3;
	vm3 =	vmmov vm6  }
0xa1: {  	vm6 =	vmmov vm8;
	v10 =	vmov s3;
	(v2sf) =	vpush v4, $0x0;
	s10 =	spop (v2sf)  }
0xa2: {  	s15 =	smulhi.u32 $0x4BDA12F7, s4;
	v9 =	vsel vm4, s20, v6;
	vm9 =	vlt.s32 v7, $0x270F;
	(v2sf) =	vpush v4, $0x7;
	s9 =	sshra.s32 s10, $0x1F  }
.Ltmp0:
0xa3: {  	(v2sf) =	vpush v4, $0x1;
	v6 =	vnsel vm9, $0x270F, v7;
	vm9 =	vmmov vm10;
	(pc) =	sbr.rel @p0 .LBB2_3-.Ltmp0, $4  }
0xa4: {  	s21 =	sadd.s32 s19, s8;
	vm10 =	vmmov vm11;
	vm11 =	vmmov vm12;
	vm12 =	vmmov vm14  }
0xa5: {  	s14 =	smul.u32 $0x4BDA12F7, s7;
	s18 =	sshra.s32 s4, $0x1F;
	s3 =	sshrl.u32 s2, $0x1F;
	vm14 =	vmmov vm15;
	vm15 =	vmmov vm5;
	vm5 =	vmmov vm7  }
0xa6: {  	s2 =	sshrl.u32 s5, $0x1F;
	s5 =	smulhi.u32 $0x4BDA12F7, s10;
	s10 =	sshra.s32 s0, $0x1F;
	vm7 =	vcmask $0x3B38;
	v7 =	vsel vm0, s23, v10;
	(v2sf) =	vpush v4, $0x2  }
0xa7: {  	s7 =	smul.u32 $0x4BDA12F7, s30;
	s30 =	smov.u32 s17;
	s6 =	sadd.s32 s14, s6;
	(v2sf) =	vpush v4, $0x6  }
0xa8: {  	_ =	sdelay $0x1  }
0xa9: {  	(v2sf) =	vpush v4, $0x3;
	_ =	sdelay $0x2  }
0xaa: {  	s22 =	smul.u32 $0x4BDA12F7, s18;
	(v2sf) =	vpush v4, $0x4  }
0xab: {  	s1 =	smul.u32 $0x4BDA12F7, s1;
	s8 =	spop (v2sf)  }
0xac: {  	[dreg:$0x18] =	wrdreg s22;
	s22 =	smulhi.u32 $0x4BDA12F7, s8;
	s8 =	sshra.s32 s8, $0x1F  }
0xad: {  	(v2sf) =	vpush v4, $0xC;
	s30 =	smul.u32 $0x4BDA12F7, s8;
	s14 =	spop (v2sf)  }
0xae: {  	[dreg:$0x14] =	wrdreg s1;
	s23 =	spop (v2sf)  }
0xaf: {  	(v2sf) =	vpush v4, $0xD;
	[dreg:$0x15] =	wrdreg s30;
	s20 =	sshra.s32 s23, $0x1F;
	s4 =	smulhi.u32 $0x4BDA12F7, s23  }
0xb0: {  	s19 =	spop (v2sf);
	s8 =	smul.u32 $0x4BDA12F7, s20  }
0xb1: {  	s18 =	smulhi.u32 $0x4BDA12F7, s19;
	[dreg:$0x19] =	wrdreg s4  }
0xb2: {  	s9 =	smul.u32 $0x4BDA12F7, s9;
	[dreg:$0x1b] =	wrdreg s8  }
0xb3: {  	s23 =	spop (v2sf);
	[dreg:$0x1c] =	wrdreg s18  }
0xb4: {  	s5 =	sadd.s32 s9, s5;
	(v2sf) =	vpush v4, $0x8;
	s18 =	smulhi.u32 $0x4BDA12F7, s14;
	s9 =	rddreg [dreg:$0x19]  }
0xb5: {  	(v2sf) =	vpush v4, $0x9;
	s30 =	spop (v2sf);
	s4 =	smulhi.u32 $0x4BDA12F7, s23  }
0xb6: {  	s14 =	sshra.s32 s14, $0x1F;
	s13 =	smulhi.u32 $0x4BDA12F7, s30;
	s20 =	spop (v2sf)  }
0xb7: {  	s30 =	sshra.s32 s30, $0x1F;
	[dreg:$0x1f] =	wrdreg s18;
	s18 =	smul.u32 $0x4BDA12F7, s14  }
0xb8: {  	s14 =	rddreg [dreg:$0x15];
	s17 =	smul.u32 $0x4BDA12F7, s30  }
0xb9: {  	s23 =	sshra.s32 s23, $0x1F;
	[dreg:$0x1e] =	wrdreg s4;
	s8 =	spop (v2sf)  }
0xba: {  	s23 =	smul.u32 $0x4BDA12F7, s23;
	[dreg:$0x1d] =	wrdreg s17;
	s17 =	sshra.s32 s8, $0x1F  }
0xbb: {  	[dreg:$0x1a] =	wrdreg s13;
	s30 =	smul.u32 $0x4BDA12F7, s17  }
0xbc: {  	[smem:$0x7FB] =	sst s23;
	s13 =	sshra.s32 s20, $0x1F;
	s4 =	spop (v2sf)  }
0xbd: {  	s17 =	smul.u32 $0x4BDA12F7, s13;
	[dreg:$0x16] =	wrdreg s30  }
0xbe: {  	v8 =	vsel vm1, s3, v8;
	s3 =	sshra.s32 s26, $0x3;
	(v2sf) =	vpush v4, $0xE;
	s30 =	smulhi.u32 $0x4BDA12F7, s20;
	s20 =	spop (v2sf)  }
0xbf: {  	s19 =	sshra.s32 s19, $0x1F;
	s23 =	rddreg [dreg:$0x14];
	s13 =	smulhi.u32 $0x4BDA12F7, s20  }
0xc0: {  	s19 =	smul.u32 $0x4BDA12F7, s19;
	s16 =	sadd.s32 s23, s16;
	[smem:$0x7FC] =	sst s17  }
0xc1: {  	s17 =	smulhi.u32 $0x4BDA12F7, s8;
	s1 =	sshra.s32 s20, $0x1F;
	[smem:$0x7FD] =	sst s13  }
0xc2: {  	s20 =	smul.u32 $0x4BDA12F7, s1;
	s13 =	sadd.s32 s7, s12;
	s12 =	rddreg [dreg:$0x18]  }
0xc3: {  	s7 =	spop (v2sf);
	s23 =	sadd.s32 s12, s15;
	s12 =	rddreg [dreg:$0x1b]  }
0xc4: {  	s1 =	spop (v2sf);
	s8 =	sadd.s32 s12, s9;
	s9 =	rddreg [dreg:$0x1d]  }
0xc5: {  	s22 =	sadd.s32 s14, s22;
	s15 =	smulhi.u32 $0x4BDA12F7, s4;
	[dreg:$0x13] =	wrdreg s8  }
0xc6: {  	s4 =	sshra.s32 s4, $0x1F;
	s14 =	smulhi.u32 $0x4BDA12F7, s1;
	s8 =	rddreg [dreg:$0x1a]  }
0xc7: {  	s12 =	smul.u32 $0x4BDA12F7, s4;
	s4 =	sadd.s32 s9, s8;
	s9 =	rddreg [dreg:$0x1c]  }
0xc8: {  	v8 =	vsel vm2, s2, v8;
	s1 =	sshra.s32 s1, $0x1F;
	s2 =	sshrl.u32 s23, $0x1F;
	s8 =	sld [smem:$0x7FB]  }
0xc9: {  	s23 =	sshra.s32 s23, $0x3;
	s12 =	sadd.s32 s12, s15;
	[dreg:$0xf] =	wrdreg s4  }
0xca: {  	s19 =	sadd.s32 s19, s9;
	s9 =	smul.u32 $0x4BDA12F7, s1;
	s4 =	rddreg [dreg:$0x1e]  }
0xcb: {  	s15 =	sshrl.u32 s21, $0x1F;
	s1 =	sadd.s32 s8, s4;
	s8 =	smulhi.u32 $0x4BDA12F7, s7  }
0xcc: {  	(v2sf) =	vpush v4, $0xF;
	s4 =	sld [smem:$0x7FC];
	s7 =	sshra.s32 s7, $0x1F;
	s9 =	sadd.s32 s9, s14  }
0xcd: {  	s14 =	sshra.s32 s28, $0x3;
	[dreg:$0x12] =	wrdreg s1;
	s1 =	spop (v2sf)  }
0xce: {  	(v2sf) =	vpush v4, $0xA;
	s28 =	sshra.s32 s28, $0x1F;
	s7 =	smul.u32 $0x4BDA12F7, s7;
	[dreg:$0xe] =	wrdreg s9  }
0xcf: {  	s9 =	sshra.s32 s5, $0x1F;
	s4 =	sadd.s32 s4, s30;
	s30 =	rddreg [dreg:$0x1f]  }
0xd0: {  	s7 =	sadd.s32 s7, s8;
	s8 =	sshrl.u32 s16, $0x1F;
	[dreg:$0x17] =	wrdreg s4  }
0xd1: {  	s4 =	smulhi.u32 $0x4BDA12F7, s1;
	s18 =	sadd.s32 s18, s30;
	s30 =	sld [smem:$0x7FD]  }
0xd2: {  	(v2sf) =	vpush v4, $0x5;
	s1 =	sshra.s32 s1, $0x1F;
	[dreg:$0x11] =	wrdreg s7;
	s7 =	sshrl.u32 s0, $0x1F  }
0xd3: {  	s0 =	sshra.s32 s13, $0x3;
	s13 =	sshrl.u32 s13, $0x1F;
	s1 =	smul.u32 $0x4BDA12F7, s1  }
0xd4: {  	v9 =	vsel vm12, s10, v9;
	v8 =	vsel vm4, s7, v8;
	s7 =	sshra.s32 s22, $0x3;
	s10 =	sshra.s32 s18, $0x1F;
	s20 =	sadd.s32 s20, s30  }
0xd5: {  	s30 =	rddreg [dreg:$0x16];
	s1 =	sadd.s32 s1, s4;
	s4 =	sshra.s32 s6, $0x3  }
0xd6: {  	(v2sf) =	vpush v4, $0xB;
	s17 =	sadd.s32 s30, s17;
	[dreg:$0x10] =	wrdreg s1;
	s1 =	sshrl.u32 s6, $0x1F  }
0xd7: {  	s6 =	sshra.s32 s11, $0x3;
	s11 =	sshra.s32 s21, $0x3;
	s30 =	sshrl.u32 s5, $0x1F  }
0xd8: {  	s5 =	sshra.s32 s5, $0x3;
	s21 =	sshrl.u32 s19, $0x1F;
	v12 =	vmov s4;
	s4 =	sshrl.u32 s18, $0x1F  }
0xd9: {  	v7 =	vsel vm1, s13, v7;
	s13 =	sshra.s32 s20, $0x3;
	v10 =	vmov s6;
	s6 =	sshra.s32 s16, $0x3;
	s16 =	sshrl.u32 s26, $0x1F  }
0xda: {  	s26 =	sshrl.u32 s22, $0x1F;
	s22 =	sshra.s32 s19, $0x1F;
	v11 =	vmov s1;
	v8 =	vsel vm5, s30, v8;
	v12 =	vsel vm0, s11, v12;
	s11 =	sshrl.u32 s20, $0x1F  }
0xdb: {  	v9 =	vsel vm5, s5, v9;
	s20 =	rddreg [dreg:$0x12];
	v10 =	vsel vm0, s31, v10;
	s31 =	sshra.s32 s18, $0x3;
	v8 =	vsel vm6, s29, v8;
	s29 =	spop (v2sf)  }
0xdc: {  	v11 =	vsel vm0, s15, v11;
	v9 =	vsel vm14, s9, v9;
	s9 =	sshrl.u32 s20, $0x1F;
	v10 =	vsel vm1, s0, v10;
	s0 =	sshra.s32 s19, $0x3;
	s19 =	rddreg [dreg:$0x13]  }
0xdd: {  	v7 =	vsel vm2, s8, v7;
	s30 =	spop (v2sf);
	v11 =	vsel vm1, s2, v11;
	s2 =	smulhi.u32 $0x4BDA12F7, s29;
	v9 =	vsel vm6, s14, v9;
	s18 =	sshra.s32 s19, $0x1F  }
0xde: {  	s8 =	smulhi.u32 $0x4BDA12F7, s30;
	v11 =	vsel vm2, s26, v11;
	s26 =	sshra.s32 s20, $0x1F;
	v9 =	vsel vm15, s28, v9;
	s28 =	sshrl.u32 s12, $0x1F;
	v13 =	vmov s18  }
0xdf: {  	v14 =	vmov s4;
	s12 =	sshra.s32 s12, $0x3;
	v9 =	vsel vm7, s3, v9;
	s3 =	sshra.s32 s17, $0x1F;
	v13 =	vsel vm3, s31, v13;
	s31 =	sshra.s32 s29, $0x1F  }
0xe0: {  	vm8 =	vcmask $0x1F1C;
	v14 =	vnsel vm3, $0x0, v14;
	s29 =	sshra.s32 s20, $0x3;
	v13 =	vsel vm9, s10, v13;
	s10 =	sshra.s32 s30, $0x1F;
	s30 =	rddreg [dreg:$0x17]  }
0xe1: {  	v12 =	vsel vm1, s23, v12;
	v8 =	vsel vm7, s16, v8;
	v14 =	vsel vm0, s21, v14;
	s1 =	smul.u32 $0x4BDA12F7, s31;
	s18 =	spop (v2sf);
	s16 =	sshra.s32 s30, $0x1F  }
0xe2: {  	v12 =	vsel vm2, s7, v12;
	v10 =	vsel vm2, s6, v10;
	v14 =	vsel vm1, s9, v14;
	s31 =	sshra.s32 s30, $0x3;
	s14 =	smov.u32 s30;
	s30 =	rddreg [dreg:$0x11]  }
0xe3: {  	v8 =	vperm.xlane v8, v2;
	v15 =	vmov s28;
	v13 =	vsel vm0, s0, v13;
	s15 =	sshra.s32 s18, $0x1F;
	s0 =	smulhi.u32 $0x4BDA12F7, s18;
	s18 =	rddreg [dreg:$0xf]  }
0xe4: {  	v16 =	vmov s12;
	v7 =	vcombine.low v11, v7;
	v13 =	vsel vm10, s22, v13;
	s22 =	sshra.s32 s17, $0x3;
	s23 =	sshrl.u32 s14, $0x1F;
	s1 =	sadd.s32 s1, s2  }
0xe5: {  	v10 =	vcombine.low v12, v10;
	v15 =	vsel vm0, s11, v15;
	s17 =	sshrl.u32 s17, $0x1F;
	s21 =	spop (v2sf);
	v13 =	vsel vm1, s29, v13;
	s29 =	smul.u32 $0x4BDA12F7, s10  }
0xe6: {  	v7 =	vperm.xlane v7, v1;
	s7 =	sshrl.u32 s18, $0x1F;
	v14 =	vsel vm2, s23, v14;
	s23 =	sshra.s32 s21, $0x1F;
	v13 =	vsel vm11, s26, v13;
	s26 =	smul.u32 $0x4BDA12F7, s15  }
0xe7: {  	v16 =	vsel vm0, s13, v16;
	v9 =	vperm.xlane v9, v2;
	s15 =	rddreg [dreg:$0x10];
	s5 =	smul.u32 $0x4BDA12F7, s23;
	v13 =	vsel vm2, s31, v13;
	s31 =	sshrl.u32 s30, $0x1F  }
0xe8: {  	v10 =	vperm.xlane v10, v1;
	v7 =	vsel vm13, v8, v7;
	v14 =	vsel vm4, s17, v14;
	s6 =	sadd.s32 s29, s8;
	s29 =	rddreg [dreg:$0xe];
	s9 =	sshrl.u32 s15, $0x1F  }
0xe9: {  	v13 =	vsel vm8, s16, v13;
	s16 =	sshra.s32 s15, $0x3;
	s0 =	sadd.s32 s26, s0;
	s26 =	sshra.s32 s30, $0x3;
	v17 =	vmov s31;
	v15 =	vsel vm1, s9, v15  }
0xea: {  	s11 =	sshrl.u32 s1, $0x1F;
	s8 =	sshrl.u32 s29, $0x1F;
	v13 =	vsel vm4, s22, v13;
	s22 =	smulhi.u32 $0x4BDA12F7, s21;
	v16 =	vsel vm1, s16, v16;
	v18 =	vmov s26  }
0xeb: {  	s30 =	sshra.s32 s29, $0x3;
	s31 =	sshrl.u32 s6, $0x1F;
	s28 =	sshrl.u32 s0, $0x1F;
	v17 =	vsel vm0, s8, v17;
	v15 =	vsel vm2, s11, v15;
	v13 =	vsel vm12, s3, v13  }
0xec: {  	s1 =	sshra.s32 s1, $0x3;
	s10 =	sshra.s32 s0, $0x3;
	v14 =	vsel vm5, s28, v14;
	v18 =	vsel vm0, s30, v18;
	v17 =	vsel vm1, s31, v17;
	s4 =	sadd.s32 s5, s22  }
0xed: {  	s13 =	sshra.s32 s6, $0x3;
	s0 =	sshra.s32 s0, $0x1F;
	v16 =	vsel vm2, s1, v16;
	v14 =	vsel vm6, s7, v14;
	v13 =	vsel vm5, s10, v13;
	s14 =	sshrl.u32 s4, $0x1F  }
0xee: {  	s16 =	sshra.s32 s18, $0x3;
	v18 =	vsel vm1, s13, v18;
	s15 =	sshra.s32 s4, $0x3;
	v34 =	vsel vm14, s0, v13;
	v17 =	vsel vm2, s14, v17  }
0xef: {  	s12 =	sshrl.u32 s19, $0x1F;
	s17 =	sshra.s32 s18, $0x1F;
	v18 =	vsel vm2, s15, v18;
	v11 =	vsel vm6, s16, v34;
	v35 =	vcombine.low v17, v15  }
0xf0: {  	s18 =	sshra.s32 s19, $0x3;
	v14 =	vsel vm7, s12, v14;
	v36 =	vcombine.low v18, v16;
	v11 =	vsel vm15, s17, v11  }
0xf1: {  	v38 =	vperm.xlane v14, v2;
	v11 =	vsel vm7, s18, v11;
	v37 =	vperm.xlane v35, v1  }
0xf2: {  	v9 =	vsel vm13, v9, v10;
	v39 =	vperm.xlane v36, v1;
	v11 =	vperm.xlane v11, v2  }
0xf3: {  	v7 =	vadd.s32 v7, v9  }
0xf4: {  	v9 =	vmul.u32 $0xFFFFFFE5, v7;
	v8 =	vsel vm13, v38, v37;
	v10 =	vsel vm13, v11, v39  }
0xf5: {  	v5 =	vmul.u32 $0x2780, v5;
	v8 =	vadd.s32 v8, v10  }
0xf6: {  	v3 =	vadd.s32 v3, v9;
	v40 =	vmul.u32 $0xFFFFFFE5, v8  }
0xf7: {  	v41 =	vmul.u32 $0x2780, v6;
	v7 =	vadd.s32 v7, v5;
	v3 =	vadd.s32 v5, v3  }
0xf8: {  	[tilespmem:s24+$0x100] =	vst v7;
	v3 =	vadd.s32 $0x2710, v3;
	v42 =	vadd.s32 v4, v40  }
0xf9: {  	[tilespmem:s24+$0x180] =	vst v3;
	v3 =	vadd.s32 v8, v41;
	v4 =	vadd.s32 v41, v42  }
0xfa: {  	s20 =	simm.s32 $0x100;
	[tilespmem:s25+$0x100] =	vst v3;
	v3 =	vadd.s32 $0x2710, v4  }
0xfb: {  	s19 =	rddreg [dreg:$0x3];
	s21 =	simm.s32 $0x200;
	s5 =	simm.s32 $0x80;
	[tilespmem:s25+$0x180] =	vst v3  }
0xfc: {  	[tilespmem:s21], [sflag:$0x1] =	stream.indirect.gather [hbm4b:s19+s5], $0x1, s20, s5, $0xb8;
	[tilespmem:$0x800] =	vst v63  }
0xfd: {  	s23 =	simm.s32 $0x280;
	s22 =	simm.s32 $0x180;
	s24 =	simm.s32 $0x1  }
0xfe: {  	[tilespmem:s23], [sflag:$0x2] =	stream.indirect.gather [hbm4b:s19+s5], $0x1, s22, s5, $0xb8;
	[tilespmem:$0x800] =	vst v63  }
0xff: {  	_ =	swait.ge [sflag:s24], $0x80  }
0x100: {  	[sflag:s24] =	ssyncset.done $0x0  }
0x101: {  	s25 =	simm.s32 $0x2;
	[sflag:s24] =	ssyncadd.s32 $0xFFFFFF80  }
0x102: {  	_ =	swait.ge [sflag:s25], $0x80  }
0x103: {  	[sflag:s25] =	ssyncset.done $0x0  }
0x104: {  	[sflag:s25] =	ssyncadd.s32 $0xFFFFFF80  }
0x105: {  	v3 =	vld [tilespmem:$0x200]  }
0x106: {  	v43 =	vld [tilespmem:$0x280]  }
0x107: {  	v44 =	vld [tilespmem:$0x210]  }
0x108: {  	v45 =	vld [tilespmem:$0x290]  }
0x109: {  	v46 =	vld [tilespmem:$0x220]  }
0x10a: {  	v47 =	vld [tilespmem:$0x2A0]  }
0x10b: {  	v48 =	vld [tilespmem:$0x230]  }
0x10c: {  	v49 =	vld [tilespmem:$0x2B0]  }
0x10d: {  	v52 =	vld [tilespmem:$0x250]  }
0x10e: {  	v53 =	vld [tilespmem:$0x2D0]  }
0x10f: {  	v54 =	vld [tilespmem:$0x260]  }
0x110: {  	v55 =	vld [tilespmem:$0x2E0]  }
0x111: {  	v50 =	vld [tilespmem:$0x240];
	v3 =	vadd.f32 v43, v3  }
0x112: {  	v51 =	vld [tilespmem:$0x2C0];
	v5 =	vadd.f32 v45, v44  }
0x113: {  	v7 =	vadd.f32 v47, v46;
	v3 =	vmul.f32 $6.250000000e-02, v3  }
0x114: {  	v56 =	vld [tilespmem:$0x270];
	v9 =	vadd.f32 v49, v48;
	v4 =	vadd.f32 v53, v52;
	v5 =	vmul.f32 $6.250000000e-02, v5  }
0x115: {  	v57 =	vld [tilespmem:$0x2F0];
	v6 =	vadd.f32 v55, v54;
	v7 =	vmul.f32 $6.250000000e-02, v7;
	v3 =	vmul.f32 $1.442695020e+00, v3  }
0x116: {  	v9 =	vmul.f32 $6.250000000e-02, v9;
	v4 =	vmul.f32 $6.250000000e-02, v4  }
0x117: {  	v6 =	vmul.f32 $6.250000000e-02, v6;
	(erf) = vpow2.f32 v3;
	v3 =	vadd.f32 v51, v50  }
0x118: {  	v5 =	vmul.f32 $1.442695020e+00, v5;
	v7 =	vmul.f32 $1.442695020e+00, v7  }
0x119: {  	v58 =	vmul.f32 $1.442695020e+00, v9;
	v3 =	vmul.f32 $6.250000000e-02, v3  }
0x11a: {  	v59 =	vadd.f32 v57, v56;
	v4 =	vmul.f32 $1.442695020e+00, v4;
	(erf) = vpow2.f32 v5  }
0x11b: {  	(erf) = vpow2.f32 v7;
	v3 =	vmul.f32 $1.442695020e+00, v3  }
0x11c: {  	v5 =	vmul.f32 $6.250000000e-02, v59;
	(erf) = vpow2.f32 v58  }
0x11d: {  	(erf) = vpow2.f32 v3;
	v3 =	vmul.f32 $1.442695020e+00, v6  }
0x11e: {  	v60 =	vmul.f32 $1.442695020e+00, v5;
	(erf) = vpow2.f32 v4  }
0x11f: {  	(erf) = vpow2.f32 v3  }
0x120: {  	(erf) = vpow2.f32 v60;
	_ =	sdelay $0x1  }
0x121: {  	v3 =	vpop (erf)  }
0x122: {  	v61 =	vpop (erf);
	[tilespmem:$0x280] =	vst v3  }
0x123: {  	v3 =	vpop (erf);
	[tilespmem:$0x290] =	vst v61  }
0x124: {  	v62 =	vpop (erf);
	[tilespmem:$0x2A0] =	vst v3  }
0x125: {  	[tilespmem:$0x2B0] =	vst v62;
	v3 =	vpop (erf)  }
0x126: {  	v63 =	vpop (erf);
	[tilespmem:$0x2C0] =	vst v3  }
0x127: {  	s26 =	rddreg [dreg:$0x6];
	v3 =	vpop (erf);
	[tilespmem:$0x2D0] =	vst v63  }
0x128: {  	s28 =	rddreg [dreg:$0xd];
	[tilespmem:$0x2E0] =	vst v3;
	v3 =	vpop (erf)  }
0x129: {  	s29 =	simm.s32 $0x0;
	s4 =	simm.s32 $0x3;
	s0 =	sadd.s32 s26, s28;
	[tilespmem:$0x2F0] =	vst v3  }
0x12a: {  	[hbm4b:s0+s29] =	stream.linear.scatter [tilespmem:s23], [sflag:$0x3], $0x80, $0x38;
	[tilespmem:$0x800] =	vst v63  }
0x12b: {  	_ =	swait.ge [sflag:s4], $0x80  }
0x12c: {  	[sflag:s4] =	ssyncset.done $0x0  }
0x12d: {  	[sflag:s4] =	ssyncadd.s32 $0xFFFFFF80  }
0x12e: {  	s30 =	rddreg [dreg:$0x1]  }
0x12f: {  	[spmem:s30] =	stream.indirect.scatter.add.f32 [tilespmem:s23], [sflag:$0x3], $0x1, s5, s5, $0xb8;
	[tilespmem:$0x800] =	vst v63  }
0x130: {  	_ =	swait.ge [sflag:s4], $0x80  }
0x131: {  	s31 =	rddreg [dreg:$0xc]  }
0x132: {  	s1 =	sadd.s32 $0x1, s31  }
0x133: {  	p0 =	sne.s32 s1, $0x42  }
.Ltmp1:
0x134: {  	_ = 	snop;
	(pc) =	sbr.rel @p0 .LBB2_2-.Ltmp1, $3  }
0x135: {  	_ =	sdelay $0x1  }
0x136: {  	[sflag:s4] =	ssyncset.done $0x0  }
0x137: {  	[sflag:s4] =	ssyncadd.s32 $0xFFFFFF80  }
0x138: {  	s0 =	stileid.u32;
	[bflag:$0x0] =	sbarrier.arrive $0xFFFF  }
0x139: {  	s0 =	sshll.u32 s0, $0x6;
	s2 =	rddreg [dreg:$0x7]  }
0x13a: {  	s3 =	rddreg [dreg:$0x9];
	s0 =	sor.u32 $0x1C03, s0;
	s1 =	sshrl.u32 s2, $0x3  }
0x13b: {  	[hbm:s3], [sflag:s0] =	dma.local [spmem:s1], $0x50  }
0x13c: {  	_ =	swait.ge [sflag:s4], $0x50  }
0x13d: {  	s30 =	rddreg [dreg:$0xb]  }
0x13e: {  	s31 =	rddreg [dreg:$0xa];
	s1 =	sadd.s32 $0x1, s30  }
0x13f: {  	p0 =	sne.s32 s1, s31  }
.Ltmp2:
0x140: {  	_ = 	snop;
	(pc) =	sbr.rel @p0 .LBB2_1-.Ltmp2, $3  }
0x141: {  	_ =	sdelay $0x1  }
0x142: {  	[sflag:s4] =	ssyncset.done $0x0  }
0x143: {  	[sflag:s4] =	ssyncadd.s32 $0xFFFFFFB0  }
0x144: {  	_ =	sfence.sel $0x180000  }
0x145: {  	[bflag:$0x0] =	sbarrier.arrive $0xFFFF  }
0x146: {  	_ =	strace $0x90000047  }
0x147: {  	s0 =	stileid.u32;
	[bflag:$0x2] =	sbarrier.arrive $0xFFFF  }
0x148: {  	p0 =	sne.s32 s0, $0x0;
	s0 =	rddreg [dreg:$0x2]  }
0x149: {  	s0 =	sadd.s32 @!p0 $0x100000, s0  }
0x14a: {  	[sflag:s0] =	ssyncadd.tile.s32 @!p0 $0x1;
	_ =	shalt  }
.Lfunc_end2:
_tile_overlayer_lowered:
.L_overlay_start_2:
0x14b: {  	(tag) =	ssettag $0x2  }
0x14c: {  	s0 =	rddreg [dreg:$0x0];
	s2 =	stileid.u32  }
0x14d: {  	s1 =	rddreg [dreg:$0x1];
	p0 =	sne.s32 s2, $0x0  }
0x14e: {  	s3 =	rddreg [dreg:$0x2];
	[bflag:$0x3] =	sbarrier.arrive $0xFFFF;
	s2 =	simm.s32 @!p0 $0x1C03  }
0x14f: {  	[timem:s3], [sflag:s2] =	dma.local @!p0 [hbm:s0], s1  }
0x150: {  	s0 =	simm.s32 @!p0 $0x3  }
0x151: {  	_ =	swait.ge @!p0 [sflag:s0], s1  }
0x152: {  	s1 =	ssub.s32 @!p0 $0x0, s1;
	[sflag:s0] =	ssyncset.done @!p0 $0x0  }
0x153: {  	[sflag:s0] =	ssyncadd.s32 @!p0 s1  }
0x154: {  	[bflag:$0x3] =	sbarrier.arrive $0xFFFF  }
0x155: {  	_ =	shalt  }

// kernel: kernel.8.cloned.1.call-start
scs
__scs_entry_jumppad:
0x0: {  	(pc) =	sbr.rel $0x88, $3  }
0x1: {  	(tag) =	ssettag $0x0;
	lr =	simm.s32 $0x1  }
0x2: {  	[smem:$0x3F9C] =	sst lr;
	_ =	strace $0xD0000000  }
0x3: {  	_ = 	snop  }
0x4: {  	_ = 	snop  }
0x5: {  	_ = 	snop  }
0x6: {  	_ = 	snop  }
0x7: {  	_ = 	snop  }
__scs_overlays_trampoline_lowered:
0x8: {  	[smem:$0x3FAB] =	sst s0  }
0x9: {  	[smem:$0x3FAC] =	sst s1  }
0xa: {  	[smem:$0x3FAD] =	sst s2  }
0xb: {  	[smem:$0x3FAE] =	sst s3  }
0xc: {  	[smem:$0x3FAF] =	sst s4  }
0xd: {  	[smem:$0x3FB0] =	sst s5  }
0xe: {  	[smem:$0x3FB1] =	sst s6  }
0xf: {  	[smem:$0x3FB2] =	sst s7  }
0x10: {  	[smem:$0x3FB3] =	sst s8  }
0x11: {  	[smem:$0x3FB4] =	sst s9;
	s0 =	simm.s32 @!p0 $0x0  }
0x12: {  	s1 =	sld [smem:$0x3F9A];
	s0 =	simm.s32 @p0 $0x1  }
0x13: {  	[smem:$0x3FB5] =	sst s0;
	s0 =	simm.s32 @!p1 $0x0  }
0x14: {  	s2 =	sld [smem:$0x3F99];
	s0 =	simm.s32 @p1 $0x1  }
0x15: {  	[smem:$0x3FB6] =	sst s0;
	s0 =	simm.s32 @!p2 $0x0  }
0x16: {  	s3 =	sld [smem:$0x3FDB];
	s0 =	simm.s32 @p2 $0x1  }
0x17: {  	s4 =	simm.s32 $0x1BF5;
	[smem:$0x3FB8] =	sst s0  }
0x18: {  	s0 =	sld [smem:$0x3F9B];
	_ =	swait.ge [sflag:s4], $0x0  }
0x19: {  	s7 =	sld [smem:$0x3F9C]  }
0x1a: {  	s8 =	sadd.s32 $0xFFFFE003, lr  }
0x1b: {  	s9 =	sadd.s32 $0xFFFFFEF7, lr;
	s5 =	simm.s32 $0xFFFFFFFF;
	p2 =	slt.u32 s8, $0xFFFFF086  }
0x1c: {  	p1 =	slt.u32 s9, $0xF7A;
	s5 =	simm.s32 @!p2 $0x0  }
0x1d: {  	s5 =	simm.s32 @p1 $0x1;
	p0 =	seq.s32 s7, s2  }
0x1e: {  	s7 =	smul.u32 @!p0 $0xF7A, s2;
	p2 =	seq.s32 @!p0 s5, $0x0  }
0x1f: {  	s9 =	smul.u32 $0xF7A, s1;
	s8 =	simm.s32 @!p0 $0x1BF5;
	p2 =	por !p2, p0  }
0x20: {  	[sflag:s8] =	ssyncset.s32 @!p0 $0xFFFFF086;
	s6 =	sadd.s32 @!p0 s3, s7;
	s7 =	simm.s32 @!p0 $0x108  }
0x21: {  	s3 =	sadd.s32 s3, s9;
	s6 =	sadd.s32 @!p0 $0x88, s6;
	s7 =	simm.s32 @p2 $0x1082  }
0x22: {  	[simem:s7], [sflag:s8] =	dma.local @!p0 [hbm:s6], $0xF7A  }
0x23: {  	s9 =	sor.u32 $0xD0000000, s2;
	s6 =	simm.s32 $0x108;
	_ =	swait.ge @!p0 [sflag:s8], $0x0  }
0x24: {  	s3 =	sadd.s32 $0x88, s3;
	s6 =	simm.s32 @!p1 $0x1082;
	[sflag:s4] =	ssyncset.s32 $0xFFFFF086  }
0x25: {  	[simem:s6], [sflag:s4] =	dma.local [hbm:s3], $0xF7A  }
0x26: {  	[smem:$0x3F9C] =	sst s1;
	(tag) =	ssettag s2;
	_ =	strace s9  }
0x27: {  	s1 =	sld [smem:$0x3FAC]  }
0x28: {  	s2 =	sld [smem:$0x3FAD]  }
0x29: {  	s4 =	sld [smem:$0x3FAF]  }
0x2a: {  	p0 =	seq.s32 s5, $0x0;
	s5 =	sld [smem:$0x3FB0]  }
0x2b: {  	s6 =	sld [smem:$0x3FB1]  }
0x2c: {  	s7 =	sld [smem:$0x3FB2]  }
0x2d: {  	s3 =	simm.s32 $0x108;
	s8 =	sld [smem:$0x3FB3]  }
0x2e: {  	s3 =	simm.s32 @!p0 $0x1082;
	s9 =	sld [smem:$0x3FB4]  }
0x2f: {  	lr =	sadd.s32 s0, s3;
	s0 =	sld [smem:$0x3FAB]  }
0x30: {  	s3 =	sld [smem:$0x3FAE]  }
0x31: {  	[smem:$0x3FB7] =	sst s10  }
0x32: {  	s10 =	sld [smem:$0x3FB5];
	_ =	sdelay $0x3  }
0x33: {  	p0 =	seq.s32 s10, $0x1;
	s10 =	sld [smem:$0x3FB7];
	_ =	sdelay $0x3  }
0x34: {  	[smem:$0x3FB7] =	sst s10  }
0x35: {  	s10 =	sld [smem:$0x3FB6];
	_ =	sdelay $0x3  }
0x36: {  	p1 =	seq.s32 s10, $0x1;
	s10 =	sld [smem:$0x3FB7];
	_ =	sdelay $0x3  }
0x37: {  	[smem:$0x3FB7] =	sst s10  }
0x38: {  	s10 =	sld [smem:$0x3FB8]  }
0x39: {  	_ = 	snop;
	(pc) =	sbr.ind lr, $3  }
0x3a: {  	_ = 	snop  }
0x3b: {  	_ = 	snop  }
0x3c: {  	p2 =	seq.s32 s10, $0x1;
	s10 =	sld [smem:$0x3FB7]  }
0x3d: {  	_ =	shalt  }
0x3e: {  	_ =	shalt  }
0x3f: {  	_ =	shalt  }
0x40: {  	_ =	shalt  }
0x41: {  	_ =	shalt  }
0x42: {  	_ =	shalt  }
0x43: {  	_ =	shalt  }
0x44: {  	_ =	shalt  }
0x45: {  	_ =	shalt  }
0x46: {  	_ =	shalt  }
0x47: {  	_ =	shalt  }
0x48: {  	_ =	shalt  }
0x49: {  	_ =	shalt  }
0x4a: {  	_ =	shalt  }
0x4b: {  	_ =	shalt  }
0x4c: {  	_ =	shalt  }
0x4d: {  	_ =	shalt  }
0x4e: {  	_ =	shalt  }
0x4f: {  	_ =	shalt  }
0x50: {  	_ =	shalt  }
0x51: {  	_ =	shalt  }
0x52: {  	_ =	shalt  }
0x53: {  	_ =	shalt  }
0x54: {  	_ =	shalt  }
0x55: {  	_ =	shalt  }
0x56: {  	_ =	shalt  }
0x57: {  	_ =	shalt  }
0x58: {  	_ =	shalt  }
0x59: {  	_ =	shalt  }
0x5a: {  	_ =	shalt  }
0x5b: {  	_ =	shalt  }
0x5c: {  	_ =	shalt  }
0x5d: {  	_ =	shalt  }
0x5e: {  	_ =	shalt  }
0x5f: {  	_ =	shalt  }
0x60: {  	_ =	shalt  }
0x61: {  	_ =	shalt  }
0x62: {  	_ =	shalt  }
0x63: {  	_ =	shalt  }
0x64: {  	_ =	shalt  }
0x65: {  	_ =	shalt  }
0x66: {  	_ =	shalt  }
0x67: {  	_ =	shalt  }
0x68: {  	_ =	shalt  }
0x69: {  	_ =	shalt  }
0x6a: {  	_ =	shalt  }
0x6b: {  	_ =	shalt  }
0x6c: {  	_ =	shalt  }
0x6d: {  	_ =	shalt  }
0x6e: {  	_ =	shalt  }
0x6f: {  	_ =	shalt  }
0x70: {  	_ =	shalt  }
0x71: {  	_ =	shalt  }
0x72: {  	_ =	shalt  }
0x73: {  	_ =	shalt  }
0x74: {  	_ =	shalt  }
0x75: {  	_ =	shalt  }
0x76: {  	_ =	shalt  }
0x77: {  	_ =	shalt  }
0x78: {  	_ =	shalt  }
0x79: {  	_ =	shalt  }
0x7a: {  	_ =	shalt  }
0x7b: {  	_ =	shalt  }
0x7c: {  	_ =	shalt  }
0x7d: {  	_ =	shalt  }
0x7e: {  	_ =	shalt  }
0x7f: {  	_ =	shalt  }
0x80: {  	_ =	shalt  }
0x81: {  	_ =	shalt  }
0x82: {  	_ =	shalt  }
0x83: {  	_ =	shalt  }
0x84: {  	_ =	shalt  }
0x85: {  	_ =	shalt  }
0x86: {  	_ =	shalt  }
0x87: {  	_ =	shalt  }
.Lfunc_end0:
.L_simem_size_0:
called_computation.1_lowered:
.L_overlay_start_0:
0x88: {  	s2 =	sld [smem:$0x3FD9]  }
0x89: {  	s3 =	sld [smem:$0x3FFE];
	_ =	sdelay $0x1  }
0x8a: {  	s1 =	srdreg.scid  }
0x8b: {  	s0 =	sand.u32 $0x1, s1  }
0x8c: {  	s17 =	sshll.u32 s0, $0xA;
	s2 =	sadd.s32 s3, s2  }
0x8d: {  	s2 =	sadd.s32 s2, s17  }
0x8e: {  	[smem:$0x3FC3] =	sst s2  }
0x8f: {  	_ = 	snop  }
0x90: {  	s2 =	sld [smem:$0x3FD0];
	(tm) =	ssettm $0x1  }
0x91: {  	s18 =	sld [smem:$0x3FFB];
	_ =	sdelay $0x3  }
0x92: {  	_ =	strace s18  }
0x93: {  	s3 =	sld [smem:$0x3FFC];
	_ =	sdelay $0x3  }
0x94: {  	_ =	strace s3  }
0x95: {  	s3 =	sld [smem:$0x3FFD];
	_ =	sdelay $0x3  }
0x96: {  	_ =	strace s3  }
0x97: {  	_ =	strace $0x8FFFFFFF  }
0x98: {  	s19 =	sld [smem:$0x3FDB];
	_ =	sdelay $0x1  }
0x99: {  	s4 =	simm.s32 $_scs_section_size  }
0x9a: {  	s5 =	simm.s32 $_size__tile_overlayer_lowered;
	s6 =	simm.s32 $_tile_overlayer_lowered  }
0x9b: {  	s22 =	simm.s32 $0x1BFF;
	s21 =	sshll.u32 s6, $0x1;
	s3 =	sadd.s32 s4, s19  }
0x9c: {  	s7 =	simm.s32 $0x0;
	s20 =	sshll.u32 s5, $0x1;
	s5 =	sadd.s32 s21, s3  }
0x9d: {  	[timem:s7], [sflag:s22] =	dma.local [hbm:s5], s20  }
0x9e: {  	_ =	swait.ge [sflag:s22], s20  }
0x9f: {  	s4 =	ssub.s32 $0x0, s20;
	[sflag:s22] =	ssyncset.done $0x0  }
0xa0: {  	[sflag:s22] =	ssyncadd.s32 s4;
	_ =	sdelay $0x1  }
0xa1: {  	s23 =	simm.s32 $0x1B8B  }
0xa2: {  	_ =	swait.ge [sflag:s23], $0x1  }
0xa3: {  	[sflag:s23] =	ssyncset.done $0x0  }
0xa4: {  	s25 =	simm.s32 $0x1B8E;
	s24 =	sld [smem:$0x3FFE];
	[sflag:s23] =	ssyncadd.s32 $0xFFFFFFFF  }
0xa5: {  	s26 =	simm.s32 $execute0_lowered;
	[smem:$0x3FD2] =	sst s25  }
0xa6: {  	s5 =	sshll.u32 s26, $0x1;
	_ =	strace $0x80000049;
	[dreg:$0x1] =	wrdreg $0xFFFFFFFF  }
0xa7: {  	s28 =	simm.s32 $_size_execute0_lowered;
	s3 =	sadd.s32 s3, s5;
	[dreg:$0x0] =	wrdreg $0x0  }
0xa8: {  	s5 =	sshll.u32 s28, $0x1;
	[dreg:$0x2] =	wrdreg s3  }
0xa9: {  	[dreg:$0x3] =	wrdreg s5  }
0xaa: {  	[dreg:$0x4] =	wrdreg $0xC0  }
0xab: {  	_ =	task [dreg:s7], $0x5FFFF  }
0xac: {  	[dreg:$0x1] =	wrdreg $0xFFFFFFFF  }
0xad: {  	[dreg:$0x0] =	wrdreg $0x60  }
0xae: {  	[dreg:$0x2] =	wrdreg s24  }
0xaf: {  	[dreg:$0x3] =	wrdreg s2  }
0xb0: {  	[dreg:$0x4] =	wrdreg $0x43800  }
0xb1: {  	[dreg:$0x5] =	wrdreg $0x9  }
0xb2: {  	_ =	task.clear_ibuf [dreg:s7], $0x6FFFF;
	_ =	strace $0x90000049  }
0xb3: {  	s29 =	simm.s32 $0x9;
	_ =	strace $0x8000004B  }
0xb4: {  	_ =	swait.ge [sflag:s29], $0x1  }
0xb5: {  	[sflag:s29] =	ssyncadd.s32 $0xFFFFFFFF  }
0xb6: {  	_ =	strace $0x9000004B  }
0xb7: {  	_ =	sfence  }
0xb8: {  	s30 =	sld [smem:$0x0];
	_ =	sdelay $0x2  }
0xb9: {  	s31 =	sshll.u32 s1, $0xD;
	s1 =	sshrl.u32 s1, $0x2  }
0xba: {  	s3 =	sand.u32 $0x4000, s31;
	s1 =	sadd.s32 s1, s30  }
0xbb: {  	s0 =	sor.u32 s3, s0;
	s1 =	sshll.u32 s1, $0x11  }
0xbc: {  	s0 =	sor.u32 s1, s0  }
0xbd: {  	s0 =	sadd.s32 $0x8F2B, s0  }
0xbe: {  	[sflag:s0] =	ssyncadd.remote.s32 $0x1  }
0xbf: {  	_ =	sfence.sel $0xFFFF  }
0xc0: {  	[dreg:$0x0] =	wrdreg $0xFFFFFFFF;
	(pc) =	sbr.abs _section_cstart, $3  }
0xc1: {  	[dreg:$0x1] =	wrdreg $0xFFFFFFFF  }
0xc2: {  	_ =	task.clear_ibuf [dreg:s7], $0x2FFFF;
	_ =	strace $0x9FFFFFFF  }
0xc3: {  	(tm) =	ssettm $0x7FFFFFFF  }
tec
execute0_lowered:
.L_overlay_start_1:
0x0: {  	(tag) =	ssettag $0x1  }
0x1: {  	s0 =	rddreg [dreg:$0x0]  }
0x2: {  	s1 =	rddreg [dreg:$0x1]  }
0x3: {  	s7 =	rddreg [dreg:$0x2]  }
0x4: {  	s11 =	simm.s32 $0x0;
	s18 =	srdreg.scid;
	s12 =	stileid.u32  }
0x5: {  	[smem:$0x7FF] =	sst s11;
	s2 =	sadd.s32 $0xC00, s0;
	s3 =	sadd.s32 $0x9000, s0  }
0x6: {  	s19 =	smul.u32 $0x50000, s12;
	_ =	strace $0x8000004A;
	[dreg:$0x5] =	wrdreg s2  }
0x7: {  	s4 =	sadd.s32 $0x11400, s0;
	s5 =	smul.u32 $0x14000, s12;
	[dreg:$0x6] =	wrdreg s3  }
0x8: {  	s6 =	sadd.s32 $0x19800, s0;
	s0 =	sadd.s32 $0x1A200, s0;
	[dreg:$0x7] =	wrdreg s4  }
0x9: {  	s12 =	smul.u32 $0x84, s12;
	s2 =	sand.u32 $0x1, s18;
	[dreg:$0x8] =	wrdreg s6  }
0xa: {  	s20 =	ssub.s32 $0x2, s2;
	s3 =	sshrl.u32 s19, $0x2;
	s22 =	sadd.s32 $0x4000, s5  }
0xb: {  	s23 =	sadd.s32 $0x8000, s5;
	s8 =	sadd.s32 $0xC000, s5;
	s10 =	smul.u32 $0x140000, s2  }
0xc: {  	s9 =	sadd.s32 $0x10000, s5;
	s2 =	smul.u32 $0x27100, s2;
	[dreg:$0xe] =	wrdreg s12  }
0xd: {  	s21 =	sshrl.u32 s20, $0x1;
	s13 =	sadd.s32 s3, s7;
	s14 =	sadd.s32 s22, s7  }
0xe: {  	s15 =	sadd.s32 s23, s7;
	s16 =	sadd.s32 s8, s7;
	[dreg:$0x9] =	wrdreg s13  }
0xf: {  	s7 =	sadd.s32 s9, s7;
	s4 =	ssub.s32 s20, s21;
	[dreg:$0xa] =	wrdreg s14  }
0x10: {  	s5 =	sadd.s32 s5, s10;
	s6 =	sadd.s32 s10, s22;
	[dreg:$0xb] =	wrdreg s15  }
0x11: {  	s1 =	sadd.s32 s1, s2;
	s26 =	sadd.s32 s10, s23;
	[dreg:$0xc] =	wrdreg s16  }
0x12: {  	v0 =	vimm.s32 $0xECA86420;
	s28 =	sadd.s32 s10, s8;
	s29 =	sadd.s32 s10, s9;
	[dreg:$0xd] =	wrdreg s7  }
0x13: {  	vm0 =	vcmask $0xB08;
	vm1 =	vcmask $0x1310;
	vm2 =	vcmask $0x1B18;
	s5 =	sshrl.u32 s5, $0x3;
	[dreg:$0xf] =	wrdreg s1;
	s31 =	smax.u32 s4, $0x1  }
0x14: {  	vm3 =	vcmask $0x300;
	vm4 =	vcmask $0x2320;
	vm5 =	vcmask $0x2B28;
	s6 =	sshrl.u32 s6, $0x3;
	s24 =	sadd.s32 s0, s5;
	[dreg:$0x15] =	wrdreg s31  }
0x15: {  	vm6 =	vcmask $0x3330;
	vm7 =	vcmask $0x3B38;
	v2 =	vlaneseq.u32;
	s1 =	sshrl.u32 s26, $0x3;
	s25 =	sadd.s32 s0, s6;
	[dreg:$0x10] =	wrdreg s24  }
0x16: {  	vm8 =	vmmov $0xff;
	vm9 =	vcmask $0x704;
	vm10 =	vcmask $0xF0C;
	s2 =	sshrl.u32 s28, $0x3;
	s1 =	sadd.s32 s0, s1;
	[dreg:$0x11] =	wrdreg s25  }
0x17: {  	vm11 =	vcmask $0x1714;
	vm12 =	vcmask $0x1F1C;
	v1 =	vunpack.c.l.s4.s8 v0;
	s3 =	sshrl.u32 s29, $0x3;
	s30 =	sadd.s32 s0, s2;
	[dreg:$0x12] =	wrdreg s1  }
0x18: {  	vm13 =	vcmask $0x2724;
	vm14 =	vcmask $0x2F2C;
	vm15 =	vcmask $0x3734;
	s4 =	simm.s32 $0x4;
	s0 =	sadd.s32 s0, s3;
	[dreg:$0x13] =	wrdreg s30  }
0x19: {  	v0 =	vimm.f32 $0.0e+00;
	v2 =	vmul.u32 $0x2, v2;
	v1 =	vunpack.c.0.s8.s32 v1;
	s3 =	simm.s32 $0x380;
	s5 =	simm.s32 $0x100;
	[dreg:$0x14] =	wrdreg s0  }
.LBB2_1:
0x1a: {  	[dreg:$0x4] =	wrdreg s11;
	s1 =	simm.s32 $0x0;
	s2 =	simm.s32 $0x200  }
.LBB2_2:
0x1b: {  	p0 =	sne.s32 s2, $0xFE00;
	[tilespmem:s1+$0x3F0] =	vst v0  }
0x1c: {  	[tilespmem:s1+$0x380] =	vst v0  }
0x1d: {  	[tilespmem:s1+$0x390] =	vst v0  }
.Ltmp0:
0x1e: {  	[tilespmem:s1+$0x3A0] =	vst v0;
	(pc) =	sbr.rel @p0 .LBB2_2-.Ltmp0, $4  }
0x1f: {  	[tilespmem:s1+$0x3B0] =	vst v0  }
0x20: {  	[tilespmem:s1+$0x3C0] =	vst v0  }
0x21: {  	[tilespmem:s1+$0x3D0] =	vst v0  }
0x22: {  	[tilespmem:s1+$0x3E0] =	vst v0;
	s1 =	sshra.s32 s2, $0x2;
	s2 =	sadd.s32 $0x200, s2  }
0x23: {  	[tilespmem:s1+$0x3F0] =	vst v0  }
0x24: {  	[tilespmem:s1+$0x380] =	vst v0  }
0x25: {  	[tilespmem:s1+$0x390] =	vst v0  }
0x26: {  	[tilespmem:s1+$0x3A0] =	vst v0  }
0x27: {  	[tilespmem:s1+$0x3B0] =	vst v0  }
0x28: {  	[tilespmem:s1+$0x3C0] =	vst v0  }
0x29: {  	[tilespmem:s1+$0x3D0] =	vst v0  }
0x2a: {  	[tilespmem:s1+$0x3E0] =	vst v0  }
0x2b: {  	[spmem:s13] =	stream.linear.scatter [tilespmem:s3], [sflag:$0x4], $0x4000, $0x38;
	[tilespmem:$0x18380] =	vst v63  }
0x2c: {  	_ =	swait.ge [sflag:s4], $0x4000  }
0x2d: {  	[sflag:s4] =	ssyncset.done $0x0  }
0x2e: {  	[sflag:s4] =	ssyncadd.s32 $0xFFFFC000  }
0x2f: {  	[spmem:s14] =	stream.linear.scatter [tilespmem:s3], [sflag:$0x4], $0x4000, $0x38;
	[tilespmem:$0x18380] =	vst v63  }
0x30: {  	_ =	swait.ge [sflag:s4], $0x4000  }
0x31: {  	[sflag:s4] =	ssyncset.done $0x0  }
0x32: {  	[sflag:s4] =	ssyncadd.s32 $0xFFFFC000  }
0x33: {  	[spmem:s15] =	stream.linear.scatter [tilespmem:s3], [sflag:$0x4], $0x4000, $0x38;
	[tilespmem:$0x18380] =	vst v63  }
0x34: {  	_ =	swait.ge [sflag:s4], $0x4000  }
0x35: {  	[sflag:s4] =	ssyncset.done $0x0  }
0x36: {  	[sflag:s4] =	ssyncadd.s32 $0xFFFFC000  }
0x37: {  	[spmem:s16] =	stream.linear.scatter [tilespmem:s3], [sflag:$0x4], $0x4000, $0x38;
	[tilespmem:$0x18380] =	vst v63  }
0x38: {  	_ =	swait.ge [sflag:s4], $0x4000  }
0x39: {  	[sflag:s4] =	ssyncset.done $0x0  }
0x3a: {  	[sflag:s4] =	ssyncadd.s32 $0xFFFFC000  }
0x3b: {  	[spmem:s7] =	stream.linear.scatter [tilespmem:s3], [sflag:$0x4], $0x4000, $0x38;
	[tilespmem:$0x18380] =	vst v63  }
0x3c: {  	_ =	swait.ge [sflag:s4], $0x4000  }
0x3d: {  	[sflag:s4] =	ssyncset.done $0x0  }
0x3e: {  	[sflag:s4] =	ssyncadd.s32 $0xFFFFC000  }
0x3f: {  	s1 =	simm.s32 $0x0;
	[bflag:$0x0] =	sbarrier.arrive $0xFFFF  }
.LBB2_4:
0x40: {  	s0 =	rddreg [dreg:$0xe]  }
0x41: {  	[dreg:$0x16] =	wrdreg s1;
	s15 =	sadd.s32 s0, s1  }
0x42: {  	s16 =	rddreg [dreg:$0x5];
	s1 =	sshll.u32 s15, $0x4  }
0x43: {  	s3 =	simm.s32 $0x0;
	s2 =	sadd.s32 s16, s1  }
0x44: {  	[tilespmem:s3], [sflag:$0x4] =	stream.linear.gather [hbm4b:s2+s3], $0x80, $0x38;
	[tilespmem:$0x18380] =	vst v63  }
0x45: {  	_ =	swait.ge [sflag:s4], $0x80  }
0x46: {  	[sflag:s4] =	ssyncset.done $0x0;
	s17 =	rddreg [dreg:$0x6]  }
0x47: {  	[sflag:s4] =	ssyncadd.s32 $0xFFFFFF80;
	s18 =	sadd.s32 s17, s1  }
0x48: {  	[tilespmem:s5], [sflag:$0x4] =	stream.linear.gather [hbm4b:s18+s3], $0x80, $0x38;
	[tilespmem:$0x18380] =	vst v63  }
0x49: {  	_ =	swait.ge [sflag:s4], $0x80  }
0x4a: {  	[sflag:s4] =	ssyncset.done $0x0;
	s19 =	rddreg [dreg:$0x7]  }
0x4b: {  	s20 =	simm.s32 $0x200;
	[sflag:s4] =	ssyncadd.s32 $0xFFFFFF80;
	s1 =	sadd.s32 s19, s1  }
0x4c: {  	[tilespmem:s20], [sflag:$0x4] =	stream.linear.gather [hbm4b:s1+s3], $0x80, $0x38;
	[tilespmem:$0x18380] =	vst v63  }
0x4d: {  	_ =	swait.ge [sflag:s4], $0x80  }
0x4e: {  	[sflag:s4] =	ssyncset.done $0x0  }
0x4f: {  	s16 =	simm.s32 $0x0;
	[sflag:s4] =	ssyncadd.s32 $0xFFFFFF80  }
0x50: {  	v4 =	vld [tilespmem:s16+$0x0];
	_ =	sdelay $0x4  }
0x51: {  	(v2sf) =	vpush v4, $0x1  }
0x52: {  	(v2sf) =	vpush v4, $0xA  }
0x53: {  	(v2sf) =	vpush v4, $0x0  }
0x54: {  	(v2sf) =	vpush v4, $0x7;
	_ =	sdelay $0x6  }
0x55: {  	(v2sf) =	vpush v4, $0xD  }
0x56: {  	(v2sf) =	vpush v4, $0x3;
	_ =	sdelay $0x1  }
0x57: {  	(v2sf) =	vpush v4, $0x2  }
0x58: {  	(v2sf) =	vpush v4, $0x9  }
0x59: {  	(v2sf) =	vpush v4, $0x8;
	s21 =	spop (v2sf)  }
0x5a: {  	(v2sf) =	vpush v4, $0xC;
	s25 =	spop (v2sf)  }
0x5b: {  	(v2sf) =	vpush v4, $0x4;
	s6 =	spop (v2sf)  }
0x5c: {  	s9 =	spop (v2sf);
	(v2sf) =	vpush v4, $0x6  }
0x5d: {  	s22 =	smulhi.u32 $0x4BDA12F7, s21  }
0x5e: {  	s1 =	sshra.s32 s21, $0x1F;
	s4 =	smulhi.u32 $0x4BDA12F7, s25  }
0x5f: {  	s26 =	sshra.s32 s25, $0x1F;
	s1 =	smul.u32 $0x4BDA12F7, s1  }
0x60: {  	s5 =	smul.u32 $0x4BDA12F7, s26  }
0x61: {  	s8 =	sshra.s32 s6, $0x1F;
	s7 =	smulhi.u32 $0x4BDA12F7, s6  }
0x62: {  	s11 =	smul.u32 $0x4BDA12F7, s8  }
0x63: {  	s30 =	sshra.s32 s9, $0x1F;
	s10 =	spop (v2sf);
	s9 =	smulhi.u32 $0x4BDA12F7, s9  }
0x64: {  	s1 =	sadd.s32 s1, s22;
	s8 =	smul.u32 $0x4BDA12F7, s30;
	s12 =	spop (v2sf)  }
0x65: {  	s13 =	smulhi.u32 $0x4BDA12F7, s10;
	s18 =	sshra.s32 s10, $0x1F;
	s20 =	sadd.s32 s5, s4  }
0x66: {  	s10 =	simm.s32 $0x80;
	s6 =	sshrl.u32 s1, $0x1F;
	s17 =	spop (v2sf)  }
0x67: {  	s22 =	sshra.s32 s1, $0x1F;
	s0 =	smulhi.u32 $0x4BDA12F7, s12;
	s31 =	spop (v2sf)  }
0x68: {  	(v2sf) =	vpush v4, $0xF;
	s3 =	spop (v2sf);
	s26 =	sshra.s32 s31, $0x1F;
	s4 =	smulhi.u32 $0x4BDA12F7, s31  }
0x69: {  	s1 =	sshra.s32 s1, $0x3;
	s24 =	spop (v2sf);
	s25 =	smul.u32 $0x4BDA12F7, s26  }
0x6a: {  	s14 =	sshra.s32 s12, $0x1F;
	s21 =	smul.u32 $0x4BDA12F7, s18;
	s30 =	spop (v2sf)  }
0x6b: {  	s2 =	sadd.s32 s11, s7;
	s11 =	sadd.s32 s25, s4;
	s4 =	spop (v2sf);
	(v2sf) =	vpush v4, $0xE  }
0x6c: {  	s19 =	sshra.s32 s17, $0x1F;
	s14 =	smul.u32 $0x4BDA12F7, s14;
	s18 =	sadd.s32 s8, s9  }
0x6d: {  	v3 =	vld [tilespmem:s16+$0x100];
	s17 =	smulhi.u32 $0x4BDA12F7, s17;
	s8 =	sadd.s32 s21, s13;
	s15 =	sshra.s32 s18, $0x1F  }
0x6e: {  	s19 =	smul.u32 $0x4BDA12F7, s19;
	s31 =	sshra.s32 s2, $0x3;
	s23 =	sshra.s32 s3, $0x1F;
	(v2sf) =	vpush v4, $0x5  }
0x6f: {  	s28 =	smulhi.u32 $0x4BDA12F7, s3;
	s9 =	sadd.s32 s14, s0;
	v5 =	vmov s15;
	s0 =	sshra.s32 s2, $0x1F;
	(v2sf) =	vpush v4, $0xB  }
0x70: {  	s2 =	sshrl.u32 s2, $0x1F;
	s26 =	sshra.s32 s24, $0x1F;
	v5 =	vsel vm3, s31, v5;
	s29 =	sadd.s32 s19, s17  }
0x71: {  	s3 =	smul.u32 $0x4BDA12F7, s23;
	s17 =	sshra.s32 s18, $0x3;
	s19 =	simm.s32 $0x10;
	v5 =	vsel vm9, s0, v5  }
0x72: {  	v3 =	vadd.s32 $0x2800, v3;
	v6 =	vmov s2;
	s7 =	smulhi.u32 $0x4BDA12F7, s24;
	s23 =	sshra.s32 s9, $0x3;
	s24 =	sshrl.u32 s8, $0x1F;
	v5 =	vsel vm0, s1, v5  }
0x73: {  	[tilespmem:s16+$0x180] =	vst v3;
	s13 =	sshra.s32 s30, $0x1F;
	s15 =	sshra.s32 s29, $0x3;
	v3 =	vnsel vm3, $0x0, v6;
	v5 =	vsel vm10, s22, v5;
	s22 =	smul.u32 $0x4BDA12F7, s26  }
0x74: {  	s31 =	sshra.s32 s29, $0x1F;
	v6 =	vsel vm0, s6, v3;
	v3 =	vld [tilespmem:s19+$0x0];
	s26 =	sadd.s32 s3, s28;
	s28 =	smul.u32 $0x4BDA12F7, s13;
	v5 =	vsel vm1, s15, v5  }
0x75: {  	s25 =	sshrl.u32 s29, $0x1F;
	s1 =	sshrl.u32 s26, $0x1F;
	v5 =	vsel vm11, s31, v5;
	s12 =	smulhi.u32 $0x4BDA12F7, s4;
	v4 =	vld [tilespmem:s19+$0x100]  }
0x76: {  	v6 =	vsel vm1, s25, v6;
	s29 =	sadd.s32 s22, s7;
	v5 =	vsel vm2, s23, v5;
	s13 =	sshra.s32 s4, $0x1F;
	s4 =	smulhi.u32 $0x4BDA12F7, s30  }
.LBB2_5:
0x77: {  	s5 =	sshra.s32 s29, $0x3;
	s6 =	sshra.s32 s26, $0x3;
	s14 =	spop (v2sf)  }
0x78: {  	s2 =	smov.u32 s10;
	s26 =	smov.u32 s16;
	s16 =	smov.u32 s19  }
0x79: {  	(v2sf) =	vpush v3, $0x1;
	s19 =	sshrl.u32 s29, $0x1F;
	s21 =	sshra.s32 s11, $0x3;
	s13 =	smul.u32 $0x4BDA12F7, s13  }
0x7a: {  	s11 =	sshrl.u32 s11, $0x1F;
	s8 =	sshra.s32 s8, $0x3;
	v4 =	vadd.s32 $0x2800, v4;
	(v2sf) =	vpush v3, $0xA;
	v7 =	vmov s6;
	s23 =	spop (v2sf)  }
0x7b: {  	p0 =	sne.s32 s10, $0x1C0;
	s6 =	sshrl.u32 s20, $0x1F;
	[tilespmem:s16+$0x180] =	vst v4;
	(v2sf) =	vpush v3, $0x0;
	v4 =	vmov s19;
	s19 =	sshra.s32 s23, $0x1F;
	v7 =	vsel vm0, s21, v7  }
0x7c: {  	s20 =	sshra.s32 s20, $0x3;
	s21 =	smulhi.u32 $0x4BDA12F7, s23;
	s23 =	sshra.s32 s14, $0x1F;
	(v2sf) =	vpush v3, $0x7;
	v4 =	vsel vm0, s24, v4  }
0x7d: {  	v8 =	vmov s1;
	s1 =	sadd.s32 s28, s4;
	s19 =	smul.u32 $0x4BDA12F7, s19;
	(v2sf) =	vpush v3, $0xD;
	s24 =	spop (v2sf)  }
0x7e: {  	s4 =	sshra.s32 s9, $0x1F;
	s23 =	smul.u32 $0x4BDA12F7, s23;
	(v2sf) =	vpush v3, $0x3;
	s29 =	spop (v2sf)  }
0x7f: {  	s14 =	smulhi.u32 $0x4BDA12F7, s14;
	s19 =	sadd.s32 s19, s21;
	s21 =	sshrl.u32 s9, $0x1F;
	(v2sf) =	vpush v3, $0x2  }
0x80: {  	s30 =	sshra.s32 s29, $0x1F;
	v6 =	vsel vm2, s21, v6;
	s21 =	smulhi.u32 $0x4BDA12F7, s24;
	s24 =	sshra.s32 s24, $0x1F  }
0x81: {  	v8 =	vsel vm0, s11, v8;
	s11 =	sshrl.u32 s1, $0x1F;
	v5 =	vsel vm12, s4, v5;
	s4 =	sshra.s32 s1, $0x3;
	s14 =	sadd.s32 s23, s14;
	(v2sf) =	vpush v3, $0x9  }
0x82: {  	s1 =	sshra.s32 s1, $0x1F;
	s12 =	sadd.s32 s13, s12;
	s9 =	smulhi.u32 $0x4BDA12F7, s29;
	(v2sf) =	vpush v3, $0x8  }
0x83: {  	v9 =	vmov s5;
	v5 =	vsel vm4, s4, v5;
	s5 =	sshrl.u32 s12, $0x1F;
	s28 =	sshra.s32 s19, $0x3;
	s23 =	smul.u32 $0x4BDA12F7, s30;
	(v2sf) =	vpush v3, $0xC  }
0x84: {  	v9 =	vsel vm0, s8, v9;
	v5 =	vsel vm13, s1, v5;
	s4 =	sshrl.u32 s19, $0x1F;
	s8 =	sshra.s32 s14, $0x3;
	s19 =	smul.u32 $0x4BDA12F7, s24;
	(v2sf) =	vpush v3, $0x4  }
0x85: {  	v4 =	vsel vm1, s4, v4;
	s4 =	sshrl.u32 s14, $0x1F;
	v6 =	vsel vm4, s11, v6;
	s11 =	sshra.s32 s12, $0x1F;
	s1 =	sadd.s32 s23, s9  }
0x86: {  	v7 =	vsel vm1, s20, v7;
	v9 =	vsel vm1, s28, v9;
	v4 =	vsel vm2, s4, v4;
	s4 =	sshra.s32 s12, $0x3;
	s9 =	sadd.s32 s19, s21;
	s13 =	sshra.s32 s1, $0x3  }
0x87: {  	v8 =	vsel vm1, s6, v8;
	s12 =	sshrl.u32 s18, $0x1F;
	v9 =	vsel vm2, s8, v9;
	s1 =	sshrl.u32 s1, $0x1F;
	s18 =	sshra.s32 s9, $0x3  }
0x88: {  	v8 =	vsel vm2, s1, v8;
	v7 =	vsel vm2, s13, v7;
	s13 =	sshra.s32 s9, $0x1F;
	s9 =	sshrl.u32 s9, $0x1F;
	v5 =	vsel vm5, s18, v5;
	s6 =	spop (v2sf)  }
0x89: {  	v4 =	vcombine.low v8, v4;
	v7 =	vcombine.low v7, v9;
	v5 =	vsel vm14, s13, v5;
	s8 =	smulhi.u32 $0x4BDA12F7, s6;
	s14 =	spop (v2sf);
	s13 =	sshra.s32 s6, $0x1F  }
0x8a: {  	s19 =	sshra.s32 s14, $0x1F;
	s1 =	spop (v2sf);
	s14 =	smulhi.u32 $0x4BDA12F7, s14  }
0x8b: {  	v6 =	vsel vm5, s9, v6;
	s13 =	smul.u32 $0x4BDA12F7, s13;
	s18 =	sshra.s32 s1, $0x1F;
	s21 =	spop (v2sf)  }
0x8c: {  	v6 =	vsel vm6, s5, v6;
	v5 =	vsel vm6, s4, v5;
	s5 =	sadd.s32 $0x40, s10;
	s9 =	smul.u32 $0x4BDA12F7, s19;
	s19 =	spop (v2sf);
	(v2sf) =	vpush v3, $0x6  }
0x8d: {  	v6 =	vsel vm7, s12, v6;
	v5 =	vsel vm15, s11, v5;
	s6 =	smul.u32 $0x4BDA12F7, s18;
	s4 =	sshra.s32 s21, $0x1F;
	s18 =	spop (v2sf)  }
0x8e: {  	v7 =	vperm.xlane v7, v1;
	v6 =	vperm.xlane v6, v2;
	v5 =	vsel vm7, s17, v5;
	s12 =	smul.u32 $0x4BDA12F7, s4;
	s11 =	sshra.s32 s18, $0x1F;
	s23 =	spop (v2sf)  }
0x8f: {  	v4 =	vperm.xlane v4, v1;
	v5 =	vperm.xlane v5, v2;
	s17 =	smulhi.u32 $0x4BDA12F7, s19;
	s4 =	sshra.s32 s19, $0x1F;
	s19 =	sshra.s32 s23, $0x1F  }
0x90: {  	s20 =	sadd.s32 s9, s14;
	s9 =	smulhi.u32 $0x4BDA12F7, s21;
	s14 =	spop (v2sf)  }
0x91: {  	v4 =	vsel vm8, v6, v4;
	v5 =	vsel vm8, v5, v7;
	s1 =	smulhi.u32 $0x4BDA12F7, s1;
	s13 =	sadd.s32 s13, s8;
	s21 =	spop (v2sf)  }
0x92: {  	v4 =	vadd.s32 v4, v5;
	s28 =	smulhi.u32 $0x4BDA12F7, s18;
	s24 =	sshra.s32 s21, $0x1F;
	s29 =	spop (v2sf)  }
0x93: {  	s30 =	smul.u32 $0x4BDA12F7, s4;
	s31 =	sshra.s32 s14, $0x1F;
	(v2sf) =	vpush v3, $0xF;
	s4 =	spop (v2sf);
	[tilespmem:s26+$0x80] =	vst v4  }
0x94: {  	s0 =	sshra.s32 s13, $0x1F;
	s11 =	smul.u32 $0x4BDA12F7, s11;
	s18 =	sadd.s32 s12, s9;
	(v2sf) =	vpush v3, $0xE  }
0x95: {  	s23 =	smulhi.u32 $0x4BDA12F7, s23;
	s8 =	sadd.s32 s30, s17;
	s26 =	sshrl.u32 s13, $0x1F  }
0x96: {  	s12 =	sshra.s32 s18, $0x1F;
	s10 =	smulhi.u32 $0x4BDA12F7, s14;
	s30 =	sshra.s32 s4, $0x1F  }
0x97: {  	s14 =	smulhi.u32 $0x4BDA12F7, s21;
	s3 =	sshra.s32 s29, $0x1F;
	s13 =	sshra.s32 s13, $0x3;
	(v2sf) =	vpush v3, $0x5  }
0x98: {  	s1 =	sadd.s32 s6, s1;
	s9 =	sadd.s32 s11, s28;
	s21 =	smul.u32 $0x4BDA12F7, s19;
	(v2sf) =	vpush v3, $0xB  }
0x99: {  	s17 =	sshra.s32 s18, $0x3;
	s11 =	sshra.s32 s1, $0x3;
	s28 =	smul.u32 $0x4BDA12F7, s31;
	v3 =	vmov s12  }
0x9a: {  	s6 =	sshrl.u32 s1, $0x1F;
	s1 =	sshra.s32 s1, $0x1F;
	s3 =	smul.u32 $0x4BDA12F7, s3;
	v3 =	vsel vm3, s11, v3  }
0x9b: {  	v4 =	vmov s6;
	v5 =	vsel vm9, s1, v3;
	s1 =	smul.u32 $0x4BDA12F7, s24;
	s6 =	spop (v2sf)  }
0x9c: {  	s19 =	sshra.s32 s2, $0x2;
	s2 =	sshra.s32 s9, $0x3;
	v4 =	vnsel vm3, $0x0, v4;
	s12 =	smulhi.u32 $0x4BDA12F7, s6  }
.Ltmp1:
0x9d: {  	v6 =	vsel vm0, s26, v4;
	s11 =	sadd.s32 s28, s10;
	s10 =	sadd.s32 s21, s23;
	v5 =	vsel vm0, s13, v5;
	v3 =	vld [tilespmem:s19+$0x0];
	(pc) =	sbr.rel @p0 .LBB2_5-.Ltmp1, $4  }
0x9e: {  	s21 =	smulhi.u32 $0x4BDA12F7, s29;
	s13 =	sshrl.u32 s10, $0x1F;
	v5 =	vsel vm10, s0, v5;
	s0 =	sshra.s32 s10, $0x3;
	v4 =	vld [tilespmem:s19+$0x100]  }
0x9f: {  	s4 =	smulhi.u32 $0x4BDA12F7, s4;
	s26 =	sadd.s32 s1, s14;
	v6 =	vsel vm1, s13, v6;
	v5 =	vsel vm1, s0, v5;
	s0 =	sshra.s32 s10, $0x1F  }
0xa0: {  	s28 =	smul.u32 $0x4BDA12F7, s30;
	s24 =	sshrl.u32 s8, $0x1F;
	s13 =	sshra.s32 s6, $0x1F;
	v5 =	vsel vm11, s0, v5  }
0xa1: {  	s29 =	sadd.s32 s3, s21;
	s1 =	sshrl.u32 s26, $0x1F;
	s10 =	smov.u32 s5;
	v5 =	vsel vm2, s2, v5  }
0xa2: {  	(v2sf) =	vpush v3, $0x1  }
0xa3: {  	(v2sf) =	vpush v3, $0xA;
	_ =	sdelay $0x1  }
0xa4: {  	(v2sf) =	vpush v3, $0x0;
	_ =	sdelay $0x1  }
0xa5: {  	(v2sf) =	vpush v3, $0x7;
	_ =	sdelay $0x1  }
0xa6: {  	s0 =	spop (v2sf);
	(v2sf) =	vpush v3, $0xD;
	_ =	sdelay $0x1  }
0xa7: {  	s3 =	smul.u32 $0x4BDA12F7, s13  }
0xa8: {  	s2 =	spop (v2sf);
	s14 =	smulhi.u32 $0x4BDA12F7, s0  }
0xa9: {  	s5 =	sshra.s32 s2, $0x1F;
	s7 =	smulhi.u32 $0x4BDA12F7, s2  }
0xaa: {  	s6 =	sshra.s32 s0, $0x1F;
	s31 =	smul.u32 $0x4BDA12F7, s5;
	(v2sf) =	vpush v3, $0x3  }
0xab: {  	s6 =	smul.u32 $0x4BDA12F7, s6;
	s10 =	spop (v2sf)  }
0xac: {  	[smem:$0x7F2] =	sst s31;
	s2 =	spop (v2sf)  }
0xad: {  	s5 =	smulhi.u32 $0x4BDA12F7, s10;
	(v2sf) =	vpush v3, $0x2;
	s23 =	spop (v2sf)  }
0xae: {  	s13 =	smulhi.u32 $0x4BDA12F7, s2;
	s30 =	spop (v2sf)  }
0xaf: {  	s10 =	sshra.s32 s10, $0x1F;
	s21 =	sshra.s32 s2, $0x1F;
	s22 =	smulhi.u32 $0x4BDA12F7, s30  }
0xb0: {  	s15 =	smul.u32 $0x4BDA12F7, s10;
	(v2sf) =	vpush v3, $0x9;
	s31 =	sshra.s32 s30, $0x1F;
	s30 =	spop (v2sf)  }
0xb1: {  	s21 =	smul.u32 $0x4BDA12F7, s21;
	s25 =	sshra.s32 s30, $0x1F;
	[smem:$0x7F4] =	sst s22  }
0xb2: {  	(v2sf) =	vpush v3, $0x8;
	s22 =	spop (v2sf);
	s25 =	smul.u32 $0x4BDA12F7, s25  }
0xb3: {  	[smem:$0x7F3] =	sst s15;
	(v2sf) =	vpush v3, $0xC;
	s15 =	sshra.s32 s22, $0x1F;
	s10 =	smulhi.u32 $0x4BDA12F7, s22  }
0xb4: {  	s4 =	sadd.s32 s28, s4;
	(v2sf) =	vpush v3, $0x4;
	s2 =	smul.u32 $0x4BDA12F7, s15;
	s15 =	spop (v2sf)  }
0xb5: {  	s28 =	sadd.s32 s3, s12;
	(v2sf) =	vpush v3, $0x6;
	s3 =	sld [smem:$0x7F4];
	s22 =	smulhi.u32 $0x4BDA12F7, s15  }
0xb6: {  	s31 =	smul.u32 $0x4BDA12F7, s31;
	[dreg:$0x1f] =	wrdreg s25  }
0xb7: {  	(v2sf) =	vpush v3, $0xF;
	s25 =	smulhi.u32 $0x4BDA12F7, s23;
	s23 =	sshra.s32 s23, $0x1F;
	[smem:$0x7F7] =	sst s22  }
0xb8: {  	s23 =	smul.u32 $0x4BDA12F7, s23;
	s22 =	sld [smem:$0x7F2]  }
0xb9: {  	[smem:$0x7F5] =	sst s2;
	s2 =	spop (v2sf)  }
0xba: {  	s0 =	sshra.s32 s15, $0x1F;
	s15 =	smulhi.u32 $0x4BDA12F7, s2;
	s2 =	sshra.s32 s2, $0x1F  }
0xbb: {  	[smem:$0x7F6] =	sst s10;
	s22 =	sadd.s32 s22, s7;
	s7 =	smul.u32 $0x4BDA12F7, s2  }
0xbc: {  	s10 =	spop (v2sf);
	[smem:$0x7F8] =	sst s15  }
0xbd: {  	s14 =	sadd.s32 s6, s14;
	s6 =	smulhi.u32 $0x4BDA12F7, s10;
	[smem:$0x7F9] =	sst s7  }
0xbe: {  	s15 =	smul.u32 $0x4BDA12F7, s0;
	s7 =	sld [smem:$0x7F3]  }
0xbf: {  	s12 =	spop (v2sf);
	s0 =	sshra.s32 s10, $0x1F;
	s10 =	smulhi.u32 $0x4BDA12F7, s30  }
0xc0: {  	s21 =	sadd.s32 s21, s13;
	(v2sf) =	vpush v3, $0xE;
	[smem:$0x7FA] =	sst s6;
	s13 =	smul.u32 $0x4BDA12F7, s0  }
0xc1: {  	s2 =	sadd.s32 s31, s3;
	s30 =	sadd.s32 s7, s5;
	s5 =	spop (v2sf)  }
0xc2: {  	[dreg:$0x18] =	wrdreg s2;
	s2 =	sshra.s32 s12, $0x1F;
	s0 =	spop (v2sf)  }
0xc3: {  	s7 =	smulhi.u32 $0x4BDA12F7, s12;
	s12 =	sshra.s32 s5, $0x1F;
	s3 =	spop (v2sf)  }
0xc4: {  	s25 =	sadd.s32 s23, s25;
	s23 =	smul.u32 $0x4BDA12F7, s12;
	s12 =	spop (v2sf)  }
0xc5: {  	[smem:$0x7FD] =	sst s12  }
0xc6: {  	s31 =	spop (v2sf);
	s12 =	sld [smem:$0x7F5]  }
0xc7: {  	[dreg:$0x1c] =	wrdreg s31  }
0xc8: {  	s6 =	smulhi.u32 $0x4BDA12F7, s5;
	s31 =	sld [smem:$0x7F6]  }
0xc9: {  	s5 =	smul.u32 $0x4BDA12F7, s2  }
0xca: {  	s2 =	sshra.s32 s0, $0x1F;
	[dreg:$0x1e] =	wrdreg s3;
	s3 =	smulhi.u32 $0x4BDA12F7, s0  }
0xcb: {  	s5 =	sadd.s32 s5, s7;
	s0 =	sadd.s32 s12, s31;
	s31 =	sld [smem:$0x7F7]  }
0xcc: {  	[dreg:$0x1a] =	wrdreg s5  }
0xcd: {  	s8 =	sshra.s32 s8, $0x3;
	[dreg:$0x1d] =	wrdreg s0  }
0xce: {  	s2 =	smul.u32 $0x4BDA12F7, s2;
	s12 =	sadd.s32 s15, s31;
	s31 =	sld [smem:$0x7F9]  }
0xcf: {  	s18 =	sshrl.u32 s18, $0x1F;
	s0 =	spop (v2sf);
	[dreg:$0x19] =	wrdreg s12  }
0xd0: {  	s15 =	sshra.s32 s0, $0x1F;
	s0 =	smulhi.u32 $0x4BDA12F7, s0;
	s12 =	sld [smem:$0x7F8]  }
0xd1: {  	s23 =	sadd.s32 s23, s6;
	s6 =	sshra.s32 s29, $0x3;
	s15 =	smul.u32 $0x4BDA12F7, s15  }
0xd2: {  	s5 =	sadd.s32 s2, s3;
	s2 =	sshra.s32 s9, $0x1F;
	s3 =	sshra.s32 s4, $0x3  }
0xd3: {  	s0 =	sadd.s32 s15, s0;
	s12 =	sadd.s32 s31, s12;
	s31 =	rddreg [dreg:$0x1f]  }
0xd4: {  	v9 =	vmov s6;
	s6 =	sshrl.u32 s30, $0x1F;
	v5 =	vsel vm12, s2, v5;
	s2 =	sshra.s32 s25, $0x3;
	[dreg:$0x17] =	wrdreg s0  }
0xd5: {  	s15 =	sshra.s32 s21, $0x3;
	s21 =	sshrl.u32 s21, $0x1F;
	[dreg:$0x1b] =	wrdreg s12  }
0xd6: {  	(v2sf) =	vpush v3, $0x5;
	s0 =	sshra.s32 s26, $0x3;
	s26 =	sshra.s32 s11, $0x3;
	s12 =	sld [smem:$0x7FA]  }
0xd7: {  	v8 =	vmov s1;
	(v2sf) =	vpush v3, $0xB;
	s11 =	sshrl.u32 s11, $0x1F;
	s10 =	sadd.s32 s31, s10;
	s31 =	sshra.s32 s20, $0x3  }
0xd8: {  	v3 =	vmov s0;
	s0 =	sshrl.u32 s28, $0x1F;
	v8 =	vsel vm0, s11, v8;
	[smem:$0x7FB] =	sst s31;
	s11 =	sshrl.u32 s10, $0x1F  }
0xd9: {  	v5 =	vsel vm4, s3, v5;
	s3 =	sshra.s32 s10, $0x1F;
	s7 =	sadd.s32 s13, s12;
	s13 =	sshrl.u32 s29, $0x1F  }
0xda: {  	s29 =	sshrl.u32 s20, $0x1F;
	s20 =	sshrl.u32 s4, $0x1F;
	s4 =	sshra.s32 s4, $0x1F  }
0xdb: {  	[smem:$0x7FC] =	sst s29;
	s29 =	sshrl.u32 s9, $0x1F;
	s9 =	sshrl.u32 s25, $0x1F  }
0xdc: {  	v7 =	vmov s13;
	v6 =	vsel vm2, s29, v6;
	s29 =	sshra.s32 s25, $0x1F;
	s25 =	sshra.s32 s10, $0x3;
	s10 =	sld [smem:$0x7FB]  }
0xdd: {  	v3 =	vsel vm0, s26, v3;
	s26 =	sshra.s32 s30, $0x3;
	v5 =	vsel vm13, s4, v5;
	v7 =	vsel vm0, s24, v7;
	s24 =	sshra.s32 s30, $0x1F;
	s30 =	rddreg [dreg:$0x1d]  }
0xde: {  	s31 =	sshra.s32 s22, $0x3;
	s22 =	sshrl.u32 s22, $0x1F;
	v5 =	vsel vm5, s26, v5;
	s26 =	rddreg [dreg:$0x18]  }
0xdf: {  	s12 =	sshra.s32 s14, $0x3;
	s14 =	sshrl.u32 s14, $0x1F;
	v7 =	vsel vm1, s22, v7;
	s22 =	rddreg [dreg:$0x1e]  }
0xe0: {  	v9 =	vsel vm0, s8, v9;
	s13 =	sshra.s32 s28, $0x3;
	s28 =	sshra.s32 s28, $0x1F;
	v6 =	vsel vm4, s20, v6;
	s20 =	sld [smem:$0x7FD]  }
0xe1: {  	v9 =	vsel vm1, s31, v9;
	s4 =	sshrl.u32 s7, $0x1F;
	v5 =	vsel vm14, s24, v5;
	s24 =	rddreg [dreg:$0x1c];
	s31 =	sshra.s32 s22, $0x1F  }
0xe2: {  	v9 =	vsel vm2, s12, v9;
	v7 =	vsel vm2, s14, v7;
	s14 =	sld [smem:$0x7FC];
	s12 =	smulhi.u32 $0x4BDA12F7, s22;
	v6 =	vsel vm5, s6, v6;
	s6 =	sshra.s32 s5, $0x3  }
0xe3: {  	s5 =	sshrl.u32 s5, $0x1F;
	v3 =	vsel vm1, s10, v3;
	s1 =	smulhi.u32 $0x4BDA12F7, s20;
	s8 =	sshra.s32 s20, $0x1F  }
0xe4: {  	v11 =	vmov s11;
	v6 =	vsel vm6, s0, v6;
	v3 =	vsel vm2, s15, v3;
	s15 =	sshrl.u32 s23, $0x1F;
	s20 =	sshra.s32 s23, $0x3;
	s23 =	smulhi.u32 $0x4BDA12F7, s24  }
0xe5: {  	v5 =	vsel vm6, s13, v5;
	s10 =	sshra.s32 s7, $0x3;
	v6 =	vsel vm7, s18, v6;
	s18 =	spop (v2sf);
	v8 =	vsel vm1, s14, v8;
	s14 =	smul.u32 $0x4BDA12F7, s31  }
0xe6: {  	v11 =	vnsel vm3, $0x0, v11;
	s7 =	sshra.s32 s7, $0x1F;
	v5 =	vsel vm15, s28, v5;
	s28 =	spop (v2sf);
	s8 =	smul.u32 $0x4BDA12F7, s8  }
0xe7: {  	v5 =	vsel vm7, s17, v5;
	v12 =	vmov s20;
	s20 =	sshra.s32 s18, $0x1F;
	v8 =	vsel vm2, s21, v8;
	s21 =	sshra.s32 s30, $0x1F;
	s17 =	smulhi.u32 $0x4BDA12F7, s28  }
0xe8: {  	v11 =	vsel vm0, s9, v11;
	s0 =	sshrl.u32 s26, $0x1F;
	v13 =	vmov s5;
	s5 =	smul.u32 $0x4BDA12F7, s20;
	v10 =	vmov s21;
	s13 =	sadd.s32 s14, s12  }
0xe9: {  	v11 =	vsel vm1, s4, v11;
	v15 =	vmov s6;
	s14 =	sshra.s32 s28, $0x1F;
	s1 =	sadd.s32 s8, s1;
	v10 =	vsel vm3, s25, v10;
	s25 =	sshra.s32 s24, $0x1F  }
0xea: {  	v14 =	vmov s15;
	v3 =	vcombine.low v3, v9;
	s24 =	rddreg [dreg:$0x19];
	s28 =	sshra.s32 s13, $0x1F;
	s4 =	sshrl.u32 s13, $0x1F;
	v10 =	vsel vm9, s3, v10  }
0xeb: {  	v6 =	vperm.xlane v6, v2;
	v7 =	vcombine.low v8, v7;
	s3 =	sshra.s32 s26, $0x3;
	s31 =	smul.u32 $0x4BDA12F7, s25;
	s26 =	rddreg [dreg:$0x1b];
	v10 =	vsel vm0, s2, v10  }
0xec: {  	v5 =	vperm.xlane v5, v2;
	v3 =	vperm.xlane v3, v1;
	s21 =	sshrl.u32 s24, $0x1F;
	s25 =	rddreg [dreg:$0x1a];
	s11 =	sshra.s32 s26, $0x3;
	v10 =	vsel vm10, s29, v10  }
0xed: {  	v7 =	vperm.xlane v7, v1;
	s22 =	sshra.s32 s25, $0x3;
	v13 =	vsel vm0, s21, v13;
	s2 =	sadd.s32 s31, s23;
	s29 =	sshrl.u32 s26, $0x1F;
	v10 =	vsel vm1, s10, v10  }
0xee: {  	v12 =	vsel vm0, s22, v12;
	s22 =	sshra.s32 s26, $0x1F;
	s23 =	sshrl.u32 s25, $0x1F;
	s26 =	sshra.s32 s24, $0x3;
	v11 =	vsel vm2, s29, v11;
	v10 =	vsel vm11, s7, v10  }
0xef: {  	s31 =	smulhi.u32 $0x4BDA12F7, s18;
	s25 =	sshra.s32 s13, $0x3;
	v14 =	vsel vm0, s23, v14;
	v15 =	vsel vm0, s26, v15;
	s29 =	rddreg [dreg:$0x17];
	v10 =	vsel vm2, s11, v10  }
0xf0: {  	v12 =	vsel vm1, s3, v12;
	s10 =	sshra.s32 s2, $0x3;
	s7 =	smul.u32 $0x4BDA12F7, s14;
	s9 =	sshrl.u32 s29, $0x1F;
	v14 =	vsel vm1, s0, v14;
	v10 =	vsel vm12, s22, v10  }
0xf1: {  	s5 =	sadd.s32 s5, s31;
	s31 =	sshra.s32 s29, $0x3;
	v11 =	vsel vm4, s4, v11;
	v13 =	vsel vm1, s9, v13;
	s9 =	sshrl.u32 s2, $0x1F;
	v10 =	vsel vm4, s25, v10  }
0xf2: {  	v15 =	vsel vm1, s31, v15;
	s13 =	sshra.s32 s5, $0x3;
	s14 =	sshrl.u32 s5, $0x1F;
	s7 =	sadd.s32 s7, s17;
	v13 =	vsel vm2, s9, v13;
	v10 =	vsel vm13, s28, v10  }
0xf3: {  	s15 =	sshrl.u32 s1, $0x1F;
	v15 =	vsel vm2, s10, v15;
	v23 =	vsel vm5, s14, v11;
	s17 =	sshra.s32 s5, $0x1F;
	s11 =	sshra.s32 s7, $0x3;
	v10 =	vsel vm5, s13, v10  }
0xf4: {  	s18 =	sshra.s32 s1, $0x3;
	s12 =	sshrl.u32 s7, $0x1F;
	v24 =	vsel vm6, s15, v23;
	v12 =	vsel vm2, s11, v12;
	v10 =	vsel vm14, s17, v10  }
0xf5: {  	s20 =	sshrl.u32 s30, $0x1F;
	s21 =	sshra.s32 s1, $0x1F;
	v14 =	vsel vm2, s12, v14;
	v26 =	vcombine.low v12, v15;
	v25 =	vsel vm6, s18, v10  }
0xf6: {  	s22 =	sshra.s32 s30, $0x3;
	v8 =	vsel vm7, s20, v24;
	v27 =	vcombine.low v14, v13;
	v9 =	vsel vm15, s21, v25  }
0xf7: {  	v8 =	vperm.xlane v8, v2;
	v10 =	vperm.xlane v26, v1;
	v9 =	vsel vm7, s22, v9  }
0xf8: {  	v11 =	vperm.xlane v27, v1;
	v9 =	vperm.xlane v9, v2  }
0xf9: {  	v4 =	vadd.s32 $0x2800, v4;
	v3 =	vsel vm8, v5, v3;
	v6 =	vsel vm8, v6, v7  }
0xfa: {  	[tilespmem:s19+$0x180] =	vst v4;
	v3 =	vadd.s32 v6, v3;
	v28 =	vsel vm8, v8, v11;
	v29 =	vsel vm8, v9, v10  }
0xfb: {  	s1 =	simm.s32 $0x80;
	[tilespmem:s16+$0x80] =	vst v3;
	v3 =	vadd.s32 v28, v29  }
0xfc: {  	s24 =	simm.s32 $0x280;
	s23 =	rddreg [dreg:$0x8];
	s5 =	simm.s32 $0x100;
	[tilespmem:s19+$0x80] =	vst v3  }
0xfd: {  	[tilespmem:s24], [sflag:$0x2] =	stream.indirect.gather [hbm4b:s23+s1], $0x1, s5, s1, $0xb8;
	[tilespmem:$0x18380] =	vst v63  }
0xfe: {  	s26 =	simm.s32 $0x300;
	s25 =	simm.s32 $0x180  }
0xff: {  	[tilespmem:s26], [sflag:$0x3] =	stream.indirect.gather [hbm4b:s23+s1], $0x1, s25, s1, $0xb8;
	[tilespmem:$0x18380] =	vst v63  }
0x100: {  	s3 =	simm.s32 $0x380;
	s29 =	simm.s32 $0x2;
	s28 =	rddreg [dreg:$0xf]  }
0x101: {  	[tilespmem:s3], [sflag:$0x1] =	stream.indirect.gather [hbm4b:s28+s1], $0x80, s1, s1, $0xb8;
	[tilespmem:$0x18380] =	vst v63  }
0x102: {  	_ =	swait.ge [sflag:s29], $0x80  }
0x103: {  	[sflag:s29] =	ssyncset.done $0x0  }
0x104: {  	s30 =	simm.s32 $0x3;
	[sflag:s29] =	ssyncadd.s32 $0xFFFFFF80  }
0x105: {  	_ =	swait.ge [sflag:s30], $0x80  }
0x106: {  	[sflag:s30] =	ssyncset.done $0x0  }
0x107: {  	[sflag:s30] =	ssyncadd.s32 $0xFFFFFF80  }
0x108: {  	v3 =	vld [tilespmem:$0x280]  }
0x109: {  	v30 =	vld [tilespmem:$0x300]  }
0x10a: {  	v31 =	vld [tilespmem:$0x290]  }
0x10b: {  	v32 =	vld [tilespmem:$0x310]  }
0x10c: {  	v33 =	vld [tilespmem:$0x2A0]  }
0x10d: {  	v34 =	vld [tilespmem:$0x320]  }
0x10e: {  	v35 =	vld [tilespmem:$0x2B0]  }
0x10f: {  	v36 =	vld [tilespmem:$0x330]  }
0x110: {  	v37 =	vld [tilespmem:$0x2C0]  }
0x111: {  	v38 =	vld [tilespmem:$0x340]  }
0x112: {  	v39 =	vld [tilespmem:$0x2D0]  }
0x113: {  	v40 =	vld [tilespmem:$0x350]  }
0x114: {  	v41 =	vld [tilespmem:$0x2E0]  }
0x115: {  	v42 =	vld [tilespmem:$0x360];
	v3 =	vadd.f32 v30, v3  }
0x116: {  	v43 =	vld [tilespmem:$0x2F0];
	v5 =	vadd.f32 v32, v31  }
0x117: {  	v44 =	vld [tilespmem:$0x370];
	(erf) = vrcp.f32 v3;
	v3 =	vadd.f32 v34, v33  }
0x118: {  	v45 =	vadd.f32 v36, v35;
	(erf) = vrcp.f32 v5  }
0x119: {  	(erf) = vrcp.f32 v3;
	v3 =	vadd.f32 v38, v37  }
0x11a: {  	v46 =	vadd.f32 v40, v39;
	(erf) = vrcp.f32 v45  }
0x11b: {  	(erf) = vrcp.f32 v3;
	v3 =	vadd.f32 v42, v41  }
0x11c: {  	v47 =	vld [tilespmem:$0x200];
	v48 =	vadd.f32 v44, v43;
	(erf) = vrcp.f32 v46  }
0x11d: {  	v49 =	vld [tilespmem:$0x210];
	(erf) = vrcp.f32 v3  }
0x11e: {  	v3 =	vld [tilespmem:$0x220];
	(erf) = vrcp.f32 v48  }
0x11f: {  	v50 =	vld [tilespmem:$0x230]  }
0x120: {  	v52 =	vld [tilespmem:$0x240];
	v51 =	vpop (erf)  }
0x121: {  	v54 =	vld [tilespmem:$0x250];
	v53 =	vpop (erf);
	v4 =	vmul.f32 v51, v47  }
0x122: {  	v56 =	vld [tilespmem:$0x260];
	v55 =	vpop (erf);
	v6 =	vmul.f32 v53, v49  }
0x123: {  	v58 =	vld [tilespmem:$0x270];
	v57 =	vpop (erf);
	[tilespmem:$0x200] =	vst v4;
	v3 =	vmul.f32 v55, v3  }
0x124: {  	v59 =	vpop (erf);
	[tilespmem:$0x210] =	vst v6;
	v5 =	vmul.f32 v57, v50  }
0x125: {  	v60 =	vpop (erf);
	[tilespmem:$0x220] =	vst v3;
	v3 =	vmul.f32 v59, v52  }
0x126: {  	v61 =	vpop (erf);
	[tilespmem:$0x230] =	vst v5;
	v62 =	vmul.f32 v60, v54  }
0x127: {  	[tilespmem:$0x240] =	vst v3;
	v3 =	vmul.f32 v61, v56;
	v63 =	vpop (erf)  }
0x128: {  	[tilespmem:$0x250] =	vst v62;
	v4 =	vmul.f32 v63, v58  }
0x129: {  	[tilespmem:$0x260] =	vst v3  }
0x12a: {  	s31 =	simm.s32 $0x1;
	[tilespmem:$0x270] =	vst v4  }
0x12b: {  	_ =	swait.ge [sflag:s31], $0x4000  }
0x12c: {  	[sflag:s31] =	ssyncset.done $0x0  }
0x12d: {  	s16 =	simm.s32 $0x0;
	[sflag:s31] =	ssyncadd.s32 $0xFFFFC000  }
.LBB2_7:
0x12e: {  	s0 =	sshll.u32 s16, $0x4  }
0x12f: {  	s0 =	sand.u32 $0x3FFFFFF0, s0  }
0x130: {  	s31 =	sshll.u32 s16, $0xB;
	v3 =	vld [tilespmem:s0+$0x200]  }
0x131: {  	s17 =	sand.u32 $0x3FFFF800, s31  }
0x132: {  	v4 =	vld [tilespmem:s17+$0x380]  }
0x133: {  	v5 =	vld [tilespmem:s17+$0x390]  }
0x134: {  	v6 =	vld [tilespmem:s17+$0x3A0]  }
0x135: {  	v8 =	vld [tilespmem:s17+$0x3B0];
	v7 =	vbroadcast v3, $0x0  }
0x136: {  	v9 =	vld [tilespmem:s17+$0x3C0]  }
0x137: {  	v10 =	vld [tilespmem:s17+$0x3D0];
	v4 =	vmul.f32 v7, v4  }
0x138: {  	v11 =	vld [tilespmem:s17+$0x3E0];
	v5 =	vmul.f32 v5, v7  }
0x139: {  	v55 =	vld [tilespmem:s17+$0x3F0];
	v54 =	vmul.f32 v6, v7;
	[tilespmem:s17+$0x380] =	vst v4  }
0x13a: {  	v57 =	vld [tilespmem:s17+$0x400];
	v56 =	vmul.f32 v8, v7;
	[tilespmem:s17+$0x390] =	vst v5  }
0x13b: {  	v59 =	vld [tilespmem:s17+$0x410];
	v58 =	vmul.f32 v9, v7;
	[tilespmem:s17+$0x3A0] =	vst v54  }
0x13c: {  	v61 =	vld [tilespmem:s17+$0x420];
	v60 =	vmul.f32 v10, v7;
	[tilespmem:s17+$0x3B0] =	vst v56  }
0x13d: {  	v12 =	vld [tilespmem:s17+$0x430];
	v63 =	vbroadcast v3, $0x1;
	v62 =	vmul.f32 v11, v7;
	[tilespmem:s17+$0x3C0] =	vst v58  }
0x13e: {  	v14 =	vld [tilespmem:s17+$0x440];
	v13 =	vmul.f32 v55, v7;
	[tilespmem:s17+$0x3D0] =	vst v60  }
0x13f: {  	v16 =	vld [tilespmem:s17+$0x450];
	v15 =	vmul.f32 v57, v63;
	[tilespmem:s17+$0x3E0] =	vst v62  }
0x140: {  	v18 =	vld [tilespmem:s17+$0x460];
	v17 =	vmul.f32 v59, v63;
	[tilespmem:s17+$0x3F0] =	vst v13  }
0x141: {  	v20 =	vld [tilespmem:s17+$0x470];
	v19 =	vmul.f32 v61, v63;
	[tilespmem:s17+$0x400] =	vst v15  }
0x142: {  	v22 =	vld [tilespmem:s17+$0x480];
	v21 =	vmul.f32 v12, v63;
	[tilespmem:s17+$0x410] =	vst v17  }
0x143: {  	v24 =	vld [tilespmem:s17+$0x490];
	v23 =	vmul.f32 v14, v63;
	[tilespmem:s17+$0x420] =	vst v19  }
0x144: {  	v26 =	vld [tilespmem:s17+$0x4A0];
	v25 =	vmul.f32 v16, v63;
	[tilespmem:s17+$0x430] =	vst v21  }
0x145: {  	v29 =	vld [tilespmem:s17+$0x4B0];
	v28 =	vbroadcast v3, $0x2;
	v27 =	vmul.f32 v18, v63;
	[tilespmem:s17+$0x440] =	vst v23  }
0x146: {  	v31 =	vld [tilespmem:s17+$0x4C0];
	v30 =	vmul.f32 v20, v63;
	[tilespmem:s17+$0x450] =	vst v25  }
0x147: {  	v33 =	vld [tilespmem:s17+$0x4D0];
	v32 =	vmul.f32 v22, v28;
	[tilespmem:s17+$0x460] =	vst v27  }
0x148: {  	v35 =	vld [tilespmem:s17+$0x4E0];
	v34 =	vmul.f32 v24, v28;
	[tilespmem:s17+$0x470] =	vst v30  }
0x149: {  	v37 =	vld [tilespmem:s17+$0x4F0];
	v36 =	vmul.f32 v26, v28;
	[tilespmem:s17+$0x480] =	vst v32  }
0x14a: {  	v39 =	vld [tilespmem:s17+$0x500];
	v38 =	vmul.f32 v29, v28;
	[tilespmem:s17+$0x490] =	vst v34  }
0x14b: {  	v41 =	vld [tilespmem:s17+$0x510];
	v40 =	vmul.f32 v31, v28;
	[tilespmem:s17+$0x4A0] =	vst v36  }
0x14c: {  	v43 =	vld [tilespmem:s17+$0x520];
	v42 =	vmul.f32 v33, v28;
	[tilespmem:s17+$0x4B0] =	vst v38  }
0x14d: {  	v46 =	vld [tilespmem:s17+$0x530];
	v45 =	vbroadcast v3, $0x3;
	v44 =	vmul.f32 v35, v28;
	[tilespmem:s17+$0x4C0] =	vst v40  }
0x14e: {  	v48 =	vld [tilespmem:s17+$0x540];
	v47 =	vmul.f32 v37, v28;
	[tilespmem:s17+$0x4D0] =	vst v42  }
0x14f: {  	v50 =	vld [tilespmem:s17+$0x550];
	v49 =	vmul.f32 v39, v45;
	[tilespmem:s17+$0x4E0] =	vst v44  }
0x150: {  	v52 =	vld [tilespmem:s17+$0x560];
	v51 =	vmul.f32 v41, v45;
	[tilespmem:s17+$0x4F0] =	vst v47  }
0x151: {  	v53 =	vmul.f32 v43, v45;
	v63 =	vld [tilespmem:s17+$0x5B0];
	[tilespmem:s17+$0x500] =	vst v49  }
0x152: {  	v55 =	vmul.f32 v46, v45;
	v14 =	vld [tilespmem:s17+$0x5C0];
	[tilespmem:s17+$0x510] =	vst v51  }
0x153: {  	v57 =	vmul.f32 v48, v45;
	v16 =	vld [tilespmem:s17+$0x5D0];
	[tilespmem:s17+$0x520] =	vst v53  }
0x154: {  	v59 =	vmul.f32 v50, v45;
	v18 =	vld [tilespmem:s17+$0x5E0];
	[tilespmem:s17+$0x530] =	vst v55;
	v62 =	vbroadcast v3, $0x4  }
0x155: {  	v61 =	vmul.f32 v52, v45;
	v20 =	vld [tilespmem:s17+$0x5F0];
	[tilespmem:s17+$0x540] =	vst v57  }
0x156: {  	v22 =	vld [tilespmem:s17+$0x600];
	[tilespmem:s17+$0x550] =	vst v59;
	v21 =	vmul.f32 v63, v62  }
0x157: {  	v24 =	vld [tilespmem:s17+$0x610];
	[tilespmem:s17+$0x560] =	vst v61;
	v23 =	vmul.f32 v14, v62  }
0x158: {  	v26 =	vld [tilespmem:s17+$0x620];
	v25 =	vmul.f32 v16, v62;
	[tilespmem:s17+$0x5B0] =	vst v21  }
0x159: {  	v28 =	vbroadcast v3, $0x5;
	v29 =	vld [tilespmem:s17+$0x630];
	v27 =	vmul.f32 v18, v62;
	[tilespmem:s17+$0x5C0] =	vst v23  }
0x15a: {  	v31 =	vld [tilespmem:s17+$0x640];
	v30 =	vmul.f32 v20, v62;
	[tilespmem:s17+$0x5D0] =	vst v25  }
0x15b: {  	v33 =	vld [tilespmem:s17+$0x650];
	v32 =	vmul.f32 v22, v28;
	[tilespmem:s17+$0x5E0] =	vst v27  }
0x15c: {  	v35 =	vld [tilespmem:s17+$0x660];
	v34 =	vmul.f32 v24, v28;
	[tilespmem:s17+$0x5F0] =	vst v30  }
0x15d: {  	v37 =	vld [tilespmem:s17+$0x670];
	v36 =	vmul.f32 v26, v28;
	[tilespmem:s17+$0x600] =	vst v32  }
0x15e: {  	v54 =	vld [tilespmem:s17+$0x570];
	v38 =	vmul.f32 v29, v28;
	[tilespmem:s17+$0x610] =	vst v34  }
0x15f: {  	v56 =	vld [tilespmem:s17+$0x580];
	v40 =	vmul.f32 v31, v28;
	[tilespmem:s17+$0x620] =	vst v36  }
0x160: {  	v58 =	vld [tilespmem:s17+$0x590];
	v42 =	vmul.f32 v33, v28;
	[tilespmem:s17+$0x630] =	vst v38  }
0x161: {  	v60 =	vld [tilespmem:s17+$0x5A0];
	v44 =	vmul.f32 v35, v28;
	[tilespmem:s17+$0x640] =	vst v40  }
0x162: {  	v39 =	vld [tilespmem:s17+$0x680];
	v47 =	vmul.f32 v37, v28;
	[tilespmem:s17+$0x650] =	vst v42  }
0x163: {  	v41 =	vld [tilespmem:s17+$0x690];
	v13 =	vmul.f32 v54, v45;
	[tilespmem:s17+$0x660] =	vst v44  }
0x164: {  	v43 =	vld [tilespmem:s17+$0x6A0];
	v15 =	vmul.f32 v56, v62;
	[tilespmem:s17+$0x670] =	vst v47  }
0x165: {  	v46 =	vld [tilespmem:s17+$0x6B0];
	v17 =	vmul.f32 v58, v62;
	v45 =	vbroadcast v3, $0x6;
	[tilespmem:s17+$0x570] =	vst v13  }
0x166: {  	v48 =	vld [tilespmem:s17+$0x6C0];
	v19 =	vmul.f32 v60, v62;
	[tilespmem:s17+$0x580] =	vst v15  }
0x167: {  	v50 =	vld [tilespmem:s17+$0x6D0];
	[tilespmem:s17+$0x590] =	vst v17;
	v49 =	vmul.f32 v39, v45  }
0x168: {  	v52 =	vld [tilespmem:s17+$0x6E0];
	[tilespmem:s17+$0x5A0] =	vst v19;
	v51 =	vmul.f32 v41, v45  }
0x169: {  	v63 =	vld [tilespmem:s17+$0x730];
	v53 =	vmul.f32 v43, v45;
	[tilespmem:s17+$0x680] =	vst v49  }
0x16a: {  	v14 =	vld [tilespmem:s17+$0x740];
	v55 =	vmul.f32 v46, v45;
	[tilespmem:s17+$0x690] =	vst v51  }
0x16b: {  	v16 =	vld [tilespmem:s17+$0x750];
	v57 =	vmul.f32 v48, v45;
	[tilespmem:s17+$0x6A0] =	vst v53  }
0x16c: {  	v18 =	vld [tilespmem:s17+$0x760];
	v62 =	vbroadcast v3, $0x7;
	v59 =	vmul.f32 v50, v45;
	[tilespmem:s17+$0x6B0] =	vst v55  }
0x16d: {  	v20 =	vld [tilespmem:s17+$0x770];
	v61 =	vmul.f32 v52, v45;
	[tilespmem:s17+$0x6C0] =	vst v57  }
0x16e: {  	v22 =	vld [tilespmem:s17+$0x780];
	v21 =	vmul.f32 v63, v62;
	[tilespmem:s17+$0x6D0] =	vst v59  }
0x16f: {  	v24 =	vld [tilespmem:s17+$0x790];
	v23 =	vmul.f32 v14, v62;
	[tilespmem:s17+$0x6E0] =	vst v61  }
0x170: {  	v26 =	vld [tilespmem:s17+$0x7A0];
	v25 =	vmul.f32 v16, v62;
	[tilespmem:s17+$0x730] =	vst v21  }
0x171: {  	v28 =	vbroadcast v3, $0x8;
	v29 =	vld [tilespmem:s17+$0x7B0];
	v27 =	vmul.f32 v18, v62;
	[tilespmem:s17+$0x740] =	vst v23  }
0x172: {  	v31 =	vld [tilespmem:s17+$0x7C0];
	v30 =	vmul.f32 v20, v62;
	[tilespmem:s17+$0x750] =	vst v25  }
0x173: {  	v33 =	vld [tilespmem:s17+$0x7D0];
	v32 =	vmul.f32 v22, v28;
	[tilespmem:s17+$0x760] =	vst v27  }
0x174: {  	v35 =	vld [tilespmem:s17+$0x7E0];
	v34 =	vmul.f32 v24, v28;
	[tilespmem:s17+$0x770] =	vst v30  }
0x175: {  	v37 =	vld [tilespmem:s17+$0x7F0];
	v36 =	vmul.f32 v26, v28;
	[tilespmem:s17+$0x780] =	vst v32  }
0x176: {  	v54 =	vld [tilespmem:s17+$0x6F0];
	v38 =	vmul.f32 v29, v28;
	[tilespmem:s17+$0x790] =	vst v34  }
0x177: {  	v56 =	vld [tilespmem:s17+$0x700];
	v40 =	vmul.f32 v31, v28;
	[tilespmem:s17+$0x7A0] =	vst v36  }
0x178: {  	v58 =	vld [tilespmem:s17+$0x710];
	v42 =	vmul.f32 v33, v28;
	[tilespmem:s17+$0x7B0] =	vst v38  }
0x179: {  	v60 =	vld [tilespmem:s17+$0x720];
	v44 =	vmul.f32 v35, v28;
	[tilespmem:s17+$0x7C0] =	vst v40  }
0x17a: {  	v39 =	vld [tilespmem:s17+$0x800];
	v47 =	vmul.f32 v37, v28;
	[tilespmem:s17+$0x7D0] =	vst v42  }
0x17b: {  	v41 =	vld [tilespmem:s17+$0x810];
	v13 =	vmul.f32 v54, v45;
	[tilespmem:s17+$0x7E0] =	vst v44  }
0x17c: {  	v43 =	vld [tilespmem:s17+$0x820];
	v15 =	vmul.f32 v56, v62;
	[tilespmem:s17+$0x7F0] =	vst v47  }
0x17d: {  	v46 =	vld [tilespmem:s17+$0x830];
	v17 =	vmul.f32 v58, v62;
	v45 =	vbroadcast v3, $0x9;
	[tilespmem:s17+$0x6F0] =	vst v13  }
0x17e: {  	v48 =	vld [tilespmem:s17+$0x840];
	v19 =	vmul.f32 v60, v62;
	[tilespmem:s17+$0x700] =	vst v15  }
0x17f: {  	v50 =	vld [tilespmem:s17+$0x850];
	[tilespmem:s17+$0x710] =	vst v17;
	v49 =	vmul.f32 v39, v45  }
0x180: {  	v52 =	vld [tilespmem:s17+$0x860];
	[tilespmem:s17+$0x720] =	vst v19;
	v51 =	vmul.f32 v41, v45  }
0x181: {  	v63 =	vld [tilespmem:s17+$0x8B0];
	v53 =	vmul.f32 v43, v45;
	[tilespmem:s17+$0x800] =	vst v49  }
0x182: {  	v29 =	vld [tilespmem:s17+$0x920];
	v55 =	vmul.f32 v46, v45;
	[tilespmem:s17+$0x810] =	vst v51  }
0x183: {  	v54 =	vld [tilespmem:s17+$0x870];
	v57 =	vmul.f32 v48, v45;
	[tilespmem:s17+$0x820] =	vst v53  }
0x184: {  	v56 =	vld [tilespmem:s17+$0x880];
	v62 =	vbroadcast v3, $0xA;
	v59 =	vmul.f32 v50, v45;
	[tilespmem:s17+$0x830] =	vst v55  }
0x185: {  	v31 =	vbroadcast v3, $0xB;
	v58 =	vld [tilespmem:s17+$0x890];
	v61 =	vmul.f32 v52, v45;
	[tilespmem:s17+$0x840] =	vst v57  }
0x186: {  	v60 =	vld [tilespmem:s17+$0x8A0];
	v24 =	vmul.f32 v63, v62;
	[tilespmem:s17+$0x850] =	vst v59  }
0x187: {  	v21 =	vld [tilespmem:s17+$0x8E0];
	v39 =	vmul.f32 v29, v31;
	[tilespmem:s17+$0x860] =	vst v61  }
0x188: {  	v23 =	vld [tilespmem:s17+$0x8F0];
	v16 =	vmul.f32 v54, v45;
	[tilespmem:s17+$0x8B0] =	vst v24  }
0x189: {  	v25 =	vld [tilespmem:s17+$0x900];
	v18 =	vmul.f32 v56, v62;
	[tilespmem:s17+$0x920] =	vst v39  }
0x18a: {  	v27 =	vld [tilespmem:s17+$0x910];
	v20 =	vmul.f32 v58, v62;
	[tilespmem:s17+$0x870] =	vst v16  }
0x18b: {  	v32 =	vld [tilespmem:s17+$0x930];
	v22 =	vmul.f32 v60, v62;
	[tilespmem:s17+$0x880] =	vst v18  }
0x18c: {  	v34 =	vld [tilespmem:s17+$0x940];
	v30 =	vmul.f32 v21, v62;
	[tilespmem:s17+$0x890] =	vst v20  }
0x18d: {  	v36 =	vld [tilespmem:s17+$0x950];
	v33 =	vmul.f32 v23, v62;
	[tilespmem:s17+$0x8A0] =	vst v22  }
0x18e: {  	v38 =	vld [tilespmem:s17+$0x960];
	v35 =	vmul.f32 v25, v31;
	[tilespmem:s17+$0x8E0] =	vst v30  }
0x18f: {  	v40 =	vld [tilespmem:s17+$0x970];
	v37 =	vmul.f32 v27, v31;
	[tilespmem:s17+$0x8F0] =	vst v33  }
0x190: {  	v42 =	vld [tilespmem:s17+$0x980];
	v41 =	vmul.f32 v32, v31;
	[tilespmem:s17+$0x900] =	vst v35  }
0x191: {  	v44 =	vld [tilespmem:s17+$0x990];
	v43 =	vmul.f32 v34, v31;
	[tilespmem:s17+$0x910] =	vst v37  }
0x192: {  	v17 =	vld [tilespmem:s17+$0x8C0];
	v45 =	vmul.f32 v36, v31;
	[tilespmem:s17+$0x930] =	vst v41  }
0x193: {  	v19 =	vld [tilespmem:s17+$0x8D0];
	v48 =	vbroadcast v3, $0xC;
	v47 =	vmul.f32 v38, v31;
	[tilespmem:s17+$0x940] =	vst v43  }
0x194: {  	v46 =	vld [tilespmem:s17+$0x9A0];
	v50 =	vmul.f32 v40, v31;
	[tilespmem:s17+$0x950] =	vst v45  }
0x195: {  	v49 =	vld [tilespmem:s17+$0x9B0];
	v52 =	vmul.f32 v42, v48;
	[tilespmem:s17+$0x960] =	vst v47  }
0x196: {  	v51 =	vld [tilespmem:s17+$0x9C0];
	v54 =	vmul.f32 v44, v48;
	[tilespmem:s17+$0x970] =	vst v50  }
0x197: {  	v53 =	vld [tilespmem:s17+$0x9D0];
	v26 =	vmul.f32 v17, v62;
	[tilespmem:s17+$0x980] =	vst v52  }
0x198: {  	v55 =	vld [tilespmem:s17+$0x9E0];
	v28 =	vmul.f32 v19, v62;
	[tilespmem:s17+$0x990] =	vst v54  }
0x199: {  	v57 =	vld [tilespmem:s17+$0x9F0];
	v56 =	vmul.f32 v46, v48;
	[tilespmem:s17+$0x8C0] =	vst v26  }
0x19a: {  	v59 =	vld [tilespmem:s17+$0xA00];
	[tilespmem:s17+$0x8D0] =	vst v28;
	v58 =	vmul.f32 v49, v48  }
0x19b: {  	v61 =	vld [tilespmem:s17+$0xA10];
	[tilespmem:s17+$0x9A0] =	vst v56;
	v60 =	vmul.f32 v51, v48  }
0x19c: {  	v63 =	vld [tilespmem:s17+$0xA20];
	v62 =	vmul.f32 v53, v48;
	[tilespmem:s17+$0x9B0] =	vst v58  }
0x19d: {  	v24 =	vld [tilespmem:s17+$0xA60];
	v17 =	vbroadcast v3, $0xD;
	v16 =	vmul.f32 v55, v48;
	[tilespmem:s17+$0x9C0] =	vst v60  }
0x19e: {  	v32 =	vld [tilespmem:s17+$0xAA0];
	v19 =	vmul.f32 v57, v48;
	[tilespmem:s17+$0x9D0] =	vst v62  }
0x19f: {  	v39 =	vld [tilespmem:s17+$0xAD0];
	v21 =	vmul.f32 v59, v17;
	[tilespmem:s17+$0x9E0] =	vst v16  }
0x1a0: {  	v18 =	vld [tilespmem:s17+$0xA30];
	v23 =	vmul.f32 v61, v17;
	[tilespmem:s17+$0x9F0] =	vst v19  }
0x1a1: {  	v34 =	vbroadcast v3, $0xE;
	v20 =	vld [tilespmem:s17+$0xA40];
	v25 =	vmul.f32 v63, v17;
	[tilespmem:s17+$0xA00] =	vst v21  }
0x1a2: {  	v22 =	vld [tilespmem:s17+$0xA50];
	v33 =	vmul.f32 v24, v17;
	[tilespmem:s17+$0xA10] =	vst v23  }
0x1a3: {  	v30 =	vld [tilespmem:s17+$0xA90];
	v42 =	vmul.f32 v32, v34;
	[tilespmem:s17+$0xA20] =	vst v25  }
0x1a4: {  	v35 =	vld [tilespmem:s17+$0xAB0];
	v48 =	vmul.f32 v39, v34;
	[tilespmem:s17+$0xA60] =	vst v33  }
0x1a5: {  	v37 =	vld [tilespmem:s17+$0xAC0];
	v27 =	vmul.f32 v18, v17;
	[tilespmem:s17+$0xAA0] =	vst v42  }
0x1a6: {  	v41 =	vld [tilespmem:s17+$0xAE0];
	v29 =	vmul.f32 v20, v17;
	[tilespmem:s17+$0xAD0] =	vst v48  }
0x1a7: {  	v43 =	vld [tilespmem:s17+$0xAF0];
	v31 =	vmul.f32 v22, v17;
	[tilespmem:s17+$0xA30] =	vst v27  }
0x1a8: {  	v45 =	vld [tilespmem:s17+$0xB00];
	v40 =	vmul.f32 v30, v34;
	[tilespmem:s17+$0xA40] =	vst v29  }
0x1a9: {  	v47 =	vld [tilespmem:s17+$0xB10];
	v44 =	vmul.f32 v35, v34;
	[tilespmem:s17+$0xA50] =	vst v31  }
0x1aa: {  	v26 =	vld [tilespmem:s17+$0xA70];
	v46 =	vmul.f32 v37, v34;
	[tilespmem:s17+$0xA90] =	vst v40  }
0x1ab: {  	v3 =	vbroadcast v3, $0xF;
	v28 =	vld [tilespmem:s17+$0xA80];
	v50 =	vmul.f32 v41, v34;
	[tilespmem:s17+$0xAB0] =	vst v44  }
0x1ac: {  	v49 =	vld [tilespmem:s17+$0xB20];
	v52 =	vmul.f32 v43, v34;
	[tilespmem:s17+$0xAC0] =	vst v46  }
0x1ad: {  	v51 =	vld [tilespmem:s17+$0xB30];
	v54 =	vmul.f32 v45, v3;
	[tilespmem:s17+$0xAE0] =	vst v50  }
0x1ae: {  	v53 =	vld [tilespmem:s17+$0xB40];
	v56 =	vmul.f32 v47, v3;
	[tilespmem:s17+$0xAF0] =	vst v52  }
0x1af: {  	v55 =	vld [tilespmem:s17+$0xB50];
	v36 =	vmul.f32 v26, v17;
	[tilespmem:s17+$0xB00] =	vst v54  }
0x1b0: {  	v57 =	vld [tilespmem:s17+$0xB60];
	v38 =	vmul.f32 v28, v34;
	[tilespmem:s17+$0xB10] =	vst v56  }
0x1b1: {  	v59 =	vld [tilespmem:s17+$0xB70];
	v58 =	vmul.f32 v49, v3;
	[tilespmem:s17+$0xA70] =	vst v36  }
0x1b2: {  	v60 =	vmul.f32 v51, v3;
	[tilespmem:s17+$0xA80] =	vst v38  }
0x1b3: {  	p0 =	sne.s32 s16, $0x7;
	v61 =	vmul.f32 v53, v3;
	[tilespmem:s17+$0xB20] =	vst v58  }
.Ltmp2:
0x1b4: {  	v62 =	vmul.f32 v55, v3;
	[tilespmem:s17+$0xB30] =	vst v60;
	(pc) =	sbr.rel @p0 .LBB2_7-.Ltmp2, $4  }
0x1b5: {  	v63 =	vmul.f32 v57, v3;
	[tilespmem:s17+$0xB40] =	vst v61  }
0x1b6: {  	v3 =	vmul.f32 v59, v3;
	[tilespmem:s17+$0xB50] =	vst v62  }
0x1b7: {  	[tilespmem:s17+$0xB60] =	vst v63  }
0x1b8: {  	s16 =	sadd.s32 $0x1, s16;
	[tilespmem:s17+$0xB70] =	vst v3  }
0x1b9: {  	s0 =	rddreg [dreg:$0x2];
	s4 =	simm.s32 $0x4  }
0x1ba: {  	[spmem:s0] =	stream.indirect.scatter.add.f32 [tilespmem:s3], [sflag:$0x4], $0x80, s5, s1, $0xb8;
	[tilespmem:$0x18380] =	vst v63  }
0x1bb: {  	_ =	swait.ge [sflag:s4], $0x4000  }
0x1bc: {  	s31 =	rddreg [dreg:$0x16]  }
0x1bd: {  	s1 =	sadd.s32 $0x1, s31  }
0x1be: {  	p0 =	sne.s32 s1, $0x84  }
.Ltmp3:
0x1bf: {  	_ = 	snop;
	(pc) =	sbr.rel @p0 .LBB2_4-.Ltmp3, $3  }
0x1c0: {  	_ =	sdelay $0x1  }
0x1c1: {  	[sflag:s4] =	ssyncset.done $0x0  }
0x1c2: {  	[sflag:s4] =	ssyncadd.s32 $0xFFFFC000  }
0x1c3: {  	s0 =	stileid.u32;
	[bflag:$0x0] =	sbarrier.arrive $0xFFFF  }
0x1c4: {  	s0 =	sshll.u32 s0, $0x6;
	s13 =	rddreg [dreg:$0x9]  }
0x1c5: {  	s2 =	rddreg [dreg:$0x10];
	s0 =	sor.u32 $0x1C04, s0;
	s1 =	sshrl.u32 s13, $0x3  }
0x1c6: {  	[hbm:s2], [sflag:s0] =	dma.local [spmem:s1], $0x800  }
0x1c7: {  	_ =	swait.ge [sflag:s4], $0x800  }
0x1c8: {  	[sflag:s4] =	ssyncset.done $0x0;
	s14 =	rddreg [dreg:$0xa]  }
0x1c9: {  	s23 =	rddreg [dreg:$0x11];
	[sflag:s4] =	ssyncadd.s32 $0xFFFFF800;
	s22 =	sshrl.u32 s14, $0x3  }
0x1ca: {  	[hbm:s23], [sflag:s0] =	dma.local [spmem:s22], $0x800  }
0x1cb: {  	_ =	swait.ge [sflag:s4], $0x800  }
0x1cc: {  	[sflag:s4] =	ssyncset.done $0x0;
	s15 =	rddreg [dreg:$0xb]  }
0x1cd: {  	s25 =	rddreg [dreg:$0x12];
	[sflag:s4] =	ssyncadd.s32 $0xFFFFF800;
	s24 =	sshrl.u32 s15, $0x3  }
0x1ce: {  	[hbm:s25], [sflag:s0] =	dma.local [spmem:s24], $0x800  }
0x1cf: {  	_ =	swait.ge [sflag:s4], $0x800  }
0x1d0: {  	[sflag:s4] =	ssyncset.done $0x0;
	s16 =	rddreg [dreg:$0xc]  }
0x1d1: {  	s28 =	rddreg [dreg:$0x13];
	[sflag:s4] =	ssyncadd.s32 $0xFFFFF800;
	s26 =	sshrl.u32 s16, $0x3  }
0x1d2: {  	[hbm:s28], [sflag:s0] =	dma.local [spmem:s26], $0x800  }
0x1d3: {  	_ =	swait.ge [sflag:s4], $0x800  }
0x1d4: {  	[sflag:s4] =	ssyncset.done $0x0;
	s7 =	rddreg [dreg:$0xd]  }
0x1d5: {  	s30 =	rddreg [dreg:$0x14];
	[sflag:s4] =	ssyncadd.s32 $0xFFFFF800;
	s29 =	sshrl.u32 s7, $0x3  }
0x1d6: {  	[hbm:s30], [sflag:s0] =	dma.local [spmem:s29], $0x800  }
0x1d7: {  	_ =	swait.ge [sflag:s4], $0x800  }
0x1d8: {  	s11 =	rddreg [dreg:$0x4]  }
0x1d9: {  	s31 =	rddreg [dreg:$0x15];
	s11 =	sadd.s32 $0x1, s11  }
0x1da: {  	p0 =	sne.s32 s11, s31  }
.Ltmp4:
0x1db: {  	_ = 	snop;
	(pc) =	sbr.rel @p0 .LBB2_1-.Ltmp4, $3  }
0x1dc: {  	_ =	sdelay $0x1  }
0x1dd: {  	[sflag:s4] =	ssyncset.done $0x0  }
0x1de: {  	[sflag:s4] =	ssyncadd.s32 $0xFFFFF800  }
0x1df: {  	_ =	sfence.sel $0x180000  }
0x1e0: {  	[bflag:$0x0] =	sbarrier.arrive $0xFFFF  }
0x1e1: {  	_ =	strace $0x9000004A  }
0x1e2: {  	s0 =	stileid.u32;
	[bflag:$0x2] =	sbarrier.arrive $0xFFFF  }
0x1e3: {  	p0 =	sne.s32 s0, $0x0;
	s0 =	rddreg [dreg:$0x3]  }
0x1e4: {  	s0 =	sadd.s32 @!p0 $0x100000, s0  }
0x1e5: {  	[sflag:s0] =	ssyncadd.tile.s32 @!p0 $0x1;
	_ =	shalt  }
.Lfunc_end2:
_tile_overlayer_lowered:
.L_overlay_start_2:
0x1e6: {  	(tag) =	ssettag $0x2  }
0x1e7: {  	s0 =	rddreg [dreg:$0x0];
	s2 =	stileid.u32  }
0x1e8: {  	s1 =	rddreg [dreg:$0x1];
	p0 =	sne.s32 s2, $0x0  }
0x1e9: {  	s3 =	rddreg [dreg:$0x2];
	[bflag:$0x3] =	sbarrier.arrive $0xFFFF;
	s2 =	simm.s32 @!p0 $0x1C04  }
0x1ea: {  	[timem:s3], [sflag:s2] =	dma.local @!p0 [hbm:s0], s1  }
0x1eb: {  	s0 =	simm.s32 @!p0 $0x4  }
0x1ec: {  	_ =	swait.ge @!p0 [sflag:s0], s1  }
0x1ed: {  	s1 =	ssub.s32 @!p0 $0x0, s1;
	[sflag:s0] =	ssyncset.done @!p0 $0x0  }
0x1ee: {  	[sflag:s0] =	ssyncadd.s32 @!p0 s1  }
0x1ef: {  	[bflag:$0x3] =	sbarrier.arrive $0xFFFF  }
0x1f0: {  	_ =	shalt  }

</sc_bundles>
